<compile_context>
chip_gen: v7x
topology: tpu7x:2x2x1
jax: 0.10.2.dev20260603
libtpu: 0.0.44.dev20260713+nightly
codegen_flags: <defaults>
</compile_context>

<pallas_src>
import functools

import jax
import jax.numpy as jnp
from jax import lax
from jax.experimental import pallas as pl
from jax.experimental.pallas import tpu as pltpu
from jax.experimental.pallas import tpu_sc as plsc

N = 10000
E = 320000
EP = 330000
IN_DIM = 128
HID = 64
HEADS = 4
OUT = 2

NPAD = 10240
EPAD = 331776
EPT = EPAD // 16
SUP = 6912
NSUP = EPT // SUP
G = 128
NG = SUP // G
RB = 1280
NRB = NPAD // RB

f32 = jnp.float32
i32 = jnp.int32


def _k1_body(x_ref, w1_ref, asrc_ref, adst_ref, h4_ref, asad_ref):
    h = jnp.dot(x_ref[...], w1_ref[...], preferred_element_type=f32)
    for hh in range(4):
        h4_ref[hh] = h[:, hh * 64:(hh + 1) * 64]
    hr = h.reshape(RB, HEADS, HID)
    a_s = (hr * asrc_ref[...][None]).sum(-1)
    a_d = (hr * adst_ref[...][None]).sum(-1)
    asad_ref[...] = jnp.concatenate([a_s, a_d], axis=1)


def _k1(x_pad, W1, att_src1, att_dst1):
    return pl.pallas_call(
        _k1_body,
        grid=(NRB,),
        in_specs=[
            pl.BlockSpec((RB, IN_DIM), lambda i: (i, 0)),
            pl.BlockSpec((IN_DIM, HEADS * HID), lambda i: (0, 0)),
            pl.BlockSpec((HEADS, HID), lambda i: (0, 0)),
            pl.BlockSpec((HEADS, HID), lambda i: (0, 0)),
        ],
        out_specs=[
            pl.BlockSpec((4, RB, 64), lambda i: (0, i, 0)),
            pl.BlockSpec((RB, 8), lambda i: (i, 0)),
        ],
        out_shape=[
            jax.ShapeDtypeStruct((4, NPAD, 64), f32),
            jax.ShapeDtypeStruct((NPAD, 8), f32),
        ],
    )(x_pad, W1, att_src1, att_dst1)


def _k2_body(j, srcp, dstp, asall, adall, h4, z2d, z1d, outj,
             asb, adb, dnb, sbuf, dbuf,
             sg0, sg1, dg0, dg1, ex0, ex1, ix0, ix1, at0, at1, hr0, hr1,
             sA0, sA1, sG0, sG1, sS0, sS1, acc, dnm):
    cid = lax.axis_index("c")
    sid = lax.axis_index("s")
    hsel = 2 * j + cid
    rows_pt = NPAD // 16
    r0 = sid * rows_pt

    pltpu.sync_copy(asall.at[pl.ds(hsel * NPAD, NPAD)], asb)
    pltpu.sync_copy(adall.at[pl.ds(hsel * NPAD, NPAD)], adb)
    base_t = sid * EPT
    pltpu.sync_copy(z2d.at[pl.ds(r0, rows_pt)], acc.at[pl.ds(r0, rows_pt)])
    pltpu.sync_copy(z1d.at[pl.ds(sid * 640, 640)],
                    dnm.at[pl.ds(sid * 640, 640)])
    plsc.subcore_barrier()

    def grpA(g, exg, ixg, sem):
        def vA(v, _):
            off = g * G + v * 16
            si = sbuf[pl.ds(off, 16)]
            di = dbuf[pl.ds(off, 16)]
            a = plsc.load_gather(asb, [si])
            b = plsc.load_gather(adb, [di])
            al = a + b
            al = jnp.maximum(al, 0.2 * al)
            exg[pl.ds(v * 16, 16)] = jnp.exp(al)
            ixg[pl.ds(v * 16, 16)] = di
            return 0

        lax.fori_loop(0, 8, vA, 0)
        return pltpu.async_copy(exg, dnm.at[ixg], sem, add=True)

    def pairA(gg, _):
        cpy0 = grpA(2 * gg, ex0, ix0, sA0)
        cpy1 = grpA(2 * gg + 1, ex1, ix1, sA1)
        cpy0.wait()
        cpy1.wait()
        return 0

    def supA(u, _):
        sb0 = base_t + u * SUP
        pltpu.sync_copy(srcp.at[pl.ds(sb0, SUP)], sbuf)
        pltpu.sync_copy(dstp.at[pl.ds(sb0, SUP)], dbuf)
        lax.fori_loop(0, NG // 2, pairA, 0)
        return 0

    lax.fori_loop(0, NSUP, supA, 0)
    plsc.subcore_barrier()
    pltpu.sync_copy(dnm, dnb)

    def attB(g, sg, dg, attg):
        def vB(v, _):
            off = g * G + v * 16
            si = sbuf[pl.ds(off, 16)]
            di = dbuf[pl.ds(off, 16)]
            sg[pl.ds(v * 16, 16)] = si + hsel * NPAD
            dg[pl.ds(v * 16, 16)] = di
            a = plsc.load_gather(asb, [si])
            b = plsc.load_gather(adb, [di])
            al = a + b
            al = jnp.maximum(al, 0.2 * al)
            ex = jnp.exp(al)
            dn = plsc.load_gather(dnb, [di])
            attg[pl.ds(v * 16, 16)] = ex / (dn + 1e-16)
            return 0

        lax.fori_loop(0, 8, vB, 0)

    def scaleB(attg, hrows):
        def eB(e, _):
            zi = jnp.zeros((16,), i32)
            a0 = plsc.load_gather(attg, [zi + e])
            for q in range(4):
                hv = hrows[e, pl.ds(q * 16, 16)]
                hrows[e, pl.ds(q * 16, 16)] = hv * a0
            return 0

        lax.fori_loop(0, G, eB, 0)

    def pairB(gg, _):
        g0 = 2 * gg
        g1 = 2 * gg + 1
        attB(g0, sg0, dg0, at0)
        gat0 = pltpu.async_copy(h4.at[sg0], hr0, sG0)
        attB(g1, sg1, dg1, at1)
        gat1 = pltpu.async_copy(h4.at[sg1], hr1, sG1)
        gat0.wait()
        scaleB(at0, hr0)
        sc0 = pltpu.async_copy(hr0, acc.at[dg0], sS0, add=True)
        gat1.wait()
        scaleB(at1, hr1)
        sc1 = pltpu.async_copy(hr1, acc.at[dg1], sS1, add=True)
        sc0.wait()
        sc1.wait()
        return 0

    def supB(u, _):
        sb0 = base_t + u * SUP
        pltpu.sync_copy(srcp.at[pl.ds(sb0, SUP)], sbuf)
        pltpu.sync_copy(dstp.at[pl.ds(sb0, SUP)], dbuf)
        lax.fori_loop(0, NG // 2, pairB, 0)
        return 0

    lax.fori_loop(0, NSUP, supB, 0)
    plsc.subcore_barrier()
    pltpu.sync_copy(acc.at[pl.ds(r0, rows_pt)],
                    outj.at[pl.ds(cid * NPAD + r0, rows_pt)])


def _k2(j, srcp, dstp, as_all, ad_all, h4, z2d, z1d):
    mesh = plsc.VectorSubcoreMesh(core_axis_name="c", subcore_axis_name="s", num_cores=2, num_subcores=16)
    return pl.kernel(
        functools.partial(_k2_body, j),
        out_type=jax.ShapeDtypeStruct((2 * NPAD, 64), f32),
        mesh=mesh,
        compiler_params=pltpu.CompilerParams(needs_layout_passes=False, use_tc_tiling_on_sc=False),
        scratch_types=[
            pltpu.VMEM((NPAD,), f32),
            pltpu.VMEM((NPAD,), f32),
            pltpu.VMEM((NPAD,), f32),
            pltpu.VMEM((SUP,), i32),
            pltpu.VMEM((SUP,), i32),
            pltpu.VMEM((G,), i32),
            pltpu.VMEM((G,), i32),
            pltpu.VMEM((G,), i32),
            pltpu.VMEM((G,), i32),
            pltpu.VMEM((G,), f32),
            pltpu.VMEM((G,), f32),
            pltpu.VMEM((G,), i32),
            pltpu.VMEM((G,), i32),
            pltpu.VMEM((G,), f32),
            pltpu.VMEM((G,), f32),
            pltpu.VMEM((G, 64), f32),
            pltpu.VMEM((G, 64), f32),
            pltpu.SemaphoreType.DMA,
            pltpu.SemaphoreType.DMA,
            pltpu.SemaphoreType.DMA,
            pltpu.SemaphoreType.DMA,
            pltpu.SemaphoreType.DMA,
            pltpu.SemaphoreType.DMA,
            pltpu.VMEM_SHARED((NPAD, 64), f32),
            pltpu.VMEM_SHARED((NPAD,), f32),
        ],
    )(srcp, dstp, as_all, ad_all, h4, z2d, z1d)


def _k3a_body(oa0_ref, oa1_ref, ob0_ref, ob1_ref, b1_ref, stats_ref):
    i = pl.program_id(0)
    x1 = jnp.concatenate([oa0_ref[...], oa1_ref[...], ob0_ref[...],
                          ob1_ref[...]], axis=1) + b1_ref[...]
    row = i * RB + lax.broadcasted_iota(i32, (RB, 1), 0)
    x1 = jnp.where(row < N, x1, 0.0)
    s1 = jnp.sum(x1, axis=0, keepdims=True)
    s2 = jnp.sum(x1 * x1, axis=0, keepdims=True)
    blk = jnp.concatenate([s1, s2], axis=0)

    @pl.when(i == 0)
    def _():
        stats_ref[...] = jnp.zeros_like(stats_ref)

    stats_ref[...] += blk


def _k3a(oa, ob, bias1_2d):
    return pl.pallas_call(
        _k3a_body,
        grid=(NRB,),
        in_specs=[
            pl.BlockSpec((RB, 64), lambda i: (i, 0)),
            pl.BlockSpec((RB, 64), lambda i: (NRB + i, 0)),
            pl.BlockSpec((RB, 64), lambda i: (i, 0)),
            pl.BlockSpec((RB, 64), lambda i: (NRB + i, 0)),
            pl.BlockSpec((1, 256), lambda i: (0, 0)),
        ],
        out_specs=pl.BlockSpec((2, 256), lambda i: (0, 0)),
        out_shape=jax.ShapeDtypeStruct((2, 256), f32),
    )(oa, oa, ob, ob, bias1_2d)


def _k3b_body(oa0_ref, oa1_ref, ob0_ref, ob1_ref, b1_ref, stats_ref,
              g_ref, bt_ref, w2_ref, as2_ref, ad2_ref, h2_ref, aa2_ref):
    i = pl.program_id(0)
    x1 = jnp.concatenate([oa0_ref[...], oa1_ref[...], ob0_ref[...],
                          ob1_ref[...]], axis=1) + b1_ref[...]
    m = stats_ref[0:1, :] / N
    v = stats_ref[1:2, :] / N - m * m
    xn = (x1 - m) / jnp.sqrt(v + 1e-5) * g_ref[...] + bt_ref[...]
    xe = jnp.where(xn > 0, xn, jnp.exp(xn) - 1.0)
    h2 = jnp.dot(xe, w2_ref[...], preferred_element_type=f32)
    row = i * RB + lax.broadcasted_iota(i32, (RB, 1), 0)
    h2 = jnp.where(row < N, h2, 0.0)
    h2_ref[...] = h2
    as2 = jnp.dot(h2, as2_ref[...].T, preferred_element_type=f32)
    ad2 = jnp.dot(h2, ad2_ref[...].T, preferred_element_type=f32)
    aa2_ref[...] = jnp.concatenate([as2, ad2], axis=1)


def _k3b(oa, ob, bias1_2d, stats, gamma_2d, beta_2d, W2, att_src2, att_dst2):
    return pl.pallas_call(
        _k3b_body,
        grid=(NRB,),
        in_specs=[
            pl.BlockSpec((RB, 64), lambda i: (i, 0)),
            pl.BlockSpec((RB, 64), lambda i: (NRB + i, 0)),
            pl.BlockSpec((RB, 64), lambda i: (i, 0)),
            pl.BlockSpec((RB, 64), lambda i: (NRB + i, 0)),
            pl.BlockSpec((1, 256), lambda i: (0, 0)),
            pl.BlockSpec((2, 256), lambda i: (0, 0)),
            pl.BlockSpec((1, 256), lambda i: (0, 0)),
            pl.BlockSpec((1, 256), lambda i: (0, 0)),
            pl.BlockSpec((256, 2), lambda i: (0, 0)),
            pl.BlockSpec((1, 2), lambda i: (0, 0)),
            pl.BlockSpec((1, 2), lambda i: (0, 0)),
        ],
        out_specs=[
            pl.BlockSpec((RB, 2), lambda i: (i, 0)),
            pl.BlockSpec((RB, 2), lambda i: (i, 0)),
        ],
        out_shape=[
            jax.ShapeDtypeStruct((NPAD, 2), f32),
            jax.ShapeDtypeStruct((NPAD, 2), f32),
        ],
    )(oa, oa, ob, ob, bias1_2d, stats, gamma_2d, beta_2d, W2,
      att_src2, att_dst2)


def _k4_body(srcp, dstp, as2f, ad2f, h2f, z1d, bpad, att2p, out2f,
             as2b, ad2b, h2b, dn2b, sbuf, dbuf,
             exg, ixd, attb, m0, m1, ix0, ix1, obuf, bb, dn2, o2acc):
    cid = lax.axis_index("c")
    sid = lax.axis_index("s")

    @pl.when(cid == 0)
    def _():
        pltpu.sync_copy(as2f, as2b)
        pltpu.sync_copy(ad2f, ad2b)
        pltpu.sync_copy(h2f, h2b)
        pltpu.sync_copy(bpad, bb)
        pltpu.sync_copy(z1d.at[pl.ds(sid * 640, 640)],
                        dn2.at[pl.ds(sid * 640, 640)])
        pltpu.sync_copy(z1d.at[pl.ds(sid * 1280, 1280)],
                        o2acc.at[pl.ds(sid * 1280, 1280)])
        plsc.subcore_barrier()

        base_t = sid * EPT

        def supA(u, _):
            sb0 = base_t + u * SUP
            pltpu.sync_copy(srcp.at[pl.ds(sb0, SUP)], sbuf)
            pltpu.sync_copy(dstp.at[pl.ds(sb0, SUP)], dbuf)

            def grpA(g, _):
                def vA(v, _):
                    off = g * G + v * 16
                    si = sbuf[pl.ds(off, 16)]
                    di = dbuf[pl.ds(off, 16)]
                    a = plsc.load_gather(as2b, [si])
                    b = plsc.load_gather(ad2b, [di])
                    al = a + b
                    al = jnp.maximum(al, 0.2 * al)
                    exg[pl.ds(v * 16, 16)] = jnp.exp(al)
                    ixd[pl.ds(v * 16, 16)] = di
                    return 0

                lax.fori_loop(0, 8, vA, 0)
                pltpu.sync_copy(exg, dn2.at[ixd], add=True)
                return 0

            lax.fori_loop(0, NG, grpA, 0)
            return 0

        lax.fori_loop(0, NSUP, supA, 0)
        plsc.subcore_barrier()
        pltpu.sync_copy(dn2, dn2b)

        def supB(u, _):
            sb0 = base_t + u * SUP
            pltpu.sync_copy(srcp.at[pl.ds(sb0, SUP)], sbuf)
            pltpu.sync_copy(dstp.at[pl.ds(sb0, SUP)], dbuf)

            def grpB(g, _):
                def vB(v, _):
                    off = g * G + v * 16
                    si = sbuf[pl.ds(off, 16)]
                    di = dbuf[pl.ds(off, 16)]
                    a = plsc.load_gather(as2b, [si])
                    b = plsc.load_gather(ad2b, [di])
                    al = a + b
                    al = jnp.maximum(al, 0.2 * al)
                    ex = jnp.exp(al)
                    dn = plsc.load_gather(dn2b, [di])
                    att = ex / (dn + 1e-16)
                    attb[pl.ds(v * 16, 16)] = att
                    h20 = plsc.load_gather(h2b, [2 * si])
                    h21 = plsc.load_gather(h2b, [2 * si + 1])
                    m0[pl.ds(v * 16, 16)] = att * h20
                    m1[pl.ds(v * 16, 16)] = att * h21
                    ix0[pl.ds(v * 16, 16)] = 2 * di
                    ix1[pl.ds(v * 16, 16)] = 2 * di + 1
                    return 0

                lax.fori_loop(0, 8, vB, 0)
                pltpu.sync_copy(attb, att2p.at[pl.ds(base_t + u * SUP + g * G, G)])
                pltpu.sync_copy(m0, o2acc.at[ix0], add=True)
                pltpu.sync_copy(m1, o2acc.at[ix1], add=True)
                return 0

            lax.fori_loop(0, NG, grpB, 0)
            return 0

        lax.fori_loop(0, NSUP, supB, 0)
        plsc.subcore_barrier()

        o0 = sid * 1280
        pltpu.sync_copy(o2acc.at[pl.ds(o0, 1280)], obuf)
        bpv = bb[pl.ds(0, 16)]

        def addb(k, _):
            obuf[pl.ds(k * 16, 16)] = obuf[pl.ds(k * 16, 16)] + bpv
            return 0

        lax.fori_loop(0, 80, addb, 0)
        pltpu.sync_copy(obuf, out2f.at[pl.ds(o0, 1280)])


def _k4(srcp, dstp, as2f, ad2f, h2f, z1d, bpad):
    mesh = plsc.VectorSubcoreMesh(core_axis_name="c", subcore_axis_name="s", num_cores=2, num_subcores=16)
    return pl.kernel(
        _k4_body,
        out_type=[
            jax.ShapeDtypeStruct((EPAD,), f32),
            jax.ShapeDtypeStruct((2 * NPAD,), f32),
        ],
        mesh=mesh,
        compiler_params=pltpu.CompilerParams(needs_layout_passes=False, use_tc_tiling_on_sc=False),
        scratch_types=[
            pltpu.VMEM((NPAD,), f32),
            pltpu.VMEM((NPAD,), f32),
            pltpu.VMEM((2 * NPAD,), f32),
            pltpu.VMEM((NPAD,), f32),
            pltpu.VMEM((SUP,), i32),
            pltpu.VMEM((SUP,), i32),
            pltpu.VMEM((G,), f32),
            pltpu.VMEM((G,), i32),
            pltpu.VMEM((G,), f32),
            pltpu.VMEM((G,), f32),
            pltpu.VMEM((G,), f32),
            pltpu.VMEM((G,), i32),
            pltpu.VMEM((G,), i32),
            pltpu.VMEM((1280,), f32),
            pltpu.VMEM((16,), f32),
            pltpu.VMEM_SHARED((NPAD,), f32),
            pltpu.VMEM_SHARED((2 * NPAD,), f32),
        ],
    )(srcp, dstp, as2f, ad2f, h2f, z1d, bpad)


def kernel(x, edge_index, W1, att_src1, att_dst1, bias1, gamma, beta,
           W2, att_src2, att_dst2, bias2):
    x_pad = jnp.pad(x, ((0, NPAD - N), (0, 0)))
    loop = jnp.arange(N, dtype=jnp.int32)
    padv = jnp.full((EPAD - EP,), N, dtype=jnp.int32)
    srcp = jnp.concatenate([edge_index[0].astype(jnp.int32), loop, padv])
    dstp = jnp.concatenate([edge_index[1].astype(jnp.int32), loop, padv])

    h4, asad = _k1(x_pad, W1, att_src1, att_dst1)
    h4f = h4.reshape(4 * NPAD, 64)
    as_all = asad[:, 0:4].T.reshape(-1)
    ad_all = asad[:, 4:8].T.reshape(-1)

    z2d = jnp.zeros((NPAD, 64), f32)
    z1d = jnp.zeros((2 * NPAD,), f32)
    oa = _k2(0, srcp, dstp, as_all, ad_all, h4f, z2d, z1d)
    z2d_b = z2d + 0.0 * oa[0:NPAD]
    ob = _k2(1, srcp, dstp, as_all, ad_all, h4f, z2d_b, z1d)

    bias1_2d = bias1.reshape(1, 256)
    stats = _k3a(oa, ob, bias1_2d)
    h2m, aa2 = _k3b(oa, ob, bias1_2d, stats, gamma.reshape(1, 256),
                    beta.reshape(1, 256), W2, att_src2, att_dst2)

    as2f = aa2[:, 0] + 0.0
    ad2f = aa2[:, 1] + 0.0
    h2f = h2m.reshape(-1)
    bpad = jnp.tile(bias2, 8)

    att2p, out2f = _k4(srcp, dstp, as2f, ad2f, h2f, z1d, bpad)

    x2 = out2f.reshape(NPAD, 2)[:N]
    att2 = att2p[:EP].reshape(EP, 1)
    return (x2, att2)

# --- scband reference (transcript-rebuilt; emitter-appended) ---
"""Pipeline reference for scband-gatwith-att-49100066128551 (READ-ONLY COPY).

The authoritative reference and input builder live on the scoring server;
editing this copy changes nothing except your own understanding.
"""

import jax, jax.numpy as jnp
import numpy as np

N = 10000
E = 320000
IN_DIM = 128
HID = 64
HEADS = 4
OUT = 2


def setup_inputs(seed: int = 0) -> dict:
    key = jax.random.key(seed)
    ks = jax.random.split(key, 12)
    x = jax.random.normal(ks[0], (N, IN_DIM), dtype=jnp.float32)
    edge_index = jax.random.randint(ks[1], (2, E), 0, N, dtype=jnp.int32)
    W1 = jax.random.normal(ks[2], (IN_DIM, HEADS * HID), dtype=jnp.float32) * (1.0 / np.sqrt(IN_DIM))
    att_src1 = jax.random.normal(ks[3], (HEADS, HID), dtype=jnp.float32) * 0.1
    att_dst1 = jax.random.normal(ks[4], (HEADS, HID), dtype=jnp.float32) * 0.1
    bias1 = jnp.zeros((HEADS * HID,), dtype=jnp.float32)
    gamma = jnp.ones((HEADS * HID,), dtype=jnp.float32)
    beta = jnp.zeros((HEADS * HID,), dtype=jnp.float32)
    W2 = jax.random.normal(ks[5], (HEADS * HID, 1 * OUT), dtype=jnp.float32) * (1.0 / np.sqrt(HEADS * HID))
    att_src2 = jax.random.normal(ks[6], (1, OUT), dtype=jnp.float32) * 0.1
    att_dst2 = jax.random.normal(ks[7], (1, OUT), dtype=jnp.float32) * 0.1
    bias2 = jnp.zeros((OUT,), dtype=jnp.float32)
    return {"x": x, "edge_index": edge_index, "W1": W1, "att_src1": att_src1,
            "att_dst1": att_dst1, "bias1": bias1, "gamma": gamma, "beta": beta,
            "W2": W2, "att_src2": att_src2, "att_dst2": att_dst2, "bias2": bias2}


def _gat_conv(x, edge_index, W, a_src, a_dst, bias, heads, ch, concat, n_nodes):
    # PyG GATConv (eval mode, dropout inactive), add_self_loops=True, negative_slope=0.2
    src = edge_index[0]
    dst = edge_index[1]
    loop = jnp.arange(n_nodes, dtype=src.dtype)
    src = jnp.concatenate([src, loop])
    dst = jnp.concatenate([dst, loop])
    h = (x @ W).reshape(n_nodes, heads, ch)
    alpha_j_n = (h * a_src[None, :, :]).sum(-1)  # [N, H]
    alpha_i_n = (h * a_dst[None, :, :]).sum(-1)  # [N, H]
    alpha = jax.nn.leaky_relu(alpha_j_n[src] + alpha_i_n[dst], negative_slope=0.2)  # [E', H]
    amax = jax.ops.segment_max(alpha, dst, num_segments=n_nodes)
    amax = jnp.where(jnp.isfinite(amax), amax, 0.0)
    ex = jnp.exp(alpha - amax[dst])
    denom = jax.ops.segment_sum(ex, dst, num_segments=n_nodes)
    att = ex / (denom[dst] + 1e-16)  # [E', H]
    msg = h[src] * att[:, :, None]  # [E', H, C]
    out = jax.ops.segment_sum(msg, dst, num_segments=n_nodes)  # [N, H, C]
    if concat:
        out = out.reshape(n_nodes, heads * ch)
    else:
        out = out.mean(axis=1)
    out = out + bias
    return out, att


def _batch_norm(x, gamma, beta, eps=1e-5):
    m = x.mean(axis=0)
    v = x.var(axis=0)
    return (x - m) / jnp.sqrt(v + eps) * gamma + beta


def reference(x, edge_index, W1, att_src1, att_dst1, bias1, gamma, beta,
              W2, att_src2, att_dst2, bias2):
    x1, att1 = _gat_conv(x, edge_index, W1, att_src1, att_dst1, bias1,
                         HEADS, HID, True, N)
    x1 = jax.nn.elu(_batch_norm(x1, gamma, beta))
    x2, att2 = _gat_conv(x1, edge_index, W2, att_src2, att_dst2, bias2,
                         1, OUT, False, N)
    return (x2, att2)

if __name__ == "__main__":
    import jax
    _d = setup_inputs()
    print(jax.jit(kernel)(*tuple(_d.values())))

</pallas_src>

<mosaic_0001>
#map = affine_map<(d0, d1) -> (0)>
module attributes {stable_mosaic.version = 14 : i64} {
  func.func @_k4_body(%arg0: i32, %arg1: i32, %arg2: memref<331776xi32, #tpu.memory_space<hbm>>, %arg3: memref<331776xi32, #tpu.memory_space<hbm>>, %arg4: memref<10240xf32, #tpu.memory_space<hbm>>, %arg5: memref<10240xf32, #tpu.memory_space<hbm>>, %arg6: memref<20480xf32, #tpu.memory_space<hbm>>, %arg7: memref<20480xf32, #tpu.memory_space<hbm>>, %arg8: memref<16xf32, #tpu.memory_space<hbm>>, %arg9: memref<331776xf32, #tpu.memory_space<hbm>>, %arg10: memref<20480xf32, #tpu.memory_space<hbm>>, %arg11: memref<10240xf32, #tpu.memory_space<vmem>>, %arg12: memref<10240xf32, #tpu.memory_space<vmem>>, %arg13: memref<20480xf32, #tpu.memory_space<vmem>>, %arg14: memref<10240xf32, #tpu.memory_space<vmem>>, %arg15: memref<6912xi32, #tpu.memory_space<vmem>>, %arg16: memref<6912xi32, #tpu.memory_space<vmem>>, %arg17: memref<128xf32, #tpu.memory_space<vmem>>, %arg18: memref<128xi32, #tpu.memory_space<vmem>>, %arg19: memref<128xf32, #tpu.memory_space<vmem>>, %arg20: memref<128xf32, #tpu.memory_space<vmem>>, %arg21: memref<128xf32, #tpu.memory_space<vmem>>, %arg22: memref<128xi32, #tpu.memory_space<vmem>>, %arg23: memref<128xi32, #tpu.memory_space<vmem>>, %arg24: memref<1280xf32, #tpu.memory_space<vmem>>, %arg25: memref<16xf32, #tpu.memory_space<vmem>>, %arg26: memref<10240xf32, #tpu.memory_space<vmem_shared>>, %arg27: memref<20480xf32, #tpu.memory_space<vmem_shared>>) attributes {dimension_semantics = [#tpu.dimension_semantics<core_parallel>, #tpu.dimension_semantics<subcore_parallel>], iteration_bounds = array<i64: 2, 16>, scalar_prefetch = 0 : i64, scratch_operands = 17 : i64, tpu.core_type = #tpu.core_type<sc_vector_subcore>, window_params = [{transform_indices = #map}, {transform_indices = #map}, {transform_indices = #map}, {transform_indices = #map}, {transform_indices = #map}, {transform_indices = #map}, {transform_indices = #map}, {transform_indices = #map}, {transform_indices = #map}]} {
    %eq3A = arith.constant 0 : i32
    %eq3A_0 = arith.cmpi eq, %arg0, %eq3A : i32
    %convert_element_type3A = arith.extui %eq3A_0 : i1 to i32
    %cond3A = arith.constant 0 : i32
    %cond3A_1 = arith.cmpi ne, %convert_element_type3A, %cond3A : i32
    scf.if %cond3A_1 {
      "tpu.region"() ({
        %run_scoped3A = tpu.sem_alloc : memref<!tpu.dma_semaphore, #tpu.memory_space<semaphore_mem>>
        tpu.enqueue_dma source(%arg4 : memref<10240xf32, #tpu.memory_space<hbm>>) target(%arg11 : memref<10240xf32, #tpu.memory_space<vmem>>) target_semaphore(%run_scoped3A : memref<!tpu.dma_semaphore, #tpu.memory_space<semaphore_mem>>)
        tpu.wait_dma2 semaphore(%run_scoped3A : memref<!tpu.dma_semaphore, #tpu.memory_space<semaphore_mem>>) src(%arg4 : memref<10240xf32, #tpu.memory_space<hbm>>) dst(%arg11 : memref<10240xf32, #tpu.memory_space<vmem>>)
        tpu.yield
      }) : () -> ()
      "tpu.region"() ({
        %run_scoped3A = tpu.sem_alloc : memref<!tpu.dma_semaphore, #tpu.memory_space<semaphore_mem>>
        tpu.enqueue_dma source(%arg5 : memref<10240xf32, #tpu.memory_space<hbm>>) target(%arg12 : memref<10240xf32, #tpu.memory_space<vmem>>) target_semaphore(%run_scoped3A : memref<!tpu.dma_semaphore, #tpu.memory_space<semaphore_mem>>)
        tpu.wait_dma2 semaphore(%run_scoped3A : memref<!tpu.dma_semaphore, #tpu.memory_space<semaphore_mem>>) src(%arg5 : memref<10240xf32, #tpu.memory_space<hbm>>) dst(%arg12 : memref<10240xf32, #tpu.memory_space<vmem>>)
        tpu.yield
      }) : () -> ()
      "tpu.region"() ({
        %run_scoped3A = tpu.sem_alloc : memref<!tpu.dma_semaphore, #tpu.memory_space<semaphore_mem>>
        tpu.enqueue_dma source(%arg6 : memref<20480xf32, #tpu.memory_space<hbm>>) target(%arg13 : memref<20480xf32, #tpu.memory_space<vmem>>) target_semaphore(%run_scoped3A : memref<!tpu.dma_semaphore, #tpu.memory_space<semaphore_mem>>)
        tpu.wait_dma2 semaphore(%run_scoped3A : memref<!tpu.dma_semaphore, #tpu.memory_space<semaphore_mem>>) src(%arg6 : memref<20480xf32, #tpu.memory_space<hbm>>) dst(%arg13 : memref<20480xf32, #tpu.memory_space<vmem>>)
        tpu.yield
      }) : () -> ()
      "tpu.region"() ({
        %run_scoped3A = tpu.sem_alloc : memref<!tpu.dma_semaphore, #tpu.memory_space<semaphore_mem>>
        tpu.enqueue_dma source(%arg8 : memref<16xf32, #tpu.memory_space<hbm>>) target(%arg25 : memref<16xf32, #tpu.memory_space<vmem>>) target_semaphore(%run_scoped3A : memref<!tpu.dma_semaphore, #tpu.memory_space<semaphore_mem>>)
        tpu.wait_dma2 semaphore(%run_scoped3A : memref<!tpu.dma_semaphore, #tpu.memory_space<semaphore_mem>>) src(%arg8 : memref<16xf32, #tpu.memory_space<hbm>>) dst(%arg25 : memref<16xf32, #tpu.memory_space<vmem>>)
        tpu.yield
      }) : () -> ()
      %mul3A = arith.constant 640 : i32
      %mul3A_2 = arith.muli %arg1, %mul3A : i32
      %mul3A_3 = arith.constant 640 : i32
      %mul3A_4 = arith.muli %arg1, %mul3A_3 : i32
      "tpu.region"() ({
        %run_scoped3A = tpu.sem_alloc : memref<!tpu.dma_semaphore, #tpu.memory_space<semaphore_mem>>
        %dma_start3A = tpu.memref_slice %arg26[%mul3A_4] : memref<10240xf32, #tpu.memory_space<vmem_shared>> -> memref<640xf32, #tpu.memory_space<vmem_shared>>
        %dma_start3A_36 = tpu.memref_slice %arg7[%mul3A_2] : memref<20480xf32, #tpu.memory_space<hbm>> -> memref<640xf32, #tpu.memory_space<hbm>>
        tpu.enqueue_dma source(%dma_start3A_36 : memref<640xf32, #tpu.memory_space<hbm>>) target(%dma_start3A : memref<640xf32, #tpu.memory_space<vmem_shared>>) target_semaphore(%run_scoped3A : memref<!tpu.dma_semaphore, #tpu.memory_space<semaphore_mem>>)
        %dma_wait3A = tpu.memref_slice %arg26[%mul3A_4] : memref<10240xf32, #tpu.memory_space<vmem_shared>> -> memref<640xf32, #tpu.memory_space<vmem_shared>>
        %dma_wait3A_37 = tpu.memref_slice %arg7[%mul3A_2] : memref<20480xf32, #tpu.memory_space<hbm>> -> memref<640xf32, #tpu.memory_space<hbm>>
        tpu.wait_dma2 semaphore(%run_scoped3A : memref<!tpu.dma_semaphore, #tpu.memory_space<semaphore_mem>>) src(%dma_wait3A_37 : memref<640xf32, #tpu.memory_space<hbm>>) dst(%dma_wait3A : memref<640xf32, #tpu.memory_space<vmem_shared>>)
        tpu.yield
      }) : () -> ()
      %mul3A_5 = arith.constant 1280 : i32
      %mul3A_6 = arith.muli %arg1, %mul3A_5 : i32
      %mul3A_7 = arith.constant 1280 : i32
      %mul3A_8 = arith.muli %arg1, %mul3A_7 : i32
      "tpu.region"() ({
        %run_scoped3A = tpu.sem_alloc : memref<!tpu.dma_semaphore, #tpu.memory_space<semaphore_mem>>
        %dma_start3A = tpu.memref_slice %arg27[%mul3A_8] : memref<20480xf32, #tpu.memory_space<vmem_shared>> -> memref<1280xf32, #tpu.memory_space<vmem_shared>>
        %dma_start3A_36 = tpu.memref_slice %arg7[%mul3A_6] : memref<20480xf32, #tpu.memory_space<hbm>> -> memref<1280xf32, #tpu.memory_space<hbm>>
        tpu.enqueue_dma source(%dma_start3A_36 : memref<1280xf32, #tpu.memory_space<hbm>>) target(%dma_start3A : memref<1280xf32, #tpu.memory_space<vmem_shared>>) target_semaphore(%run_scoped3A : memref<!tpu.dma_semaphore, #tpu.memory_space<semaphore_mem>>)
        %dma_wait3A = tpu.memref_slice %arg27[%mul3A_8] : memref<20480xf32, #tpu.memory_space<vmem_shared>> -> memref<1280xf32, #tpu.memory_space<vmem_shared>>
        %dma_wait3A_37 = tpu.memref_slice %arg7[%mul3A_6] : memref<20480xf32, #tpu.memory_space<hbm>> -> memref<1280xf32, #tpu.memory_space<hbm>>
        tpu.wait_dma2 semaphore(%run_scoped3A : memref<!tpu.dma_semaphore, #tpu.memory_space<semaphore_mem>>) src(%dma_wait3A_37 : memref<1280xf32, #tpu.memory_space<hbm>>) dst(%dma_wait3A : memref<1280xf32, #tpu.memory_space<vmem_shared>>)
        tpu.yield
      }) : () -> ()
      %barrier3A = arith.constant 0 : index
      tpu.barrier barrier_id(%barrier3A)
      %mul3A_9 = arith.constant 20736 : i32
      %mul3A_10 = arith.muli %arg1, %mul3A_9 : i32
      %scan3A = arith.constant 0 : i32
      %scan3A_11 = arith.constant 0 : i32
      %scan3A_12 = arith.constant 3 : i32
      %scan3A_13 = arith.addi %scan3A_11, %scan3A_12 : i32
      %scan3A_14 = arith.constant 1 : i32
      %scan3A_15 = scf.for %scan3A_36 = %scan3A_11 to %scan3A_13 step %scan3A_14 iter_args(%scan3A_37 = %scan3A) -> (i32)  : i32 {
        %mul3A_38 = arith.constant 6912 : i32
        %mul3A_39 = arith.muli %scan3A_36, %mul3A_38 : i32
        %add3A = arith.addi %mul3A_10, %mul3A_39 : i32
        "tpu.region"() ({
          %run_scoped3A = tpu.sem_alloc : memref<!tpu.dma_semaphore, #tpu.memory_space<semaphore_mem>>
          %dma_start3A = tpu.memref_slice %arg2[%add3A] : memref<331776xi32, #tpu.memory_space<hbm>> -> memref<6912xi32, #tpu.memory_space<hbm>>
          %dma_start3A_48 = tpu.memref_slice %arg2[%add3A] : memref<331776xi32, #tpu.memory_space<hbm>> -> memref<6912xi32, #tpu.memory_space<hbm>>
          tpu.enqueue_dma source(%dma_start3A_48 : memref<6912xi32, #tpu.memory_space<hbm>>) target(%arg15 : memref<6912xi32, #tpu.memory_space<vmem>>) target_semaphore(%run_scoped3A : memref<!tpu.dma_semaphore, #tpu.memory_space<semaphore_mem>>)
          %dma_wait3A = tpu.memref_slice %arg2[%add3A] : memref<331776xi32, #tpu.memory_space<hbm>> -> memref<6912xi32, #tpu.memory_space<hbm>>
          %dma_wait3A_49 = tpu.memref_slice %arg2[%add3A] : memref<331776xi32, #tpu.memory_space<hbm>> -> memref<6912xi32, #tpu.memory_space<hbm>>
          tpu.wait_dma2 semaphore(%run_scoped3A : memref<!tpu.dma_semaphore, #tpu.memory_space<semaphore_mem>>) src(%dma_wait3A_49 : memref<6912xi32, #tpu.memory_space<hbm>>) dst(%arg15 : memref<6912xi32, #tpu.memory_space<vmem>>)
          tpu.yield
        }) : () -> ()
        "tpu.region"() ({
          %run_scoped3A = tpu.sem_alloc : memref<!tpu.dma_semaphore, #tpu.memory_space<semaphore_mem>>
          %dma_start3A = tpu.memref_slice %arg3[%add3A] : memref<331776xi32, #tpu.memory_space<hbm>> -> memref<6912xi32, #tpu.memory_space<hbm>>
          %dma_start3A_48 = tpu.memref_slice %arg3[%add3A] : memref<331776xi32, #tpu.memory_space<hbm>> -> memref<6912xi32, #tpu.memory_space<hbm>>
          tpu.enqueue_dma source(%dma_start3A_48 : memref<6912xi32, #tpu.memory_space<hbm>>) target(%arg16 : memref<6912xi32, #tpu.memory_space<vmem>>) target_semaphore(%run_scoped3A : memref<!tpu.dma_semaphore, #tpu.memory_space<semaphore_mem>>)
          %dma_wait3A = tpu.memref_slice %arg3[%add3A] : memref<331776xi32, #tpu.memory_space<hbm>> -> memref<6912xi32, #tpu.memory_space<hbm>>
          %dma_wait3A_49 = tpu.memref_slice %arg3[%add3A] : memref<331776xi32, #tpu.memory_space<hbm>> -> memref<6912xi32, #tpu.memory_space<hbm>>
          tpu.wait_dma2 semaphore(%run_scoped3A : memref<!tpu.dma_semaphore, #tpu.memory_space<semaphore_mem>>) src(%dma_wait3A_49 : memref<6912xi32, #tpu.memory_space<hbm>>) dst(%arg16 : memref<6912xi32, #tpu.memory_space<vmem>>)
          tpu.yield
        }) : () -> ()
        %scan3A_40 = arith.constant 0 : i32
        %scan3A_41 = arith.constant 0 : i32
        %scan3A_42 = arith.constant 54 : i32
        %scan3A_43 = arith.addi %scan3A_41, %scan3A_42 : i32
        %scan3A_44 = arith.constant 1 : i32
        %scan3A_45 = scf.for %scan3A_48 = %scan3A_41 to %scan3A_43 step %scan3A_44 iter_args(%scan3A_49 = %scan3A_40) -> (i32)  : i32 {
          %scan3A_50 = arith.constant 0 : i32
          %scan3A_51 = arith.constant 0 : i32
          %scan3A_52 = arith.constant 8 : i32
          %scan3A_53 = arith.addi %scan3A_51, %scan3A_52 : i32
          %scan3A_54 = arith.constant 1 : i32
          %scan3A_55 = scf.for %scan3A_58 = %scan3A_51 to %scan3A_53 step %scan3A_54 iter_args(%scan3A_59 = %scan3A_50) -> (i32)  : i32 {
            %mul3A_60 = arith.constant 128 : i32
            %mul3A_61 = arith.muli %scan3A_48, %mul3A_60 : i32
            %mul3A_62 = arith.constant 16 : i32
            %mul3A_63 = arith.muli %scan3A_58, %mul3A_62 : i32
            %add3A_64 = arith.addi %mul3A_61, %mul3A_63 : i32
            %get3A_65 = arith.index_cast %add3A_64 : i32 to index
            %get3A_66 = tpu.vector_load %arg15[%get3A_65] {strides = array<i32>} : memref<6912xi32, #tpu.memory_space<vmem>>, vector<16xi32>,
            %get3A_67 = arith.index_cast %add3A_64 : i32 to index
            %get3A_68 = tpu.vector_load %arg16[%get3A_67] {strides = array<i32>} : memref<6912xi32, #tpu.memory_space<vmem>>, vector<16xi32>,
            %gather3A = tpu.vector_load_idx %arg11[%get3A_66] : memref<10240xf32, #tpu.memory_space<vmem>>[vector<16xi32>], vector<16xf32>,
            %gather3A_69 = tpu.vector_load_idx %arg12[%get3A_68] : memref<10240xf32, #tpu.memory_space<vmem>>[vector<16xi32>], vector<16xf32>,
            %add3A_70 = arith.addf %gather3A, %gather3A_69 : vector<16xf32>
            %mul3A_71 = arith.constant 2.000000e-01 : f32
            %mul3A_72 = vector.broadcast %mul3A_71 : f32 to vector<16xf32>
            %mul3A_73 = arith.mulf %mul3A_72, %add3A_70 : vector<16xf32>
            %max3A = arith.maximumf %add3A_70, %mul3A_73 : vector<16xf32>
            %exp3A = math.exp %max3A : vector<16xf32>
            %mul3A_74 = arith.constant 16 : i32
            %mul3A_75 = arith.muli %scan3A_58, %mul3A_74 : i32
            %swap3A = arith.index_cast %mul3A_75 : i32 to index
            %swap3A_76 = tpu.vector_load %arg17[%swap3A] {strides = array<i32>} : memref<128xf32, #tpu.memory_space<vmem>>, vector<16xf32>,
            tpu.vector_store %arg17[%swap3A], %exp3A {strides = array<i32>} : memref<128xf32, #tpu.memory_space<vmem>>, vector<16xf32>,
            %mul3A_77 = arith.constant 16 : i32
            %mul3A_78 = arith.muli %scan3A_58, %mul3A_77 : i32
            %swap3A_79 = arith.index_cast %mul3A_78 : i32 to index
            %swap3A_80 = tpu.vector_load %arg18[%swap3A_79] {strides = array<i32>} : memref<128xi32, #tpu.memory_space<vmem>>, vector<16xi32>,
            tpu.vector_store %arg18[%swap3A_79], %get3A_68 {strides = array<i32>} : memref<128xi32, #tpu.memory_space<vmem>>, vector<16xi32>,
            %scan3A_81 = arith.constant 0 : i32
            scf.yield %scan3A_81 : i32
          }
          %scan3A_56 = arith.constant 8 : i32
          "tpu.region"() ({
            %run_scoped3A = tpu.sem_alloc : memref<!tpu.dma_semaphore, #tpu.memory_space<semaphore_mem>>
            %dma_start3A = arith.constant 0 : i32
            %dma_start3A_58 = tpu.memref_slice %arg26[%dma_start3A] : memref<10240xf32, #tpu.memory_space<vmem_shared>> -> memref<10240xf32, #tpu.memory_space<vmem_shared>>
            tpu.enqueue_indirect_dma source(%arg17 : memref<128xf32, #tpu.memory_space<vmem>>) target(%dma_start3A_58 : memref<10240xf32, #tpu.memory_space<vmem_shared>>) offsets(%arg18 : memref<128xi32, #tpu.memory_space<vmem>>) semaphore(%run_scoped3A : memref<!tpu.dma_semaphore, #tpu.memory_space<semaphore_mem>>) {add = true}
            %dma_wait3A = arith.constant 0 : i32
            %dma_wait3A_59 = tpu.memref_slice %arg26[%dma_wait3A] : memref<10240xf32, #tpu.memory_space<vmem_shared>> -> memref<10240xf32, #tpu.memory_space<vmem_shared>>
            tpu.wait_indirect_dma semaphore(%run_scoped3A : memref<!tpu.dma_semaphore, #tpu.memory_space<semaphore_mem>>) src(%arg17 : memref<128xf32, #tpu.memory_space<vmem>>) dst(%dma_wait3A_59 : memref<10240xf32, #tpu.memory_space<vmem_shared>>)
            tpu.yield
          }) : () -> ()
          %scan3A_57 = arith.constant 0 : i32
          scf.yield %scan3A_57 : i32
        }
        %scan3A_46 = arith.constant 54 : i32
        %scan3A_47 = arith.constant 0 : i32
        scf.yield %scan3A_47 : i32
      }
      %scan3A_16 = arith.constant 3 : i32
      %barrier3A_17 = arith.constant 0 : index
      tpu.barrier barrier_id(%barrier3A_17)
      "tpu.region"() ({
        %run_scoped3A = tpu.sem_alloc : memref<!tpu.dma_semaphore, #tpu.memory_space<semaphore_mem>>
        tpu.enqueue_dma source(%arg26 : memref<10240xf32, #tpu.memory_space<vmem_shared>>) target(%arg14 : memref<10240xf32, #tpu.memory_space<vmem>>) target_semaphore(%run_scoped3A : memref<!tpu.dma_semaphore, #tpu.memory_space<semaphore_mem>>)
        tpu.wait_dma2 semaphore(%run_scoped3A : memref<!tpu.dma_semaphore, #tpu.memory_space<semaphore_mem>>) src(%arg26 : memref<10240xf32, #tpu.memory_space<vmem_shared>>) dst(%arg14 : memref<10240xf32, #tpu.memory_space<vmem>>)
        tpu.yield
      }) : () -> ()
      %scan3A_18 = arith.constant 0 : i32
      %scan3A_19 = arith.constant 0 : i32
      %scan3A_20 = arith.constant 3 : i32
      %scan3A_21 = arith.addi %scan3A_19, %scan3A_20 : i32
      %scan3A_22 = arith.constant 1 : i32
      %scan3A_23 = scf.for %scan3A_36 = %scan3A_19 to %scan3A_21 step %scan3A_22 iter_args(%scan3A_37 = %scan3A_18) -> (i32)  : i32 {
        %mul3A_38 = arith.constant 6912 : i32
        %mul3A_39 = arith.muli %scan3A_36, %mul3A_38 : i32
        %add3A = arith.addi %mul3A_10, %mul3A_39 : i32
        "tpu.region"() ({
          %run_scoped3A = tpu.sem_alloc : memref<!tpu.dma_semaphore, #tpu.memory_space<semaphore_mem>>
          %dma_start3A = tpu.memref_slice %arg2[%add3A] : memref<331776xi32, #tpu.memory_space<hbm>> -> memref<6912xi32, #tpu.memory_space<hbm>>
          %dma_start3A_48 = tpu.memref_slice %arg2[%add3A] : memref<331776xi32, #tpu.memory_space<hbm>> -> memref<6912xi32, #tpu.memory_space<hbm>>
          tpu.enqueue_dma source(%dma_start3A_48 : memref<6912xi32, #tpu.memory_space<hbm>>) target(%arg15 : memref<6912xi32, #tpu.memory_space<vmem>>) target_semaphore(%run_scoped3A : memref<!tpu.dma_semaphore, #tpu.memory_space<semaphore_mem>>)
          %dma_wait3A = tpu.memref_slice %arg2[%add3A] : memref<331776xi32, #tpu.memory_space<hbm>> -> memref<6912xi32, #tpu.memory_space<hbm>>
          %dma_wait3A_49 = tpu.memref_slice %arg2[%add3A] : memref<331776xi32, #tpu.memory_space<hbm>> -> memref<6912xi32, #tpu.memory_space<hbm>>
          tpu.wait_dma2 semaphore(%run_scoped3A : memref<!tpu.dma_semaphore, #tpu.memory_space<semaphore_mem>>) src(%dma_wait3A_49 : memref<6912xi32, #tpu.memory_space<hbm>>) dst(%arg15 : memref<6912xi32, #tpu.memory_space<vmem>>)
          tpu.yield
        }) : () -> ()
        "tpu.region"() ({
          %run_scoped3A = tpu.sem_alloc : memref<!tpu.dma_semaphore, #tpu.memory_space<semaphore_mem>>
          %dma_start3A = tpu.memref_slice %arg3[%add3A] : memref<331776xi32, #tpu.memory_space<hbm>> -> memref<6912xi32, #tpu.memory_space<hbm>>
          %dma_start3A_48 = tpu.memref_slice %arg3[%add3A] : memref<331776xi32, #tpu.memory_space<hbm>> -> memref<6912xi32, #tpu.memory_space<hbm>>
          tpu.enqueue_dma source(%dma_start3A_48 : memref<6912xi32, #tpu.memory_space<hbm>>) target(%arg16 : memref<6912xi32, #tpu.memory_space<vmem>>) target_semaphore(%run_scoped3A : memref<!tpu.dma_semaphore, #tpu.memory_space<semaphore_mem>>)
          %dma_wait3A = tpu.memref_slice %arg3[%add3A] : memref<331776xi32, #tpu.memory_space<hbm>> -> memref<6912xi32, #tpu.memory_space<hbm>>
          %dma_wait3A_49 = tpu.memref_slice %arg3[%add3A] : memref<331776xi32, #tpu.memory_space<hbm>> -> memref<6912xi32, #tpu.memory_space<hbm>>
          tpu.wait_dma2 semaphore(%run_scoped3A : memref<!tpu.dma_semaphore, #tpu.memory_space<semaphore_mem>>) src(%dma_wait3A_49 : memref<6912xi32, #tpu.memory_space<hbm>>) dst(%arg16 : memref<6912xi32, #tpu.memory_space<vmem>>)
          tpu.yield
        }) : () -> ()
        %scan3A_40 = arith.constant 0 : i32
        %scan3A_41 = arith.constant 0 : i32
        %scan3A_42 = arith.constant 54 : i32
        %scan3A_43 = arith.addi %scan3A_41, %scan3A_42 : i32
        %scan3A_44 = arith.constant 1 : i32
        %scan3A_45 = scf.for %scan3A_48 = %scan3A_41 to %scan3A_43 step %scan3A_44 iter_args(%scan3A_49 = %scan3A_40) -> (i32)  : i32 {
          %scan3A_50 = arith.constant 0 : i32
          %scan3A_51 = arith.constant 0 : i32
          %scan3A_52 = arith.constant 8 : i32
          %scan3A_53 = arith.addi %scan3A_51, %scan3A_52 : i32
          %scan3A_54 = arith.constant 1 : i32
          %scan3A_55 = scf.for %scan3A_64 = %scan3A_51 to %scan3A_53 step %scan3A_54 iter_args(%scan3A_65 = %scan3A_50) -> (i32)  : i32 {
            %mul3A_66 = arith.constant 128 : i32
            %mul3A_67 = arith.muli %scan3A_48, %mul3A_66 : i32
            %mul3A_68 = arith.constant 16 : i32
            %mul3A_69 = arith.muli %scan3A_64, %mul3A_68 : i32
            %add3A_70 = arith.addi %mul3A_67, %mul3A_69 : i32
            %get3A_71 = arith.index_cast %add3A_70 : i32 to index
            %get3A_72 = tpu.vector_load %arg15[%get3A_71] {strides = array<i32>} : memref<6912xi32, #tpu.memory_space<vmem>>, vector<16xi32>,
            %get3A_73 = arith.index_cast %add3A_70 : i32 to index
            %get3A_74 = tpu.vector_load %arg16[%get3A_73] {strides = array<i32>} : memref<6912xi32, #tpu.memory_space<vmem>>, vector<16xi32>,
            %gather3A = tpu.vector_load_idx %arg11[%get3A_72] : memref<10240xf32, #tpu.memory_space<vmem>>[vector<16xi32>], vector<16xf32>,
            %gather3A_75 = tpu.vector_load_idx %arg12[%get3A_74] : memref<10240xf32, #tpu.memory_space<vmem>>[vector<16xi32>], vector<16xf32>,
            %add3A_76 = arith.addf %gather3A, %gather3A_75 : vector<16xf32>
            %mul3A_77 = arith.constant 2.000000e-01 : f32
            %mul3A_78 = vector.broadcast %mul3A_77 : f32 to vector<16xf32>
            %mul3A_79 = arith.mulf %mul3A_78, %add3A_76 : vector<16xf32>
            %max3A = arith.maximumf %add3A_76, %mul3A_79 : vector<16xf32>
            %exp3A = math.exp %max3A : vector<16xf32>
            %gather3A_80 = tpu.vector_load_idx %arg14[%get3A_74] : memref<10240xf32, #tpu.memory_space<vmem>>[vector<16xi32>], vector<16xf32>,
            %add3A_81 = arith.constant 1.000000e-16 : f32
            %add3A_82 = vector.broadcast %add3A_81 : f32 to vector<16xf32>
            %add3A_83 = arith.addf %gather3A_80, %add3A_82 : vector<16xf32>
            %div3A = arith.divf %exp3A, %add3A_83 : vector<16xf32>
            %mul3A_84 = arith.constant 16 : i32
            %mul3A_85 = arith.muli %scan3A_64, %mul3A_84 : i32
            %swap3A = arith.index_cast %mul3A_85 : i32 to index
            %swap3A_86 = tpu.vector_load %arg19[%swap3A] {strides = array<i32>} : memref<128xf32, #tpu.memory_space<vmem>>, vector<16xf32>,
            tpu.vector_store %arg19[%swap3A], %div3A {strides = array<i32>} : memref<128xf32, #tpu.memory_space<vmem>>, vector<16xf32>,
            %mul3A_87 = arith.constant 2 : i32
            %mul3A_88 = vector.broadcast %mul3A_87 : i32 to vector<16xi32>
            %mul3A_89 = arith.muli %mul3A_88, %get3A_72 : vector<16xi32>
            %gather3A_90 = tpu.vector_load_idx %arg13[%mul3A_89] : memref<20480xf32, #tpu.memory_space<vmem>>[vector<16xi32>], vector<16xf32>,
            %mul3A_91 = arith.constant 2 : i32
            %mul3A_92 = vector.broadcast %mul3A_91 : i32 to vector<16xi32>
            %mul3A_93 = arith.muli %mul3A_92, %get3A_72 : vector<16xi32>
            %add3A_94 = arith.constant 1 : i32
            %add3A_95 = vector.broadcast %add3A_94 : i32 to vector<16xi32>
            %add3A_96 = arith.addi %mul3A_93, %add3A_95 : vector<16xi32>
            %gather3A_97 = tpu.vector_load_idx %arg13[%add3A_96] : memref<20480xf32, #tpu.memory_space<vmem>>[vector<16xi32>], vector<16xf32>,
            %mul3A_98 = arith.mulf %div3A, %gather3A_90 : vector<16xf32>
            %mul3A_99 = arith.constant 16 : i32
            %mul3A_100 = arith.muli %scan3A_64, %mul3A_99 : i32
            %swap3A_101 = arith.index_cast %mul3A_100 : i32 to index
            %swap3A_102 = tpu.vector_load %arg20[%swap3A_101] {strides = array<i32>} : memref<128xf32, #tpu.memory_space<vmem>>, vector<16xf32>,
            tpu.vector_store %arg20[%swap3A_101], %mul3A_98 {strides = array<i32>} : memref<128xf32, #tpu.memory_space<vmem>>, vector<16xf32>,
            %mul3A_103 = arith.mulf %div3A, %gather3A_97 : vector<16xf32>
            %mul3A_104 = arith.constant 16 : i32
            %mul3A_105 = arith.muli %scan3A_64, %mul3A_104 : i32
            %swap3A_106 = arith.index_cast %mul3A_105 : i32 to index
            %swap3A_107 = tpu.vector_load %arg21[%swap3A_106] {strides = array<i32>} : memref<128xf32, #tpu.memory_space<vmem>>, vector<16xf32>,
            tpu.vector_store %arg21[%swap3A_106], %mul3A_103 {strides = array<i32>} : memref<128xf32, #tpu.memory_space<vmem>>, vector<16xf32>,
            %mul3A_108 = arith.constant 2 : i32
            %mul3A_109 = vector.broadcast %mul3A_108 : i32 to vector<16xi32>
            %mul3A_110 = arith.muli %mul3A_109, %get3A_74 : vector<16xi32>
            %mul3A_111 = arith.constant 16 : i32
            %mul3A_112 = arith.muli %scan3A_64, %mul3A_111 : i32
            %swap3A_113 = arith.index_cast %mul3A_112 : i32 to index
            %swap3A_114 = tpu.vector_load %arg22[%swap3A_113] {strides = array<i32>} : memref<128xi32, #tpu.memory_space<vmem>>, vector<16xi32>,
            tpu.vector_store %arg22[%swap3A_113], %mul3A_110 {strides = array<i32>} : memref<128xi32, #tpu.memory_space<vmem>>, vector<16xi32>,
            %mul3A_115 = arith.constant 2 : i32
            %mul3A_116 = vector.broadcast %mul3A_115 : i32 to vector<16xi32>
            %mul3A_117 = arith.muli %mul3A_116, %get3A_74 : vector<16xi32>
            %add3A_118 = arith.constant 1 : i32
            %add3A_119 = vector.broadcast %add3A_118 : i32 to vector<16xi32>
            %add3A_120 = arith.addi %mul3A_117, %add3A_119 : vector<16xi32>
            %mul3A_121 = arith.constant 16 : i32
            %mul3A_122 = arith.muli %scan3A_64, %mul3A_121 : i32
            %swap3A_123 = arith.index_cast %mul3A_122 : i32 to index
            %swap3A_124 = tpu.vector_load %arg23[%swap3A_123] {strides = array<i32>} : memref<128xi32, #tpu.memory_space<vmem>>, vector<16xi32>,
            tpu.vector_store %arg23[%swap3A_123], %add3A_120 {strides = array<i32>} : memref<128xi32, #tpu.memory_space<vmem>>, vector<16xi32>,
            %scan3A_125 = arith.constant 0 : i32
            scf.yield %scan3A_125 : i32
          }
          %scan3A_56 = arith.constant 8 : i32
          %mul3A_57 = arith.constant 6912 : i32
          %mul3A_58 = arith.muli %scan3A_36, %mul3A_57 : i32
          %add3A_59 = arith.addi %mul3A_10, %mul3A_58 : i32
          %mul3A_60 = arith.constant 128 : i32
          %mul3A_61 = arith.muli %scan3A_48, %mul3A_60 : i32
          %add3A_62 = arith.addi %add3A_59, %mul3A_61 : i32
          "tpu.region"() ({
            %run_scoped3A = tpu.sem_alloc : memref<!tpu.dma_semaphore, #tpu.memory_space<semaphore_mem>>
            %dma_start3A = tpu.memref_slice %arg9[%add3A_62] : memref<331776xf32, #tpu.memory_space<hbm>> -> memref<128xf32, #tpu.memory_space<hbm>>
            %dma_start3A_64 = tpu.memref_slice %arg9[%add3A_62] : memref<331776xf32, #tpu.memory_space<hbm>> -> memref<128xf32, #tpu.memory_space<hbm>>
            tpu.enqueue_dma source(%arg19 : memref<128xf32, #tpu.memory_space<vmem>>) target(%dma_start3A_64 : memref<128xf32, #tpu.memory_space<hbm>>) target_semaphore(%run_scoped3A : memref<!tpu.dma_semaphore, #tpu.memory_space<semaphore_mem>>)
            %dma_wait3A = tpu.memref_slice %arg9[%add3A_62] : memref<331776xf32, #tpu.memory_space<hbm>> -> memref<128xf32, #tpu.memory_space<hbm>>
            %dma_wait3A_65 = tpu.memref_slice %arg9[%add3A_62] : memref<331776xf32, #tpu.memory_space<hbm>> -> memref<128xf32, #tpu.memory_space<hbm>>
            tpu.wait_dma2 semaphore(%run_scoped3A : memref<!tpu.dma_semaphore, #tpu.memory_space<semaphore_mem>>) src(%arg19 : memref<128xf32, #tpu.memory_space<vmem>>) dst(%dma_wait3A_65 : memref<128xf32, #tpu.memory_space<hbm>>)
            tpu.yield
          }) : () -> ()
          "tpu.region"() ({
            %run_scoped3A = tpu.sem_alloc : memref<!tpu.dma_semaphore, #tpu.memory_space<semaphore_mem>>
            %dma_start3A = arith.constant 0 : i32
            %dma_start3A_64 = tpu.memref_slice %arg27[%dma_start3A] : memref<20480xf32, #tpu.memory_space<vmem_shared>> -> memref<20480xf32, #tpu.memory_space<vmem_shared>>
            tpu.enqueue_indirect_dma source(%arg20 : memref<128xf32, #tpu.memory_space<vmem>>) target(%dma_start3A_64 : memref<20480xf32, #tpu.memory_space<vmem_shared>>) offsets(%arg22 : memref<128xi32, #tpu.memory_space<vmem>>) semaphore(%run_scoped3A : memref<!tpu.dma_semaphore, #tpu.memory_space<semaphore_mem>>) {add = true}
            %dma_wait3A = arith.constant 0 : i32
            %dma_wait3A_65 = tpu.memref_slice %arg27[%dma_wait3A] : memref<20480xf32, #tpu.memory_space<vmem_shared>> -> memref<20480xf32, #tpu.memory_space<vmem_shared>>
            tpu.wait_indirect_dma semaphore(%run_scoped3A : memref<!tpu.dma_semaphore, #tpu.memory_space<semaphore_mem>>) src(%arg20 : memref<128xf32, #tpu.memory_space<vmem>>) dst(%dma_wait3A_65 : memref<20480xf32, #tpu.memory_space<vmem_shared>>)
            tpu.yield
          }) : () -> ()
          "tpu.region"() ({
            %run_scoped3A = tpu.sem_alloc : memref<!tpu.dma_semaphore, #tpu.memory_space<semaphore_mem>>
            %dma_start3A = arith.constant 0 : i32
            %dma_start3A_64 = tpu.memref_slice %arg27[%dma_start3A] : memref<20480xf32, #tpu.memory_space<vmem_shared>> -> memref<20480xf32, #tpu.memory_space<vmem_shared>>
            tpu.enqueue_indirect_dma source(%arg21 : memref<128xf32, #tpu.memory_space<vmem>>) target(%dma_start3A_64 : memref<20480xf32, #tpu.memory_space<vmem_shared>>) offsets(%arg23 : memref<128xi32, #tpu.memory_space<vmem>>) semaphore(%run_scoped3A : memref<!tpu.dma_semaphore, #tpu.memory_space<semaphore_mem>>) {add = true}
            %dma_wait3A = arith.constant 0 : i32
            %dma_wait3A_65 = tpu.memref_slice %arg27[%dma_wait3A] : memref<20480xf32, #tpu.memory_space<vmem_shared>> -> memref<20480xf32, #tpu.memory_space<vmem_shared>>
            tpu.wait_indirect_dma semaphore(%run_scoped3A : memref<!tpu.dma_semaphore, #tpu.memory_space<semaphore_mem>>) src(%arg21 : memref<128xf32, #tpu.memory_space<vmem>>) dst(%dma_wait3A_65 : memref<20480xf32, #tpu.memory_space<vmem_shared>>)
            tpu.yield
          }) : () -> ()
          %scan3A_63 = arith.constant 0 : i32
          scf.yield %scan3A_63 : i32
        }
        %scan3A_46 = arith.constant 54 : i32
        %scan3A_47 = arith.constant 0 : i32
        scf.yield %scan3A_47 : i32
      }
      %scan3A_24 = arith.constant 3 : i32
      %barrier3A_25 = arith.constant 0 : index
      tpu.barrier barrier_id(%barrier3A_25)
      %mul3A_26 = arith.constant 1280 : i32
      %mul3A_27 = arith.muli %arg1, %mul3A_26 : i32
      "tpu.region"() ({
        %run_scoped3A = tpu.sem_alloc : memref<!tpu.dma_semaphore, #tpu.memory_space<semaphore_mem>>
        %dma_start3A = tpu.memref_slice %arg27[%mul3A_27] : memref<20480xf32, #tpu.memory_space<vmem_shared>> -> memref<1280xf32, #tpu.memory_space<vmem_shared>>
        %dma_start3A_36 = tpu.memref_slice %arg27[%mul3A_27] : memref<20480xf32, #tpu.memory_space<vmem_shared>> -> memref<1280xf32, #tpu.memory_space<vmem_shared>>
        tpu.enqueue_dma source(%dma_start3A_36 : memref<1280xf32, #tpu.memory_space<vmem_shared>>) target(%arg24 : memref<1280xf32, #tpu.memory_space<vmem>>) target_semaphore(%run_scoped3A : memref<!tpu.dma_semaphore, #tpu.memory_space<semaphore_mem>>)
        %dma_wait3A = tpu.memref_slice %arg27[%mul3A_27] : memref<20480xf32, #tpu.memory_space<vmem_shared>> -> memref<1280xf32, #tpu.memory_space<vmem_shared>>
        %dma_wait3A_37 = tpu.memref_slice %arg27[%mul3A_27] : memref<20480xf32, #tpu.memory_space<vmem_shared>> -> memref<1280xf32, #tpu.memory_space<vmem_shared>>
        tpu.wait_dma2 semaphore(%run_scoped3A : memref<!tpu.dma_semaphore, #tpu.memory_space<semaphore_mem>>) src(%dma_wait3A_37 : memref<1280xf32, #tpu.memory_space<vmem_shared>>) dst(%arg24 : memref<1280xf32, #tpu.memory_space<vmem>>)
        tpu.yield
      }) : () -> ()
      %get3A = arith.constant 0 : index
      %get3A_28 = tpu.vector_load %arg25[%get3A] {strides = array<i32>} : memref<16xf32, #tpu.memory_space<vmem>>, vector<16xf32>,
      %scan3A_29 = arith.constant 0 : i32
      %scan3A_30 = arith.constant 0 : i32
      %scan3A_31 = arith.constant 80 : i32
      %scan3A_32 = arith.addi %scan3A_30, %scan3A_31 : i32
      %scan3A_33 = arith.constant 1 : i32
      %scan3A_34 = scf.for %scan3A_36 = %scan3A_30 to %scan3A_32 step %scan3A_33 iter_args(%scan3A_37 = %scan3A_29) -> (i32)  : i32 {
        %mul3A_38 = arith.constant 16 : i32
        %mul3A_39 = arith.muli %scan3A_36, %mul3A_38 : i32
        %get3A_40 = arith.index_cast %mul3A_39 : i32 to index
        %get3A_41 = tpu.vector_load %arg24[%get3A_40] {strides = array<i32>} : memref<1280xf32, #tpu.memory_space<vmem>>, vector<16xf32>,
        %add3A = arith.addf %get3A_41, %get3A_28 : vector<16xf32>
        %mul3A_42 = arith.constant 16 : i32
        %mul3A_43 = arith.muli %scan3A_36, %mul3A_42 : i32
        %swap3A = arith.index_cast %mul3A_43 : i32 to index
        %swap3A_44 = tpu.vector_load %arg24[%swap3A] {strides = array<i32>} : memref<1280xf32, #tpu.memory_space<vmem>>, vector<16xf32>,
        tpu.vector_store %arg24[%swap3A], %add3A {strides = array<i32>} : memref<1280xf32, #tpu.memory_space<vmem>>, vector<16xf32>,
        %scan3A_45 = arith.constant 0 : i32
        scf.yield %scan3A_45 : i32
      }
      %scan3A_35 = arith.constant 80 : i32
      "tpu.region"() ({
        %run_scoped3A = tpu.sem_alloc : memref<!tpu.dma_semaphore, #tpu.memory_space<semaphore_mem>>
        %dma_start3A = tpu.memref_slice %arg10[%mul3A_27] : memref<20480xf32, #tpu.memory_space<hbm>> -> memref<1280xf32, #tpu.memory_space<hbm>>
        %dma_start3A_36 = tpu.memref_slice %arg10[%mul3A_27] : memref<20480xf32, #tpu.memory_space<hbm>> -> memref<1280xf32, #tpu.memory_space<hbm>>
        tpu.enqueue_dma source(%arg24 : memref<1280xf32, #tpu.memory_space<vmem>>) target(%dma_start3A_36 : memref<1280xf32, #tpu.memory_space<hbm>>) target_semaphore(%run_scoped3A : memref<!tpu.dma_semaphore, #tpu.memory_space<semaphore_mem>>)
        %dma_wait3A = tpu.memref_slice %arg10[%mul3A_27] : memref<20480xf32, #tpu.memory_space<hbm>> -> memref<1280xf32, #tpu.memory_space<hbm>>
        %dma_wait3A_37 = tpu.memref_slice %arg10[%mul3A_27] : memref<20480xf32, #tpu.memory_space<hbm>> -> memref<1280xf32, #tpu.memory_space<hbm>>
        tpu.wait_dma2 semaphore(%run_scoped3A : memref<!tpu.dma_semaphore, #tpu.memory_space<semaphore_mem>>) src(%arg24 : memref<1280xf32, #tpu.memory_space<vmem>>) dst(%dma_wait3A_37 : memref<1280xf32, #tpu.memory_space<hbm>>)
        tpu.yield
      }) : () -> ()
    } else {
    }
    return
  }
}

#map = affine_map<(d0, d1) -> (0)>
#map1 = affine_map<(d0, d1) -> (0, 0)>
module attributes {stable_mosaic.version = 14 : i64} {
  func.func @_k2_body(%arg0: i32, %arg1: i32, %arg2: memref<331776xi32, #tpu.memory_space<hbm>>, %arg3: memref<331776xi32, #tpu.memory_space<hbm>>, %arg4: memref<40960xf32, #tpu.memory_space<hbm>>, %arg5: memref<40960xf32, #tpu.memory_space<hbm>>, %arg6: memref<40960x64xf32, #tpu.memory_space<hbm>>, %arg7: memref<10240x64xf32, #tpu.memory_space<hbm>>, %arg8: memref<20480xf32, #tpu.memory_space<hbm>>, %arg9: memref<20480x64xf32, #tpu.memory_space<hbm>>, %arg10: memref<10240xf32, #tpu.memory_space<vmem>>, %arg11: memref<10240xf32, #tpu.memory_space<vmem>>, %arg12: memref<10240xf32, #tpu.memory_space<vmem>>, %arg13: memref<6912xi32, #tpu.memory_space<vmem>>, %arg14: memref<6912xi32, #tpu.memory_space<vmem>>, %arg15: memref<128xi32, #tpu.memory_space<vmem>>, %arg16: memref<128xi32, #tpu.memory_space<vmem>>, %arg17: memref<128xi32, #tpu.memory_space<vmem>>, %arg18: memref<128xi32, #tpu.memory_space<vmem>>, %arg19: memref<128xf32, #tpu.memory_space<vmem>>, %arg20: memref<128xf32, #tpu.memory_space<vmem>>, %arg21: memref<128xi32, #tpu.memory_space<vmem>>, %arg22: memref<128xi32, #tpu.memory_space<vmem>>, %arg23: memref<128xf32, #tpu.memory_space<vmem>>, %arg24: memref<128xf32, #tpu.memory_space<vmem>>, %arg25: memref<128x64xf32, #tpu.memory_space<vmem>>, %arg26: memref<128x64xf32, #tpu.memory_space<vmem>>, %arg27: memref<!tpu.dma_semaphore, #tpu.memory_space<semaphore_mem>>, %arg28: memref<!tpu.dma_semaphore, #tpu.memory_space<semaphore_mem>>, %arg29: memref<!tpu.dma_semaphore, #tpu.memory_space<semaphore_mem>>, %arg30: memref<!tpu.dma_semaphore, #tpu.memory_space<semaphore_mem>>, %arg31: memref<!tpu.dma_semaphore, #tpu.memory_space<semaphore_mem>>, %arg32: memref<!tpu.dma_semaphore, #tpu.memory_space<semaphore_mem>>, %arg33: memref<10240x64xf32, #tpu.memory_space<vmem_shared>>, %arg34: memref<10240xf32, #tpu.memory_space<vmem_shared>>) attributes {dimension_semantics = [#tpu.dimension_semantics<core_parallel>, #tpu.dimension_semantics<subcore_parallel>], iteration_bounds = array<i64: 2, 16>, scalar_prefetch = 0 : i64, scratch_operands = 25 : i64, tpu.core_type = #tpu.core_type<sc_vector_subcore>, window_params = [{transform_indices = #map}, {transform_indices = #map}, {transform_indices = #map}, {transform_indices = #map}, {transform_indices = #map1}, {transform_indices = #map1}, {transform_indices = #map}, {transform_indices = #map1}]} {
    %add3A = arith.constant 0 : i32
    %add3A_0 = arith.addi %add3A, %arg0 : i32
    %mul3A = arith.constant 640 : i32
    %mul3A_1 = arith.muli %arg1, %mul3A : i32
    %mul3A_2 = arith.constant 10240 : i32
    %mul3A_3 = arith.muli %add3A_0, %mul3A_2 : i32
    "tpu.region"() ({
      %run_scoped3A = tpu.sem_alloc : memref<!tpu.dma_semaphore, #tpu.memory_space<semaphore_mem>>
      %dma_start3A = tpu.memref_slice %arg4[%mul3A_3] : memref<40960xf32, #tpu.memory_space<hbm>> -> memref<10240xf32, #tpu.memory_space<hbm>>
      %dma_start3A_30 = tpu.memref_slice %arg4[%mul3A_3] : memref<40960xf32, #tpu.memory_space<hbm>> -> memref<10240xf32, #tpu.memory_space<hbm>>
      tpu.enqueue_dma source(%dma_start3A_30 : memref<10240xf32, #tpu.memory_space<hbm>>) target(%arg10 : memref<10240xf32, #tpu.memory_space<vmem>>) target_semaphore(%run_scoped3A : memref<!tpu.dma_semaphore, #tpu.memory_space<semaphore_mem>>)
      %dma_wait3A = tpu.memref_slice %arg4[%mul3A_3] : memref<40960xf32, #tpu.memory_space<hbm>> -> memref<10240xf32, #tpu.memory_space<hbm>>
      %dma_wait3A_31 = tpu.memref_slice %arg4[%mul3A_3] : memref<40960xf32, #tpu.memory_space<hbm>> -> memref<10240xf32, #tpu.memory_space<hbm>>
      tpu.wait_dma2 semaphore(%run_scoped3A : memref<!tpu.dma_semaphore, #tpu.memory_space<semaphore_mem>>) src(%dma_wait3A_31 : memref<10240xf32, #tpu.memory_space<hbm>>) dst(%arg10 : memref<10240xf32, #tpu.memory_space<vmem>>)
      tpu.yield
    }) : () -> ()
    %mul3A_4 = arith.constant 10240 : i32
    %mul3A_5 = arith.muli %add3A_0, %mul3A_4 : i32
    "tpu.region"() ({
      %run_scoped3A = tpu.sem_alloc : memref<!tpu.dma_semaphore, #tpu.memory_space<semaphore_mem>>
      %dma_start3A = tpu.memref_slice %arg5[%mul3A_5] : memref<40960xf32, #tpu.memory_space<hbm>> -> memref<10240xf32, #tpu.memory_space<hbm>>
      %dma_start3A_30 = tpu.memref_slice %arg5[%mul3A_5] : memref<40960xf32, #tpu.memory_space<hbm>> -> memref<10240xf32, #tpu.memory_space<hbm>>
      tpu.enqueue_dma source(%dma_start3A_30 : memref<10240xf32, #tpu.memory_space<hbm>>) target(%arg11 : memref<10240xf32, #tpu.memory_space<vmem>>) target_semaphore(%run_scoped3A : memref<!tpu.dma_semaphore, #tpu.memory_space<semaphore_mem>>)
      %dma_wait3A = tpu.memref_slice %arg5[%mul3A_5] : memref<40960xf32, #tpu.memory_space<hbm>> -> memref<10240xf32, #tpu.memory_space<hbm>>
      %dma_wait3A_31 = tpu.memref_slice %arg5[%mul3A_5] : memref<40960xf32, #tpu.memory_space<hbm>> -> memref<10240xf32, #tpu.memory_space<hbm>>
      tpu.wait_dma2 semaphore(%run_scoped3A : memref<!tpu.dma_semaphore, #tpu.memory_space<semaphore_mem>>) src(%dma_wait3A_31 : memref<10240xf32, #tpu.memory_space<hbm>>) dst(%arg11 : memref<10240xf32, #tpu.memory_space<vmem>>)
      tpu.yield
    }) : () -> ()
    %mul3A_6 = arith.constant 20736 : i32
    %mul3A_7 = arith.muli %arg1, %mul3A_6 : i32
    "tpu.region"() ({
      %run_scoped3A = tpu.sem_alloc : memref<!tpu.dma_semaphore, #tpu.memory_space<semaphore_mem>>
      %dma_start3A = arith.constant 0 : i32
      %dma_start3A_30 = tpu.memref_slice %arg33[%mul3A_1, %dma_start3A] : memref<10240x64xf32, #tpu.memory_space<vmem_shared>> -> memref<640x64xf32, #tpu.memory_space<vmem_shared>>
      %dma_start3A_31 = arith.constant 0 : i32
      %dma_start3A_32 = tpu.memref_slice %arg7[%mul3A_1, %dma_start3A_31] : memref<10240x64xf32, #tpu.memory_space<hbm>> -> memref<640x64xf32, #tpu.memory_space<hbm>>
      tpu.enqueue_dma source(%dma_start3A_32 : memref<640x64xf32, #tpu.memory_space<hbm>>) target(%dma_start3A_30 : memref<640x64xf32, #tpu.memory_space<vmem_shared>>) target_semaphore(%run_scoped3A : memref<!tpu.dma_semaphore, #tpu.memory_space<semaphore_mem>>)
      %dma_wait3A = arith.constant 0 : i32
      %dma_wait3A_33 = tpu.memref_slice %arg33[%mul3A_1, %dma_wait3A] : memref<10240x64xf32, #tpu.memory_space<vmem_shared>> -> memref<640x64xf32, #tpu.memory_space<vmem_shared>>
      %dma_wait3A_34 = arith.constant 0 : i32
      %dma_wait3A_35 = tpu.memref_slice %arg7[%mul3A_1, %dma_wait3A_34] : memref<10240x64xf32, #tpu.memory_space<hbm>> -> memref<640x64xf32, #tpu.memory_space<hbm>>
      tpu.wait_dma2 semaphore(%run_scoped3A : memref<!tpu.dma_semaphore, #tpu.memory_space<semaphore_mem>>) src(%dma_wait3A_35 : memref<640x64xf32, #tpu.memory_space<hbm>>) dst(%dma_wait3A_33 : memref<640x64xf32, #tpu.memory_space<vmem_shared>>)
      tpu.yield
    }) : () -> ()
    %mul3A_8 = arith.constant 640 : i32
    %mul3A_9 = arith.muli %arg1, %mul3A_8 : i32
    %mul3A_10 = arith.constant 640 : i32
    %mul3A_11 = arith.muli %arg1, %mul3A_10 : i32
    "tpu.region"() ({
      %run_scoped3A = tpu.sem_alloc : memref<!tpu.dma_semaphore, #tpu.memory_space<semaphore_mem>>
      %dma_start3A = tpu.memref_slice %arg34[%mul3A_11] : memref<10240xf32, #tpu.memory_space<vmem_shared>> -> memref<640xf32, #tpu.memory_space<vmem_shared>>
      %dma_start3A_30 = tpu.memref_slice %arg8[%mul3A_9] : memref<20480xf32, #tpu.memory_space<hbm>> -> memref<640xf32, #tpu.memory_space<hbm>>
      tpu.enqueue_dma source(%dma_start3A_30 : memref<640xf32, #tpu.memory_space<hbm>>) target(%dma_start3A : memref<640xf32, #tpu.memory_space<vmem_shared>>) target_semaphore(%run_scoped3A : memref<!tpu.dma_semaphore, #tpu.memory_space<semaphore_mem>>)
      %dma_wait3A = tpu.memref_slice %arg34[%mul3A_11] : memref<10240xf32, #tpu.memory_space<vmem_shared>> -> memref<640xf32, #tpu.memory_space<vmem_shared>>
      %dma_wait3A_31 = tpu.memref_slice %arg8[%mul3A_9] : memref<20480xf32, #tpu.memory_space<hbm>> -> memref<640xf32, #tpu.memory_space<hbm>>
      tpu.wait_dma2 semaphore(%run_scoped3A : memref<!tpu.dma_semaphore, #tpu.memory_space<semaphore_mem>>) src(%dma_wait3A_31 : memref<640xf32, #tpu.memory_space<hbm>>) dst(%dma_wait3A : memref<640xf32, #tpu.memory_space<vmem_shared>>)
      tpu.yield
    }) : () -> ()
    %barrier3A = arith.constant 0 : index
    tpu.barrier barrier_id(%barrier3A)
    %scan3A = arith.constant 0 : i32
    %scan3A_12 = arith.constant 0 : i32
    %scan3A_13 = arith.constant 3 : i32
    %scan3A_14 = arith.addi %scan3A_12, %scan3A_13 : i32
    %scan3A_15 = arith.constant 1 : i32
    %scan3A_16 = scf.for %scan3A_30 = %scan3A_12 to %scan3A_14 step %scan3A_15 iter_args(%scan3A_31 = %scan3A) -> (i32)  : i32 {
      %mul3A_32 = arith.constant 6912 : i32
      %mul3A_33 = arith.muli %scan3A_30, %mul3A_32 : i32
      %add3A_34 = arith.addi %mul3A_7, %mul3A_33 : i32
      "tpu.region"() ({
        %run_scoped3A = tpu.sem_alloc : memref<!tpu.dma_semaphore, #tpu.memory_space<semaphore_mem>>
        %dma_start3A = tpu.memref_slice %arg2[%add3A_34] : memref<331776xi32, #tpu.memory_space<hbm>> -> memref<6912xi32, #tpu.memory_space<hbm>>
        %dma_start3A_43 = tpu.memref_slice %arg2[%add3A_34] : memref<331776xi32, #tpu.memory_space<hbm>> -> memref<6912xi32, #tpu.memory_space<hbm>>
        tpu.enqueue_dma source(%dma_start3A_43 : memref<6912xi32, #tpu.memory_space<hbm>>) target(%arg13 : memref<6912xi32, #tpu.memory_space<vmem>>) target_semaphore(%run_scoped3A : memref<!tpu.dma_semaphore, #tpu.memory_space<semaphore_mem>>)
        %dma_wait3A = tpu.memref_slice %arg2[%add3A_34] : memref<331776xi32, #tpu.memory_space<hbm>> -> memref<6912xi32, #tpu.memory_space<hbm>>
        %dma_wait3A_44 = tpu.memref_slice %arg2[%add3A_34] : memref<331776xi32, #tpu.memory_space<hbm>> -> memref<6912xi32, #tpu.memory_space<hbm>>
        tpu.wait_dma2 semaphore(%run_scoped3A : memref<!tpu.dma_semaphore, #tpu.memory_space<semaphore_mem>>) src(%dma_wait3A_44 : memref<6912xi32, #tpu.memory_space<hbm>>) dst(%arg13 : memref<6912xi32, #tpu.memory_space<vmem>>)
        tpu.yield
      }) : () -> ()
      "tpu.region"() ({
        %run_scoped3A = tpu.sem_alloc : memref<!tpu.dma_semaphore, #tpu.memory_space<semaphore_mem>>
        %dma_start3A = tpu.memref_slice %arg3[%add3A_34] : memref<331776xi32, #tpu.memory_space<hbm>> -> memref<6912xi32, #tpu.memory_space<hbm>>
        %dma_start3A_43 = tpu.memref_slice %arg3[%add3A_34] : memref<331776xi32, #tpu.memory_space<hbm>> -> memref<6912xi32, #tpu.memory_space<hbm>>
        tpu.enqueue_dma source(%dma_start3A_43 : memref<6912xi32, #tpu.memory_space<hbm>>) target(%arg14 : memref<6912xi32, #tpu.memory_space<vmem>>) target_semaphore(%run_scoped3A : memref<!tpu.dma_semaphore, #tpu.memory_space<semaphore_mem>>)
        %dma_wait3A = tpu.memref_slice %arg3[%add3A_34] : memref<331776xi32, #tpu.memory_space<hbm>> -> memref<6912xi32, #tpu.memory_space<hbm>>
        %dma_wait3A_44 = tpu.memref_slice %arg3[%add3A_34] : memref<331776xi32, #tpu.memory_space<hbm>> -> memref<6912xi32, #tpu.memory_space<hbm>>
        tpu.wait_dma2 semaphore(%run_scoped3A : memref<!tpu.dma_semaphore, #tpu.memory_space<semaphore_mem>>) src(%dma_wait3A_44 : memref<6912xi32, #tpu.memory_space<hbm>>) dst(%arg14 : memref<6912xi32, #tpu.memory_space<vmem>>)
        tpu.yield
      }) : () -> ()
      %scan3A_35 = arith.constant 0 : i32
      %scan3A_36 = arith.constant 0 : i32
      %scan3A_37 = arith.constant 27 : i32
      %scan3A_38 = arith.addi %scan3A_36, %scan3A_37 : i32
      %scan3A_39 = arith.constant 1 : i32
      %scan3A_40 = scf.for %scan3A_43 = %scan3A_36 to %scan3A_38 step %scan3A_39 iter_args(%scan3A_44 = %scan3A_35) -> (i32)  : i32 {
        %mul3A_45 = arith.constant 2 : i32
        %mul3A_46 = arith.muli %mul3A_45, %scan3A_43 : i32
        %scan3A_47 = arith.constant 0 : i32
        %scan3A_48 = arith.constant 0 : i32
        %scan3A_49 = arith.constant 8 : i32
        %scan3A_50 = arith.addi %scan3A_48, %scan3A_49 : i32
        %scan3A_51 = arith.constant 1 : i32
        %scan3A_52 = scf.for %scan3A_72 = %scan3A_48 to %scan3A_50 step %scan3A_51 iter_args(%scan3A_73 = %scan3A_47) -> (i32)  : i32 {
          %mul3A_74 = arith.constant 128 : i32
          %mul3A_75 = arith.muli %mul3A_46, %mul3A_74 : i32
          %mul3A_76 = arith.constant 16 : i32
          %mul3A_77 = arith.muli %scan3A_72, %mul3A_76 : i32
          %add3A_78 = arith.addi %mul3A_75, %mul3A_77 : i32
          %get3A = arith.index_cast %add3A_78 : i32 to index
          %get3A_79 = tpu.vector_load %arg13[%get3A] {strides = array<i32>} : memref<6912xi32, #tpu.memory_space<vmem>>, vector<16xi32>,
          %get3A_80 = arith.index_cast %add3A_78 : i32 to index
          %get3A_81 = tpu.vector_load %arg14[%get3A_80] {strides = array<i32>} : memref<6912xi32, #tpu.memory_space<vmem>>, vector<16xi32>,
          %gather3A = tpu.vector_load_idx %arg10[%get3A_79] : memref<10240xf32, #tpu.memory_space<vmem>>[vector<16xi32>], vector<16xf32>,
          %gather3A_82 = tpu.vector_load_idx %arg11[%get3A_81] : memref<10240xf32, #tpu.memory_space<vmem>>[vector<16xi32>], vector<16xf32>,
          %add3A_83 = arith.addf %gather3A, %gather3A_82 : vector<16xf32>
          %mul3A_84 = arith.constant 2.000000e-01 : f32
          %mul3A_85 = vector.broadcast %mul3A_84 : f32 to vector<16xf32>
          %mul3A_86 = arith.mulf %mul3A_85, %add3A_83 : vector<16xf32>
          %max3A = arith.maximumf %add3A_83, %mul3A_86 : vector<16xf32>
          %exp3A = math.exp %max3A : vector<16xf32>
          %mul3A_87 = arith.constant 16 : i32
          %mul3A_88 = arith.muli %scan3A_72, %mul3A_87 : i32
          %swap3A = arith.index_cast %mul3A_88 : i32 to index
          %swap3A_89 = tpu.vector_load %arg19[%swap3A] {strides = array<i32>} : memref<128xf32, #tpu.memory_space<vmem>>, vector<16xf32>,
          tpu.vector_store %arg19[%swap3A], %exp3A {strides = array<i32>} : memref<128xf32, #tpu.memory_space<vmem>>, vector<16xf32>,
          %mul3A_90 = arith.constant 16 : i32
          %mul3A_91 = arith.muli %scan3A_72, %mul3A_90 : i32
          %swap3A_92 = arith.index_cast %mul3A_91 : i32 to index
          %swap3A_93 = tpu.vector_load %arg21[%swap3A_92] {strides = array<i32>} : memref<128xi32, #tpu.memory_space<vmem>>, vector<16xi32>,
          tpu.vector_store %arg21[%swap3A_92], %get3A_81 {strides = array<i32>} : memref<128xi32, #tpu.memory_space<vmem>>, vector<16xi32>,
          %scan3A_94 = arith.constant 0 : i32
          scf.yield %scan3A_94 : i32
        }
        %scan3A_53 = arith.constant 8 : i32
        %dma_start3A = arith.constant 0 : i32
        %dma_start3A_54 = tpu.memref_slice %arg34[%dma_start3A] : memref<10240xf32, #tpu.memory_space<vmem_shared>> -> memref<10240xf32, #tpu.memory_space<vmem_shared>>
        tpu.enqueue_indirect_dma source(%arg19 : memref<128xf32, #tpu.memory_space<vmem>>) target(%dma_start3A_54 : memref<10240xf32, #tpu.memory_space<vmem_shared>>) offsets(%arg21 : memref<128xi32, #tpu.memory_space<vmem>>) semaphore(%arg27 : memref<!tpu.dma_semaphore, #tpu.memory_space<semaphore_mem>>) {add = true}
        %mul3A_55 = arith.constant 2 : i32
        %mul3A_56 = arith.muli %mul3A_55, %scan3A_43 : i32
        %add3A_57 = arith.constant 1 : i32
        %add3A_58 = arith.addi %mul3A_56, %add3A_57 : i32
        %scan3A_59 = arith.constant 0 : i32
        %scan3A_60 = arith.constant 0 : i32
        %scan3A_61 = arith.constant 8 : i32
        %scan3A_62 = arith.addi %scan3A_60, %scan3A_61 : i32
        %scan3A_63 = arith.constant 1 : i32
        %scan3A_64 = scf.for %scan3A_72 = %scan3A_60 to %scan3A_62 step %scan3A_63 iter_args(%scan3A_73 = %scan3A_59) -> (i32)  : i32 {
          %mul3A_74 = arith.constant 128 : i32
          %mul3A_75 = arith.muli %add3A_58, %mul3A_74 : i32
          %mul3A_76 = arith.constant 16 : i32
          %mul3A_77 = arith.muli %scan3A_72, %mul3A_76 : i32
          %add3A_78 = arith.addi %mul3A_75, %mul3A_77 : i32
          %get3A = arith.index_cast %add3A_78 : i32 to index
          %get3A_79 = tpu.vector_load %arg13[%get3A] {strides = array<i32>} : memref<6912xi32, #tpu.memory_space<vmem>>, vector<16xi32>,
          %get3A_80 = arith.index_cast %add3A_78 : i32 to index
          %get3A_81 = tpu.vector_load %arg14[%get3A_80] {strides = array<i32>} : memref<6912xi32, #tpu.memory_space<vmem>>, vector<16xi32>,
          %gather3A = tpu.vector_load_idx %arg10[%get3A_79] : memref<10240xf32, #tpu.memory_space<vmem>>[vector<16xi32>], vector<16xf32>,
          %gather3A_82 = tpu.vector_load_idx %arg11[%get3A_81] : memref<10240xf32, #tpu.memory_space<vmem>>[vector<16xi32>], vector<16xf32>,
          %add3A_83 = arith.addf %gather3A, %gather3A_82 : vector<16xf32>
          %mul3A_84 = arith.constant 2.000000e-01 : f32
          %mul3A_85 = vector.broadcast %mul3A_84 : f32 to vector<16xf32>
          %mul3A_86 = arith.mulf %mul3A_85, %add3A_83 : vector<16xf32>
          %max3A = arith.maximumf %add3A_83, %mul3A_86 : vector<16xf32>
          %exp3A = math.exp %max3A : vector<16xf32>
          %mul3A_87 = arith.constant 16 : i32
          %mul3A_88 = arith.muli %scan3A_72, %mul3A_87 : i32
          %swap3A = arith.index_cast %mul3A_88 : i32 to index
          %swap3A_89 = tpu.vector_load %arg20[%swap3A] {strides = array<i32>} : memref<128xf32, #tpu.memory_space<vmem>>, vector<16xf32>,
          tpu.vector_store %arg20[%swap3A], %exp3A {strides = array<i32>} : memref<128xf32, #tpu.memory_space<vmem>>, vector<16xf32>,
          %mul3A_90 = arith.constant 16 : i32
          %mul3A_91 = arith.muli %scan3A_72, %mul3A_90 : i32
          %swap3A_92 = arith.index_cast %mul3A_91 : i32 to index
          %swap3A_93 = tpu.vector_load %arg22[%swap3A_92] {strides = array<i32>} : memref<128xi32, #tpu.memory_space<vmem>>, vector<16xi32>,
          tpu.vector_store %arg22[%swap3A_92], %get3A_81 {strides = array<i32>} : memref<128xi32, #tpu.memory_space<vmem>>, vector<16xi32>,
          %scan3A_94 = arith.constant 0 : i32
          scf.yield %scan3A_94 : i32
        }
        %scan3A_65 = arith.constant 8 : i32
        %dma_start3A_66 = arith.constant 0 : i32
        %dma_start3A_67 = tpu.memref_slice %arg34[%dma_start3A_66] : memref<10240xf32, #tpu.memory_space<vmem_shared>> -> memref<10240xf32, #tpu.memory_space<vmem_shared>>
        tpu.enqueue_indirect_dma source(%arg20 : memref<128xf32, #tpu.memory_space<vmem>>) target(%dma_start3A_67 : memref<10240xf32, #tpu.memory_space<vmem_shared>>) offsets(%arg22 : memref<128xi32, #tpu.memory_space<vmem>>) semaphore(%arg28 : memref<!tpu.dma_semaphore, #tpu.memory_space<semaphore_mem>>) {add = true}
        %dma_wait3A = arith.constant 0 : i32
        %dma_wait3A_68 = tpu.memref_slice %arg34[%dma_wait3A] : memref<10240xf32, #tpu.memory_space<vmem_shared>> -> memref<10240xf32, #tpu.memory_space<vmem_shared>>
        tpu.wait_indirect_dma semaphore(%arg27 : memref<!tpu.dma_semaphore, #tpu.memory_space<semaphore_mem>>) src(%arg19 : memref<128xf32, #tpu.memory_space<vmem>>) dst(%dma_wait3A_68 : memref<10240xf32, #tpu.memory_space<vmem_shared>>)
        %dma_wait3A_69 = arith.constant 0 : i32
        %dma_wait3A_70 = tpu.memref_slice %arg34[%dma_wait3A_69] : memref<10240xf32, #tpu.memory_space<vmem_shared>> -> memref<10240xf32, #tpu.memory_space<vmem_shared>>
        tpu.wait_indirect_dma semaphore(%arg28 : memref<!tpu.dma_semaphore, #tpu.memory_space<semaphore_mem>>) src(%arg20 : memref<128xf32, #tpu.memory_space<vmem>>) dst(%dma_wait3A_70 : memref<10240xf32, #tpu.memory_space<vmem_shared>>)
        %scan3A_71 = arith.constant 0 : i32
        scf.yield %scan3A_71 : i32
      }
      %scan3A_41 = arith.constant 27 : i32
      %scan3A_42 = arith.constant 0 : i32
      scf.yield %scan3A_42 : i32
    }
    %scan3A_17 = arith.constant 3 : i32
    %barrier3A_18 = arith.constant 0 : index
    tpu.barrier barrier_id(%barrier3A_18)
    "tpu.region"() ({
      %run_scoped3A = tpu.sem_alloc : memref<!tpu.dma_semaphore, #tpu.memory_space<semaphore_mem>>
      tpu.enqueue_dma source(%arg34 : memref<10240xf32, #tpu.memory_space<vmem_shared>>) target(%arg12 : memref<10240xf32, #tpu.memory_space<vmem>>) target_semaphore(%run_scoped3A : memref<!tpu.dma_semaphore, #tpu.memory_space<semaphore_mem>>)
      tpu.wait_dma2 semaphore(%run_scoped3A : memref<!tpu.dma_semaphore, #tpu.memory_space<semaphore_mem>>) src(%arg34 : memref<10240xf32, #tpu.memory_space<vmem_shared>>) dst(%arg12 : memref<10240xf32, #tpu.memory_space<vmem>>)
      tpu.yield
    }) : () -> ()
    %scan3A_19 = arith.constant 0 : i32
    %scan3A_20 = arith.constant 0 : i32
    %scan3A_21 = arith.constant 3 : i32
    %scan3A_22 = arith.addi %scan3A_20, %scan3A_21 : i32
    %scan3A_23 = arith.constant 1 : i32
    %scan3A_24 = scf.for %scan3A_30 = %scan3A_20 to %scan3A_22 step %scan3A_23 iter_args(%scan3A_31 = %scan3A_19) -> (i32)  : i32 {
      %mul3A_32 = arith.constant 6912 : i32
      %mul3A_33 = arith.muli %scan3A_30, %mul3A_32 : i32
      %add3A_34 = arith.addi %mul3A_7, %mul3A_33 : i32
      "tpu.region"() ({
        %run_scoped3A = tpu.sem_alloc : memref<!tpu.dma_semaphore, #tpu.memory_space<semaphore_mem>>
        %dma_start3A = tpu.memref_slice %arg2[%add3A_34] : memref<331776xi32, #tpu.memory_space<hbm>> -> memref<6912xi32, #tpu.memory_space<hbm>>
        %dma_start3A_43 = tpu.memref_slice %arg2[%add3A_34] : memref<331776xi32, #tpu.memory_space<hbm>> -> memref<6912xi32, #tpu.memory_space<hbm>>
        tpu.enqueue_dma source(%dma_start3A_43 : memref<6912xi32, #tpu.memory_space<hbm>>) target(%arg13 : memref<6912xi32, #tpu.memory_space<vmem>>) target_semaphore(%run_scoped3A : memref<!tpu.dma_semaphore, #tpu.memory_space<semaphore_mem>>)
        %dma_wait3A = tpu.memref_slice %arg2[%add3A_34] : memref<331776xi32, #tpu.memory_space<hbm>> -> memref<6912xi32, #tpu.memory_space<hbm>>
        %dma_wait3A_44 = tpu.memref_slice %arg2[%add3A_34] : memref<331776xi32, #tpu.memory_space<hbm>> -> memref<6912xi32, #tpu.memory_space<hbm>>
        tpu.wait_dma2 semaphore(%run_scoped3A : memref<!tpu.dma_semaphore, #tpu.memory_space<semaphore_mem>>) src(%dma_wait3A_44 : memref<6912xi32, #tpu.memory_space<hbm>>) dst(%arg13 : memref<6912xi32, #tpu.memory_space<vmem>>)
        tpu.yield
      }) : () -> ()
      "tpu.region"() ({
        %run_scoped3A = tpu.sem_alloc : memref<!tpu.dma_semaphore, #tpu.memory_space<semaphore_mem>>
        %dma_start3A = tpu.memref_slice %arg3[%add3A_34] : memref<331776xi32, #tpu.memory_space<hbm>> -> memref<6912xi32, #tpu.memory_space<hbm>>
        %dma_start3A_43 = tpu.memref_slice %arg3[%add3A_34] : memref<331776xi32, #tpu.memory_space<hbm>> -> memref<6912xi32, #tpu.memory_space<hbm>>
        tpu.enqueue_dma source(%dma_start3A_43 : memref<6912xi32, #tpu.memory_space<hbm>>) target(%arg14 : memref<6912xi32, #tpu.memory_space<vmem>>) target_semaphore(%run_scoped3A : memref<!tpu.dma_semaphore, #tpu.memory_space<semaphore_mem>>)
        %dma_wait3A = tpu.memref_slice %arg3[%add3A_34] : memref<331776xi32, #tpu.memory_space<hbm>> -> memref<6912xi32, #tpu.memory_space<hbm>>
        %dma_wait3A_44 = tpu.memref_slice %arg3[%add3A_34] : memref<331776xi32, #tpu.memory_space<hbm>> -> memref<6912xi32, #tpu.memory_space<hbm>>
        tpu.wait_dma2 semaphore(%run_scoped3A : memref<!tpu.dma_semaphore, #tpu.memory_space<semaphore_mem>>) src(%dma_wait3A_44 : memref<6912xi32, #tpu.memory_space<hbm>>) dst(%arg14 : memref<6912xi32, #tpu.memory_space<vmem>>)
        tpu.yield
      }) : () -> ()
      %scan3A_35 = arith.constant 0 : i32
      %scan3A_36 = arith.constant 0 : i32
      %scan3A_37 = arith.constant 27 : i32
      %scan3A_38 = arith.addi %scan3A_36, %scan3A_37 : i32
      %scan3A_39 = arith.constant 1 : i32
      %scan3A_40 = scf.for %scan3A_43 = %scan3A_36 to %scan3A_38 step %scan3A_39 iter_args(%scan3A_44 = %scan3A_35) -> (i32)  : i32 {
        %mul3A_45 = arith.constant 2 : i32
        %mul3A_46 = arith.muli %mul3A_45, %scan3A_43 : i32
        %mul3A_47 = arith.constant 2 : i32
        %mul3A_48 = arith.muli %mul3A_47, %scan3A_43 : i32
        %add3A_49 = arith.constant 1 : i32
        %add3A_50 = arith.addi %mul3A_48, %add3A_49 : i32
        %scan3A_51 = arith.constant 0 : i32
        %scan3A_52 = arith.constant 0 : i32
        %scan3A_53 = arith.constant 8 : i32
        %scan3A_54 = arith.addi %scan3A_52, %scan3A_53 : i32
        %scan3A_55 = arith.constant 1 : i32
        %scan3A_56 = scf.for %scan3A_102 = %scan3A_52 to %scan3A_54 step %scan3A_55 iter_args(%scan3A_103 = %scan3A_51) -> (i32)  : i32 {
          %mul3A_104 = arith.constant 128 : i32
          %mul3A_105 = arith.muli %mul3A_46, %mul3A_104 : i32
          %mul3A_106 = arith.constant 16 : i32
          %mul3A_107 = arith.muli %scan3A_102, %mul3A_106 : i32
          %add3A_108 = arith.addi %mul3A_105, %mul3A_107 : i32
          %get3A = arith.index_cast %add3A_108 : i32 to index
          %get3A_109 = tpu.vector_load %arg13[%get3A] {strides = array<i32>} : memref<6912xi32, #tpu.memory_space<vmem>>, vector<16xi32>,
          %get3A_110 = arith.index_cast %add3A_108 : i32 to index
          %get3A_111 = tpu.vector_load %arg14[%get3A_110] {strides = array<i32>} : memref<6912xi32, #tpu.memory_space<vmem>>, vector<16xi32>,
          %mul3A_112 = arith.constant 10240 : i32
          %mul3A_113 = arith.muli %add3A_0, %mul3A_112 : i32
          %add3A_114 = vector.broadcast %mul3A_113 : i32 to vector<16xi32>
          %add3A_115 = arith.addi %get3A_109, %add3A_114 : vector<16xi32>
          %mul3A_116 = arith.constant 16 : i32
          %mul3A_117 = arith.muli %scan3A_102, %mul3A_116 : i32
          %swap3A = arith.index_cast %mul3A_117 : i32 to index
          %swap3A_118 = tpu.vector_load %arg15[%swap3A] {strides = array<i32>} : memref<128xi32, #tpu.memory_space<vmem>>, vector<16xi32>,
          tpu.vector_store %arg15[%swap3A], %add3A_115 {strides = array<i32>} : memref<128xi32, #tpu.memory_space<vmem>>, vector<16xi32>,
          %mul3A_119 = arith.constant 16 : i32
          %mul3A_120 = arith.muli %scan3A_102, %mul3A_119 : i32
          %swap3A_121 = arith.index_cast %mul3A_120 : i32 to index
          %swap3A_122 = tpu.vector_load %arg17[%swap3A_121] {strides = array<i32>} : memref<128xi32, #tpu.memory_space<vmem>>, vector<16xi32>,
          tpu.vector_store %arg17[%swap3A_121], %get3A_111 {strides = array<i32>} : memref<128xi32, #tpu.memory_space<vmem>>, vector<16xi32>,
          %gather3A = tpu.vector_load_idx %arg10[%get3A_109] : memref<10240xf32, #tpu.memory_space<vmem>>[vector<16xi32>], vector<16xf32>,
          %gather3A_123 = tpu.vector_load_idx %arg11[%get3A_111] : memref<10240xf32, #tpu.memory_space<vmem>>[vector<16xi32>], vector<16xf32>,
          %add3A_124 = arith.addf %gather3A, %gather3A_123 : vector<16xf32>
          %mul3A_125 = arith.constant 2.000000e-01 : f32
          %mul3A_126 = vector.broadcast %mul3A_125 : f32 to vector<16xf32>
          %mul3A_127 = arith.mulf %mul3A_126, %add3A_124 : vector<16xf32>
          %max3A = arith.maximumf %add3A_124, %mul3A_127 : vector<16xf32>
          %exp3A = math.exp %max3A : vector<16xf32>
          %gather3A_128 = tpu.vector_load_idx %arg12[%get3A_111] : memref<10240xf32, #tpu.memory_space<vmem>>[vector<16xi32>], vector<16xf32>,
          %add3A_129 = arith.constant 1.000000e-16 : f32
          %add3A_130 = vector.broadcast %add3A_129 : f32 to vector<16xf32>
          %add3A_131 = arith.addf %gather3A_128, %add3A_130 : vector<16xf32>
          %div3A = arith.divf %exp3A, %add3A_131 : vector<16xf32>
          %mul3A_132 = arith.constant 16 : i32
          %mul3A_133 = arith.muli %scan3A_102, %mul3A_132 : i32
          %swap3A_134 = arith.index_cast %mul3A_133 : i32 to index
          %swap3A_135 = tpu.vector_load %arg23[%swap3A_134] {strides = array<i32>} : memref<128xf32, #tpu.memory_space<vmem>>, vector<16xf32>,
          tpu.vector_store %arg23[%swap3A_134], %div3A {strides = array<i32>} : memref<128xf32, #tpu.memory_space<vmem>>, vector<16xf32>,
          %scan3A_136 = arith.constant 0 : i32
          scf.yield %scan3A_136 : i32
        }
        %scan3A_57 = arith.constant 8 : i32
        %dma_start3A = arith.constant 0 : i32
        %dma_start3A_58 = arith.constant 0 : i32
        %dma_start3A_59 = tpu.memref_slice %arg6[%dma_start3A, %dma_start3A_58] : memref<40960x64xf32, #tpu.memory_space<hbm>> -> memref<40960x64xf32, #tpu.memory_space<hbm>>
        tpu.enqueue_indirect_dma source(%dma_start3A_59 : memref<40960x64xf32, #tpu.memory_space<hbm>>) target(%arg25 : memref<128x64xf32, #tpu.memory_space<vmem>>) offsets(%arg15 : memref<128xi32, #tpu.memory_space<vmem>>) semaphore(%arg29 : memref<!tpu.dma_semaphore, #tpu.memory_space<semaphore_mem>>)
        %scan3A_60 = arith.constant 0 : i32
        %scan3A_61 = arith.constant 0 : i32
        %scan3A_62 = arith.constant 8 : i32
        %scan3A_63 = arith.addi %scan3A_61, %scan3A_62 : i32
        %scan3A_64 = arith.constant 1 : i32
        %scan3A_65 = scf.for %scan3A_102 = %scan3A_61 to %scan3A_63 step %scan3A_64 iter_args(%scan3A_103 = %scan3A_60) -> (i32)  : i32 {
          %mul3A_104 = arith.constant 128 : i32
          %mul3A_105 = arith.muli %add3A_50, %mul3A_104 : i32
          %mul3A_106 = arith.constant 16 : i32
          %mul3A_107 = arith.muli %scan3A_102, %mul3A_106 : i32
          %add3A_108 = arith.addi %mul3A_105, %mul3A_107 : i32
          %get3A = arith.index_cast %add3A_108 : i32 to index
          %get3A_109 = tpu.vector_load %arg13[%get3A] {strides = array<i32>} : memref<6912xi32, #tpu.memory_space<vmem>>, vector<16xi32>,
          %get3A_110 = arith.index_cast %add3A_108 : i32 to index
          %get3A_111 = tpu.vector_load %arg14[%get3A_110] {strides = array<i32>} : memref<6912xi32, #tpu.memory_space<vmem>>, vector<16xi32>,
          %mul3A_112 = arith.constant 10240 : i32
          %mul3A_113 = arith.muli %add3A_0, %mul3A_112 : i32
          %add3A_114 = vector.broadcast %mul3A_113 : i32 to vector<16xi32>
          %add3A_115 = arith.addi %get3A_109, %add3A_114 : vector<16xi32>
          %mul3A_116 = arith.constant 16 : i32
          %mul3A_117 = arith.muli %scan3A_102, %mul3A_116 : i32
          %swap3A = arith.index_cast %mul3A_117 : i32 to index
          %swap3A_118 = tpu.vector_load %arg16[%swap3A] {strides = array<i32>} : memref<128xi32, #tpu.memory_space<vmem>>, vector<16xi32>,
          tpu.vector_store %arg16[%swap3A], %add3A_115 {strides = array<i32>} : memref<128xi32, #tpu.memory_space<vmem>>, vector<16xi32>,
          %mul3A_119 = arith.constant 16 : i32
          %mul3A_120 = arith.muli %scan3A_102, %mul3A_119 : i32
          %swap3A_121 = arith.index_cast %mul3A_120 : i32 to index
          %swap3A_122 = tpu.vector_load %arg18[%swap3A_121] {strides = array<i32>} : memref<128xi32, #tpu.memory_space<vmem>>, vector<16xi32>,
          tpu.vector_store %arg18[%swap3A_121], %get3A_111 {strides = array<i32>} : memref<128xi32, #tpu.memory_space<vmem>>, vector<16xi32>,
          %gather3A = tpu.vector_load_idx %arg10[%get3A_109] : memref<10240xf32, #tpu.memory_space<vmem>>[vector<16xi32>], vector<16xf32>,
          %gather3A_123 = tpu.vector_load_idx %arg11[%get3A_111] : memref<10240xf32, #tpu.memory_space<vmem>>[vector<16xi32>], vector<16xf32>,
          %add3A_124 = arith.addf %gather3A, %gather3A_123 : vector<16xf32>
          %mul3A_125 = arith.constant 2.000000e-01 : f32
          %mul3A_126 = vector.broadcast %mul3A_125 : f32 to vector<16xf32>
          %mul3A_127 = arith.mulf %mul3A_126, %add3A_124 : vector<16xf32>
          %max3A = arith.maximumf %add3A_124, %mul3A_127 : vector<16xf32>
          %exp3A = math.exp %max3A : vector<16xf32>
          %gather3A_128 = tpu.vector_load_idx %arg12[%get3A_111] : memref<10240xf32, #tpu.memory_space<vmem>>[vector<16xi32>], vector<16xf32>,
          %add3A_129 = arith.constant 1.000000e-16 : f32
          %add3A_130 = vector.broadcast %add3A_129 : f32 to vector<16xf32>
          %add3A_131 = arith.addf %gather3A_128, %add3A_130 : vector<16xf32>
          %div3A = arith.divf %exp3A, %add3A_131 : vector<16xf32>
          %mul3A_132 = arith.constant 16 : i32
          %mul3A_133 = arith.muli %scan3A_102, %mul3A_132 : i32
          %swap3A_134 = arith.index_cast %mul3A_133 : i32 to index
          %swap3A_135 = tpu.vector_load %arg24[%swap3A_134] {strides = array<i32>} : memref<128xf32, #tpu.memory_space<vmem>>, vector<16xf32>,
          tpu.vector_store %arg24[%swap3A_134], %div3A {strides = array<i32>} : memref<128xf32, #tpu.memory_space<vmem>>, vector<16xf32>,
          %scan3A_136 = arith.constant 0 : i32
          scf.yield %scan3A_136 : i32
        }
        %scan3A_66 = arith.constant 8 : i32
        %dma_start3A_67 = arith.constant 0 : i32
        %dma_start3A_68 = arith.constant 0 : i32
        %dma_start3A_69 = tpu.memref_slice %arg6[%dma_start3A_67, %dma_start3A_68] : memref<40960x64xf32, #tpu.memory_space<hbm>> -> memref<40960x64xf32, #tpu.memory_space<hbm>>
        tpu.enqueue_indirect_dma source(%dma_start3A_69 : memref<40960x64xf32, #tpu.memory_space<hbm>>) target(%arg26 : memref<128x64xf32, #tpu.memory_space<vmem>>) offsets(%arg16 : memref<128xi32, #tpu.memory_space<vmem>>) semaphore(%arg30 : memref<!tpu.dma_semaphore, #tpu.memory_space<semaphore_mem>>)
        %dma_wait3A = arith.constant 0 : i32
        %dma_wait3A_70 = arith.constant 0 : i32
        %dma_wait3A_71 = tpu.memref_slice %arg6[%dma_wait3A, %dma_wait3A_70] : memref<40960x64xf32, #tpu.memory_space<hbm>> -> memref<40960x64xf32, #tpu.memory_space<hbm>>
        tpu.wait_indirect_dma semaphore(%arg29 : memref<!tpu.dma_semaphore, #tpu.memory_space<semaphore_mem>>) src(%dma_wait3A_71 : memref<40960x64xf32, #tpu.memory_space<hbm>>) dst(%arg25 : memref<128x64xf32, #tpu.memory_space<vmem>>)
        %scan3A_72 = arith.constant 0 : i32
        %scan3A_73 = arith.constant 0 : i32
        %scan3A_74 = arith.constant 128 : i32
        %scan3A_75 = arith.addi %scan3A_73, %scan3A_74 : i32
        %scan3A_76 = arith.constant 1 : i32
        %scan3A_77 = scf.for %scan3A_102 = %scan3A_73 to %scan3A_75 step %scan3A_76 iter_args(%scan3A_103 = %scan3A_72) -> (i32)  : i32 {
          %broadcast_in_dim3A = arith.constant 0 : i32
          %broadcast_in_dim3A_104 = vector.broadcast %broadcast_in_dim3A : i32 to vector<16xi32>
          %add3A_105 = vector.broadcast %scan3A_102 : i32 to vector<16xi32>
          %add3A_106 = arith.addi %broadcast_in_dim3A_104, %add3A_105 : vector<16xi32>
          %gather3A = tpu.vector_load_idx %arg23[%add3A_106] : memref<128xf32, #tpu.memory_space<vmem>>[vector<16xi32>], vector<16xf32>,
          %get3A = arith.index_cast %scan3A_102 : i32 to index
          %get3A_107 = arith.constant 0 : index
          %get3A_108 = tpu.vector_load %arg25[%get3A, %get3A_107] {strides = array<i32>} : memref<128x64xf32, #tpu.memory_space<vmem>>, vector<16xf32>,
          %mul3A_109 = arith.mulf %get3A_108, %gather3A : vector<16xf32>
          %swap3A = arith.index_cast %scan3A_102 : i32 to index
          %swap3A_110 = arith.constant 0 : index
          %swap3A_111 = tpu.vector_load %arg25[%swap3A, %swap3A_110] {strides = array<i32>} : memref<128x64xf32, #tpu.memory_space<vmem>>, vector<16xf32>,
          tpu.vector_store %arg25[%swap3A, %swap3A_110], %mul3A_109 {strides = array<i32>} : memref<128x64xf32, #tpu.memory_space<vmem>>, vector<16xf32>,
          %get3A_112 = arith.index_cast %scan3A_102 : i32 to index
          %get3A_113 = arith.constant 16 : index
          %get3A_114 = tpu.vector_load %arg25[%get3A_112, %get3A_113] {strides = array<i32>} : memref<128x64xf32, #tpu.memory_space<vmem>>, vector<16xf32>,
          %mul3A_115 = arith.mulf %get3A_114, %gather3A : vector<16xf32>
          %swap3A_116 = arith.index_cast %scan3A_102 : i32 to index
          %swap3A_117 = arith.constant 16 : index
          %swap3A_118 = tpu.vector_load %arg25[%swap3A_116, %swap3A_117] {strides = array<i32>} : memref<128x64xf32, #tpu.memory_space<vmem>>, vector<16xf32>,
          tpu.vector_store %arg25[%swap3A_116, %swap3A_117], %mul3A_115 {strides = array<i32>} : memref<128x64xf32, #tpu.memory_space<vmem>>, vector<16xf32>,
          %get3A_119 = arith.index_cast %scan3A_102 : i32 to index
          %get3A_120 = arith.constant 32 : index
          %get3A_121 = tpu.vector_load %arg25[%get3A_119, %get3A_120] {strides = array<i32>} : memref<128x64xf32, #tpu.memory_space<vmem>>, vector<16xf32>,
          %mul3A_122 = arith.mulf %get3A_121, %gather3A : vector<16xf32>
          %swap3A_123 = arith.index_cast %scan3A_102 : i32 to index
          %swap3A_124 = arith.constant 32 : index
          %swap3A_125 = tpu.vector_load %arg25[%swap3A_123, %swap3A_124] {strides = array<i32>} : memref<128x64xf32, #tpu.memory_space<vmem>>, vector<16xf32>,
          tpu.vector_store %arg25[%swap3A_123, %swap3A_124], %mul3A_122 {strides = array<i32>} : memref<128x64xf32, #tpu.memory_space<vmem>>, vector<16xf32>,
          %get3A_126 = arith.index_cast %scan3A_102 : i32 to index
          %get3A_127 = arith.constant 48 : index
          %get3A_128 = tpu.vector_load %arg25[%get3A_126, %get3A_127] {strides = array<i32>} : memref<128x64xf32, #tpu.memory_space<vmem>>, vector<16xf32>,
          %mul3A_129 = arith.mulf %get3A_128, %gather3A : vector<16xf32>
          %swap3A_130 = arith.index_cast %scan3A_102 : i32 to index
          %swap3A_131 = arith.constant 48 : index
          %swap3A_132 = tpu.vector_load %arg25[%swap3A_130, %swap3A_131] {strides = array<i32>} : memref<128x64xf32, #tpu.memory_space<vmem>>, vector<16xf32>,
          tpu.vector_store %arg25[%swap3A_130, %swap3A_131], %mul3A_129 {strides = array<i32>} : memref<128x64xf32, #tpu.memory_space<vmem>>, vector<16xf32>,
          %scan3A_133 = arith.constant 0 : i32
          scf.yield %scan3A_133 : i32
        }
        %scan3A_78 = arith.constant 128 : i32
        %dma_start3A_79 = arith.constant 0 : i32
        %dma_start3A_80 = arith.constant 0 : i32
        %dma_start3A_81 = tpu.memref_slice %arg33[%dma_start3A_79, %dma_start3A_80] : memref<10240x64xf32, #tpu.memory_space<vmem_shared>> -> memref<10240x64xf32, #tpu.memory_space<vmem_shared>>
        tpu.enqueue_indirect_dma source(%arg25 : memref<128x64xf32, #tpu.memory_space<vmem>>) target(%dma_start3A_81 : memref<10240x64xf32, #tpu.memory_space<vmem_shared>>) offsets(%arg17 : memref<128xi32, #tpu.memory_space<vmem>>) semaphore(%arg31 : memref<!tpu.dma_semaphore, #tpu.memory_space<semaphore_mem>>) {add = true}
        %dma_wait3A_82 = arith.constant 0 : i32
        %dma_wait3A_83 = arith.constant 0 : i32
        %dma_wait3A_84 = tpu.memref_slice %arg6[%dma_wait3A_82, %dma_wait3A_83] : memref<40960x64xf32, #tpu.memory_space<hbm>> -> memref<40960x64xf32, #tpu.memory_space<hbm>>
        tpu.wait_indirect_dma semaphore(%arg30 : memref<!tpu.dma_semaphore, #tpu.memory_space<semaphore_mem>>) src(%dma_wait3A_84 : memref<40960x64xf32, #tpu.memory_space<hbm>>) dst(%arg26 : memref<128x64xf32, #tpu.memory_space<vmem>>)
        %scan3A_85 = arith.constant 0 : i32
        %scan3A_86 = arith.constant 0 : i32
        %scan3A_87 = arith.constant 128 : i32
        %scan3A_88 = arith.addi %scan3A_86, %scan3A_87 : i32
        %scan3A_89 = arith.constant 1 : i32
        %scan3A_90 = scf.for %scan3A_102 = %scan3A_86 to %scan3A_88 step %scan3A_89 iter_args(%scan3A_103 = %scan3A_85) -> (i32)  : i32 {
          %broadcast_in_dim3A = arith.constant 0 : i32
          %broadcast_in_dim3A_104 = vector.broadcast %broadcast_in_dim3A : i32 to vector<16xi32>
          %add3A_105 = vector.broadcast %scan3A_102 : i32 to vector<16xi32>
          %add3A_106 = arith.addi %broadcast_in_dim3A_104, %add3A_105 : vector<16xi32>
          %gather3A = tpu.vector_load_idx %arg24[%add3A_106] : memref<128xf32, #tpu.memory_space<vmem>>[vector<16xi32>], vector<16xf32>,
          %get3A = arith.index_cast %scan3A_102 : i32 to index
          %get3A_107 = arith.constant 0 : index
          %get3A_108 = tpu.vector_load %arg26[%get3A, %get3A_107] {strides = array<i32>} : memref<128x64xf32, #tpu.memory_space<vmem>>, vector<16xf32>,
          %mul3A_109 = arith.mulf %get3A_108, %gather3A : vector<16xf32>
          %swap3A = arith.index_cast %scan3A_102 : i32 to index
          %swap3A_110 = arith.constant 0 : index
          %swap3A_111 = tpu.vector_load %arg26[%swap3A, %swap3A_110] {strides = array<i32>} : memref<128x64xf32, #tpu.memory_space<vmem>>, vector<16xf32>,
          tpu.vector_store %arg26[%swap3A, %swap3A_110], %mul3A_109 {strides = array<i32>} : memref<128x64xf32, #tpu.memory_space<vmem>>, vector<16xf32>,
          %get3A_112 = arith.index_cast %scan3A_102 : i32 to index
          %get3A_113 = arith.constant 16 : index
          %get3A_114 = tpu.vector_load %arg26[%get3A_112, %get3A_113] {strides = array<i32>} : memref<128x64xf32, #tpu.memory_space<vmem>>, vector<16xf32>,
          %mul3A_115 = arith.mulf %get3A_114, %gather3A : vector<16xf32>
          %swap3A_116 = arith.index_cast %scan3A_102 : i32 to index
          %swap3A_117 = arith.constant 16 : index
          %swap3A_118 = tpu.vector_load %arg26[%swap3A_116, %swap3A_117] {strides = array<i32>} : memref<128x64xf32, #tpu.memory_space<vmem>>, vector<16xf32>,
          tpu.vector_store %arg26[%swap3A_116, %swap3A_117], %mul3A_115 {strides = array<i32>} : memref<128x64xf32, #tpu.memory_space<vmem>>, vector<16xf32>,
          %get3A_119 = arith.index_cast %scan3A_102 : i32 to index
          %get3A_120 = arith.constant 32 : index
          %get3A_121 = tpu.vector_load %arg26[%get3A_119, %get3A_120] {strides = array<i32>} : memref<128x64xf32, #tpu.memory_space<vmem>>, vector<16xf32>,
          %mul3A_122 = arith.mulf %get3A_121, %gather3A : vector<16xf32>
          %swap3A_123 = arith.index_cast %scan3A_102 : i32 to index
          %swap3A_124 = arith.constant 32 : index
          %swap3A_125 = tpu.vector_load %arg26[%swap3A_123, %swap3A_124] {strides = array<i32>} : memref<128x64xf32, #tpu.memory_space<vmem>>, vector<16xf32>,
          tpu.vector_store %arg26[%swap3A_123, %swap3A_124], %mul3A_122 {strides = array<i32>} : memref<128x64xf32, #tpu.memory_space<vmem>>, vector<16xf32>,
          %get3A_126 = arith.index_cast %scan3A_102 : i32 to index
          %get3A_127 = arith.constant 48 : index
          %get3A_128 = tpu.vector_load %arg26[%get3A_126, %get3A_127] {strides = array<i32>} : memref<128x64xf32, #tpu.memory_space<vmem>>, vector<16xf32>,
          %mul3A_129 = arith.mulf %get3A_128, %gather3A : vector<16xf32>
          %swap3A_130 = arith.index_cast %scan3A_102 : i32 to index
          %swap3A_131 = arith.constant 48 : index
          %swap3A_132 = tpu.vector_load %arg26[%swap3A_130, %swap3A_131] {strides = array<i32>} : memref<128x64xf32, #tpu.memory_space<vmem>>, vector<16xf32>,
          tpu.vector_store %arg26[%swap3A_130, %swap3A_131], %mul3A_129 {strides = array<i32>} : memref<128x64xf32, #tpu.memory_space<vmem>>, vector<16xf32>,
          %scan3A_133 = arith.constant 0 : i32
          scf.yield %scan3A_133 : i32
        }
        %scan3A_91 = arith.constant 128 : i32
        %dma_start3A_92 = arith.constant 0 : i32
        %dma_start3A_93 = arith.constant 0 : i32
        %dma_start3A_94 = tpu.memref_slice %arg33[%dma_start3A_92, %dma_start3A_93] : memref<10240x64xf32, #tpu.memory_space<vmem_shared>> -> memref<10240x64xf32, #tpu.memory_space<vmem_shared>>
        tpu.enqueue_indirect_dma source(%arg26 : memref<128x64xf32, #tpu.memory_space<vmem>>) target(%dma_start3A_94 : memref<10240x64xf32, #tpu.memory_space<vmem_shared>>) offsets(%arg18 : memref<128xi32, #tpu.memory_space<vmem>>) semaphore(%arg32 : memref<!tpu.dma_semaphore, #tpu.memory_space<semaphore_mem>>) {add = true}
        %dma_wait3A_95 = arith.constant 0 : i32
        %dma_wait3A_96 = arith.constant 0 : i32
        %dma_wait3A_97 = tpu.memref_slice %arg33[%dma_wait3A_95, %dma_wait3A_96] : memref<10240x64xf32, #tpu.memory_space<vmem_shared>> -> memref<10240x64xf32, #tpu.memory_space<vmem_shared>>
        tpu.wait_indirect_dma semaphore(%arg31 : memref<!tpu.dma_semaphore, #tpu.memory_space<semaphore_mem>>) src(%arg25 : memref<128x64xf32, #tpu.memory_space<vmem>>) dst(%dma_wait3A_97 : memref<10240x64xf32, #tpu.memory_space<vmem_shared>>)
        %dma_wait3A_98 = arith.constant 0 : i32
        %dma_wait3A_99 = arith.constant 0 : i32
        %dma_wait3A_100 = tpu.memref_slice %arg33[%dma_wait3A_98, %dma_wait3A_99] : memref<10240x64xf32, #tpu.memory_space<vmem_shared>> -> memref<10240x64xf32, #tpu.memory_space<vmem_shared>>
        tpu.wait_indirect_dma semaphore(%arg32 : memref<!tpu.dma_semaphore, #tpu.memory_space<semaphore_mem>>) src(%arg26 : memref<128x64xf32, #tpu.memory_space<vmem>>) dst(%dma_wait3A_100 : memref<10240x64xf32, #tpu.memory_space<vmem_shared>>)
        %scan3A_101 = arith.constant 0 : i32
        scf.yield %scan3A_101 : i32
      }
      %scan3A_41 = arith.constant 27 : i32
      %scan3A_42 = arith.constant 0 : i32
      scf.yield %scan3A_42 : i32
    }
    %scan3A_25 = arith.constant 3 : i32
    %barrier3A_26 = arith.constant 0 : index
    tpu.barrier barrier_id(%barrier3A_26)
    %mul3A_27 = arith.constant 10240 : i32
    %mul3A_28 = arith.muli %arg0, %mul3A_27 : i32
    %add3A_29 = arith.addi %mul3A_28, %mul3A_1 : i32
    "tpu.region"() ({
      %run_scoped3A = tpu.sem_alloc : memref<!tpu.dma_semaphore, #tpu.memory_space<semaphore_mem>>
      %dma_start3A = arith.constant 0 : i32
      %dma_start3A_30 = tpu.memref_slice %arg9[%add3A_29, %dma_start3A] : memref<20480x64xf32, #tpu.memory_space<hbm>> -> memref<640x64xf32, #tpu.memory_space<hbm>>
      %dma_start3A_31 = arith.constant 0 : i32
      %dma_start3A_32 = tpu.memref_slice %arg33[%mul3A_1, %dma_start3A_31] : memref<10240x64xf32, #tpu.memory_space<vmem_shared>> -> memref<640x64xf32, #tpu.memory_space<vmem_shared>>
      tpu.enqueue_dma source(%dma_start3A_32 : memref<640x64xf32, #tpu.memory_space<vmem_shared>>) target(%dma_start3A_30 : memref<640x64xf32, #tpu.memory_space<hbm>>) target_semaphore(%run_scoped3A : memref<!tpu.dma_semaphore, #tpu.memory_space<semaphore_mem>>)
      %dma_wait3A = arith.constant 0 : i32
      %dma_wait3A_33 = tpu.memref_slice %arg9[%add3A_29, %dma_wait3A] : memref<20480x64xf32, #tpu.memory_space<hbm>> -> memref<640x64xf32, #tpu.memory_space<hbm>>
      %dma_wait3A_34 = arith.constant 0 : i32
      %dma_wait3A_35 = tpu.memref_slice %arg33[%mul3A_1, %dma_wait3A_34] : memref<10240x64xf32, #tpu.memory_space<vmem_shared>> -> memref<640x64xf32, #tpu.memory_space<vmem_shared>>
      tpu.wait_dma2 semaphore(%run_scoped3A : memref<!tpu.dma_semaphore, #tpu.memory_space<semaphore_mem>>) src(%dma_wait3A_35 : memref<640x64xf32, #tpu.memory_space<vmem_shared>>) dst(%dma_wait3A_33 : memref<640x64xf32, #tpu.memory_space<hbm>>)
      tpu.yield
    }) : () -> ()
    return
  }
}

#map = affine_map<(d0, d1) -> (0)>
#map1 = affine_map<(d0, d1) -> (0, 0)>
module attributes {stable_mosaic.version = 14 : i64} {
  func.func @_k2_body(%arg0: i32, %arg1: i32, %arg2: memref<331776xi32, #tpu.memory_space<hbm>>, %arg3: memref<331776xi32, #tpu.memory_space<hbm>>, %arg4: memref<40960xf32, #tpu.memory_space<hbm>>, %arg5: memref<40960xf32, #tpu.memory_space<hbm>>, %arg6: memref<40960x64xf32, #tpu.memory_space<hbm>>, %arg7: memref<10240x64xf32, #tpu.memory_space<hbm>>, %arg8: memref<20480xf32, #tpu.memory_space<hbm>>, %arg9: memref<20480x64xf32, #tpu.memory_space<hbm>>, %arg10: memref<10240xf32, #tpu.memory_space<vmem>>, %arg11: memref<10240xf32, #tpu.memory_space<vmem>>, %arg12: memref<10240xf32, #tpu.memory_space<vmem>>, %arg13: memref<6912xi32, #tpu.memory_space<vmem>>, %arg14: memref<6912xi32, #tpu.memory_space<vmem>>, %arg15: memref<128xi32, #tpu.memory_space<vmem>>, %arg16: memref<128xi32, #tpu.memory_space<vmem>>, %arg17: memref<128xi32, #tpu.memory_space<vmem>>, %arg18: memref<128xi32, #tpu.memory_space<vmem>>, %arg19: memref<128xf32, #tpu.memory_space<vmem>>, %arg20: memref<128xf32, #tpu.memory_space<vmem>>, %arg21: memref<128xi32, #tpu.memory_space<vmem>>, %arg22: memref<128xi32, #tpu.memory_space<vmem>>, %arg23: memref<128xf32, #tpu.memory_space<vmem>>, %arg24: memref<128xf32, #tpu.memory_space<vmem>>, %arg25: memref<128x64xf32, #tpu.memory_space<vmem>>, %arg26: memref<128x64xf32, #tpu.memory_space<vmem>>, %arg27: memref<!tpu.dma_semaphore, #tpu.memory_space<semaphore_mem>>, %arg28: memref<!tpu.dma_semaphore, #tpu.memory_space<semaphore_mem>>, %arg29: memref<!tpu.dma_semaphore, #tpu.memory_space<semaphore_mem>>, %arg30: memref<!tpu.dma_semaphore, #tpu.memory_space<semaphore_mem>>, %arg31: memref<!tpu.dma_semaphore, #tpu.memory_space<semaphore_mem>>, %arg32: memref<!tpu.dma_semaphore, #tpu.memory_space<semaphore_mem>>, %arg33: memref<10240x64xf32, #tpu.memory_space<vmem_shared>>, %arg34: memref<10240xf32, #tpu.memory_space<vmem_shared>>) attributes {dimension_semantics = [#tpu.dimension_semantics<core_parallel>, #tpu.dimension_semantics<subcore_parallel>], iteration_bounds = array<i64: 2, 16>, scalar_prefetch = 0 : i64, scratch_operands = 25 : i64, tpu.core_type = #tpu.core_type<sc_vector_subcore>, window_params = [{transform_indices = #map}, {transform_indices = #map}, {transform_indices = #map}, {transform_indices = #map}, {transform_indices = #map1}, {transform_indices = #map1}, {transform_indices = #map}, {transform_indices = #map1}]} {
    %add3A = arith.constant 2 : i32
    %add3A_0 = arith.addi %add3A, %arg0 : i32
    %mul3A = arith.constant 640 : i32
    %mul3A_1 = arith.muli %arg1, %mul3A : i32
    %mul3A_2 = arith.constant 10240 : i32
    %mul3A_3 = arith.muli %add3A_0, %mul3A_2 : i32
    "tpu.region"() ({
      %run_scoped3A = tpu.sem_alloc : memref<!tpu.dma_semaphore, #tpu.memory_space<semaphore_mem>>
      %dma_start3A = tpu.memref_slice %arg4[%mul3A_3] : memref<40960xf32, #tpu.memory_space<hbm>> -> memref<10240xf32, #tpu.memory_space<hbm>>
      %dma_start3A_30 = tpu.memref_slice %arg4[%mul3A_3] : memref<40960xf32, #tpu.memory_space<hbm>> -> memref<10240xf32, #tpu.memory_space<hbm>>
      tpu.enqueue_dma source(%dma_start3A_30 : memref<10240xf32, #tpu.memory_space<hbm>>) target(%arg10 : memref<10240xf32, #tpu.memory_space<vmem>>) target_semaphore(%run_scoped3A : memref<!tpu.dma_semaphore, #tpu.memory_space<semaphore_mem>>)
      %dma_wait3A = tpu.memref_slice %arg4[%mul3A_3] : memref<40960xf32, #tpu.memory_space<hbm>> -> memref<10240xf32, #tpu.memory_space<hbm>>
      %dma_wait3A_31 = tpu.memref_slice %arg4[%mul3A_3] : memref<40960xf32, #tpu.memory_space<hbm>> -> memref<10240xf32, #tpu.memory_space<hbm>>
      tpu.wait_dma2 semaphore(%run_scoped3A : memref<!tpu.dma_semaphore, #tpu.memory_space<semaphore_mem>>) src(%dma_wait3A_31 : memref<10240xf32, #tpu.memory_space<hbm>>) dst(%arg10 : memref<10240xf32, #tpu.memory_space<vmem>>)
      tpu.yield
    }) : () -> ()
    %mul3A_4 = arith.constant 10240 : i32
    %mul3A_5 = arith.muli %add3A_0, %mul3A_4 : i32
    "tpu.region"() ({
      %run_scoped3A = tpu.sem_alloc : memref<!tpu.dma_semaphore, #tpu.memory_space<semaphore_mem>>
      %dma_start3A = tpu.memref_slice %arg5[%mul3A_5] : memref<40960xf32, #tpu.memory_space<hbm>> -> memref<10240xf32, #tpu.memory_space<hbm>>
      %dma_start3A_30 = tpu.memref_slice %arg5[%mul3A_5] : memref<40960xf32, #tpu.memory_space<hbm>> -> memref<10240xf32, #tpu.memory_space<hbm>>
      tpu.enqueue_dma source(%dma_start3A_30 : memref<10240xf32, #tpu.memory_space<hbm>>) target(%arg11 : memref<10240xf32, #tpu.memory_space<vmem>>) target_semaphore(%run_scoped3A : memref<!tpu.dma_semaphore, #tpu.memory_space<semaphore_mem>>)
      %dma_wait3A = tpu.memref_slice %arg5[%mul3A_5] : memref<40960xf32, #tpu.memory_space<hbm>> -> memref<10240xf32, #tpu.memory_space<hbm>>
      %dma_wait3A_31 = tpu.memref_slice %arg5[%mul3A_5] : memref<40960xf32, #tpu.memory_space<hbm>> -> memref<10240xf32, #tpu.memory_space<hbm>>
      tpu.wait_dma2 semaphore(%run_scoped3A : memref<!tpu.dma_semaphore, #tpu.memory_space<semaphore_mem>>) src(%dma_wait3A_31 : memref<10240xf32, #tpu.memory_space<hbm>>) dst(%arg11 : memref<10240xf32, #tpu.memory_space<vmem>>)
      tpu.yield
    }) : () -> ()
    %mul3A_6 = arith.constant 20736 : i32
    %mul3A_7 = arith.muli %arg1, %mul3A_6 : i32
    "tpu.region"() ({
      %run_scoped3A = tpu.sem_alloc : memref<!tpu.dma_semaphore, #tpu.memory_space<semaphore_mem>>
      %dma_start3A = arith.constant 0 : i32
      %dma_start3A_30 = tpu.memref_slice %arg33[%mul3A_1, %dma_start3A] : memref<10240x64xf32, #tpu.memory_space<vmem_shared>> -> memref<640x64xf32, #tpu.memory_space<vmem_shared>>
      %dma_start3A_31 = arith.constant 0 : i32
      %dma_start3A_32 = tpu.memref_slice %arg7[%mul3A_1, %dma_start3A_31] : memref<10240x64xf32, #tpu.memory_space<hbm>> -> memref<640x64xf32, #tpu.memory_space<hbm>>
      tpu.enqueue_dma source(%dma_start3A_32 : memref<640x64xf32, #tpu.memory_space<hbm>>) target(%dma_start3A_30 : memref<640x64xf32, #tpu.memory_space<vmem_shared>>) target_semaphore(%run_scoped3A : memref<!tpu.dma_semaphore, #tpu.memory_space<semaphore_mem>>)
      %dma_wait3A = arith.constant 0 : i32
      %dma_wait3A_33 = tpu.memref_slice %arg33[%mul3A_1, %dma_wait3A] : memref<10240x64xf32, #tpu.memory_space<vmem_shared>> -> memref<640x64xf32, #tpu.memory_space<vmem_shared>>
      %dma_wait3A_34 = arith.constant 0 : i32
      %dma_wait3A_35 = tpu.memref_slice %arg7[%mul3A_1, %dma_wait3A_34] : memref<10240x64xf32, #tpu.memory_space<hbm>> -> memref<640x64xf32, #tpu.memory_space<hbm>>
      tpu.wait_dma2 semaphore(%run_scoped3A : memref<!tpu.dma_semaphore, #tpu.memory_space<semaphore_mem>>) src(%dma_wait3A_35 : memref<640x64xf32, #tpu.memory_space<hbm>>) dst(%dma_wait3A_33 : memref<640x64xf32, #tpu.memory_space<vmem_shared>>)
      tpu.yield
    }) : () -> ()
    %mul3A_8 = arith.constant 640 : i32
    %mul3A_9 = arith.muli %arg1, %mul3A_8 : i32
    %mul3A_10 = arith.constant 640 : i32
    %mul3A_11 = arith.muli %arg1, %mul3A_10 : i32
    "tpu.region"() ({
      %run_scoped3A = tpu.sem_alloc : memref<!tpu.dma_semaphore, #tpu.memory_space<semaphore_mem>>
      %dma_start3A = tpu.memref_slice %arg34[%mul3A_11] : memref<10240xf32, #tpu.memory_space<vmem_shared>> -> memref<640xf32, #tpu.memory_space<vmem_shared>>
      %dma_start3A_30 = tpu.memref_slice %arg8[%mul3A_9] : memref<20480xf32, #tpu.memory_space<hbm>> -> memref<640xf32, #tpu.memory_space<hbm>>
      tpu.enqueue_dma source(%dma_start3A_30 : memref<640xf32, #tpu.memory_space<hbm>>) target(%dma_start3A : memref<640xf32, #tpu.memory_space<vmem_shared>>) target_semaphore(%run_scoped3A : memref<!tpu.dma_semaphore, #tpu.memory_space<semaphore_mem>>)
      %dma_wait3A = tpu.memref_slice %arg34[%mul3A_11] : memref<10240xf32, #tpu.memory_space<vmem_shared>> -> memref<640xf32, #tpu.memory_space<vmem_shared>>
      %dma_wait3A_31 = tpu.memref_slice %arg8[%mul3A_9] : memref<20480xf32, #tpu.memory_space<hbm>> -> memref<640xf32, #tpu.memory_space<hbm>>
      tpu.wait_dma2 semaphore(%run_scoped3A : memref<!tpu.dma_semaphore, #tpu.memory_space<semaphore_mem>>) src(%dma_wait3A_31 : memref<640xf32, #tpu.memory_space<hbm>>) dst(%dma_wait3A : memref<640xf32, #tpu.memory_space<vmem_shared>>)
      tpu.yield
    }) : () -> ()
    %barrier3A = arith.constant 0 : index
    tpu.barrier barrier_id(%barrier3A)
    %scan3A = arith.constant 0 : i32
    %scan3A_12 = arith.constant 0 : i32
    %scan3A_13 = arith.constant 3 : i32
    %scan3A_14 = arith.addi %scan3A_12, %scan3A_13 : i32
    %scan3A_15 = arith.constant 1 : i32
    %scan3A_16 = scf.for %scan3A_30 = %scan3A_12 to %scan3A_14 step %scan3A_15 iter_args(%scan3A_31 = %scan3A) -> (i32)  : i32 {
      %mul3A_32 = arith.constant 6912 : i32
      %mul3A_33 = arith.muli %scan3A_30, %mul3A_32 : i32
      %add3A_34 = arith.addi %mul3A_7, %mul3A_33 : i32
      "tpu.region"() ({
        %run_scoped3A = tpu.sem_alloc : memref<!tpu.dma_semaphore, #tpu.memory_space<semaphore_mem>>
        %dma_start3A = tpu.memref_slice %arg2[%add3A_34] : memref<331776xi32, #tpu.memory_space<hbm>> -> memref<6912xi32, #tpu.memory_space<hbm>>
        %dma_start3A_43 = tpu.memref_slice %arg2[%add3A_34] : memref<331776xi32, #tpu.memory_space<hbm>> -> memref<6912xi32, #tpu.memory_space<hbm>>
        tpu.enqueue_dma source(%dma_start3A_43 : memref<6912xi32, #tpu.memory_space<hbm>>) target(%arg13 : memref<6912xi32, #tpu.memory_space<vmem>>) target_semaphore(%run_scoped3A : memref<!tpu.dma_semaphore, #tpu.memory_space<semaphore_mem>>)
        %dma_wait3A = tpu.memref_slice %arg2[%add3A_34] : memref<331776xi32, #tpu.memory_space<hbm>> -> memref<6912xi32, #tpu.memory_space<hbm>>
        %dma_wait3A_44 = tpu.memref_slice %arg2[%add3A_34] : memref<331776xi32, #tpu.memory_space<hbm>> -> memref<6912xi32, #tpu.memory_space<hbm>>
        tpu.wait_dma2 semaphore(%run_scoped3A : memref<!tpu.dma_semaphore, #tpu.memory_space<semaphore_mem>>) src(%dma_wait3A_44 : memref<6912xi32, #tpu.memory_space<hbm>>) dst(%arg13 : memref<6912xi32, #tpu.memory_space<vmem>>)
        tpu.yield
      }) : () -> ()
      "tpu.region"() ({
        %run_scoped3A = tpu.sem_alloc : memref<!tpu.dma_semaphore, #tpu.memory_space<semaphore_mem>>
        %dma_start3A = tpu.memref_slice %arg3[%add3A_34] : memref<331776xi32, #tpu.memory_space<hbm>> -> memref<6912xi32, #tpu.memory_space<hbm>>
        %dma_start3A_43 = tpu.memref_slice %arg3[%add3A_34] : memref<331776xi32, #tpu.memory_space<hbm>> -> memref<6912xi32, #tpu.memory_space<hbm>>
        tpu.enqueue_dma source(%dma_start3A_43 : memref<6912xi32, #tpu.memory_space<hbm>>) target(%arg14 : memref<6912xi32, #tpu.memory_space<vmem>>) target_semaphore(%run_scoped3A : memref<!tpu.dma_semaphore, #tpu.memory_space<semaphore_mem>>)
        %dma_wait3A = tpu.memref_slice %arg3[%add3A_34] : memref<331776xi32, #tpu.memory_space<hbm>> -> memref<6912xi32, #tpu.memory_space<hbm>>
        %dma_wait3A_44 = tpu.memref_slice %arg3[%add3A_34] : memref<331776xi32, #tpu.memory_space<hbm>> -> memref<6912xi32, #tpu.memory_space<hbm>>
        tpu.wait_dma2 semaphore(%run_scoped3A : memref<!tpu.dma_semaphore, #tpu.memory_space<semaphore_mem>>) src(%dma_wait3A_44 : memref<6912xi32, #tpu.memory_space<hbm>>) dst(%arg14 : memref<6912xi32, #tpu.memory_space<vmem>>)
        tpu.yield
      }) : () -> ()
      %scan3A_35 = arith.constant 0 : i32
      %scan3A_36 = arith.constant 0 : i32
      %scan3A_37 = arith.constant 27 : i32
      %scan3A_38 = arith.addi %scan3A_36, %scan3A_37 : i32
      %scan3A_39 = arith.constant 1 : i32
      %scan3A_40 = scf.for %scan3A_43 = %scan3A_36 to %scan3A_38 step %scan3A_39 iter_args(%scan3A_44 = %scan3A_35) -> (i32)  : i32 {
        %mul3A_45 = arith.constant 2 : i32
        %mul3A_46 = arith.muli %mul3A_45, %scan3A_43 : i32
        %scan3A_47 = arith.constant 0 : i32
        %scan3A_48 = arith.constant 0 : i32
        %scan3A_49 = arith.constant 8 : i32
        %scan3A_50 = arith.addi %scan3A_48, %scan3A_49 : i32
        %scan3A_51 = arith.constant 1 : i32
        %scan3A_52 = scf.for %scan3A_72 = %scan3A_48 to %scan3A_50 step %scan3A_51 iter_args(%scan3A_73 = %scan3A_47) -> (i32)  : i32 {
          %mul3A_74 = arith.constant 128 : i32
          %mul3A_75 = arith.muli %mul3A_46, %mul3A_74 : i32
          %mul3A_76 = arith.constant 16 : i32
          %mul3A_77 = arith.muli %scan3A_72, %mul3A_76 : i32
          %add3A_78 = arith.addi %mul3A_75, %mul3A_77 : i32
          %get3A = arith.index_cast %add3A_78 : i32 to index
          %get3A_79 = tpu.vector_load %arg13[%get3A] {strides = array<i32>} : memref<6912xi32, #tpu.memory_space<vmem>>, vector<16xi32>,
          %get3A_80 = arith.index_cast %add3A_78 : i32 to index
          %get3A_81 = tpu.vector_load %arg14[%get3A_80] {strides = array<i32>} : memref<6912xi32, #tpu.memory_space<vmem>>, vector<16xi32>,
          %gather3A = tpu.vector_load_idx %arg10[%get3A_79] : memref<10240xf32, #tpu.memory_space<vmem>>[vector<16xi32>], vector<16xf32>,
          %gather3A_82 = tpu.vector_load_idx %arg11[%get3A_81] : memref<10240xf32, #tpu.memory_space<vmem>>[vector<16xi32>], vector<16xf32>,
          %add3A_83 = arith.addf %gather3A, %gather3A_82 : vector<16xf32>
          %mul3A_84 = arith.constant 2.000000e-01 : f32
          %mul3A_85 = vector.broadcast %mul3A_84 : f32 to vector<16xf32>
          %mul3A_86 = arith.mulf %mul3A_85, %add3A_83 : vector<16xf32>
          %max3A = arith.maximumf %add3A_83, %mul3A_86 : vector<16xf32>
          %exp3A = math.exp %max3A : vector<16xf32>
          %mul3A_87 = arith.constant 16 : i32
          %mul3A_88 = arith.muli %scan3A_72, %mul3A_87 : i32
          %swap3A = arith.index_cast %mul3A_88 : i32 to index
          %swap3A_89 = tpu.vector_load %arg19[%swap3A] {strides = array<i32>} : memref<128xf32, #tpu.memory_space<vmem>>, vector<16xf32>,
          tpu.vector_store %arg19[%swap3A], %exp3A {strides = array<i32>} : memref<128xf32, #tpu.memory_space<vmem>>, vector<16xf32>,
          %mul3A_90 = arith.constant 16 : i32
          %mul3A_91 = arith.muli %scan3A_72, %mul3A_90 : i32
          %swap3A_92 = arith.index_cast %mul3A_91 : i32 to index
          %swap3A_93 = tpu.vector_load %arg21[%swap3A_92] {strides = array<i32>} : memref<128xi32, #tpu.memory_space<vmem>>, vector<16xi32>,
          tpu.vector_store %arg21[%swap3A_92], %get3A_81 {strides = array<i32>} : memref<128xi32, #tpu.memory_space<vmem>>, vector<16xi32>,
          %scan3A_94 = arith.constant 0 : i32
          scf.yield %scan3A_94 : i32
        }
        %scan3A_53 = arith.constant 8 : i32
        %dma_start3A = arith.constant 0 : i32
        %dma_start3A_54 = tpu.memref_slice %arg34[%dma_start3A] : memref<10240xf32, #tpu.memory_space<vmem_shared>> -> memref<10240xf32, #tpu.memory_space<vmem_shared>>
        tpu.enqueue_indirect_dma source(%arg19 : memref<128xf32, #tpu.memory_space<vmem>>) target(%dma_start3A_54 : memref<10240xf32, #tpu.memory_space<vmem_shared>>) offsets(%arg21 : memref<128xi32, #tpu.memory_space<vmem>>) semaphore(%arg27 : memref<!tpu.dma_semaphore, #tpu.memory_space<semaphore_mem>>) {add = true}
        %mul3A_55 = arith.constant 2 : i32
        %mul3A_56 = arith.muli %mul3A_55, %scan3A_43 : i32
        %add3A_57 = arith.constant 1 : i32
        %add3A_58 = arith.addi %mul3A_56, %add3A_57 : i32
        %scan3A_59 = arith.constant 0 : i32
        %scan3A_60 = arith.constant 0 : i32
        %scan3A_61 = arith.constant 8 : i32
        %scan3A_62 = arith.addi %scan3A_60, %scan3A_61 : i32
        %scan3A_63 = arith.constant 1 : i32
        %scan3A_64 = scf.for %scan3A_72 = %scan3A_60 to %scan3A_62 step %scan3A_63 iter_args(%scan3A_73 = %scan3A_59) -> (i32)  : i32 {
          %mul3A_74 = arith.constant 128 : i32
          %mul3A_75 = arith.muli %add3A_58, %mul3A_74 : i32
          %mul3A_76 = arith.constant 16 : i32
          %mul3A_77 = arith.muli %scan3A_72, %mul3A_76 : i32
          %add3A_78 = arith.addi %mul3A_75, %mul3A_77 : i32
          %get3A = arith.index_cast %add3A_78 : i32 to index
          %get3A_79 = tpu.vector_load %arg13[%get3A] {strides = array<i32>} : memref<6912xi32, #tpu.memory_space<vmem>>, vector<16xi32>,
          %get3A_80 = arith.index_cast %add3A_78 : i32 to index
          %get3A_81 = tpu.vector_load %arg14[%get3A_80] {strides = array<i32>} : memref<6912xi32, #tpu.memory_space<vmem>>, vector<16xi32>,
          %gather3A = tpu.vector_load_idx %arg10[%get3A_79] : memref<10240xf32, #tpu.memory_space<vmem>>[vector<16xi32>], vector<16xf32>,
          %gather3A_82 = tpu.vector_load_idx %arg11[%get3A_81] : memref<10240xf32, #tpu.memory_space<vmem>>[vector<16xi32>], vector<16xf32>,
          %add3A_83 = arith.addf %gather3A, %gather3A_82 : vector<16xf32>
          %mul3A_84 = arith.constant 2.000000e-01 : f32
          %mul3A_85 = vector.broadcast %mul3A_84 : f32 to vector<16xf32>
          %mul3A_86 = arith.mulf %mul3A_85, %add3A_83 : vector<16xf32>
          %max3A = arith.maximumf %add3A_83, %mul3A_86 : vector<16xf32>
          %exp3A = math.exp %max3A : vector<16xf32>
          %mul3A_87 = arith.constant 16 : i32
          %mul3A_88 = arith.muli %scan3A_72, %mul3A_87 : i32
          %swap3A = arith.index_cast %mul3A_88 : i32 to index
          %swap3A_89 = tpu.vector_load %arg20[%swap3A] {strides = array<i32>} : memref<128xf32, #tpu.memory_space<vmem>>, vector<16xf32>,
          tpu.vector_store %arg20[%swap3A], %exp3A {strides = array<i32>} : memref<128xf32, #tpu.memory_space<vmem>>, vector<16xf32>,
          %mul3A_90 = arith.constant 16 : i32
          %mul3A_91 = arith.muli %scan3A_72, %mul3A_90 : i32
          %swap3A_92 = arith.index_cast %mul3A_91 : i32 to index
          %swap3A_93 = tpu.vector_load %arg22[%swap3A_92] {strides = array<i32>} : memref<128xi32, #tpu.memory_space<vmem>>, vector<16xi32>,
          tpu.vector_store %arg22[%swap3A_92], %get3A_81 {strides = array<i32>} : memref<128xi32, #tpu.memory_space<vmem>>, vector<16xi32>,
          %scan3A_94 = arith.constant 0 : i32
          scf.yield %scan3A_94 : i32
        }
        %scan3A_65 = arith.constant 8 : i32
        %dma_start3A_66 = arith.constant 0 : i32
        %dma_start3A_67 = tpu.memref_slice %arg34[%dma_start3A_66] : memref<10240xf32, #tpu.memory_space<vmem_shared>> -> memref<10240xf32, #tpu.memory_space<vmem_shared>>
        tpu.enqueue_indirect_dma source(%arg20 : memref<128xf32, #tpu.memory_space<vmem>>) target(%dma_start3A_67 : memref<10240xf32, #tpu.memory_space<vmem_shared>>) offsets(%arg22 : memref<128xi32, #tpu.memory_space<vmem>>) semaphore(%arg28 : memref<!tpu.dma_semaphore, #tpu.memory_space<semaphore_mem>>) {add = true}
        %dma_wait3A = arith.constant 0 : i32
        %dma_wait3A_68 = tpu.memref_slice %arg34[%dma_wait3A] : memref<10240xf32, #tpu.memory_space<vmem_shared>> -> memref<10240xf32, #tpu.memory_space<vmem_shared>>
        tpu.wait_indirect_dma semaphore(%arg27 : memref<!tpu.dma_semaphore, #tpu.memory_space<semaphore_mem>>) src(%arg19 : memref<128xf32, #tpu.memory_space<vmem>>) dst(%dma_wait3A_68 : memref<10240xf32, #tpu.memory_space<vmem_shared>>)
        %dma_wait3A_69 = arith.constant 0 : i32
        %dma_wait3A_70 = tpu.memref_slice %arg34[%dma_wait3A_69] : memref<10240xf32, #tpu.memory_space<vmem_shared>> -> memref<10240xf32, #tpu.memory_space<vmem_shared>>
        tpu.wait_indirect_dma semaphore(%arg28 : memref<!tpu.dma_semaphore, #tpu.memory_space<semaphore_mem>>) src(%arg20 : memref<128xf32, #tpu.memory_space<vmem>>) dst(%dma_wait3A_70 : memref<10240xf32, #tpu.memory_space<vmem_shared>>)
        %scan3A_71 = arith.constant 0 : i32
        scf.yield %scan3A_71 : i32
      }
      %scan3A_41 = arith.constant 27 : i32
      %scan3A_42 = arith.constant 0 : i32
      scf.yield %scan3A_42 : i32
    }
    %scan3A_17 = arith.constant 3 : i32
    %barrier3A_18 = arith.constant 0 : index
    tpu.barrier barrier_id(%barrier3A_18)
    "tpu.region"() ({
      %run_scoped3A = tpu.sem_alloc : memref<!tpu.dma_semaphore, #tpu.memory_space<semaphore_mem>>
      tpu.enqueue_dma source(%arg34 : memref<10240xf32, #tpu.memory_space<vmem_shared>>) target(%arg12 : memref<10240xf32, #tpu.memory_space<vmem>>) target_semaphore(%run_scoped3A : memref<!tpu.dma_semaphore, #tpu.memory_space<semaphore_mem>>)
      tpu.wait_dma2 semaphore(%run_scoped3A : memref<!tpu.dma_semaphore, #tpu.memory_space<semaphore_mem>>) src(%arg34 : memref<10240xf32, #tpu.memory_space<vmem_shared>>) dst(%arg12 : memref<10240xf32, #tpu.memory_space<vmem>>)
      tpu.yield
    }) : () -> ()
    %scan3A_19 = arith.constant 0 : i32
    %scan3A_20 = arith.constant 0 : i32
    %scan3A_21 = arith.constant 3 : i32
    %scan3A_22 = arith.addi %scan3A_20, %scan3A_21 : i32
    %scan3A_23 = arith.constant 1 : i32
    %scan3A_24 = scf.for %scan3A_30 = %scan3A_20 to %scan3A_22 step %scan3A_23 iter_args(%scan3A_31 = %scan3A_19) -> (i32)  : i32 {
      %mul3A_32 = arith.constant 6912 : i32
      %mul3A_33 = arith.muli %scan3A_30, %mul3A_32 : i32
      %add3A_34 = arith.addi %mul3A_7, %mul3A_33 : i32
      "tpu.region"() ({
        %run_scoped3A = tpu.sem_alloc : memref<!tpu.dma_semaphore, #tpu.memory_space<semaphore_mem>>
        %dma_start3A = tpu.memref_slice %arg2[%add3A_34] : memref<331776xi32, #tpu.memory_space<hbm>> -> memref<6912xi32, #tpu.memory_space<hbm>>
        %dma_start3A_43 = tpu.memref_slice %arg2[%add3A_34] : memref<331776xi32, #tpu.memory_space<hbm>> -> memref<6912xi32, #tpu.memory_space<hbm>>
        tpu.enqueue_dma source(%dma_start3A_43 : memref<6912xi32, #tpu.memory_space<hbm>>) target(%arg13 : memref<6912xi32, #tpu.memory_space<vmem>>) target_semaphore(%run_scoped3A : memref<!tpu.dma_semaphore, #tpu.memory_space<semaphore_mem>>)
        %dma_wait3A = tpu.memref_slice %arg2[%add3A_34] : memref<331776xi32, #tpu.memory_space<hbm>> -> memref<6912xi32, #tpu.memory_space<hbm>>
        %dma_wait3A_44 = tpu.memref_slice %arg2[%add3A_34] : memref<331776xi32, #tpu.memory_space<hbm>> -> memref<6912xi32, #tpu.memory_space<hbm>>
        tpu.wait_dma2 semaphore(%run_scoped3A : memref<!tpu.dma_semaphore, #tpu.memory_space<semaphore_mem>>) src(%dma_wait3A_44 : memref<6912xi32, #tpu.memory_space<hbm>>) dst(%arg13 : memref<6912xi32, #tpu.memory_space<vmem>>)
        tpu.yield
      }) : () -> ()
      "tpu.region"() ({
        %run_scoped3A = tpu.sem_alloc : memref<!tpu.dma_semaphore, #tpu.memory_space<semaphore_mem>>
        %dma_start3A = tpu.memref_slice %arg3[%add3A_34] : memref<331776xi32, #tpu.memory_space<hbm>> -> memref<6912xi32, #tpu.memory_space<hbm>>
        %dma_start3A_43 = tpu.memref_slice %arg3[%add3A_34] : memref<331776xi32, #tpu.memory_space<hbm>> -> memref<6912xi32, #tpu.memory_space<hbm>>
        tpu.enqueue_dma source(%dma_start3A_43 : memref<6912xi32, #tpu.memory_space<hbm>>) target(%arg14 : memref<6912xi32, #tpu.memory_space<vmem>>) target_semaphore(%run_scoped3A : memref<!tpu.dma_semaphore, #tpu.memory_space<semaphore_mem>>)
        %dma_wait3A = tpu.memref_slice %arg3[%add3A_34] : memref<331776xi32, #tpu.memory_space<hbm>> -> memref<6912xi32, #tpu.memory_space<hbm>>
        %dma_wait3A_44 = tpu.memref_slice %arg3[%add3A_34] : memref<331776xi32, #tpu.memory_space<hbm>> -> memref<6912xi32, #tpu.memory_space<hbm>>
        tpu.wait_dma2 semaphore(%run_scoped3A : memref<!tpu.dma_semaphore, #tpu.memory_space<semaphore_mem>>) src(%dma_wait3A_44 : memref<6912xi32, #tpu.memory_space<hbm>>) dst(%arg14 : memref<6912xi32, #tpu.memory_space<vmem>>)
        tpu.yield
      }) : () -> ()
      %scan3A_35 = arith.constant 0 : i32
      %scan3A_36 = arith.constant 0 : i32
      %scan3A_37 = arith.constant 27 : i32
      %scan3A_38 = arith.addi %scan3A_36, %scan3A_37 : i32
      %scan3A_39 = arith.constant 1 : i32
      %scan3A_40 = scf.for %scan3A_43 = %scan3A_36 to %scan3A_38 step %scan3A_39 iter_args(%scan3A_44 = %scan3A_35) -> (i32)  : i32 {
        %mul3A_45 = arith.constant 2 : i32
        %mul3A_46 = arith.muli %mul3A_45, %scan3A_43 : i32
        %mul3A_47 = arith.constant 2 : i32
        %mul3A_48 = arith.muli %mul3A_47, %scan3A_43 : i32
        %add3A_49 = arith.constant 1 : i32
        %add3A_50 = arith.addi %mul3A_48, %add3A_49 : i32
        %scan3A_51 = arith.constant 0 : i32
        %scan3A_52 = arith.constant 0 : i32
        %scan3A_53 = arith.constant 8 : i32
        %scan3A_54 = arith.addi %scan3A_52, %scan3A_53 : i32
        %scan3A_55 = arith.constant 1 : i32
        %scan3A_56 = scf.for %scan3A_102 = %scan3A_52 to %scan3A_54 step %scan3A_55 iter_args(%scan3A_103 = %scan3A_51) -> (i32)  : i32 {
          %mul3A_104 = arith.constant 128 : i32
          %mul3A_105 = arith.muli %mul3A_46, %mul3A_104 : i32
          %mul3A_106 = arith.constant 16 : i32
          %mul3A_107 = arith.muli %scan3A_102, %mul3A_106 : i32
          %add3A_108 = arith.addi %mul3A_105, %mul3A_107 : i32
          %get3A = arith.index_cast %add3A_108 : i32 to index
          %get3A_109 = tpu.vector_load %arg13[%get3A] {strides = array<i32>} : memref<6912xi32, #tpu.memory_space<vmem>>, vector<16xi32>,
          %get3A_110 = arith.index_cast %add3A_108 : i32 to index
          %get3A_111 = tpu.vector_load %arg14[%get3A_110] {strides = array<i32>} : memref<6912xi32, #tpu.memory_space<vmem>>, vector<16xi32>,
          %mul3A_112 = arith.constant 10240 : i32
          %mul3A_113 = arith.muli %add3A_0, %mul3A_112 : i32
          %add3A_114 = vector.broadcast %mul3A_113 : i32 to vector<16xi32>
          %add3A_115 = arith.addi %get3A_109, %add3A_114 : vector<16xi32>
          %mul3A_116 = arith.constant 16 : i32
          %mul3A_117 = arith.muli %scan3A_102, %mul3A_116 : i32
          %swap3A = arith.index_cast %mul3A_117 : i32 to index
          %swap3A_118 = tpu.vector_load %arg15[%swap3A] {strides = array<i32>} : memref<128xi32, #tpu.memory_space<vmem>>, vector<16xi32>,
          tpu.vector_store %arg15[%swap3A], %add3A_115 {strides = array<i32>} : memref<128xi32, #tpu.memory_space<vmem>>, vector<16xi32>,
          %mul3A_119 = arith.constant 16 : i32
          %mul3A_120 = arith.muli %scan3A_102, %mul3A_119 : i32
          %swap3A_121 = arith.index_cast %mul3A_120 : i32 to index
          %swap3A_122 = tpu.vector_load %arg17[%swap3A_121] {strides = array<i32>} : memref<128xi32, #tpu.memory_space<vmem>>, vector<16xi32>,
          tpu.vector_store %arg17[%swap3A_121], %get3A_111 {strides = array<i32>} : memref<128xi32, #tpu.memory_space<vmem>>, vector<16xi32>,
          %gather3A = tpu.vector_load_idx %arg10[%get3A_109] : memref<10240xf32, #tpu.memory_space<vmem>>[vector<16xi32>], vector<16xf32>,
          %gather3A_123 = tpu.vector_load_idx %arg11[%get3A_111] : memref<10240xf32, #tpu.memory_space<vmem>>[vector<16xi32>], vector<16xf32>,
          %add3A_124 = arith.addf %gather3A, %gather3A_123 : vector<16xf32>
          %mul3A_125 = arith.constant 2.000000e-01 : f32
          %mul3A_126 = vector.broadcast %mul3A_125 : f32 to vector<16xf32>
          %mul3A_127 = arith.mulf %mul3A_126, %add3A_124 : vector<16xf32>
          %max3A = arith.maximumf %add3A_124, %mul3A_127 : vector<16xf32>
          %exp3A = math.exp %max3A : vector<16xf32>
          %gather3A_128 = tpu.vector_load_idx %arg12[%get3A_111] : memref<10240xf32, #tpu.memory_space<vmem>>[vector<16xi32>], vector<16xf32>,
          %add3A_129 = arith.constant 1.000000e-16 : f32
          %add3A_130 = vector.broadcast %add3A_129 : f32 to vector<16xf32>
          %add3A_131 = arith.addf %gather3A_128, %add3A_130 : vector<16xf32>
          %div3A = arith.divf %exp3A, %add3A_131 : vector<16xf32>
          %mul3A_132 = arith.constant 16 : i32
          %mul3A_133 = arith.muli %scan3A_102, %mul3A_132 : i32
          %swap3A_134 = arith.index_cast %mul3A_133 : i32 to index
          %swap3A_135 = tpu.vector_load %arg23[%swap3A_134] {strides = array<i32>} : memref<128xf32, #tpu.memory_space<vmem>>, vector<16xf32>,
          tpu.vector_store %arg23[%swap3A_134], %div3A {strides = array<i32>} : memref<128xf32, #tpu.memory_space<vmem>>, vector<16xf32>,
          %scan3A_136 = arith.constant 0 : i32
          scf.yield %scan3A_136 : i32
        }
        %scan3A_57 = arith.constant 8 : i32
        %dma_start3A = arith.constant 0 : i32
        %dma_start3A_58 = arith.constant 0 : i32
        %dma_start3A_59 = tpu.memref_slice %arg6[%dma_start3A, %dma_start3A_58] : memref<40960x64xf32, #tpu.memory_space<hbm>> -> memref<40960x64xf32, #tpu.memory_space<hbm>>
        tpu.enqueue_indirect_dma source(%dma_start3A_59 : memref<40960x64xf32, #tpu.memory_space<hbm>>) target(%arg25 : memref<128x64xf32, #tpu.memory_space<vmem>>) offsets(%arg15 : memref<128xi32, #tpu.memory_space<vmem>>) semaphore(%arg29 : memref<!tpu.dma_semaphore, #tpu.memory_space<semaphore_mem>>)
        %scan3A_60 = arith.constant 0 : i32
        %scan3A_61 = arith.constant 0 : i32
        %scan3A_62 = arith.constant 8 : i32
        %scan3A_63 = arith.addi %scan3A_61, %scan3A_62 : i32
        %scan3A_64 = arith.constant 1 : i32
        %scan3A_65 = scf.for %scan3A_102 = %scan3A_61 to %scan3A_63 step %scan3A_64 iter_args(%scan3A_103 = %scan3A_60) -> (i32)  : i32 {
          %mul3A_104 = arith.constant 128 : i32
          %mul3A_105 = arith.muli %add3A_50, %mul3A_104 : i32
          %mul3A_106 = arith.constant 16 : i32
          %mul3A_107 = arith.muli %scan3A_102, %mul3A_106 : i32
          %add3A_108 = arith.addi %mul3A_105, %mul3A_107 : i32
          %get3A = arith.index_cast %add3A_108 : i32 to index
          %get3A_109 = tpu.vector_load %arg13[%get3A] {strides = array<i32>} : memref<6912xi32, #tpu.memory_space<vmem>>, vector<16xi32>,
          %get3A_110 = arith.index_cast %add3A_108 : i32 to index
          %get3A_111 = tpu.vector_load %arg14[%get3A_110] {strides = array<i32>} : memref<6912xi32, #tpu.memory_space<vmem>>, vector<16xi32>,
          %mul3A_112 = arith.constant 10240 : i32
          %mul3A_113 = arith.muli %add3A_0, %mul3A_112 : i32
          %add3A_114 = vector.broadcast %mul3A_113 : i32 to vector<16xi32>
          %add3A_115 = arith.addi %get3A_109, %add3A_114 : vector<16xi32>
          %mul3A_116 = arith.constant 16 : i32
          %mul3A_117 = arith.muli %scan3A_102, %mul3A_116 : i32
          %swap3A = arith.index_cast %mul3A_117 : i32 to index
          %swap3A_118 = tpu.vector_load %arg16[%swap3A] {strides = array<i32>} : memref<128xi32, #tpu.memory_space<vmem>>, vector<16xi32>,
          tpu.vector_store %arg16[%swap3A], %add3A_115 {strides = array<i32>} : memref<128xi32, #tpu.memory_space<vmem>>, vector<16xi32>,
          %mul3A_119 = arith.constant 16 : i32
          %mul3A_120 = arith.muli %scan3A_102, %mul3A_119 : i32
          %swap3A_121 = arith.index_cast %mul3A_120 : i32 to index
          %swap3A_122 = tpu.vector_load %arg18[%swap3A_121] {strides = array<i32>} : memref<128xi32, #tpu.memory_space<vmem>>, vector<16xi32>,
          tpu.vector_store %arg18[%swap3A_121], %get3A_111 {strides = array<i32>} : memref<128xi32, #tpu.memory_space<vmem>>, vector<16xi32>,
          %gather3A = tpu.vector_load_idx %arg10[%get3A_109] : memref<10240xf32, #tpu.memory_space<vmem>>[vector<16xi32>], vector<16xf32>,
          %gather3A_123 = tpu.vector_load_idx %arg11[%get3A_111] : memref<10240xf32, #tpu.memory_space<vmem>>[vector<16xi32>], vector<16xf32>,
          %add3A_124 = arith.addf %gather3A, %gather3A_123 : vector<16xf32>
          %mul3A_125 = arith.constant 2.000000e-01 : f32
          %mul3A_126 = vector.broadcast %mul3A_125 : f32 to vector<16xf32>
          %mul3A_127 = arith.mulf %mul3A_126, %add3A_124 : vector<16xf32>
          %max3A = arith.maximumf %add3A_124, %mul3A_127 : vector<16xf32>
          %exp3A = math.exp %max3A : vector<16xf32>
          %gather3A_128 = tpu.vector_load_idx %arg12[%get3A_111] : memref<10240xf32, #tpu.memory_space<vmem>>[vector<16xi32>], vector<16xf32>,
          %add3A_129 = arith.constant 1.000000e-16 : f32
          %add3A_130 = vector.broadcast %add3A_129 : f32 to vector<16xf32>
          %add3A_131 = arith.addf %gather3A_128, %add3A_130 : vector<16xf32>
          %div3A = arith.divf %exp3A, %add3A_131 : vector<16xf32>
          %mul3A_132 = arith.constant 16 : i32
          %mul3A_133 = arith.muli %scan3A_102, %mul3A_132 : i32
          %swap3A_134 = arith.index_cast %mul3A_133 : i32 to index
          %swap3A_135 = tpu.vector_load %arg24[%swap3A_134] {strides = array<i32>} : memref<128xf32, #tpu.memory_space<vmem>>, vector<16xf32>,
          tpu.vector_store %arg24[%swap3A_134], %div3A {strides = array<i32>} : memref<128xf32, #tpu.memory_space<vmem>>, vector<16xf32>,
          %scan3A_136 = arith.constant 0 : i32
          scf.yield %scan3A_136 : i32
        }
        %scan3A_66 = arith.constant 8 : i32
        %dma_start3A_67 = arith.constant 0 : i32
        %dma_start3A_68 = arith.constant 0 : i32
        %dma_start3A_69 = tpu.memref_slice %arg6[%dma_start3A_67, %dma_start3A_68] : memref<40960x64xf32, #tpu.memory_space<hbm>> -> memref<40960x64xf32, #tpu.memory_space<hbm>>
        tpu.enqueue_indirect_dma source(%dma_start3A_69 : memref<40960x64xf32, #tpu.memory_space<hbm>>) target(%arg26 : memref<128x64xf32, #tpu.memory_space<vmem>>) offsets(%arg16 : memref<128xi32, #tpu.memory_space<vmem>>) semaphore(%arg30 : memref<!tpu.dma_semaphore, #tpu.memory_space<semaphore_mem>>)
        %dma_wait3A = arith.constant 0 : i32
        %dma_wait3A_70 = arith.constant 0 : i32
        %dma_wait3A_71 = tpu.memref_slice %arg6[%dma_wait3A, %dma_wait3A_70] : memref<40960x64xf32, #tpu.memory_space<hbm>> -> memref<40960x64xf32, #tpu.memory_space<hbm>>
        tpu.wait_indirect_dma semaphore(%arg29 : memref<!tpu.dma_semaphore, #tpu.memory_space<semaphore_mem>>) src(%dma_wait3A_71 : memref<40960x64xf32, #tpu.memory_space<hbm>>) dst(%arg25 : memref<128x64xf32, #tpu.memory_space<vmem>>)
        %scan3A_72 = arith.constant 0 : i32
        %scan3A_73 = arith.constant 0 : i32
        %scan3A_74 = arith.constant 128 : i32
        %scan3A_75 = arith.addi %scan3A_73, %scan3A_74 : i32
        %scan3A_76 = arith.constant 1 : i32
        %scan3A_77 = scf.for %scan3A_102 = %scan3A_73 to %scan3A_75 step %scan3A_76 iter_args(%scan3A_103 = %scan3A_72) -> (i32)  : i32 {
          %broadcast_in_dim3A = arith.constant 0 : i32
          %broadcast_in_dim3A_104 = vector.broadcast %broadcast_in_dim3A : i32 to vector<16xi32>
          %add3A_105 = vector.broadcast %scan3A_102 : i32 to vector<16xi32>
          %add3A_106 = arith.addi %broadcast_in_dim3A_104, %add3A_105 : vector<16xi32>
          %gather3A = tpu.vector_load_idx %arg23[%add3A_106] : memref<128xf32, #tpu.memory_space<vmem>>[vector<16xi32>], vector<16xf32>,
          %get3A = arith.index_cast %scan3A_102 : i32 to index
          %get3A_107 = arith.constant 0 : index
          %get3A_108 = tpu.vector_load %arg25[%get3A, %get3A_107] {strides = array<i32>} : memref<128x64xf32, #tpu.memory_space<vmem>>, vector<16xf32>,
          %mul3A_109 = arith.mulf %get3A_108, %gather3A : vector<16xf32>
          %swap3A = arith.index_cast %scan3A_102 : i32 to index
          %swap3A_110 = arith.constant 0 : index
          %swap3A_111 = tpu.vector_load %arg25[%swap3A, %swap3A_110] {strides = array<i32>} : memref<128x64xf32, #tpu.memory_space<vmem>>, vector<16xf32>,
          tpu.vector_store %arg25[%swap3A, %swap3A_110], %mul3A_109 {strides = array<i32>} : memref<128x64xf32, #tpu.memory_space<vmem>>, vector<16xf32>,
          %get3A_112 = arith.index_cast %scan3A_102 : i32 to index
          %get3A_113 = arith.constant 16 : index
          %get3A_114 = tpu.vector_load %arg25[%get3A_112, %get3A_113] {strides = array<i32>} : memref<128x64xf32, #tpu.memory_space<vmem>>, vector<16xf32>,
          %mul3A_115 = arith.mulf %get3A_114, %gather3A : vector<16xf32>
          %swap3A_116 = arith.index_cast %scan3A_102 : i32 to index
          %swap3A_117 = arith.constant 16 : index
          %swap3A_118 = tpu.vector_load %arg25[%swap3A_116, %swap3A_117] {strides = array<i32>} : memref<128x64xf32, #tpu.memory_space<vmem>>, vector<16xf32>,
          tpu.vector_store %arg25[%swap3A_116, %swap3A_117], %mul3A_115 {strides = array<i32>} : memref<128x64xf32, #tpu.memory_space<vmem>>, vector<16xf32>,
          %get3A_119 = arith.index_cast %scan3A_102 : i32 to index
          %get3A_120 = arith.constant 32 : index
          %get3A_121 = tpu.vector_load %arg25[%get3A_119, %get3A_120] {strides = array<i32>} : memref<128x64xf32, #tpu.memory_space<vmem>>, vector<16xf32>,
          %mul3A_122 = arith.mulf %get3A_121, %gather3A : vector<16xf32>
          %swap3A_123 = arith.index_cast %scan3A_102 : i32 to index
          %swap3A_124 = arith.constant 32 : index
          %swap3A_125 = tpu.vector_load %arg25[%swap3A_123, %swap3A_124] {strides = array<i32>} : memref<128x64xf32, #tpu.memory_space<vmem>>, vector<16xf32>,
          tpu.vector_store %arg25[%swap3A_123, %swap3A_124], %mul3A_122 {strides = array<i32>} : memref<128x64xf32, #tpu.memory_space<vmem>>, vector<16xf32>,
          %get3A_126 = arith.index_cast %scan3A_102 : i32 to index
          %get3A_127 = arith.constant 48 : index
          %get3A_128 = tpu.vector_load %arg25[%get3A_126, %get3A_127] {strides = array<i32>} : memref<128x64xf32, #tpu.memory_space<vmem>>, vector<16xf32>,
          %mul3A_129 = arith.mulf %get3A_128, %gather3A : vector<16xf32>
          %swap3A_130 = arith.index_cast %scan3A_102 : i32 to index
          %swap3A_131 = arith.constant 48 : index
          %swap3A_132 = tpu.vector_load %arg25[%swap3A_130, %swap3A_131] {strides = array<i32>} : memref<128x64xf32, #tpu.memory_space<vmem>>, vector<16xf32>,
          tpu.vector_store %arg25[%swap3A_130, %swap3A_131], %mul3A_129 {strides = array<i32>} : memref<128x64xf32, #tpu.memory_space<vmem>>, vector<16xf32>,
          %scan3A_133 = arith.constant 0 : i32
          scf.yield %scan3A_133 : i32
        }
        %scan3A_78 = arith.constant 128 : i32
        %dma_start3A_79 = arith.constant 0 : i32
        %dma_start3A_80 = arith.constant 0 : i32
        %dma_start3A_81 = tpu.memref_slice %arg33[%dma_start3A_79, %dma_start3A_80] : memref<10240x64xf32, #tpu.memory_space<vmem_shared>> -> memref<10240x64xf32, #tpu.memory_space<vmem_shared>>
        tpu.enqueue_indirect_dma source(%arg25 : memref<128x64xf32, #tpu.memory_space<vmem>>) target(%dma_start3A_81 : memref<10240x64xf32, #tpu.memory_space<vmem_shared>>) offsets(%arg17 : memref<128xi32, #tpu.memory_space<vmem>>) semaphore(%arg31 : memref<!tpu.dma_semaphore, #tpu.memory_space<semaphore_mem>>) {add = true}
        %dma_wait3A_82 = arith.constant 0 : i32
        %dma_wait3A_83 = arith.constant 0 : i32
        %dma_wait3A_84 = tpu.memref_slice %arg6[%dma_wait3A_82, %dma_wait3A_83] : memref<40960x64xf32, #tpu.memory_space<hbm>> -> memref<40960x64xf32, #tpu.memory_space<hbm>>
        tpu.wait_indirect_dma semaphore(%arg30 : memref<!tpu.dma_semaphore, #tpu.memory_space<semaphore_mem>>) src(%dma_wait3A_84 : memref<40960x64xf32, #tpu.memory_space<hbm>>) dst(%arg26 : memref<128x64xf32, #tpu.memory_space<vmem>>)
        %scan3A_85 = arith.constant 0 : i32
        %scan3A_86 = arith.constant 0 : i32
        %scan3A_87 = arith.constant 128 : i32
        %scan3A_88 = arith.addi %scan3A_86, %scan3A_87 : i32
        %scan3A_89 = arith.constant 1 : i32
        %scan3A_90 = scf.for %scan3A_102 = %scan3A_86 to %scan3A_88 step %scan3A_89 iter_args(%scan3A_103 = %scan3A_85) -> (i32)  : i32 {
          %broadcast_in_dim3A = arith.constant 0 : i32
          %broadcast_in_dim3A_104 = vector.broadcast %broadcast_in_dim3A : i32 to vector<16xi32>
          %add3A_105 = vector.broadcast %scan3A_102 : i32 to vector<16xi32>
          %add3A_106 = arith.addi %broadcast_in_dim3A_104, %add3A_105 : vector<16xi32>
          %gather3A = tpu.vector_load_idx %arg24[%add3A_106] : memref<128xf32, #tpu.memory_space<vmem>>[vector<16xi32>], vector<16xf32>,
          %get3A = arith.index_cast %scan3A_102 : i32 to index
          %get3A_107 = arith.constant 0 : index
          %get3A_108 = tpu.vector_load %arg26[%get3A, %get3A_107] {strides = array<i32>} : memref<128x64xf32, #tpu.memory_space<vmem>>, vector<16xf32>,
          %mul3A_109 = arith.mulf %get3A_108, %gather3A : vector<16xf32>
          %swap3A = arith.index_cast %scan3A_102 : i32 to index
          %swap3A_110 = arith.constant 0 : index
          %swap3A_111 = tpu.vector_load %arg26[%swap3A, %swap3A_110] {strides = array<i32>} : memref<128x64xf32, #tpu.memory_space<vmem>>, vector<16xf32>,
          tpu.vector_store %arg26[%swap3A, %swap3A_110], %mul3A_109 {strides = array<i32>} : memref<128x64xf32, #tpu.memory_space<vmem>>, vector<16xf32>,
          %get3A_112 = arith.index_cast %scan3A_102 : i32 to index
          %get3A_113 = arith.constant 16 : index
          %get3A_114 = tpu.vector_load %arg26[%get3A_112, %get3A_113] {strides = array<i32>} : memref<128x64xf32, #tpu.memory_space<vmem>>, vector<16xf32>,
          %mul3A_115 = arith.mulf %get3A_114, %gather3A : vector<16xf32>
          %swap3A_116 = arith.index_cast %scan3A_102 : i32 to index
          %swap3A_117 = arith.constant 16 : index
          %swap3A_118 = tpu.vector_load %arg26[%swap3A_116, %swap3A_117] {strides = array<i32>} : memref<128x64xf32, #tpu.memory_space<vmem>>, vector<16xf32>,
          tpu.vector_store %arg26[%swap3A_116, %swap3A_117], %mul3A_115 {strides = array<i32>} : memref<128x64xf32, #tpu.memory_space<vmem>>, vector<16xf32>,
          %get3A_119 = arith.index_cast %scan3A_102 : i32 to index
          %get3A_120 = arith.constant 32 : index
          %get3A_121 = tpu.vector_load %arg26[%get3A_119, %get3A_120] {strides = array<i32>} : memref<128x64xf32, #tpu.memory_space<vmem>>, vector<16xf32>,
          %mul3A_122 = arith.mulf %get3A_121, %gather3A : vector<16xf32>
          %swap3A_123 = arith.index_cast %scan3A_102 : i32 to index
          %swap3A_124 = arith.constant 32 : index
          %swap3A_125 = tpu.vector_load %arg26[%swap3A_123, %swap3A_124] {strides = array<i32>} : memref<128x64xf32, #tpu.memory_space<vmem>>, vector<16xf32>,
          tpu.vector_store %arg26[%swap3A_123, %swap3A_124], %mul3A_122 {strides = array<i32>} : memref<128x64xf32, #tpu.memory_space<vmem>>, vector<16xf32>,
          %get3A_126 = arith.index_cast %scan3A_102 : i32 to index
          %get3A_127 = arith.constant 48 : index
          %get3A_128 = tpu.vector_load %arg26[%get3A_126, %get3A_127] {strides = array<i32>} : memref<128x64xf32, #tpu.memory_space<vmem>>, vector<16xf32>,
          %mul3A_129 = arith.mulf %get3A_128, %gather3A : vector<16xf32>
          %swap3A_130 = arith.index_cast %scan3A_102 : i32 to index
          %swap3A_131 = arith.constant 48 : index
          %swap3A_132 = tpu.vector_load %arg26[%swap3A_130, %swap3A_131] {strides = array<i32>} : memref<128x64xf32, #tpu.memory_space<vmem>>, vector<16xf32>,
          tpu.vector_store %arg26[%swap3A_130, %swap3A_131], %mul3A_129 {strides = array<i32>} : memref<128x64xf32, #tpu.memory_space<vmem>>, vector<16xf32>,
          %scan3A_133 = arith.constant 0 : i32
          scf.yield %scan3A_133 : i32
        }
        %scan3A_91 = arith.constant 128 : i32
        %dma_start3A_92 = arith.constant 0 : i32
        %dma_start3A_93 = arith.constant 0 : i32
        %dma_start3A_94 = tpu.memref_slice %arg33[%dma_start3A_92, %dma_start3A_93] : memref<10240x64xf32, #tpu.memory_space<vmem_shared>> -> memref<10240x64xf32, #tpu.memory_space<vmem_shared>>
        tpu.enqueue_indirect_dma source(%arg26 : memref<128x64xf32, #tpu.memory_space<vmem>>) target(%dma_start3A_94 : memref<10240x64xf32, #tpu.memory_space<vmem_shared>>) offsets(%arg18 : memref<128xi32, #tpu.memory_space<vmem>>) semaphore(%arg32 : memref<!tpu.dma_semaphore, #tpu.memory_space<semaphore_mem>>) {add = true}
        %dma_wait3A_95 = arith.constant 0 : i32
        %dma_wait3A_96 = arith.constant 0 : i32
        %dma_wait3A_97 = tpu.memref_slice %arg33[%dma_wait3A_95, %dma_wait3A_96] : memref<10240x64xf32, #tpu.memory_space<vmem_shared>> -> memref<10240x64xf32, #tpu.memory_space<vmem_shared>>
        tpu.wait_indirect_dma semaphore(%arg31 : memref<!tpu.dma_semaphore, #tpu.memory_space<semaphore_mem>>) src(%arg25 : memref<128x64xf32, #tpu.memory_space<vmem>>) dst(%dma_wait3A_97 : memref<10240x64xf32, #tpu.memory_space<vmem_shared>>)
        %dma_wait3A_98 = arith.constant 0 : i32
        %dma_wait3A_99 = arith.constant 0 : i32
        %dma_wait3A_100 = tpu.memref_slice %arg33[%dma_wait3A_98, %dma_wait3A_99] : memref<10240x64xf32, #tpu.memory_space<vmem_shared>> -> memref<10240x64xf32, #tpu.memory_space<vmem_shared>>
        tpu.wait_indirect_dma semaphore(%arg32 : memref<!tpu.dma_semaphore, #tpu.memory_space<semaphore_mem>>) src(%arg26 : memref<128x64xf32, #tpu.memory_space<vmem>>) dst(%dma_wait3A_100 : memref<10240x64xf32, #tpu.memory_space<vmem_shared>>)
        %scan3A_101 = arith.constant 0 : i32
        scf.yield %scan3A_101 : i32
      }
      %scan3A_41 = arith.constant 27 : i32
      %scan3A_42 = arith.constant 0 : i32
      scf.yield %scan3A_42 : i32
    }
    %scan3A_25 = arith.constant 3 : i32
    %barrier3A_26 = arith.constant 0 : index
    tpu.barrier barrier_id(%barrier3A_26)
    %mul3A_27 = arith.constant 10240 : i32
    %mul3A_28 = arith.muli %arg0, %mul3A_27 : i32
    %add3A_29 = arith.addi %mul3A_28, %mul3A_1 : i32
    "tpu.region"() ({
      %run_scoped3A = tpu.sem_alloc : memref<!tpu.dma_semaphore, #tpu.memory_space<semaphore_mem>>
      %dma_start3A = arith.constant 0 : i32
      %dma_start3A_30 = tpu.memref_slice %arg9[%add3A_29, %dma_start3A] : memref<20480x64xf32, #tpu.memory_space<hbm>> -> memref<640x64xf32, #tpu.memory_space<hbm>>
      %dma_start3A_31 = arith.constant 0 : i32
      %dma_start3A_32 = tpu.memref_slice %arg33[%mul3A_1, %dma_start3A_31] : memref<10240x64xf32, #tpu.memory_space<vmem_shared>> -> memref<640x64xf32, #tpu.memory_space<vmem_shared>>
      tpu.enqueue_dma source(%dma_start3A_32 : memref<640x64xf32, #tpu.memory_space<vmem_shared>>) target(%dma_start3A_30 : memref<640x64xf32, #tpu.memory_space<hbm>>) target_semaphore(%run_scoped3A : memref<!tpu.dma_semaphore, #tpu.memory_space<semaphore_mem>>)
      %dma_wait3A = arith.constant 0 : i32
      %dma_wait3A_33 = tpu.memref_slice %arg9[%add3A_29, %dma_wait3A] : memref<20480x64xf32, #tpu.memory_space<hbm>> -> memref<640x64xf32, #tpu.memory_space<hbm>>
      %dma_wait3A_34 = arith.constant 0 : i32
      %dma_wait3A_35 = tpu.memref_slice %arg33[%mul3A_1, %dma_wait3A_34] : memref<10240x64xf32, #tpu.memory_space<vmem_shared>> -> memref<640x64xf32, #tpu.memory_space<vmem_shared>>
      tpu.wait_dma2 semaphore(%run_scoped3A : memref<!tpu.dma_semaphore, #tpu.memory_space<semaphore_mem>>) src(%dma_wait3A_35 : memref<640x64xf32, #tpu.memory_space<vmem_shared>>) dst(%dma_wait3A_33 : memref<640x64xf32, #tpu.memory_space<hbm>>)
      tpu.yield
    }) : () -> ()
    return
  }
}

module attributes {stable_mosaic.version = 14 : i64} {
  func.func @_k1_body(%arg0: i32, %arg1: memref<1280x128xf32, #tpu.memory_space<vmem>>, %arg2: memref<128x256xf32, #tpu.memory_space<vmem>>, %arg3: memref<4x64xf32, #tpu.memory_space<vmem>>, %arg4: memref<4x64xf32, #tpu.memory_space<vmem>>, %arg5: memref<4x1280x64xf32, #tpu.memory_space<vmem>>, %arg6: memref<1280x8xf32, #tpu.memory_space<vmem>>) attributes {dimension_semantics = [#tpu.dimension_semantics<arbitrary>], iteration_bounds = array<i64: 8>, scalar_prefetch = 0 : i64, scratch_operands = 0 : i64, tpu.core_type = #tpu.core_type<tc>, window_params = [{transform_indices = @transform_0, window_bounds = array<i64: 1280, 128>}, {pipeline_mode = #tpu.pipeline_mode<synchronous>, transform_indices = @transform_1, window_bounds = array<i64: 128, 256>}, {pipeline_mode = #tpu.pipeline_mode<synchronous>, transform_indices = @transform_2, window_bounds = array<i64: 4, 64>}, {pipeline_mode = #tpu.pipeline_mode<synchronous>, transform_indices = @transform_3, window_bounds = array<i64: 4, 64>}, {transform_indices = @transform_4, window_bounds = array<i64: 4, 1280, 64>}, {transform_indices = @transform_5, window_bounds = array<i64: 1280, 8>}]} {
    %get3A = arith.constant 0 : index
    %get3A_0 = arith.constant 0 : index
    %get3A_1 = vector.load %arg1[%get3A, %get3A_0] : memref<1280x128xf32, #tpu.memory_space<vmem>>, vector<1280x128xf32>
    %get3A_2 = arith.constant 0 : index
    %get3A_3 = arith.constant 0 : index
    %get3A_4 = vector.load %arg2[%get3A_2, %get3A_3] : memref<128x256xf32, #tpu.memory_space<vmem>>, vector<128x256xf32>
    %dot_general3A = arith.constant dense<0.000000e+00> : vector<1280x256xf32>
    %dot_general3A_5 = tpu.matmul %get3A_1, %get3A_4, %dot_general3A {dimension_numbers = #tpu.dot_dimension_numbers<[1], [0], [0], [1], [0, 0, 1, 1], [], []>, transpose_lhs_hint = false} : vector<1280x128xf32>, vector<128x256xf32>, vector<1280x256xf32> -> vector<1280x256xf32>
    %slice3A = vector.extract_strided_slice %dot_general3A_5 {offsets = [0, 0], sizes = [1280, 64], strides = [1, 1]} : vector<1280x256xf32> to vector<1280x64xf32>
    %swap3A = arith.constant 0 : index
    %swap3A_6 = arith.constant 0 : index
    %swap3A_7 = arith.constant 0 : index
    %swap3A_8 = vector.load %arg5[%swap3A, %swap3A_6, %swap3A_7] : memref<4x1280x64xf32, #tpu.memory_space<vmem>>, vector<1x1280x64xf32>
    %swap3A_9 = vector.shape_cast %swap3A_8 : vector<1x1280x64xf32> to vector<1280x64xf32>
    %swap3A_10 = vector.shape_cast %slice3A : vector<1280x64xf32> to vector<1x1280x64xf32>
    tpu.vector_store %arg5[%swap3A, %swap3A_6, %swap3A_7], %swap3A_10 {strides = array<i32>} : memref<4x1280x64xf32, #tpu.memory_space<vmem>>, vector<1x1280x64xf32>,
    %slice3A_11 = vector.extract_strided_slice %dot_general3A_5 {offsets = [0, 64], sizes = [1280, 64], strides = [1, 1]} : vector<1280x256xf32> to vector<1280x64xf32>
    %swap3A_12 = arith.constant 1 : index
    %swap3A_13 = arith.constant 0 : index
    %swap3A_14 = arith.constant 0 : index
    %swap3A_15 = vector.load %arg5[%swap3A_12, %swap3A_13, %swap3A_14] : memref<4x1280x64xf32, #tpu.memory_space<vmem>>, vector<1x1280x64xf32>
    %swap3A_16 = vector.shape_cast %swap3A_15 : vector<1x1280x64xf32> to vector<1280x64xf32>
    %swap3A_17 = vector.shape_cast %slice3A_11 : vector<1280x64xf32> to vector<1x1280x64xf32>
    tpu.vector_store %arg5[%swap3A_12, %swap3A_13, %swap3A_14], %swap3A_17 {strides = array<i32>} : memref<4x1280x64xf32, #tpu.memory_space<vmem>>, vector<1x1280x64xf32>,
    %slice3A_18 = vector.extract_strided_slice %dot_general3A_5 {offsets = [0, 128], sizes = [1280, 64], strides = [1, 1]} : vector<1280x256xf32> to vector<1280x64xf32>
    %swap3A_19 = arith.constant 2 : index
    %swap3A_20 = arith.constant 0 : index
    %swap3A_21 = arith.constant 0 : index
    %swap3A_22 = vector.load %arg5[%swap3A_19, %swap3A_20, %swap3A_21] : memref<4x1280x64xf32, #tpu.memory_space<vmem>>, vector<1x1280x64xf32>
    %swap3A_23 = vector.shape_cast %swap3A_22 : vector<1x1280x64xf32> to vector<1280x64xf32>
    %swap3A_24 = vector.shape_cast %slice3A_18 : vector<1280x64xf32> to vector<1x1280x64xf32>
    tpu.vector_store %arg5[%swap3A_19, %swap3A_20, %swap3A_21], %swap3A_24 {strides = array<i32>} : memref<4x1280x64xf32, #tpu.memory_space<vmem>>, vector<1x1280x64xf32>,
    %slice3A_25 = vector.extract_strided_slice %dot_general3A_5 {offsets = [0, 192], sizes = [1280, 64], strides = [1, 1]} : vector<1280x256xf32> to vector<1280x64xf32>
    %swap3A_26 = arith.constant 3 : index
    %swap3A_27 = arith.constant 0 : index
    %swap3A_28 = arith.constant 0 : index
    %swap3A_29 = vector.load %arg5[%swap3A_26, %swap3A_27, %swap3A_28] : memref<4x1280x64xf32, #tpu.memory_space<vmem>>, vector<1x1280x64xf32>
    %swap3A_30 = vector.shape_cast %swap3A_29 : vector<1x1280x64xf32> to vector<1280x64xf32>
    %swap3A_31 = vector.shape_cast %slice3A_25 : vector<1280x64xf32> to vector<1x1280x64xf32>
    tpu.vector_store %arg5[%swap3A_26, %swap3A_27, %swap3A_28], %swap3A_31 {strides = array<i32>} : memref<4x1280x64xf32, #tpu.memory_space<vmem>>, vector<1x1280x64xf32>,
    %reshape3A = vector.shape_cast %dot_general3A_5 : vector<1280x256xf32> to vector<1280x4x64xf32>
    %get3A_32 = arith.constant 0 : index
    %get3A_33 = arith.constant 0 : index
    %get3A_34 = vector.load %arg3[%get3A_32, %get3A_33] : memref<4x64xf32, #tpu.memory_space<vmem>>, vector<4x64xf32>
    %broadcast_in_dim3A = vector.shape_cast %get3A_34 : vector<4x64xf32> to vector<1x4x64xf32>
    %mul3A = vector.broadcast %broadcast_in_dim3A : vector<1x4x64xf32> to vector<1280x4x64xf32>
    %mul3A_35 = arith.mulf %reshape3A, %mul3A : vector<1280x4x64xf32>
    %reduce_sum3A = arith.constant dense<0.000000e+00> : vector<1280x4xf32>
    %reduce_sum3A_36 = vector.multi_reduction <add>, %mul3A_35, %reduce_sum3A [2] : vector<1280x4x64xf32> to vector<1280x4xf32>
    %get3A_37 = arith.constant 0 : index
    %get3A_38 = arith.constant 0 : index
    %get3A_39 = vector.load %arg4[%get3A_37, %get3A_38] : memref<4x64xf32, #tpu.memory_space<vmem>>, vector<4x64xf32>
    %broadcast_in_dim3A_40 = vector.shape_cast %get3A_39 : vector<4x64xf32> to vector<1x4x64xf32>
    %mul3A_41 = vector.broadcast %broadcast_in_dim3A_40 : vector<1x4x64xf32> to vector<1280x4x64xf32>
    %mul3A_42 = arith.mulf %reshape3A, %mul3A_41 : vector<1280x4x64xf32>
    %reduce_sum3A_43 = arith.constant dense<0.000000e+00> : vector<1280x4xf32>
    %reduce_sum3A_44 = vector.multi_reduction <add>, %mul3A_42, %reduce_sum3A_43 [2] : vector<1280x4x64xf32> to vector<1280x4xf32>
    %concatenate3A = tpu.concatenate %reduce_sum3A_36, %reduce_sum3A_44 in 1 : vector<1280x4xf32>, vector<1280x4xf32> -> vector<1280x8xf32>
    %swap3A_45 = arith.constant 0 : index
    %swap3A_46 = arith.constant 0 : index
    %swap3A_47 = vector.load %arg6[%swap3A_45, %swap3A_46] : memref<1280x8xf32, #tpu.memory_space<vmem>>, vector<1280x8xf32>
    tpu.vector_store %arg6[%swap3A_45, %swap3A_46], %concatenate3A {strides = array<i32>} : memref<1280x8xf32, #tpu.memory_space<vmem>>, vector<1280x8xf32>,
    return
  }
  func.func @transform_0(%arg0: i32) -> (i32, i32) {
    %c0_i32 = arith.constant 0 : i32
    %c0_i32_0 = arith.constant 0 : i32
    return %arg0, %c0_i32 : i32, i32
  }
  func.func @transform_1(%arg0: i32) -> (i32, i32) {
    %c0_i32 = arith.constant 0 : i32
    %c0_i32_0 = arith.constant 0 : i32
    %c0_i32_1 = arith.constant 0 : i32
    return %c0_i32, %c0_i32_0 : i32, i32
  }
  func.func @transform_2(%arg0: i32) -> (i32, i32) {
    %c0_i32 = arith.constant 0 : i32
    %c0_i32_0 = arith.constant 0 : i32
    %c0_i32_1 = arith.constant 0 : i32
    return %c0_i32, %c0_i32_0 : i32, i32
  }
  func.func @transform_3(%arg0: i32) -> (i32, i32) {
    %c0_i32 = arith.constant 0 : i32
    %c0_i32_0 = arith.constant 0 : i32
    %c0_i32_1 = arith.constant 0 : i32
    return %c0_i32, %c0_i32_0 : i32, i32
  }
  func.func @transform_4(%arg0: i32) -> (i32, i32, i32) {
    %c0_i32 = arith.constant 0 : i32
    %c0_i32_0 = arith.constant 0 : i32
    %c0_i32_1 = arith.constant 0 : i32
    return %c0_i32, %arg0, %c0_i32_0 : i32, i32, i32
  }
  func.func @transform_5(%arg0: i32) -> (i32, i32) {
    %c0_i32 = arith.constant 0 : i32
    %c0_i32_0 = arith.constant 0 : i32
    return %arg0, %c0_i32 : i32, i32
  }
}

module attributes {stable_mosaic.version = 14 : i64} {
  func.func @_k3a_body(%arg0: i32, %arg1: memref<1280x64xf32, #tpu.memory_space<vmem>>, %arg2: memref<1280x64xf32, #tpu.memory_space<vmem>>, %arg3: memref<1280x64xf32, #tpu.memory_space<vmem>>, %arg4: memref<1280x64xf32, #tpu.memory_space<vmem>>, %arg5: memref<1x256xf32, #tpu.memory_space<vmem>>, %arg6: memref<2x256xf32, #tpu.memory_space<vmem>>) attributes {dimension_semantics = [#tpu.dimension_semantics<arbitrary>], iteration_bounds = array<i64: 8>, scalar_prefetch = 0 : i64, scratch_operands = 0 : i64, tpu.core_type = #tpu.core_type<tc>, window_params = [{transform_indices = @transform_0, window_bounds = array<i64: 1280, 64>}, {transform_indices = @transform_1, window_bounds = array<i64: 1280, 64>}, {transform_indices = @transform_2, window_bounds = array<i64: 1280, 64>}, {transform_indices = @transform_3, window_bounds = array<i64: 1280, 64>}, {pipeline_mode = #tpu.pipeline_mode<synchronous>, transform_indices = @transform_4, window_bounds = array<i64: 1, 256>}, {pipeline_mode = #tpu.pipeline_mode<synchronous>, transform_indices = @transform_5, window_bounds = array<i64: 2, 256>}]} {
    %get3A = arith.constant 0 : index
    %get3A_0 = arith.constant 0 : index
    %get3A_1 = vector.load %arg1[%get3A, %get3A_0] : memref<1280x64xf32, #tpu.memory_space<vmem>>, vector<1280x64xf32>
    %get3A_2 = arith.constant 0 : index
    %get3A_3 = arith.constant 0 : index
    %get3A_4 = vector.load %arg2[%get3A_2, %get3A_3] : memref<1280x64xf32, #tpu.memory_space<vmem>>, vector<1280x64xf32>
    %get3A_5 = arith.constant 0 : index
    %get3A_6 = arith.constant 0 : index
    %get3A_7 = vector.load %arg3[%get3A_5, %get3A_6] : memref<1280x64xf32, #tpu.memory_space<vmem>>, vector<1280x64xf32>
    %get3A_8 = arith.constant 0 : index
    %get3A_9 = arith.constant 0 : index
    %get3A_10 = vector.load %arg4[%get3A_8, %get3A_9] : memref<1280x64xf32, #tpu.memory_space<vmem>>, vector<1280x64xf32>
    %concatenate3A = tpu.concatenate %get3A_1, %get3A_4, %get3A_7, %get3A_10 in 1 : vector<1280x64xf32>, vector<1280x64xf32>, vector<1280x64xf32>, vector<1280x64xf32> -> vector<1280x256xf32>
    %get3A_11 = arith.constant 0 : index
    %get3A_12 = arith.constant 0 : index
    %get3A_13 = vector.load %arg5[%get3A_11, %get3A_12] : memref<1x256xf32, #tpu.memory_space<vmem>>, vector<1x256xf32>
    %add3A = vector.broadcast %get3A_13 : vector<1x256xf32> to vector<1280x256xf32>
    %add3A_14 = arith.addf %concatenate3A, %add3A : vector<1280x256xf32>
    %mul3A = arith.constant 1280 : i32
    %mul3A_15 = arith.muli %arg0, %mul3A : i32
    %iota3A = tpu.iota {dimensions = array<i32: 0>} : vector<1280x1xi32>
    %add3A_16 = vector.broadcast %mul3A_15 : i32 to vector<1280x1xi32>
    %add3A_17 = arith.addi %add3A_16, %iota3A : vector<1280x1xi32>
    %lt3A = arith.constant 10000 : i32
    %lt3A_18 = vector.broadcast %lt3A : i32 to vector<1280x1xi32>
    %lt3A_19 = arith.cmpi slt, %add3A_17, %lt3A_18 : vector<1280x1xi32>
    %jit3A = arith.constant 0.000000e+00 : f32
    %broadcast_in_dim3A = vector.shape_cast %lt3A_19 : vector<1280x1xi1> to vector<1280x1xi1>
    %broadcast_in_dim3A_20 = vector.broadcast %broadcast_in_dim3A : vector<1280x1xi1> to vector<1280x256xi1>
    %broadcast_in_dim3A_21 = vector.broadcast %jit3A : f32 to vector<1280x256xf32>
    %select_n3A = arith.select %broadcast_in_dim3A_20, %add3A_14, %broadcast_in_dim3A_21 : vector<1280x256xi1>, vector<1280x256xf32>
    %reduce_sum3A = arith.constant dense<0.000000e+00> : vector<256xf32>
    %reduce_sum3A_22 = vector.multi_reduction <add>, %select_n3A, %reduce_sum3A [0] : vector<1280x256xf32> to vector<256xf32>
    %broadcast_in_dim3A_23 = vector.shape_cast %reduce_sum3A_22 : vector<256xf32> to vector<1x256xf32>
    %mul3A_24 = arith.mulf %select_n3A, %select_n3A : vector<1280x256xf32>
    %reduce_sum3A_25 = arith.constant dense<0.000000e+00> : vector<256xf32>
    %reduce_sum3A_26 = vector.multi_reduction <add>, %mul3A_24, %reduce_sum3A_25 [0] : vector<1280x256xf32> to vector<256xf32>
    %broadcast_in_dim3A_27 = vector.shape_cast %reduce_sum3A_26 : vector<256xf32> to vector<1x256xf32>
    %concatenate3A_28 = tpu.concatenate %broadcast_in_dim3A_23, %broadcast_in_dim3A_27 in 0 : vector<1x256xf32>, vector<1x256xf32> -> vector<2x256xf32>
    %eq3A = arith.constant 0 : i32
    %eq3A_29 = arith.cmpi eq, %arg0, %eq3A : i32
    %convert_element_type3A = arith.extui %eq3A_29 : i1 to i32
    %cond3A = arith.constant 0 : i32
    %cond3A_30 = arith.cmpi ne, %convert_element_type3A, %cond3A : i32
    scf.if %cond3A_30 {
      %broadcast_in_dim3A_37 = arith.constant 0.000000e+00 : f32
      %broadcast_in_dim3A_38 = vector.broadcast %broadcast_in_dim3A_37 : f32 to vector<2x256xf32>
      %swap3A_39 = arith.constant 0 : index
      %swap3A_40 = arith.constant 0 : index
      %swap3A_41 = vector.load %arg6[%swap3A_39, %swap3A_40] : memref<2x256xf32, #tpu.memory_space<vmem>>, vector<2x256xf32>
      tpu.vector_store %arg6[%swap3A_39, %swap3A_40], %broadcast_in_dim3A_38 {strides = array<i32>} : memref<2x256xf32, #tpu.memory_space<vmem>>, vector<2x256xf32>,
    } else {
    }
    %get3A_31 = arith.constant 0 : index
    %get3A_32 = arith.constant 0 : index
    %get3A_33 = vector.load %arg6[%get3A_31, %get3A_32] : memref<2x256xf32, #tpu.memory_space<vmem>>, vector<2x256xf32>
    %add3A_34 = arith.addf %get3A_33, %concatenate3A_28 : vector<2x256xf32>
    %swap3A = arith.constant 0 : index
    %swap3A_35 = arith.constant 0 : index
    %swap3A_36 = vector.load %arg6[%swap3A, %swap3A_35] : memref<2x256xf32, #tpu.memory_space<vmem>>, vector<2x256xf32>
    tpu.vector_store %arg6[%swap3A, %swap3A_35], %add3A_34 {strides = array<i32>} : memref<2x256xf32, #tpu.memory_space<vmem>>, vector<2x256xf32>,
    return
  }
  func.func @transform_0(%arg0: i32) -> (i32, i32) {
    %c0_i32 = arith.constant 0 : i32
    %c0_i32_0 = arith.constant 0 : i32
    return %arg0, %c0_i32 : i32, i32
  }
  func.func @transform_1(%arg0: i32) -> (i32, i32) {
    %add3A = arith.constant 8 : i32
    %add3A_0 = arith.addi %add3A, %arg0 : i32
    %c0_i32 = arith.constant 0 : i32
    %c0_i32_1 = arith.constant 0 : i32
    return %add3A_0, %c0_i32 : i32, i32
  }
  func.func @transform_2(%arg0: i32) -> (i32, i32) {
    %c0_i32 = arith.constant 0 : i32
    %c0_i32_0 = arith.constant 0 : i32
    return %arg0, %c0_i32 : i32, i32
  }
  func.func @transform_3(%arg0: i32) -> (i32, i32) {
    %add3A = arith.constant 8 : i32
    %add3A_0 = arith.addi %add3A, %arg0 : i32
    %c0_i32 = arith.constant 0 : i32
    %c0_i32_1 = arith.constant 0 : i32
    return %add3A_0, %c0_i32 : i32, i32
  }
  func.func @transform_4(%arg0: i32) -> (i32, i32) {
    %c0_i32 = arith.constant 0 : i32
    %c0_i32_0 = arith.constant 0 : i32
    %c0_i32_1 = arith.constant 0 : i32
    return %c0_i32, %c0_i32_0 : i32, i32
  }
  func.func @transform_5(%arg0: i32) -> (i32, i32) {
    %c0_i32 = arith.constant 0 : i32
    %c0_i32_0 = arith.constant 0 : i32
    %c0_i32_1 = arith.constant 0 : i32
    return %c0_i32, %c0_i32_0 : i32, i32
  }
}

module attributes {stable_mosaic.version = 14 : i64} {
  func.func @_k3b_body(%arg0: i32, %arg1: memref<1280x64xf32, #tpu.memory_space<vmem>>, %arg2: memref<1280x64xf32, #tpu.memory_space<vmem>>, %arg3: memref<1280x64xf32, #tpu.memory_space<vmem>>, %arg4: memref<1280x64xf32, #tpu.memory_space<vmem>>, %arg5: memref<1x256xf32, #tpu.memory_space<vmem>>, %arg6: memref<2x256xf32, #tpu.memory_space<vmem>>, %arg7: memref<1x256xf32, #tpu.memory_space<vmem>>, %arg8: memref<1x256xf32, #tpu.memory_space<vmem>>, %arg9: memref<256x2xf32, #tpu.memory_space<vmem>>, %arg10: memref<1x2xf32, #tpu.memory_space<vmem>>, %arg11: memref<1x2xf32, #tpu.memory_space<vmem>>, %arg12: memref<1280x2xf32, #tpu.memory_space<vmem>>, %arg13: memref<1280x2xf32, #tpu.memory_space<vmem>>) attributes {dimension_semantics = [#tpu.dimension_semantics<arbitrary>], iteration_bounds = array<i64: 8>, scalar_prefetch = 0 : i64, scratch_operands = 0 : i64, tpu.core_type = #tpu.core_type<tc>, window_params = [{transform_indices = @transform_0, window_bounds = array<i64: 1280, 64>}, {transform_indices = @transform_1, window_bounds = array<i64: 1280, 64>}, {transform_indices = @transform_2, window_bounds = array<i64: 1280, 64>}, {transform_indices = @transform_3, window_bounds = array<i64: 1280, 64>}, {pipeline_mode = #tpu.pipeline_mode<synchronous>, transform_indices = @transform_4, window_bounds = array<i64: 1, 256>}, {pipeline_mode = #tpu.pipeline_mode<synchronous>, transform_indices = @transform_5, window_bounds = array<i64: 2, 256>}, {pipeline_mode = #tpu.pipeline_mode<synchronous>, transform_indices = @transform_6, window_bounds = array<i64: 1, 256>}, {pipeline_mode = #tpu.pipeline_mode<synchronous>, transform_indices = @transform_7, window_bounds = array<i64: 1, 256>}, {pipeline_mode = #tpu.pipeline_mode<synchronous>, transform_indices = @transform_8, window_bounds = array<i64: 256, 2>}, {pipeline_mode = #tpu.pipeline_mode<synchronous>, transform_indices = @transform_9, window_bounds = array<i64: 1, 2>}, {pipeline_mode = #tpu.pipeline_mode<synchronous>, transform_indices = @transform_10, window_bounds = array<i64: 1, 2>}, {transform_indices = @transform_11, window_bounds = array<i64: 1280, 2>}, {transform_indices = @transform_12, window_bounds = array<i64: 1280, 2>}]} {
    %get3A = arith.constant 0 : index
    %get3A_0 = arith.constant 0 : index
    %get3A_1 = vector.load %arg1[%get3A, %get3A_0] : memref<1280x64xf32, #tpu.memory_space<vmem>>, vector<1280x64xf32>
    %get3A_2 = arith.constant 0 : index
    %get3A_3 = arith.constant 0 : index
    %get3A_4 = vector.load %arg2[%get3A_2, %get3A_3] : memref<1280x64xf32, #tpu.memory_space<vmem>>, vector<1280x64xf32>
    %get3A_5 = arith.constant 0 : index
    %get3A_6 = arith.constant 0 : index
    %get3A_7 = vector.load %arg3[%get3A_5, %get3A_6] : memref<1280x64xf32, #tpu.memory_space<vmem>>, vector<1280x64xf32>
    %get3A_8 = arith.constant 0 : index
    %get3A_9 = arith.constant 0 : index
    %get3A_10 = vector.load %arg4[%get3A_8, %get3A_9] : memref<1280x64xf32, #tpu.memory_space<vmem>>, vector<1280x64xf32>
    %concatenate3A = tpu.concatenate %get3A_1, %get3A_4, %get3A_7, %get3A_10 in 1 : vector<1280x64xf32>, vector<1280x64xf32>, vector<1280x64xf32>, vector<1280x64xf32> -> vector<1280x256xf32>
    %get3A_11 = arith.constant 0 : index
    %get3A_12 = arith.constant 0 : index
    %get3A_13 = vector.load %arg5[%get3A_11, %get3A_12] : memref<1x256xf32, #tpu.memory_space<vmem>>, vector<1x256xf32>
    %add3A = vector.broadcast %get3A_13 : vector<1x256xf32> to vector<1280x256xf32>
    %add3A_14 = arith.addf %concatenate3A, %add3A : vector<1280x256xf32>
    %get3A_15 = arith.constant 0 : index
    %get3A_16 = arith.constant 0 : index
    %get3A_17 = vector.load %arg6[%get3A_15, %get3A_16] : memref<2x256xf32, #tpu.memory_space<vmem>>, vector<1x256xf32>
    %div3A = arith.constant 1.000000e+04 : f32
    %div3A_18 = vector.broadcast %div3A : f32 to vector<1x256xf32>
    %div3A_19 = arith.divf %get3A_17, %div3A_18 : vector<1x256xf32>
    %get3A_20 = arith.constant 1 : index
    %get3A_21 = arith.constant 0 : index
    %get3A_22 = vector.load %arg6[%get3A_20, %get3A_21] : memref<2x256xf32, #tpu.memory_space<vmem>>, vector<1x256xf32>
    %div3A_23 = arith.constant 1.000000e+04 : f32
    %div3A_24 = vector.broadcast %div3A_23 : f32 to vector<1x256xf32>
    %div3A_25 = arith.divf %get3A_22, %div3A_24 : vector<1x256xf32>
    %mul3A = arith.mulf %div3A_19, %div3A_19 : vector<1x256xf32>
    %sub3A = arith.subf %div3A_25, %mul3A : vector<1x256xf32>
    %sub3A_26 = vector.broadcast %div3A_19 : vector<1x256xf32> to vector<1280x256xf32>
    %sub3A_27 = arith.subf %add3A_14, %sub3A_26 : vector<1280x256xf32>
    %add3A_28 = arith.constant 9.99999974E-6 : f32
    %add3A_29 = vector.broadcast %add3A_28 : f32 to vector<1x256xf32>
    %add3A_30 = arith.addf %sub3A, %add3A_29 : vector<1x256xf32>
    %sqrt3A = math.sqrt %add3A_30 : vector<1x256xf32>
    %div3A_31 = vector.broadcast %sqrt3A : vector<1x256xf32> to vector<1280x256xf32>
    %div3A_32 = arith.divf %sub3A_27, %div3A_31 : vector<1280x256xf32>
    %get3A_33 = arith.constant 0 : index
    %get3A_34 = arith.constant 0 : index
    %get3A_35 = vector.load %arg7[%get3A_33, %get3A_34] : memref<1x256xf32, #tpu.memory_space<vmem>>, vector<1x256xf32>
    %mul3A_36 = vector.broadcast %get3A_35 : vector<1x256xf32> to vector<1280x256xf32>
    %mul3A_37 = arith.mulf %div3A_32, %mul3A_36 : vector<1280x256xf32>
    %get3A_38 = arith.constant 0 : index
    %get3A_39 = arith.constant 0 : index
    %get3A_40 = vector.load %arg8[%get3A_38, %get3A_39] : memref<1x256xf32, #tpu.memory_space<vmem>>, vector<1x256xf32>
    %add3A_41 = vector.broadcast %get3A_40 : vector<1x256xf32> to vector<1280x256xf32>
    %add3A_42 = arith.addf %mul3A_37, %add3A_41 : vector<1280x256xf32>
    %gt3A = arith.constant 0.000000e+00 : f32
    %gt3A_43 = vector.broadcast %gt3A : f32 to vector<1280x256xf32>
    %gt3A_44 = arith.cmpf ogt, %add3A_42, %gt3A_43 : vector<1280x256xf32>
    %exp3A = math.exp %add3A_42 : vector<1280x256xf32>
    %sub3A_45 = arith.constant 1.000000e+00 : f32
    %sub3A_46 = vector.broadcast %sub3A_45 : f32 to vector<1280x256xf32>
    %sub3A_47 = arith.subf %exp3A, %sub3A_46 : vector<1280x256xf32>
    %select_n3A = arith.select %gt3A_44, %add3A_42, %sub3A_47 : vector<1280x256xi1>, vector<1280x256xf32>
    %get3A_48 = arith.constant 0 : index
    %get3A_49 = arith.constant 0 : index
    %get3A_50 = vector.load %arg9[%get3A_48, %get3A_49] : memref<256x2xf32, #tpu.memory_space<vmem>>, vector<256x2xf32>
    %dot_general3A = arith.constant dense<0.000000e+00> : vector<1280x2xf32>
    %dot_general3A_51 = tpu.matmul %select_n3A, %get3A_50, %dot_general3A {dimension_numbers = #tpu.dot_dimension_numbers<[1], [0], [0], [1], [0, 0, 1, 1], [], []>, transpose_lhs_hint = false} : vector<1280x256xf32>, vector<256x2xf32>, vector<1280x2xf32> -> vector<1280x2xf32>
    %mul3A_52 = arith.constant 1280 : i32
    %mul3A_53 = arith.muli %arg0, %mul3A_52 : i32
    %iota3A = tpu.iota {dimensions = array<i32: 0>} : vector<1280x1xi32>
    %add3A_54 = vector.broadcast %mul3A_53 : i32 to vector<1280x1xi32>
    %add3A_55 = arith.addi %add3A_54, %iota3A : vector<1280x1xi32>
    %lt3A = arith.constant 10000 : i32
    %lt3A_56 = vector.broadcast %lt3A : i32 to vector<1280x1xi32>
    %lt3A_57 = arith.cmpi slt, %add3A_55, %lt3A_56 : vector<1280x1xi32>
    %jit3A = arith.constant 0.000000e+00 : f32
    %broadcast_in_dim3A = vector.shape_cast %lt3A_57 : vector<1280x1xi1> to vector<1280x1xi1>
    %broadcast_in_dim3A_58 = vector.broadcast %broadcast_in_dim3A : vector<1280x1xi1> to vector<1280x2xi1>
    %broadcast_in_dim3A_59 = vector.broadcast %jit3A : f32 to vector<1280x2xf32>
    %select_n3A_60 = arith.select %broadcast_in_dim3A_58, %dot_general3A_51, %broadcast_in_dim3A_59 : vector<1280x2xi1>, vector<1280x2xf32>
    %swap3A = arith.constant 0 : index
    %swap3A_61 = arith.constant 0 : index
    %swap3A_62 = vector.load %arg12[%swap3A, %swap3A_61] : memref<1280x2xf32, #tpu.memory_space<vmem>>, vector<1280x2xf32>
    tpu.vector_store %arg12[%swap3A, %swap3A_61], %select_n3A_60 {strides = array<i32>} : memref<1280x2xf32, #tpu.memory_space<vmem>>, vector<1280x2xf32>,
    %get3A_63 = arith.constant 0 : index
    %get3A_64 = arith.constant 0 : index
    %get3A_65 = vector.load %arg10[%get3A_63, %get3A_64] : memref<1x2xf32, #tpu.memory_space<vmem>>, vector<1x2xf32>
    %transpose3A = tpu.transpose %get3A_65, [1, 0] : vector<1x2xf32> -> vector<2x1xf32>
    %dot_general3A_66 = arith.constant dense<0.000000e+00> : vector<1280x1xf32>
    %dot_general3A_67 = tpu.matmul %select_n3A_60, %transpose3A, %dot_general3A_66 {dimension_numbers = #tpu.dot_dimension_numbers<[1], [0], [0], [1], [0, 0, 1, 1], [], []>, transpose_lhs_hint = false} : vector<1280x2xf32>, vector<2x1xf32>, vector<1280x1xf32> -> vector<1280x1xf32>
    %get3A_68 = arith.constant 0 : index
    %get3A_69 = arith.constant 0 : index
    %get3A_70 = vector.load %arg11[%get3A_68, %get3A_69] : memref<1x2xf32, #tpu.memory_space<vmem>>, vector<1x2xf32>
    %transpose3A_71 = tpu.transpose %get3A_70, [1, 0] : vector<1x2xf32> -> vector<2x1xf32>
    %dot_general3A_72 = arith.constant dense<0.000000e+00> : vector<1280x1xf32>
    %dot_general3A_73 = tpu.matmul %select_n3A_60, %transpose3A_71, %dot_general3A_72 {dimension_numbers = #tpu.dot_dimension_numbers<[1], [0], [0], [1], [0, 0, 1, 1], [], []>, transpose_lhs_hint = false} : vector<1280x2xf32>, vector<2x1xf32>, vector<1280x1xf32> -> vector<1280x1xf32>
    %concatenate3A_74 = tpu.concatenate %dot_general3A_67, %dot_general3A_73 in 1 : vector<1280x1xf32>, vector<1280x1xf32> -> vector<1280x2xf32>
    %swap3A_75 = arith.constant 0 : index
    %swap3A_76 = arith.constant 0 : index
    %swap3A_77 = vector.load %arg13[%swap3A_75, %swap3A_76] : memref<1280x2xf32, #tpu.memory_space<vmem>>, vector<1280x2xf32>
    tpu.vector_store %arg13[%swap3A_75, %swap3A_76], %concatenate3A_74 {strides = array<i32>} : memref<1280x2xf32, #tpu.memory_space<vmem>>, vector<1280x2xf32>,
    return
  }
  func.func @transform_0(%arg0: i32) -> (i32, i32) {
    %c0_i32 = arith.constant 0 : i32
    %c0_i32_0 = arith.constant 0 : i32
    return %arg0, %c0_i32 : i32, i32
  }
  func.func @transform_1(%arg0: i32) -> (i32, i32) {
    %add3A = arith.constant 8 : i32
    %add3A_0 = arith.addi %add3A, %arg0 : i32
    %c0_i32 = arith.constant 0 : i32
    %c0_i32_1 = arith.constant 0 : i32
    return %add3A_0, %c0_i32 : i32, i32
  }
  func.func @transform_2(%arg0: i32) -> (i32, i32) {
    %c0_i32 = arith.constant 0 : i32
    %c0_i32_0 = arith.constant 0 : i32
    return %arg0, %c0_i32 : i32, i32
  }
  func.func @transform_3(%arg0: i32) -> (i32, i32) {
    %add3A = arith.constant 8 : i32
    %add3A_0 = arith.addi %add3A, %arg0 : i32
    %c0_i32 = arith.constant 0 : i32
    %c0_i32_1 = arith.constant 0 : i32
    return %add3A_0, %c0_i32 : i32, i32
  }
  func.func @transform_4(%arg0: i32) -> (i32, i32) {
    %c0_i32 = arith.constant 0 : i32
    %c0_i32_0 = arith.constant 0 : i32
    %c0_i32_1 = arith.constant 0 : i32
    return %c0_i32, %c0_i32_0 : i32, i32
  }
  func.func @transform_5(%arg0: i32) -> (i32, i32) {
    %c0_i32 = arith.constant 0 : i32
    %c0_i32_0 = arith.constant 0 : i32
    %c0_i32_1 = arith.constant 0 : i32
    return %c0_i32, %c0_i32_0 : i32, i32
  }
  func.func @transform_6(%arg0: i32) -> (i32, i32) {
    %c0_i32 = arith.constant 0 : i32
    %c0_i32_0 = arith.constant 0 : i32
    %c0_i32_1 = arith.constant 0 : i32
    return %c0_i32, %c0_i32_0 : i32, i32
  }
  func.func @transform_7(%arg0: i32) -> (i32, i32) {
    %c0_i32 = arith.constant 0 : i32
    %c0_i32_0 = arith.constant 0 : i32
    %c0_i32_1 = arith.constant 0 : i32
    return %c0_i32, %c0_i32_0 : i32, i32
  }
  func.func @transform_8(%arg0: i32) -> (i32, i32) {
    %c0_i32 = arith.constant 0 : i32
    %c0_i32_0 = arith.constant 0 : i32
    %c0_i32_1 = arith.constant 0 : i32
    return %c0_i32, %c0_i32_0 : i32, i32
  }
  func.func @transform_9(%arg0: i32) -> (i32, i32) {
    %c0_i32 = arith.constant 0 : i32
    %c0_i32_0 = arith.constant 0 : i32
    %c0_i32_1 = arith.constant 0 : i32
    return %c0_i32, %c0_i32_0 : i32, i32
  }
  func.func @transform_10(%arg0: i32) -> (i32, i32) {
    %c0_i32 = arith.constant 0 : i32
    %c0_i32_0 = arith.constant 0 : i32
    %c0_i32_1 = arith.constant 0 : i32
    return %c0_i32, %c0_i32_0 : i32, i32
  }
  func.func @transform_11(%arg0: i32) -> (i32, i32) {
    %c0_i32 = arith.constant 0 : i32
    %c0_i32_0 = arith.constant 0 : i32
    return %arg0, %c0_i32 : i32, i32
  }
  func.func @transform_12(%arg0: i32) -> (i32, i32) {
    %c0_i32 = arith.constant 0 : i32
    %c0_i32_0 = arith.constant 0 : i32
    return %arg0, %c0_i32 : i32, i32
  }
}

</mosaic_0001>

<sc_bundles>
// kernel: kernel.11.cloned.1.call-start
scs
__scs_entry_jumppad:
0x0: {  	(pc) =	sbr.rel $0x88, $3  }
0x1: {  	(tag) =	ssettag $0x0;
	lr =	simm.s32 $0x1  }
0x2: {  	[smem:$0x3F95] =	sst lr;
	_ =	strace $0xD0000000  }
0x3: {  	_ = 	snop  }
0x4: {  	_ = 	snop  }
0x5: {  	_ = 	snop  }
0x6: {  	_ = 	snop  }
0x7: {  	_ = 	snop  }
__scs_overlays_trampoline_lowered:
0x8: {  	[smem:$0x3FA4] =	sst s0  }
0x9: {  	[smem:$0x3FA5] =	sst s1  }
0xa: {  	[smem:$0x3FA6] =	sst s2  }
0xb: {  	[smem:$0x3FA7] =	sst s3  }
0xc: {  	[smem:$0x3FA8] =	sst s4  }
0xd: {  	[smem:$0x3FA9] =	sst s5  }
0xe: {  	[smem:$0x3FAA] =	sst s6  }
0xf: {  	[smem:$0x3FAB] =	sst s7  }
0x10: {  	[smem:$0x3FAC] =	sst s8  }
0x11: {  	[smem:$0x3FAD] =	sst s9;
	s0 =	simm.s32 @!p0 $0x0  }
0x12: {  	s1 =	sld [smem:$0x3F93];
	s0 =	simm.s32 @p0 $0x1  }
0x13: {  	[smem:$0x3FAE] =	sst s0;
	s0 =	simm.s32 @!p1 $0x0  }
0x14: {  	s2 =	sld [smem:$0x3F92];
	s0 =	simm.s32 @p1 $0x1  }
0x15: {  	[smem:$0x3FAF] =	sst s0;
	s0 =	simm.s32 @!p2 $0x0  }
0x16: {  	s3 =	sld [smem:$0x3FDB];
	s0 =	simm.s32 @p2 $0x1  }
0x17: {  	s4 =	simm.s32 $0x1BF5;
	[smem:$0x3FB1] =	sst s0  }
0x18: {  	s0 =	sld [smem:$0x3F94];
	_ =	swait.ge [sflag:s4], $0x0  }
0x19: {  	s7 =	sld [smem:$0x3F95]  }
0x1a: {  	s8 =	sadd.s32 $0xFFFFE003, lr  }
0x1b: {  	s9 =	sadd.s32 $0xFFFFFEF7, lr;
	s5 =	simm.s32 $0xFFFFFFFF;
	p2 =	slt.u32 s8, $0xFFFFF086  }
0x1c: {  	p1 =	slt.u32 s9, $0xF7A;
	s5 =	simm.s32 @!p2 $0x0  }
0x1d: {  	s5 =	simm.s32 @p1 $0x1;
	p0 =	seq.s32 s7, s2  }
0x1e: {  	s7 =	smul.u32 @!p0 $0xF7A, s2;
	p2 =	seq.s32 @!p0 s5, $0x0  }
0x1f: {  	s9 =	smul.u32 $0xF7A, s1;
	s8 =	simm.s32 @!p0 $0x1BF5;
	p2 =	por !p2, p0  }
0x20: {  	[sflag:s8] =	ssyncset.s32 @!p0 $0xFFFFF086;
	s6 =	sadd.s32 @!p0 s3, s7;
	s7 =	simm.s32 @!p0 $0x108  }
0x21: {  	s3 =	sadd.s32 s3, s9;
	s6 =	sadd.s32 @!p0 $0x88, s6;
	s7 =	simm.s32 @p2 $0x1082  }
0x22: {  	[simem:s7], [sflag:s8] =	dma.local @!p0 [hbm:s6], $0xF7A  }
0x23: {  	s9 =	sor.u32 $0xD0000000, s2;
	s6 =	simm.s32 $0x108;
	_ =	swait.ge @!p0 [sflag:s8], $0x0  }
0x24: {  	s3 =	sadd.s32 $0x88, s3;
	s6 =	simm.s32 @!p1 $0x1082;
	[sflag:s4] =	ssyncset.s32 $0xFFFFF086  }
0x25: {  	[simem:s6], [sflag:s4] =	dma.local [hbm:s3], $0xF7A  }
0x26: {  	[smem:$0x3F95] =	sst s1;
	(tag) =	ssettag s2;
	_ =	strace s9  }
0x27: {  	s1 =	sld [smem:$0x3FA5]  }
0x28: {  	s2 =	sld [smem:$0x3FA6]  }
0x29: {  	s4 =	sld [smem:$0x3FA8]  }
0x2a: {  	p0 =	seq.s32 s5, $0x0;
	s5 =	sld [smem:$0x3FA9]  }
0x2b: {  	s6 =	sld [smem:$0x3FAA]  }
0x2c: {  	s7 =	sld [smem:$0x3FAB]  }
0x2d: {  	s3 =	simm.s32 $0x108;
	s8 =	sld [smem:$0x3FAC]  }
0x2e: {  	s3 =	simm.s32 @!p0 $0x1082;
	s9 =	sld [smem:$0x3FAD]  }
0x2f: {  	lr =	sadd.s32 s0, s3;
	s0 =	sld [smem:$0x3FA4]  }
0x30: {  	s3 =	sld [smem:$0x3FA7]  }
0x31: {  	[smem:$0x3FB0] =	sst s10  }
0x32: {  	s10 =	sld [smem:$0x3FAE];
	_ =	sdelay $0x3  }
0x33: {  	p0 =	seq.s32 s10, $0x1;
	s10 =	sld [smem:$0x3FB0];
	_ =	sdelay $0x3  }
0x34: {  	[smem:$0x3FB0] =	sst s10  }
0x35: {  	s10 =	sld [smem:$0x3FAF];
	_ =	sdelay $0x3  }
0x36: {  	p1 =	seq.s32 s10, $0x1;
	s10 =	sld [smem:$0x3FB0];
	_ =	sdelay $0x3  }
0x37: {  	[smem:$0x3FB0] =	sst s10  }
0x38: {  	s10 =	sld [smem:$0x3FB1]  }
0x39: {  	_ = 	snop;
	(pc) =	sbr.ind lr, $3  }
0x3a: {  	_ = 	snop  }
0x3b: {  	_ = 	snop  }
0x3c: {  	p2 =	seq.s32 s10, $0x1;
	s10 =	sld [smem:$0x3FB0]  }
0x3d: {  	_ =	shalt  }
0x3e: {  	_ =	shalt  }
0x3f: {  	_ =	shalt  }
0x40: {  	_ =	shalt  }
0x41: {  	_ =	shalt  }
0x42: {  	_ =	shalt  }
0x43: {  	_ =	shalt  }
0x44: {  	_ =	shalt  }
0x45: {  	_ =	shalt  }
0x46: {  	_ =	shalt  }
0x47: {  	_ =	shalt  }
0x48: {  	_ =	shalt  }
0x49: {  	_ =	shalt  }
0x4a: {  	_ =	shalt  }
0x4b: {  	_ =	shalt  }
0x4c: {  	_ =	shalt  }
0x4d: {  	_ =	shalt  }
0x4e: {  	_ =	shalt  }
0x4f: {  	_ =	shalt  }
0x50: {  	_ =	shalt  }
0x51: {  	_ =	shalt  }
0x52: {  	_ =	shalt  }
0x53: {  	_ =	shalt  }
0x54: {  	_ =	shalt  }
0x55: {  	_ =	shalt  }
0x56: {  	_ =	shalt  }
0x57: {  	_ =	shalt  }
0x58: {  	_ =	shalt  }
0x59: {  	_ =	shalt  }
0x5a: {  	_ =	shalt  }
0x5b: {  	_ =	shalt  }
0x5c: {  	_ =	shalt  }
0x5d: {  	_ =	shalt  }
0x5e: {  	_ =	shalt  }
0x5f: {  	_ =	shalt  }
0x60: {  	_ =	shalt  }
0x61: {  	_ =	shalt  }
0x62: {  	_ =	shalt  }
0x63: {  	_ =	shalt  }
0x64: {  	_ =	shalt  }
0x65: {  	_ =	shalt  }
0x66: {  	_ =	shalt  }
0x67: {  	_ =	shalt  }
0x68: {  	_ =	shalt  }
0x69: {  	_ =	shalt  }
0x6a: {  	_ =	shalt  }
0x6b: {  	_ =	shalt  }
0x6c: {  	_ =	shalt  }
0x6d: {  	_ =	shalt  }
0x6e: {  	_ =	shalt  }
0x6f: {  	_ =	shalt  }
0x70: {  	_ =	shalt  }
0x71: {  	_ =	shalt  }
0x72: {  	_ =	shalt  }
0x73: {  	_ =	shalt  }
0x74: {  	_ =	shalt  }
0x75: {  	_ =	shalt  }
0x76: {  	_ =	shalt  }
0x77: {  	_ =	shalt  }
0x78: {  	_ =	shalt  }
0x79: {  	_ =	shalt  }
0x7a: {  	_ =	shalt  }
0x7b: {  	_ =	shalt  }
0x7c: {  	_ =	shalt  }
0x7d: {  	_ =	shalt  }
0x7e: {  	_ =	shalt  }
0x7f: {  	_ =	shalt  }
0x80: {  	_ =	shalt  }
0x81: {  	_ =	shalt  }
0x82: {  	_ =	shalt  }
0x83: {  	_ =	shalt  }
0x84: {  	_ =	shalt  }
0x85: {  	_ =	shalt  }
0x86: {  	_ =	shalt  }
0x87: {  	_ =	shalt  }
.Lfunc_end0:
.L_simem_size_0:
called_computation.1_lowered:
.L_overlay_start_0:
0x88: {  	s2 =	sld [smem:$0x3FD9]  }
0x89: {  	s3 =	sld [smem:$0x3FFE];
	_ =	sdelay $0x1  }
0x8a: {  	s1 =	srdreg.scid  }
0x8b: {  	s0 =	sand.u32 $0x1, s1  }
0x8c: {  	s14 =	sshll.u32 s0, $0xA;
	s2 =	sadd.s32 s3, s2  }
0x8d: {  	s2 =	sadd.s32 s2, s14  }
0x8e: {  	[smem:$0x3FBC] =	sst s2  }
0x8f: {  	_ = 	snop  }
0x90: {  	s2 =	sld [smem:$0x3FD0];
	_ =	sdelay $0x2  }
0x91: {  	s15 =	simm.s32 $0xA;
	s4 =	simm.s32 $0x10  }
0x92: {  	[smem:s4], [sflag:s15] =	dma.local [hbm:s2], $0x1  }
0x93: {  	_ =	swait.eq [sflag:s15], $0x1  }
0x94: {  	[sflag:s15] =	ssyncset.done $0x0  }
0x95: {  	[sflag:s15] =	ssyncadd.s32 $0xFFFFFFFF  }
0x96: {  	s16 =	sld [smem:$0x11];
	(tm) =	ssettm $0x1  }
0x97: {  	s17 =	sld [smem:$0x3FFB];
	_ =	sdelay $0x3  }
0x98: {  	_ =	strace s17  }
0x99: {  	s3 =	sld [smem:$0x3FFC];
	_ =	sdelay $0x3  }
0x9a: {  	_ =	strace s3  }
0x9b: {  	s3 =	sld [smem:$0x3FFD];
	_ =	sdelay $0x3  }
0x9c: {  	_ =	strace s3  }
0x9d: {  	_ =	strace $0x8FFFFFFF  }
0x9e: {  	s18 =	sld [smem:$0x3FDB];
	_ =	sdelay $0x1  }
0x9f: {  	s19 =	simm.s32 $_scs_section_size  }
0xa0: {  	s5 =	simm.s32 $_size__tile_overlayer_lowered;
	s6 =	simm.s32 $_tile_overlayer_lowered  }
0xa1: {  	s22 =	simm.s32 $0x1BFF;
	s21 =	sshll.u32 s6, $0x1;
	s3 =	sadd.s32 s19, s18  }
0xa2: {  	s7 =	simm.s32 $0x0;
	s20 =	sshll.u32 s5, $0x1;
	s5 =	sadd.s32 s21, s3  }
0xa3: {  	[timem:s7], [sflag:s22] =	dma.local [hbm:s5], s20  }
0xa4: {  	_ =	swait.ge [sflag:s22], s20  }
0xa5: {  	s4 =	ssub.s32 $0x0, s20;
	[sflag:s22] =	ssyncset.done $0x0  }
0xa6: {  	[sflag:s22] =	ssyncadd.s32 s4;
	_ =	sdelay $0x1  }
0xa7: {  	s23 =	simm.s32 $0x1B8B  }
0xa8: {  	_ =	swait.ge [sflag:s23], $0x1  }
0xa9: {  	[sflag:s23] =	ssyncset.done $0x0  }
0xaa: {  	s25 =	simm.s32 $0x1B8E;
	s24 =	sld [smem:$0x3FFE];
	[sflag:s23] =	ssyncadd.s32 $0xFFFFFFFF  }
0xab: {  	s26 =	simm.s32 $execute0_lowered;
	[smem:$0x3FD2] =	sst s25  }
0xac: {  	s5 =	sshll.u32 s26, $0x1;
	_ =	strace $0x80000049;
	[dreg:$0x1] =	wrdreg $0xFFFFFFFF  }
0xad: {  	s28 =	simm.s32 $_size_execute0_lowered;
	s3 =	sadd.s32 s3, s5;
	[dreg:$0x0] =	wrdreg $0x0  }
0xae: {  	s5 =	sshll.u32 s28, $0x1;
	[dreg:$0x2] =	wrdreg s3  }
0xaf: {  	[dreg:$0x3] =	wrdreg s5  }
0xb0: {  	[dreg:$0x4] =	wrdreg $0xC0  }
0xb1: {  	_ =	task [dreg:s7], $0x5FFFF  }
0xb2: {  	[dreg:$0x1] =	wrdreg $0xFFFFFFFF  }
0xb3: {  	[dreg:$0x0] =	wrdreg $0x60  }
0xb4: {  	[dreg:$0x2] =	wrdreg s24  }
0xb5: {  	[dreg:$0x3] =	wrdreg s16  }
0xb6: {  	[dreg:$0x4] =	wrdreg $0xF3000  }
0xb7: {  	[dreg:$0x5] =	wrdreg $0x193000  }
0xb8: {  	[dreg:$0x6] =	wrdreg $0x9  }
0xb9: {  	_ =	task.clear_ibuf [dreg:s7], $0x7FFFF;
	_ =	strace $0x90000049  }
0xba: {  	s29 =	simm.s32 $0x9;
	_ =	strace $0x8000004B  }
0xbb: {  	_ =	swait.ge [sflag:s29], $0x1  }
0xbc: {  	[sflag:s29] =	ssyncadd.s32 $0xFFFFFFFF  }
0xbd: {  	_ =	strace $0x9000004B  }
0xbe: {  	_ =	sfence  }
0xbf: {  	s30 =	sld [smem:$0x0];
	_ =	sdelay $0x2  }
0xc0: {  	s31 =	sshll.u32 s1, $0xD;
	s1 =	sshrl.u32 s1, $0x2  }
0xc1: {  	s3 =	sand.u32 $0x4000, s31;
	s1 =	sadd.s32 s1, s30  }
0xc2: {  	s0 =	sor.u32 s3, s0;
	s1 =	sshll.u32 s1, $0x11  }
0xc3: {  	s0 =	sor.u32 s1, s0  }
0xc4: {  	s0 =	sadd.s32 $0x8F2B, s0  }
0xc5: {  	[sflag:s0] =	ssyncadd.remote.s32 $0x1  }
0xc6: {  	_ =	sfence.sel $0xFFFF  }
0xc7: {  	[dreg:$0x0] =	wrdreg $0xFFFFFFFF;
	(pc) =	sbr.abs _section_cstart, $3  }
0xc8: {  	[dreg:$0x1] =	wrdreg $0xFFFFFFFF  }
0xc9: {  	_ =	task.clear_ibuf [dreg:s7], $0x2FFFF;
	_ =	strace $0x9FFFFFFF  }
0xca: {  	(tm) =	ssettm $0x7FFFFFFF  }
0xcb: {  	_ =	shalt  }
tec
execute0_lowered:
.L_overlay_start_1:
0x0: {  	(tag) =	ssettag $0x1  }
0x1: {  	s0 =	rddreg [dreg:$0x0]  }
0x2: {  	s3 =	rddreg [dreg:$0x1]  }
0x3: {  	s1 =	rddreg [dreg:$0x2]  }
0x4: {  	s4 =	srdreg.scid;
	s2 =	rddreg [dreg:$0x3]  }
0x5: {  	s15 =	stileid.u32;
	s28 =	simm.s32 $0x1;
	s29 =	simm.s32 $0x2  }
0x6: {  	s30 =	simm.s32 $0x5000;
	s31 =	simm.s32 $0xAE00;
	s8 =	smul.u32 $0xA000, s15  }
0x7: {  	s5 =	sand.u32 $0x1, s4;
	s4 =	simm.s32 $0x0;
	s11 =	smul.u32 $0x280, s15  }
0x8: {  	s7 =	sadd.s32 $0xC000, s0;
	s16 =	sadd.s32 $0x1E00, s0;
	s19 =	smul.u32 $0x5100, s15  }
0x9: {  	s25 =	sshll.u32 s15, $0x6;
	s6 =	smul.u32 $0x2800, s5;
	[smem:$0x7FF] =	sst s4  }
0xa: {  	s5 =	ssub.s32 $0x2, s5;
	_ =	strace $0x8000004A;
	[dreg:$0x5] =	wrdreg s7  }
0xb: {  	s15 =	sor.u32 $0x1C07, s25;
	s25 =	simm.s32 $0xB180;
	[dreg:$0x6] =	wrdreg s16  }
0xc: {  	s13 =	sshrl.u32 s8, $0x3;
	s7 =	sadd.s32 $0xB7600, s0;
	s14 =	sshrl.u32 s11, $0x3  }
0xd: {  	s17 =	sshrl.u32 s5, $0x1;
	[dreg:$0x9] =	wrdreg s19;
	s20 =	sadd.s32 s8, s1  }
0xe: {  	s22 =	sadd.s32 s11, s2;
	s16 =	simm.s32 $0x2800;
	s8 =	simm.s32 $0xD300  }
0xf: {  	s19 =	simm.s32 $0xAF80;
	[dreg:$0xe] =	wrdreg s15;
	s10 =	sadd.s32 $0x5000, s6  }
0x10: {  	s13 =	sadd.s32 s13, s0;
	s6 =	sadd.s32 s11, s6;
	s14 =	sadd.s32 s14, s0  }
0x11: {  	s5 =	ssub.s32 s5, s17;
	s20 =	sshrl.u32 s20, $0x3;
	s26 =	sshrl.u32 s22, $0x3  }
0x12: {  	s22 =	simm.s32 $0x80;
	s11 =	simm.s32 $0xB200;
	s17 =	simm.s32 $0x6  }
0x13: {  	s9 =	sshrl.u32 s10, $0x3;
	s6 =	sshll.u32 s6, $0x3;
	s21 =	sadd.s32 $0x16C00, s13  }
0x14: {  	s23 =	sadd.s32 $0x16200, s14;
	s24 =	smax.u32 s5, $0x1;
	[dreg:$0x10] =	wrdreg s26  }
0x15: {  	s26 =	simm.s32 $0xB080;
	s13 =	simm.s32 $0x4;
	[dreg:$0xf] =	wrdreg s20  }
0x16: {  	s14 =	simm.s32 $0xB280;
	s12 =	sadd.s32 s9, s0;
	[dreg:$0xa] =	wrdreg s21  }
0x17: {  	s0 =	sadd.s32 s6, s0;
	s3 =	sadd.s32 s3, s9;
	[dreg:$0xb] =	wrdreg s23  }
0x18: {  	[dreg:$0xd] =	wrdreg s24;
	s21 =	simm.s32 $0x7;
	s23 =	simm.s32 $0xB100  }
0x19: {  	s24 =	simm.s32 $0xB000;
	s9 =	simm.s32 $0x3;
	s6 =	simm.s32 $0x0  }
0x1a: {  	[dreg:$0x7] =	wrdreg s3;
	s18 =	sadd.s32 $0xB6200, s12;
	s0 =	sadd.s32 $0x2AC00, s0  }
0x1b: {  	s3 =	simm.s32 $0xAE80;
	s12 =	simm.s32 $0xAF00;
	[dreg:$0x8] =	wrdreg s18  }
0x1c: {  	v0 =	vmov s10;
	[dreg:$0xc] =	wrdreg s0;
	s0 =	simm.s32 $0xB300;
	s18 =	simm.s32 $0x5  }
.LBB2_1:
0x1d: {  	[dreg:$0x11] =	wrdreg s6  }
0x1e: {  	s5 =	rddreg [dreg:$0x7]  }
0x1f: {  	[tilespmem:s4], [sflag:$0x7] =	stream.linear.gather [hbm4b:s5+s4], $0x2800, $0x38;
	[tilespmem:$0x19580] =	vst v63  }
0x20: {  	_ =	swait.ge [sflag:s21], $0x2800  }
0x21: {  	[sflag:s21] =	ssyncset.done $0x0  }
0x22: {  	s10 =	rddreg [dreg:$0x8];
	[sflag:s21] =	ssyncadd.s32 $0xFFFFD800  }
0x23: {  	[tilespmem:s16], [sflag:$0x7] =	stream.linear.gather [hbm4b:s10+s4], $0x2800, $0x38;
	[tilespmem:$0x19580] =	vst v63  }
0x24: {  	_ =	swait.ge [sflag:s21], $0x2800  }
0x25: {  	[sflag:s21] =	ssyncset.done $0x0  }
0x26: {  	s6 =	rddreg [dreg:$0xa];
	[sflag:s21] =	ssyncadd.s32 $0xFFFFD800  }
0x27: {  	[spmem:s20], [sflag:s15] =	dma.local [hbm:s6], $0x1400  }
0x28: {  	_ =	swait.ge [sflag:s21], $0x1400  }
0x29: {  	[sflag:s21] =	ssyncset.done $0x0;
	s10 =	rddreg [dreg:$0xb]  }
0x2a: {  	s20 =	rddreg [dreg:$0x10];
	[sflag:s21] =	ssyncadd.s32 $0xFFFFEC00  }
0x2b: {  	[spmem:s20], [sflag:s15] =	dma.local [hbm:s10], $0x50  }
0x2c: {  	_ =	swait.ge [sflag:s21], $0x50  }
0x2d: {  	[sflag:s21] =	ssyncset.done $0x0  }
0x2e: {  	[sflag:s21] =	ssyncadd.s32 $0xFFFFFFB0  }
0x2f: {  	s5 =	simm.s32 $0x0;
	[bflag:$0x0] =	sbarrier.arrive $0xFFFF  }
.LBB2_2:
0x30: {  	s6 =	smul.u32 $0x1B00, s5  }
0x31: {  	s10 =	rddreg [dreg:$0x9]  }
0x32: {  	s6 =	sadd.s32 s10, s6  }
0x33: {  	s15 =	rddreg [dreg:$0x5];
	s10 =	sshrl.u32 s6, $0x3  }
0x34: {  	s6 =	simm.s32 $0x0;
	s20 =	sadd.s32 s15, s10;
	s15 =	simm.s32 $0x7800  }
0x35: {  	[tilespmem:s15], [sflag:$0x7] =	stream.linear.gather [hbm4b:s20+s6], $0x1B00, $0x38;
	[tilespmem:$0x19580] =	vst v63  }
0x36: {  	_ =	swait.ge [sflag:s21], $0x1B00  }
0x37: {  	[sflag:s21] =	ssyncset.done $0x0;
	s20 =	rddreg [dreg:$0x6]  }
0x38: {  	[sflag:s21] =	ssyncadd.s32 $0xFFFFE500;
	s10 =	sadd.s32 s20, s10;
	s20 =	simm.s32 $0x9300  }
0x39: {  	[tilespmem:s20], [sflag:$0x7] =	stream.linear.gather [hbm4b:s10+s6], $0x1B00, $0x38;
	[tilespmem:$0x19580] =	vst v63  }
0x3a: {  	_ =	swait.ge [sflag:s21], $0x1B00  }
0x3b: {  	[sflag:s21] =	ssyncset.done $0x0  }
0x3c: {  	[sflag:s21] =	ssyncadd.s32 $0xFFFFE500  }
.LBB2_3:
0x3d: {  	s20 =	sshra.s32 s6, $0x2  }
0x3e: {  	v1 =	vld [tilespmem:s20+$0x7800]  }
0x3f: {  	v2 =	vld [tilespmem:s20+$0x9300];
	_ =	sdelay $0x6  }
0x40: {  	v1 =	vld.idx.msk [tilespmem:v1+s4+$0x0], $0xffff  }
0x41: {  	v3 =	vld.idx.msk [tilespmem:v2+s16+$0x0], $0xffff;
	_ =	sdelay $0x4  }
0x42: {  	v1 =	vadd.f32 v3, v1;
	_ =	sdelay $0x1  }
0x43: {  	v3 =	vmul.f32 $2.000000030e-01, v1;
	_ =	sdelay $0x1  }
0x44: {  	v1 =	vmax.f32 v1, v3  }
0x45: {  	v1 =	vmul.f32 $1.442695020e+00, v1;
	_ =	sdelay $0x1  }
0x46: {  	(erf) = vpow2.f32 v1;
	_ =	sdelay $0x8  }
0x47: {  	[tilespmem:$0xB100] =	vst v2;
	v1 =	vpop (erf)  }
0x48: {  	[tilespmem:$0xB000] =	vst v1  }
0x49: {  	v1 =	vld [tilespmem:s20+$0x7810]  }
0x4a: {  	v2 =	vld [tilespmem:s20+$0x9310];
	_ =	sdelay $0x6  }
0x4b: {  	v1 =	vld.idx.msk [tilespmem:v1+s4+$0x0], $0xffff  }
0x4c: {  	v3 =	vld.idx.msk [tilespmem:v2+s16+$0x0], $0xffff;
	_ =	sdelay $0x4  }
0x4d: {  	v1 =	vadd.f32 v3, v1;
	_ =	sdelay $0x1  }
0x4e: {  	v3 =	vmul.f32 $2.000000030e-01, v1;
	_ =	sdelay $0x1  }
0x4f: {  	v1 =	vmax.f32 v1, v3  }
0x50: {  	v1 =	vmul.f32 $1.442695020e+00, v1;
	_ =	sdelay $0x1  }
0x51: {  	(erf) = vpow2.f32 v1;
	_ =	sdelay $0x8  }
0x52: {  	[tilespmem:$0xB110] =	vst v2;
	v1 =	vpop (erf)  }
0x53: {  	[tilespmem:$0xB010] =	vst v1  }
0x54: {  	v1 =	vld [tilespmem:s20+$0x7820]  }
0x55: {  	v2 =	vld [tilespmem:s20+$0x9320];
	_ =	sdelay $0x6  }
0x56: {  	v1 =	vld.idx.msk [tilespmem:v1+s4+$0x0], $0xffff  }
0x57: {  	v3 =	vld.idx.msk [tilespmem:v2+s16+$0x0], $0xffff;
	_ =	sdelay $0x4  }
0x58: {  	v1 =	vadd.f32 v3, v1;
	_ =	sdelay $0x1  }
0x59: {  	v3 =	vmul.f32 $2.000000030e-01, v1;
	_ =	sdelay $0x1  }
0x5a: {  	v1 =	vmax.f32 v1, v3  }
0x5b: {  	v1 =	vmul.f32 $1.442695020e+00, v1;
	_ =	sdelay $0x1  }
0x5c: {  	(erf) = vpow2.f32 v1;
	_ =	sdelay $0x8  }
0x5d: {  	[tilespmem:$0xB120] =	vst v2;
	v1 =	vpop (erf)  }
0x5e: {  	[tilespmem:$0xB020] =	vst v1  }
0x5f: {  	v1 =	vld [tilespmem:s20+$0x7830]  }
0x60: {  	v2 =	vld [tilespmem:s20+$0x9330];
	_ =	sdelay $0x6  }
0x61: {  	v1 =	vld.idx.msk [tilespmem:v1+s4+$0x0], $0xffff  }
0x62: {  	v3 =	vld.idx.msk [tilespmem:v2+s16+$0x0], $0xffff;
	_ =	sdelay $0x4  }
0x63: {  	v1 =	vadd.f32 v3, v1;
	_ =	sdelay $0x1  }
0x64: {  	v3 =	vmul.f32 $2.000000030e-01, v1;
	_ =	sdelay $0x1  }
0x65: {  	v1 =	vmax.f32 v1, v3  }
0x66: {  	v1 =	vmul.f32 $1.442695020e+00, v1;
	_ =	sdelay $0x1  }
0x67: {  	(erf) = vpow2.f32 v1;
	_ =	sdelay $0x8  }
0x68: {  	[tilespmem:$0xB130] =	vst v2;
	v1 =	vpop (erf)  }
0x69: {  	[tilespmem:$0xB030] =	vst v1  }
0x6a: {  	v1 =	vld [tilespmem:s20+$0x7840]  }
0x6b: {  	v2 =	vld [tilespmem:s20+$0x9340];
	_ =	sdelay $0x6  }
0x6c: {  	v1 =	vld.idx.msk [tilespmem:v1+s4+$0x0], $0xffff  }
0x6d: {  	v3 =	vld.idx.msk [tilespmem:v2+s16+$0x0], $0xffff;
	_ =	sdelay $0x4  }
0x6e: {  	v1 =	vadd.f32 v3, v1;
	_ =	sdelay $0x1  }
0x6f: {  	v3 =	vmul.f32 $2.000000030e-01, v1;
	_ =	sdelay $0x1  }
0x70: {  	v1 =	vmax.f32 v1, v3  }
0x71: {  	v1 =	vmul.f32 $1.442695020e+00, v1;
	_ =	sdelay $0x1  }
0x72: {  	(erf) = vpow2.f32 v1;
	_ =	sdelay $0x8  }
0x73: {  	[tilespmem:$0xB140] =	vst v2;
	v1 =	vpop (erf)  }
0x74: {  	[tilespmem:$0xB040] =	vst v1  }
0x75: {  	v1 =	vld [tilespmem:s20+$0x7850]  }
0x76: {  	v2 =	vld [tilespmem:s20+$0x9350];
	_ =	sdelay $0x6  }
0x77: {  	v1 =	vld.idx.msk [tilespmem:v1+s4+$0x0], $0xffff  }
0x78: {  	v3 =	vld.idx.msk [tilespmem:v2+s16+$0x0], $0xffff;
	_ =	sdelay $0x4  }
0x79: {  	v1 =	vadd.f32 v3, v1;
	_ =	sdelay $0x1  }
0x7a: {  	v3 =	vmul.f32 $2.000000030e-01, v1;
	_ =	sdelay $0x1  }
0x7b: {  	v1 =	vmax.f32 v1, v3  }
0x7c: {  	v1 =	vmul.f32 $1.442695020e+00, v1;
	_ =	sdelay $0x1  }
0x7d: {  	(erf) = vpow2.f32 v1;
	_ =	sdelay $0x8  }
0x7e: {  	[tilespmem:$0xB150] =	vst v2;
	v1 =	vpop (erf)  }
0x7f: {  	[tilespmem:$0xB050] =	vst v1  }
0x80: {  	v1 =	vld [tilespmem:s20+$0x7860]  }
0x81: {  	v2 =	vld [tilespmem:s20+$0x9360];
	_ =	sdelay $0x6  }
0x82: {  	v1 =	vld.idx.msk [tilespmem:v1+s4+$0x0], $0xffff  }
0x83: {  	v3 =	vld.idx.msk [tilespmem:v2+s16+$0x0], $0xffff;
	_ =	sdelay $0x4  }
0x84: {  	v1 =	vadd.f32 v3, v1;
	_ =	sdelay $0x1  }
0x85: {  	v3 =	vmul.f32 $2.000000030e-01, v1;
	_ =	sdelay $0x1  }
0x86: {  	v1 =	vmax.f32 v1, v3  }
0x87: {  	v1 =	vmul.f32 $1.442695020e+00, v1;
	_ =	sdelay $0x1  }
0x88: {  	(erf) = vpow2.f32 v1;
	_ =	sdelay $0x8  }
0x89: {  	[tilespmem:$0xB160] =	vst v2;
	v1 =	vpop (erf)  }
0x8a: {  	[tilespmem:$0xB060] =	vst v1  }
0x8b: {  	v1 =	vld [tilespmem:s20+$0x7870]  }
0x8c: {  	v2 =	vld [tilespmem:s20+$0x9370];
	_ =	sdelay $0x6  }
0x8d: {  	v1 =	vld.idx.msk [tilespmem:v1+s4+$0x0], $0xffff  }
0x8e: {  	v3 =	vld.idx.msk [tilespmem:v2+s16+$0x0], $0xffff;
	_ =	sdelay $0x4  }
0x8f: {  	v1 =	vadd.f32 v3, v1;
	_ =	sdelay $0x1  }
0x90: {  	v3 =	vmul.f32 $2.000000030e-01, v1;
	_ =	sdelay $0x1  }
0x91: {  	v1 =	vmax.f32 v1, v3  }
0x92: {  	v1 =	vmul.f32 $1.442695020e+00, v1;
	_ =	sdelay $0x1  }
0x93: {  	(erf) = vpow2.f32 v1;
	_ =	sdelay $0x8  }
0x94: {  	[tilespmem:$0xB170] =	vst v2;
	v1 =	vpop (erf)  }
0x95: {  	[tilespmem:$0xB070] =	vst v1  }
0x96: {  	[spmem:s2] =	stream.indirect.scatter.add.f32 [tilespmem:s24], [sflag:$0x1], $0x1, s23, s22, $0xb8;
	[tilespmem:$0x19580] =	vst v63  }
0x97: {  	v1 =	vld [tilespmem:s20+$0x7880]  }
0x98: {  	v2 =	vld [tilespmem:s20+$0x9380];
	_ =	sdelay $0x6  }
0x99: {  	v1 =	vld.idx.msk [tilespmem:v1+s4+$0x0], $0xffff  }
0x9a: {  	v3 =	vld.idx.msk [tilespmem:v2+s16+$0x0], $0xffff;
	_ =	sdelay $0x4  }
0x9b: {  	v1 =	vadd.f32 v3, v1;
	_ =	sdelay $0x1  }
0x9c: {  	v3 =	vmul.f32 $2.000000030e-01, v1;
	_ =	sdelay $0x1  }
0x9d: {  	v1 =	vmax.f32 v1, v3  }
0x9e: {  	v1 =	vmul.f32 $1.442695020e+00, v1;
	_ =	sdelay $0x1  }
0x9f: {  	(erf) = vpow2.f32 v1;
	_ =	sdelay $0x8  }
0xa0: {  	[tilespmem:$0xB180] =	vst v2;
	v1 =	vpop (erf)  }
0xa1: {  	[tilespmem:$0xB080] =	vst v1  }
0xa2: {  	v1 =	vld [tilespmem:s20+$0x7890]  }
0xa3: {  	v2 =	vld [tilespmem:s20+$0x9390];
	_ =	sdelay $0x6  }
0xa4: {  	v1 =	vld.idx.msk [tilespmem:v1+s4+$0x0], $0xffff  }
0xa5: {  	v3 =	vld.idx.msk [tilespmem:v2+s16+$0x0], $0xffff;
	_ =	sdelay $0x4  }
0xa6: {  	v1 =	vadd.f32 v3, v1;
	_ =	sdelay $0x1  }
0xa7: {  	v3 =	vmul.f32 $2.000000030e-01, v1;
	_ =	sdelay $0x1  }
0xa8: {  	v1 =	vmax.f32 v1, v3  }
0xa9: {  	v1 =	vmul.f32 $1.442695020e+00, v1;
	_ =	sdelay $0x1  }
0xaa: {  	(erf) = vpow2.f32 v1;
	_ =	sdelay $0x8  }
0xab: {  	[tilespmem:$0xB190] =	vst v2;
	v1 =	vpop (erf)  }
0xac: {  	[tilespmem:$0xB090] =	vst v1  }
0xad: {  	v1 =	vld [tilespmem:s20+$0x78A0]  }
0xae: {  	v2 =	vld [tilespmem:s20+$0x93A0];
	_ =	sdelay $0x6  }
0xaf: {  	v1 =	vld.idx.msk [tilespmem:v1+s4+$0x0], $0xffff  }
0xb0: {  	v3 =	vld.idx.msk [tilespmem:v2+s16+$0x0], $0xffff;
	_ =	sdelay $0x4  }
0xb1: {  	v1 =	vadd.f32 v3, v1;
	_ =	sdelay $0x1  }
0xb2: {  	v3 =	vmul.f32 $2.000000030e-01, v1;
	_ =	sdelay $0x1  }
0xb3: {  	v1 =	vmax.f32 v1, v3  }
0xb4: {  	v1 =	vmul.f32 $1.442695020e+00, v1;
	_ =	sdelay $0x1  }
0xb5: {  	(erf) = vpow2.f32 v1;
	_ =	sdelay $0x8  }
0xb6: {  	[tilespmem:$0xB1A0] =	vst v2;
	v1 =	vpop (erf)  }
0xb7: {  	[tilespmem:$0xB0A0] =	vst v1  }
0xb8: {  	v1 =	vld [tilespmem:s20+$0x78B0]  }
0xb9: {  	v2 =	vld [tilespmem:s20+$0x93B0];
	_ =	sdelay $0x6  }
0xba: {  	v1 =	vld.idx.msk [tilespmem:v1+s4+$0x0], $0xffff  }
0xbb: {  	v3 =	vld.idx.msk [tilespmem:v2+s16+$0x0], $0xffff;
	_ =	sdelay $0x4  }
0xbc: {  	v1 =	vadd.f32 v3, v1;
	_ =	sdelay $0x1  }
0xbd: {  	v3 =	vmul.f32 $2.000000030e-01, v1;
	_ =	sdelay $0x1  }
0xbe: {  	v1 =	vmax.f32 v1, v3  }
0xbf: {  	v1 =	vmul.f32 $1.442695020e+00, v1;
	_ =	sdelay $0x1  }
0xc0: {  	(erf) = vpow2.f32 v1;
	_ =	sdelay $0x8  }
0xc1: {  	[tilespmem:$0xB1B0] =	vst v2;
	v1 =	vpop (erf)  }
0xc2: {  	[tilespmem:$0xB0B0] =	vst v1  }
0xc3: {  	v1 =	vld [tilespmem:s20+$0x78C0]  }
0xc4: {  	v2 =	vld [tilespmem:s20+$0x93C0];
	_ =	sdelay $0x6  }
0xc5: {  	v1 =	vld.idx.msk [tilespmem:v1+s4+$0x0], $0xffff  }
0xc6: {  	v3 =	vld.idx.msk [tilespmem:v2+s16+$0x0], $0xffff;
	_ =	sdelay $0x4  }
0xc7: {  	v1 =	vadd.f32 v3, v1;
	_ =	sdelay $0x1  }
0xc8: {  	v3 =	vmul.f32 $2.000000030e-01, v1;
	_ =	sdelay $0x1  }
0xc9: {  	v1 =	vmax.f32 v1, v3  }
0xca: {  	v1 =	vmul.f32 $1.442695020e+00, v1;
	_ =	sdelay $0x1  }
0xcb: {  	(erf) = vpow2.f32 v1;
	_ =	sdelay $0x8  }
0xcc: {  	[tilespmem:$0xB1C0] =	vst v2;
	v1 =	vpop (erf)  }
0xcd: {  	[tilespmem:$0xB0C0] =	vst v1  }
0xce: {  	v1 =	vld [tilespmem:s20+$0x78D0]  }
0xcf: {  	v2 =	vld [tilespmem:s20+$0x93D0];
	_ =	sdelay $0x6  }
0xd0: {  	v1 =	vld.idx.msk [tilespmem:v1+s4+$0x0], $0xffff  }
0xd1: {  	v3 =	vld.idx.msk [tilespmem:v2+s16+$0x0], $0xffff;
	_ =	sdelay $0x4  }
0xd2: {  	v1 =	vadd.f32 v3, v1;
	_ =	sdelay $0x1  }
0xd3: {  	v3 =	vmul.f32 $2.000000030e-01, v1;
	_ =	sdelay $0x1  }
0xd4: {  	v1 =	vmax.f32 v1, v3  }
0xd5: {  	v1 =	vmul.f32 $1.442695020e+00, v1;
	_ =	sdelay $0x1  }
0xd6: {  	(erf) = vpow2.f32 v1;
	_ =	sdelay $0x8  }
0xd7: {  	[tilespmem:$0xB1D0] =	vst v2;
	v1 =	vpop (erf)  }
0xd8: {  	[tilespmem:$0xB0D0] =	vst v1  }
0xd9: {  	v1 =	vld [tilespmem:s20+$0x78E0]  }
0xda: {  	v2 =	vld [tilespmem:s20+$0x93E0];
	_ =	sdelay $0x6  }
0xdb: {  	v1 =	vld.idx.msk [tilespmem:v1+s4+$0x0], $0xffff  }
0xdc: {  	v3 =	vld.idx.msk [tilespmem:v2+s16+$0x0], $0xffff;
	_ =	sdelay $0x4  }
0xdd: {  	v1 =	vadd.f32 v3, v1;
	_ =	sdelay $0x1  }
0xde: {  	v3 =	vmul.f32 $2.000000030e-01, v1;
	_ =	sdelay $0x1  }
0xdf: {  	v1 =	vmax.f32 v1, v3  }
0xe0: {  	v1 =	vmul.f32 $1.442695020e+00, v1;
	_ =	sdelay $0x1  }
0xe1: {  	(erf) = vpow2.f32 v1;
	_ =	sdelay $0x8  }
0xe2: {  	[tilespmem:$0xB1E0] =	vst v2;
	v1 =	vpop (erf)  }
0xe3: {  	[tilespmem:$0xB0E0] =	vst v1  }
0xe4: {  	v1 =	vld [tilespmem:s20+$0x78F0]  }
0xe5: {  	v2 =	vld [tilespmem:s20+$0x93F0];
	_ =	sdelay $0x6  }
0xe6: {  	v1 =	vld.idx.msk [tilespmem:v1+s4+$0x0], $0xffff  }
0xe7: {  	v3 =	vld.idx.msk [tilespmem:v2+s16+$0x0], $0xffff;
	_ =	sdelay $0x4  }
0xe8: {  	v1 =	vadd.f32 v3, v1;
	_ =	sdelay $0x1  }
0xe9: {  	v3 =	vmul.f32 $2.000000030e-01, v1;
	_ =	sdelay $0x1  }
0xea: {  	v1 =	vmax.f32 v1, v3  }
0xeb: {  	v1 =	vmul.f32 $1.442695020e+00, v1;
	_ =	sdelay $0x1  }
0xec: {  	(erf) = vpow2.f32 v1;
	_ =	sdelay $0x8  }
0xed: {  	[tilespmem:$0xB1F0] =	vst v2;
	v1 =	vpop (erf)  }
0xee: {  	[tilespmem:$0xB0F0] =	vst v1  }
0xef: {  	[spmem:s2] =	stream.indirect.scatter.add.f32 [tilespmem:s26], [sflag:$0x2], $0x1, s25, s22, $0xb8;
	[tilespmem:$0x19580] =	vst v63  }
0xf0: {  	p0 =	sne.s32 s6, $0x6800;
	_ =	swait.ge [sflag:s28], $0x80  }
.Ltmp0:
0xf1: {  	[sflag:s28] =	ssyncset.done $0x0;
	(pc) =	sbr.rel @p0 .LBB2_3-.Ltmp0, $4  }
0xf2: {  	[sflag:s28] =	ssyncadd.s32 $0xFFFFFF80  }
0xf3: {  	_ =	swait.ge [sflag:s29], $0x80  }
0xf4: {  	[sflag:s29] =	ssyncset.done $0x0  }
0xf5: {  	s6 =	sadd.s32 $0x400, s6;
	[sflag:s29] =	ssyncadd.s32 $0xFFFFFF80  }
0xf6: {  	s5 =	sadd.s32 $0x1, s5  }
0xf7: {  	p0 =	sne.s32 s5, $0x3  }
.Ltmp1:
0xf8: {  	_ = 	snop;
	(pc) =	sbr.rel @p0 .LBB2_2-.Ltmp1, $1  }
0xf9: {  	_ =	sdelay $0x3  }
0xfa: {  	[bflag:$0x0] =	sbarrier.arrive $0xFFFF  }
0xfb: {  	[tilespmem:s30], [sflag:$0x7] =	stream.linear.gather [spmem:s2], $0x2800, $0x38;
	[tilespmem:$0x19580] =	vst v63  }
0xfc: {  	_ =	swait.ge [sflag:s21], $0x2800  }
0xfd: {  	[sflag:s21] =	ssyncset.done $0x0  }
0xfe: {  	[sflag:s21] =	ssyncadd.s32 $0xFFFFD800;
	s21 =	simm.s32 $0x0  }
.LBB2_6:
0xff: {  	s5 =	smul.u32 $0x1B00, s21  }
0x100: {  	s6 =	rddreg [dreg:$0x9]  }
0x101: {  	s5 =	sadd.s32 s6, s5  }
0x102: {  	s15 =	rddreg [dreg:$0x5];
	s5 =	sshrl.u32 s5, $0x3  }
0x103: {  	s10 =	simm.s32 $0x7800;
	s6 =	sadd.s32 s15, s5;
	s15 =	simm.s32 $0x0  }
0x104: {  	[tilespmem:s10], [sflag:$0x7] =	stream.linear.gather [hbm4b:s6+s15], $0x1B00, $0x38;
	[tilespmem:$0x19580] =	vst v63  }
0x105: {  	s10 =	simm.s32 $0x7  }
0x106: {  	_ =	swait.ge [sflag:s10], $0x1B00  }
0x107: {  	[sflag:s10] =	ssyncset.done $0x0;
	s20 =	rddreg [dreg:$0x6]  }
0x108: {  	[sflag:s10] =	ssyncadd.s32 $0xFFFFE500;
	s5 =	sadd.s32 s20, s5;
	s20 =	simm.s32 $0x9300  }
0x109: {  	[tilespmem:s20], [sflag:$0x7] =	stream.linear.gather [hbm4b:s5+s15], $0x1B00, $0x38;
	[tilespmem:$0x19580] =	vst v63  }
0x10a: {  	_ =	swait.ge [sflag:s10], $0x1B00  }
0x10b: {  	[sflag:s10] =	ssyncset.done $0x0  }
0x10c: {  	s20 =	simm.s32 $0x0;
	[sflag:s10] =	ssyncadd.s32 $0xFFFFE500  }
.LBB2_7:
0x10d: {  	s6 =	sshll.u32 s20, $0x8  }
0x10e: {  	v1 =	vld [tilespmem:s6+$0x7800]  }
0x10f: {  	v2 =	vld [tilespmem:s6+$0x9300];
	_ =	sdelay $0x4  }
0x110: {  	v3 =	vadd.s32 v0, v1;
	[tilespmem:$0xAF00] =	vst v2  }
0x111: {  	s5 =	simm.s32 $0x0;
	[tilespmem:$0xAE00] =	vst v3  }
0x112: {  	v1 =	vld.idx.msk [tilespmem:v1+s5+$0x0], $0xffff  }
0x113: {  	v3 =	vld.idx.msk [tilespmem:v2+s16+$0x0], $0xffff;
	_ =	sdelay $0x4  }
0x114: {  	v1 =	vadd.f32 v3, v1  }
0x115: {  	v2 =	vld.idx.msk [tilespmem:v2+s30+$0x0], $0xffff  }
0x116: {  	v3 =	vmul.f32 $2.000000030e-01, v1;
	_ =	sdelay $0x1  }
0x117: {  	v1 =	vmax.f32 v1, v3  }
0x118: {  	v1 =	vmul.f32 $1.442695020e+00, v1  }
0x119: {  	v2 =	vadd.f32 $1.000000020e-16, v2  }
0x11a: {  	(erf) = vpow2.f32 v1  }
0x11b: {  	(erf) = vrcp.f32 v2;
	_ =	sdelay $0x7  }
0x11c: {  	v1 =	vpop (erf)  }
0x11d: {  	v2 =	vpop (erf)  }
0x11e: {  	v1 =	vmul.f32 v1, v2;
	_ =	sdelay $0x1  }
0x11f: {  	[tilespmem:$0xB200] =	vst v1  }
0x120: {  	v1 =	vld [tilespmem:s6+$0x7810]  }
0x121: {  	v2 =	vld [tilespmem:s6+$0x9310];
	_ =	sdelay $0x4  }
0x122: {  	v3 =	vadd.s32 v0, v1;
	[tilespmem:$0xAF10] =	vst v2  }
0x123: {  	[tilespmem:$0xAE10] =	vst v3  }
0x124: {  	v1 =	vld.idx.msk [tilespmem:v1+s5+$0x0], $0xffff  }
0x125: {  	v3 =	vld.idx.msk [tilespmem:v2+s16+$0x0], $0xffff;
	_ =	sdelay $0x4  }
0x126: {  	v1 =	vadd.f32 v3, v1  }
0x127: {  	v2 =	vld.idx.msk [tilespmem:v2+s30+$0x0], $0xffff  }
0x128: {  	v3 =	vmul.f32 $2.000000030e-01, v1;
	_ =	sdelay $0x1  }
0x129: {  	v1 =	vmax.f32 v1, v3  }
0x12a: {  	v1 =	vmul.f32 $1.442695020e+00, v1  }
0x12b: {  	v2 =	vadd.f32 $1.000000020e-16, v2  }
0x12c: {  	(erf) = vpow2.f32 v1  }
0x12d: {  	(erf) = vrcp.f32 v2;
	_ =	sdelay $0x7  }
0x12e: {  	v1 =	vpop (erf)  }
0x12f: {  	v2 =	vpop (erf)  }
0x130: {  	v1 =	vmul.f32 v1, v2;
	_ =	sdelay $0x1  }
0x131: {  	[tilespmem:$0xB210] =	vst v1  }
0x132: {  	v1 =	vld [tilespmem:s6+$0x7820]  }
0x133: {  	v2 =	vld [tilespmem:s6+$0x9320];
	_ =	sdelay $0x4  }
0x134: {  	v3 =	vadd.s32 v0, v1;
	[tilespmem:$0xAF20] =	vst v2  }
0x135: {  	[tilespmem:$0xAE20] =	vst v3  }
0x136: {  	v1 =	vld.idx.msk [tilespmem:v1+s5+$0x0], $0xffff  }
0x137: {  	v3 =	vld.idx.msk [tilespmem:v2+s16+$0x0], $0xffff;
	_ =	sdelay $0x4  }
0x138: {  	v1 =	vadd.f32 v3, v1  }
0x139: {  	v2 =	vld.idx.msk [tilespmem:v2+s30+$0x0], $0xffff  }
0x13a: {  	v3 =	vmul.f32 $2.000000030e-01, v1;
	_ =	sdelay $0x1  }
0x13b: {  	v1 =	vmax.f32 v1, v3  }
0x13c: {  	v1 =	vmul.f32 $1.442695020e+00, v1  }
0x13d: {  	v2 =	vadd.f32 $1.000000020e-16, v2  }
0x13e: {  	(erf) = vpow2.f32 v1  }
0x13f: {  	(erf) = vrcp.f32 v2;
	_ =	sdelay $0x7  }
0x140: {  	v1 =	vpop (erf)  }
0x141: {  	v2 =	vpop (erf)  }
0x142: {  	v1 =	vmul.f32 v1, v2;
	_ =	sdelay $0x1  }
0x143: {  	[tilespmem:$0xB220] =	vst v1  }
0x144: {  	v1 =	vld [tilespmem:s6+$0x7830]  }
0x145: {  	v2 =	vld [tilespmem:s6+$0x9330];
	_ =	sdelay $0x4  }
0x146: {  	v3 =	vadd.s32 v0, v1;
	[tilespmem:$0xAF30] =	vst v2  }
0x147: {  	[tilespmem:$0xAE30] =	vst v3  }
0x148: {  	v1 =	vld.idx.msk [tilespmem:v1+s5+$0x0], $0xffff  }
0x149: {  	v3 =	vld.idx.msk [tilespmem:v2+s16+$0x0], $0xffff;
	_ =	sdelay $0x4  }
0x14a: {  	v1 =	vadd.f32 v3, v1  }
0x14b: {  	v2 =	vld.idx.msk [tilespmem:v2+s30+$0x0], $0xffff  }
0x14c: {  	v3 =	vmul.f32 $2.000000030e-01, v1;
	_ =	sdelay $0x1  }
0x14d: {  	v1 =	vmax.f32 v1, v3  }
0x14e: {  	v1 =	vmul.f32 $1.442695020e+00, v1  }
0x14f: {  	v2 =	vadd.f32 $1.000000020e-16, v2  }
0x150: {  	(erf) = vpow2.f32 v1  }
0x151: {  	(erf) = vrcp.f32 v2;
	_ =	sdelay $0x7  }
0x152: {  	v1 =	vpop (erf)  }
0x153: {  	v2 =	vpop (erf)  }
0x154: {  	v1 =	vmul.f32 v1, v2;
	_ =	sdelay $0x1  }
0x155: {  	[tilespmem:$0xB230] =	vst v1  }
0x156: {  	v1 =	vld [tilespmem:s6+$0x7840]  }
0x157: {  	v2 =	vld [tilespmem:s6+$0x9340];
	_ =	sdelay $0x4  }
0x158: {  	v3 =	vadd.s32 v0, v1;
	[tilespmem:$0xAF40] =	vst v2  }
0x159: {  	[tilespmem:$0xAE40] =	vst v3  }
0x15a: {  	v1 =	vld.idx.msk [tilespmem:v1+s5+$0x0], $0xffff  }
0x15b: {  	v3 =	vld.idx.msk [tilespmem:v2+s16+$0x0], $0xffff;
	_ =	sdelay $0x4  }
0x15c: {  	v1 =	vadd.f32 v3, v1  }
0x15d: {  	v2 =	vld.idx.msk [tilespmem:v2+s30+$0x0], $0xffff  }
0x15e: {  	v3 =	vmul.f32 $2.000000030e-01, v1;
	_ =	sdelay $0x1  }
0x15f: {  	v1 =	vmax.f32 v1, v3  }
0x160: {  	v1 =	vmul.f32 $1.442695020e+00, v1  }
0x161: {  	v2 =	vadd.f32 $1.000000020e-16, v2  }
0x162: {  	(erf) = vpow2.f32 v1  }
0x163: {  	(erf) = vrcp.f32 v2;
	_ =	sdelay $0x7  }
0x164: {  	v1 =	vpop (erf)  }
0x165: {  	v2 =	vpop (erf)  }
0x166: {  	v1 =	vmul.f32 v1, v2;
	_ =	sdelay $0x1  }
0x167: {  	[tilespmem:$0xB240] =	vst v1  }
0x168: {  	v1 =	vld [tilespmem:s6+$0x7850]  }
0x169: {  	v2 =	vld [tilespmem:s6+$0x9350];
	_ =	sdelay $0x4  }
0x16a: {  	v3 =	vadd.s32 v0, v1;
	[tilespmem:$0xAF50] =	vst v2  }
0x16b: {  	[tilespmem:$0xAE50] =	vst v3  }
0x16c: {  	v1 =	vld.idx.msk [tilespmem:v1+s5+$0x0], $0xffff  }
0x16d: {  	v3 =	vld.idx.msk [tilespmem:v2+s16+$0x0], $0xffff;
	_ =	sdelay $0x4  }
0x16e: {  	v1 =	vadd.f32 v3, v1  }
0x16f: {  	v2 =	vld.idx.msk [tilespmem:v2+s30+$0x0], $0xffff  }
0x170: {  	v3 =	vmul.f32 $2.000000030e-01, v1;
	_ =	sdelay $0x1  }
0x171: {  	v1 =	vmax.f32 v1, v3  }
0x172: {  	v1 =	vmul.f32 $1.442695020e+00, v1  }
0x173: {  	v2 =	vadd.f32 $1.000000020e-16, v2  }
0x174: {  	(erf) = vpow2.f32 v1  }
0x175: {  	(erf) = vrcp.f32 v2;
	_ =	sdelay $0x7  }
0x176: {  	v1 =	vpop (erf)  }
0x177: {  	v2 =	vpop (erf)  }
0x178: {  	v1 =	vmul.f32 v1, v2;
	_ =	sdelay $0x1  }
0x179: {  	[tilespmem:$0xB250] =	vst v1  }
0x17a: {  	v1 =	vld [tilespmem:s6+$0x7860]  }
0x17b: {  	v2 =	vld [tilespmem:s6+$0x9360];
	_ =	sdelay $0x4  }
0x17c: {  	v3 =	vadd.s32 v0, v1;
	[tilespmem:$0xAF60] =	vst v2  }
0x17d: {  	[tilespmem:$0xAE60] =	vst v3  }
0x17e: {  	v1 =	vld.idx.msk [tilespmem:v1+s5+$0x0], $0xffff  }
0x17f: {  	v3 =	vld.idx.msk [tilespmem:v2+s16+$0x0], $0xffff;
	_ =	sdelay $0x4  }
0x180: {  	v1 =	vadd.f32 v3, v1  }
0x181: {  	v2 =	vld.idx.msk [tilespmem:v2+s30+$0x0], $0xffff  }
0x182: {  	v3 =	vmul.f32 $2.000000030e-01, v1;
	_ =	sdelay $0x1  }
0x183: {  	v1 =	vmax.f32 v1, v3  }
0x184: {  	v1 =	vmul.f32 $1.442695020e+00, v1  }
0x185: {  	v2 =	vadd.f32 $1.000000020e-16, v2  }
0x186: {  	(erf) = vpow2.f32 v1  }
0x187: {  	(erf) = vrcp.f32 v2;
	_ =	sdelay $0x7  }
0x188: {  	v1 =	vpop (erf)  }
0x189: {  	v2 =	vpop (erf)  }
0x18a: {  	v1 =	vmul.f32 v1, v2;
	_ =	sdelay $0x1  }
0x18b: {  	[tilespmem:$0xB260] =	vst v1  }
0x18c: {  	v1 =	vld [tilespmem:s6+$0x7870]  }
0x18d: {  	v2 =	vld [tilespmem:s6+$0x9370];
	_ =	sdelay $0x4  }
0x18e: {  	v3 =	vadd.s32 v0, v1;
	[tilespmem:$0xAF70] =	vst v2  }
0x18f: {  	[tilespmem:$0xAE70] =	vst v3  }
0x190: {  	v1 =	vld.idx.msk [tilespmem:v1+s5+$0x0], $0xffff  }
0x191: {  	v3 =	vld.idx.msk [tilespmem:v2+s16+$0x0], $0xffff;
	_ =	sdelay $0x4  }
0x192: {  	v1 =	vadd.f32 v3, v1  }
0x193: {  	v2 =	vld.idx.msk [tilespmem:v2+s30+$0x0], $0xffff  }
0x194: {  	v3 =	vmul.f32 $2.000000030e-01, v1;
	_ =	sdelay $0x1  }
0x195: {  	v1 =	vmax.f32 v1, v3  }
0x196: {  	v1 =	vmul.f32 $1.442695020e+00, v1  }
0x197: {  	v2 =	vadd.f32 $1.000000020e-16, v2  }
0x198: {  	(erf) = vpow2.f32 v1  }
0x199: {  	(erf) = vrcp.f32 v2;
	_ =	sdelay $0x7  }
0x19a: {  	v1 =	vpop (erf)  }
0x19b: {  	v2 =	vpop (erf)  }
0x19c: {  	v1 =	vmul.f32 v1, v2;
	_ =	sdelay $0x1  }
0x19d: {  	[tilespmem:$0xB270] =	vst v1  }
0x19e: {  	[tilespmem:s0], [sflag:$0x3] =	stream.indirect.gather [hbm4b:s7+s22], $0x40, s31, s22, $0xb8;
	[tilespmem:$0x19580] =	vst v63  }
0x19f: {  	v1 =	vld [tilespmem:s6+$0x7880]  }
0x1a0: {  	v2 =	vld [tilespmem:s6+$0x9380];
	_ =	sdelay $0x4  }
0x1a1: {  	v3 =	vadd.s32 v0, v1;
	[tilespmem:$0xAF80] =	vst v2  }
0x1a2: {  	[tilespmem:$0xAE80] =	vst v3  }
0x1a3: {  	v1 =	vld.idx.msk [tilespmem:v1+s5+$0x0], $0xffff  }
0x1a4: {  	v3 =	vld.idx.msk [tilespmem:v2+s16+$0x0], $0xffff;
	_ =	sdelay $0x4  }
0x1a5: {  	v1 =	vadd.f32 v3, v1  }
0x1a6: {  	v2 =	vld.idx.msk [tilespmem:v2+s30+$0x0], $0xffff  }
0x1a7: {  	v3 =	vmul.f32 $2.000000030e-01, v1;
	_ =	sdelay $0x1  }
0x1a8: {  	v1 =	vmax.f32 v1, v3  }
0x1a9: {  	v1 =	vmul.f32 $1.442695020e+00, v1  }
0x1aa: {  	v2 =	vadd.f32 $1.000000020e-16, v2  }
0x1ab: {  	(erf) = vpow2.f32 v1  }
0x1ac: {  	(erf) = vrcp.f32 v2;
	_ =	sdelay $0x7  }
0x1ad: {  	v1 =	vpop (erf)  }
0x1ae: {  	v2 =	vpop (erf)  }
0x1af: {  	v1 =	vmul.f32 v1, v2;
	_ =	sdelay $0x1  }
0x1b0: {  	[tilespmem:$0xB280] =	vst v1  }
0x1b1: {  	v1 =	vld [tilespmem:s6+$0x7890]  }
0x1b2: {  	v2 =	vld [tilespmem:s6+$0x9390];
	_ =	sdelay $0x4  }
0x1b3: {  	v3 =	vadd.s32 v0, v1;
	[tilespmem:$0xAF90] =	vst v2  }
0x1b4: {  	[tilespmem:$0xAE90] =	vst v3  }
0x1b5: {  	v1 =	vld.idx.msk [tilespmem:v1+s5+$0x0], $0xffff  }
0x1b6: {  	v3 =	vld.idx.msk [tilespmem:v2+s16+$0x0], $0xffff;
	_ =	sdelay $0x4  }
0x1b7: {  	v1 =	vadd.f32 v3, v1  }
0x1b8: {  	v2 =	vld.idx.msk [tilespmem:v2+s30+$0x0], $0xffff  }
0x1b9: {  	v3 =	vmul.f32 $2.000000030e-01, v1;
	_ =	sdelay $0x1  }
0x1ba: {  	v1 =	vmax.f32 v1, v3  }
0x1bb: {  	v1 =	vmul.f32 $1.442695020e+00, v1  }
0x1bc: {  	v2 =	vadd.f32 $1.000000020e-16, v2  }
0x1bd: {  	(erf) = vpow2.f32 v1  }
0x1be: {  	(erf) = vrcp.f32 v2;
	_ =	sdelay $0x7  }
0x1bf: {  	v1 =	vpop (erf)  }
0x1c0: {  	v2 =	vpop (erf)  }
0x1c1: {  	v1 =	vmul.f32 v1, v2;
	_ =	sdelay $0x1  }
0x1c2: {  	[tilespmem:$0xB290] =	vst v1  }
0x1c3: {  	v1 =	vld [tilespmem:s6+$0x78A0]  }
0x1c4: {  	v2 =	vld [tilespmem:s6+$0x93A0];
	_ =	sdelay $0x4  }
0x1c5: {  	v3 =	vadd.s32 v0, v1;
	[tilespmem:$0xAFA0] =	vst v2  }
0x1c6: {  	[tilespmem:$0xAEA0] =	vst v3  }
0x1c7: {  	v1 =	vld.idx.msk [tilespmem:v1+s5+$0x0], $0xffff  }
0x1c8: {  	v3 =	vld.idx.msk [tilespmem:v2+s16+$0x0], $0xffff;
	_ =	sdelay $0x4  }
0x1c9: {  	v1 =	vadd.f32 v3, v1  }
0x1ca: {  	v2 =	vld.idx.msk [tilespmem:v2+s30+$0x0], $0xffff  }
0x1cb: {  	v3 =	vmul.f32 $2.000000030e-01, v1;
	_ =	sdelay $0x1  }
0x1cc: {  	v1 =	vmax.f32 v1, v3  }
0x1cd: {  	v1 =	vmul.f32 $1.442695020e+00, v1  }
0x1ce: {  	v2 =	vadd.f32 $1.000000020e-16, v2  }
0x1cf: {  	(erf) = vpow2.f32 v1  }
0x1d0: {  	(erf) = vrcp.f32 v2;
	_ =	sdelay $0x7  }
0x1d1: {  	v1 =	vpop (erf)  }
0x1d2: {  	v2 =	vpop (erf)  }
0x1d3: {  	v1 =	vmul.f32 v1, v2;
	_ =	sdelay $0x1  }
0x1d4: {  	[tilespmem:$0xB2A0] =	vst v1  }
0x1d5: {  	v1 =	vld [tilespmem:s6+$0x78B0]  }
0x1d6: {  	v2 =	vld [tilespmem:s6+$0x93B0];
	_ =	sdelay $0x4  }
0x1d7: {  	v3 =	vadd.s32 v0, v1;
	[tilespmem:$0xAFB0] =	vst v2  }
0x1d8: {  	[tilespmem:$0xAEB0] =	vst v3  }
0x1d9: {  	v1 =	vld.idx.msk [tilespmem:v1+s5+$0x0], $0xffff  }
0x1da: {  	v3 =	vld.idx.msk [tilespmem:v2+s16+$0x0], $0xffff;
	_ =	sdelay $0x4  }
0x1db: {  	v1 =	vadd.f32 v3, v1  }
0x1dc: {  	v2 =	vld.idx.msk [tilespmem:v2+s30+$0x0], $0xffff  }
0x1dd: {  	v3 =	vmul.f32 $2.000000030e-01, v1;
	_ =	sdelay $0x1  }
0x1de: {  	v1 =	vmax.f32 v1, v3  }
0x1df: {  	v1 =	vmul.f32 $1.442695020e+00, v1  }
0x1e0: {  	v2 =	vadd.f32 $1.000000020e-16, v2  }
0x1e1: {  	(erf) = vpow2.f32 v1  }
0x1e2: {  	(erf) = vrcp.f32 v2;
	_ =	sdelay $0x7  }
0x1e3: {  	v1 =	vpop (erf)  }
0x1e4: {  	v2 =	vpop (erf)  }
0x1e5: {  	v1 =	vmul.f32 v1, v2;
	_ =	sdelay $0x1  }
0x1e6: {  	[tilespmem:$0xB2B0] =	vst v1  }
0x1e7: {  	v1 =	vld [tilespmem:s6+$0x78C0]  }
0x1e8: {  	v2 =	vld [tilespmem:s6+$0x93C0];
	_ =	sdelay $0x4  }
0x1e9: {  	v3 =	vadd.s32 v0, v1;
	[tilespmem:$0xAFC0] =	vst v2  }
0x1ea: {  	[tilespmem:$0xAEC0] =	vst v3  }
0x1eb: {  	v1 =	vld.idx.msk [tilespmem:v1+s5+$0x0], $0xffff  }
0x1ec: {  	v3 =	vld.idx.msk [tilespmem:v2+s16+$0x0], $0xffff;
	_ =	sdelay $0x4  }
0x1ed: {  	v1 =	vadd.f32 v3, v1  }
0x1ee: {  	v2 =	vld.idx.msk [tilespmem:v2+s30+$0x0], $0xffff  }
0x1ef: {  	v3 =	vmul.f32 $2.000000030e-01, v1;
	_ =	sdelay $0x1  }
0x1f0: {  	v1 =	vmax.f32 v1, v3  }
0x1f1: {  	v1 =	vmul.f32 $1.442695020e+00, v1  }
0x1f2: {  	v2 =	vadd.f32 $1.000000020e-16, v2  }
0x1f3: {  	(erf) = vpow2.f32 v1  }
0x1f4: {  	(erf) = vrcp.f32 v2;
	_ =	sdelay $0x7  }
0x1f5: {  	v1 =	vpop (erf)  }
0x1f6: {  	v2 =	vpop (erf)  }
0x1f7: {  	v1 =	vmul.f32 v1, v2;
	_ =	sdelay $0x1  }
0x1f8: {  	[tilespmem:$0xB2C0] =	vst v1  }
0x1f9: {  	v1 =	vld [tilespmem:s6+$0x78D0]  }
0x1fa: {  	v2 =	vld [tilespmem:s6+$0x93D0];
	_ =	sdelay $0x4  }
0x1fb: {  	v3 =	vadd.s32 v0, v1;
	[tilespmem:$0xAFD0] =	vst v2  }
0x1fc: {  	[tilespmem:$0xAED0] =	vst v3  }
0x1fd: {  	v1 =	vld.idx.msk [tilespmem:v1+s5+$0x0], $0xffff  }
0x1fe: {  	v3 =	vld.idx.msk [tilespmem:v2+s16+$0x0], $0xffff;
	_ =	sdelay $0x4  }
0x1ff: {  	v1 =	vadd.f32 v3, v1  }
0x200: {  	v2 =	vld.idx.msk [tilespmem:v2+s30+$0x0], $0xffff  }
0x201: {  	v3 =	vmul.f32 $2.000000030e-01, v1;
	_ =	sdelay $0x1  }
0x202: {  	v1 =	vmax.f32 v1, v3  }
0x203: {  	v1 =	vmul.f32 $1.442695020e+00, v1  }
0x204: {  	v2 =	vadd.f32 $1.000000020e-16, v2  }
0x205: {  	(erf) = vpow2.f32 v1  }
0x206: {  	(erf) = vrcp.f32 v2;
	_ =	sdelay $0x7  }
0x207: {  	v1 =	vpop (erf)  }
0x208: {  	v2 =	vpop (erf)  }
0x209: {  	v1 =	vmul.f32 v1, v2;
	_ =	sdelay $0x1  }
0x20a: {  	[tilespmem:$0xB2D0] =	vst v1  }
0x20b: {  	v1 =	vld [tilespmem:s6+$0x78E0]  }
0x20c: {  	v2 =	vld [tilespmem:s6+$0x93E0];
	_ =	sdelay $0x4  }
0x20d: {  	v3 =	vadd.s32 v0, v1;
	[tilespmem:$0xAFE0] =	vst v2  }
0x20e: {  	[tilespmem:$0xAEE0] =	vst v3  }
0x20f: {  	v1 =	vld.idx.msk [tilespmem:v1+s5+$0x0], $0xffff  }
0x210: {  	v3 =	vld.idx.msk [tilespmem:v2+s16+$0x0], $0xffff;
	_ =	sdelay $0x4  }
0x211: {  	v1 =	vadd.f32 v3, v1  }
0x212: {  	v2 =	vld.idx.msk [tilespmem:v2+s30+$0x0], $0xffff  }
0x213: {  	v3 =	vmul.f32 $2.000000030e-01, v1;
	_ =	sdelay $0x1  }
0x214: {  	v1 =	vmax.f32 v1, v3  }
0x215: {  	v1 =	vmul.f32 $1.442695020e+00, v1  }
0x216: {  	v2 =	vadd.f32 $1.000000020e-16, v2  }
0x217: {  	(erf) = vpow2.f32 v1  }
0x218: {  	(erf) = vrcp.f32 v2;
	_ =	sdelay $0x7  }
0x219: {  	v1 =	vpop (erf)  }
0x21a: {  	v2 =	vpop (erf)  }
0x21b: {  	v1 =	vmul.f32 v1, v2;
	_ =	sdelay $0x1  }
0x21c: {  	[tilespmem:$0xB2E0] =	vst v1  }
0x21d: {  	v1 =	vld [tilespmem:s6+$0x78F0]  }
0x21e: {  	v2 =	vld [tilespmem:s6+$0x93F0];
	_ =	sdelay $0x4  }
0x21f: {  	v3 =	vadd.s32 v0, v1;
	[tilespmem:$0xAFF0] =	vst v2  }
0x220: {  	[tilespmem:$0xAEF0] =	vst v3  }
0x221: {  	v1 =	vld.idx.msk [tilespmem:v1+s5+$0x0], $0xffff  }
0x222: {  	v3 =	vld.idx.msk [tilespmem:v2+s16+$0x0], $0xffff;
	_ =	sdelay $0x4  }
0x223: {  	v1 =	vadd.f32 v3, v1  }
0x224: {  	v2 =	vld.idx.msk [tilespmem:v2+s30+$0x0], $0xffff  }
0x225: {  	v3 =	vmul.f32 $2.000000030e-01, v1;
	_ =	sdelay $0x1  }
0x226: {  	v1 =	vmax.f32 v1, v3  }
0x227: {  	v1 =	vmul.f32 $1.442695020e+00, v1  }
0x228: {  	v2 =	vadd.f32 $1.000000020e-16, v2  }
0x229: {  	(erf) = vpow2.f32 v1  }
0x22a: {  	(erf) = vrcp.f32 v2;
	_ =	sdelay $0x7  }
0x22b: {  	v1 =	vpop (erf)  }
0x22c: {  	v2 =	vpop (erf)  }
0x22d: {  	v1 =	vmul.f32 v1, v2;
	_ =	sdelay $0x1  }
0x22e: {  	[tilespmem:$0xB2F0] =	vst v1  }
0x22f: {  	[tilespmem:s8], [sflag:$0x4] =	stream.indirect.gather [hbm4b:s7+s22], $0x40, s3, s22, $0xb8;
	[tilespmem:$0x19580] =	vst v63  }
0x230: {  	v1 =	vmov s5;
	_ =	swait.ge [sflag:s9], $0x2000  }
0x231: {  	[sflag:s9] =	ssyncset.done $0x0  }
0x232: {  	s5 =	simm.s32 $0xB320;
	[sflag:s9] =	ssyncadd.s32 $0xFFFFE000  }
0x233: {  	v3 =	vld [tilespmem:s5+$0xFFFFFFF0]  }
0x234: {  	v4 =	vld [tilespmem:s5+$0x10]  }
0x235: {  	v6 =	vld.idx.msk [tilespmem:v1+s11+$0x0], $0xffff  }
0x236: {  	v1 =	vld [tilespmem:s5+$0xFFFFFFE0]  }
0x237: {  	v7 =	vld [tilespmem:s5+$0x0];
	_ =	sdelay $0x3  }
0x238: {  	s10 =	simm.s32 $0x1;
	v2 =	vmul.f32 v1, v6;
	v5 =	vmul.f32 v4, v6  }
0x239: {  	s6 =	simm.s32 $0x2;
	v1 =	vmov s10;
	v4 =	vmul.f32 v3, v6;
	v3 =	vmul.f32 v7, v6;
	s10 =	simm.s32 $0xB320  }
.LBB2_8:
0x23a: {  	p0 =	sne.s32 s6, $0x7F  }
0x23b: {  	[tilespmem:s5+$0x10] =	vst v5;
	s10 =	sadd.s32 $0x40, s10;
	s15 =	smov.u32 s6;
	s6 =	sadd.s32 $0x1, s6  }
0x23c: {  	[tilespmem:s5+$0xFFFFFFE0] =	vst v2  }
0x23d: {  	v6 =	vld [tilespmem:s10+$0xFFFFFFF0];
	[tilespmem:s5+$0xFFFFFFF0] =	vst v4  }
0x23e: {  	v4 =	vld [tilespmem:s10+$0x10];
	[tilespmem:s5+$0x0] =	vst v3;
	s5 =	smov.u32 s10  }
0x23f: {  	v3 =	vld.idx.msk [tilespmem:v1+s11+$0x0], $0xffff  }
0x240: {  	v1 =	vld [tilespmem:s10+$0xFFFFFFE0]  }
0x241: {  	v7 =	vld [tilespmem:s10+$0x0]  }
.Ltmp2:
0x242: {  	(pc) =	sbr.rel @p0 .LBB2_8-.Ltmp2, $3  }
0x243: {  	_ =	sdelay $0x1  }
0x244: {  	v5 =	vmul.f32 v4, v3;
	v2 =	vmul.f32 v1, v3  }
0x245: {  	v4 =	vmul.f32 v6, v3;
	v1 =	vmov s15;
	v3 =	vmul.f32 v7, v3  }
0x246: {  	[tilespmem:s5+$0x10] =	vst v5  }
0x247: {  	s6 =	sadd.s32 $0x40, s10;
	[tilespmem:s5+$0xFFFFFFE0] =	vst v2  }
0x248: {  	v2 =	vld [tilespmem:s6+$0xFFFFFFF0];
	[tilespmem:s5+$0xFFFFFFF0] =	vst v4  }
0x249: {  	v4 =	vld [tilespmem:s6+$0x10];
	[tilespmem:s5+$0x0] =	vst v3  }
0x24a: {  	v1 =	vld.idx.msk [tilespmem:v1+s11+$0x0], $0xffff  }
0x24b: {  	v3 =	vld [tilespmem:s6+$0xFFFFFFE0];
	_ =	sdelay $0x1  }
0x24c: {  	v5 =	vld [tilespmem:s6+$0x0];
	_ =	sdelay $0x1  }
0x24d: {  	v4 =	vmul.f32 v4, v1  }
0x24e: {  	v3 =	vmul.f32 v3, v1  }
0x24f: {  	v2 =	vmul.f32 v2, v1;
	[tilespmem:s6+$0x10] =	vst v4  }
0x250: {  	v1 =	vmul.f32 v5, v1;
	[tilespmem:s6+$0xFFFFFFE0] =	vst v3  }
0x251: {  	[tilespmem:s6+$0xFFFFFFF0] =	vst v2  }
0x252: {  	s10 =	simm.s32 $0x0;
	[tilespmem:s6+$0x0] =	vst v1  }
0x253: {  	[spmem:s1] =	stream.indirect.scatter.add.f32 [tilespmem:s0], [sflag:$0x5], $0x40, s12, s22, $0xb8;
	[tilespmem:$0x19580] =	vst v63  }
0x254: {  	v1 =	vmov s10;
	_ =	swait.ge [sflag:s13], $0x2000  }
0x255: {  	[sflag:s13] =	ssyncset.done $0x0  }
0x256: {  	s5 =	simm.s32 $0xD320;
	[sflag:s13] =	ssyncadd.s32 $0xFFFFE000  }
0x257: {  	v3 =	vld [tilespmem:s5+$0xFFFFFFF0]  }
0x258: {  	v4 =	vld [tilespmem:s5+$0x10]  }
0x259: {  	v6 =	vld.idx.msk [tilespmem:v1+s14+$0x0], $0xffff  }
0x25a: {  	v1 =	vld [tilespmem:s5+$0xFFFFFFE0]  }
0x25b: {  	v7 =	vld [tilespmem:s5+$0x0];
	_ =	sdelay $0x3  }
0x25c: {  	s15 =	simm.s32 $0x1;
	v2 =	vmul.f32 v1, v6;
	v5 =	vmul.f32 v4, v6  }
0x25d: {  	s6 =	simm.s32 $0x2;
	s10 =	simm.s32 $0xD320;
	v1 =	vmov s15;
	v4 =	vmul.f32 v3, v6;
	v3 =	vmul.f32 v7, v6  }
.LBB2_10:
0x25e: {  	p0 =	sne.s32 s6, $0x7F  }
0x25f: {  	[tilespmem:s5+$0x10] =	vst v5;
	s10 =	sadd.s32 $0x40, s10;
	s15 =	smov.u32 s6;
	s6 =	sadd.s32 $0x1, s6  }
0x260: {  	[tilespmem:s5+$0xFFFFFFE0] =	vst v2  }
0x261: {  	v6 =	vld [tilespmem:s10+$0xFFFFFFF0];
	[tilespmem:s5+$0xFFFFFFF0] =	vst v4  }
0x262: {  	v4 =	vld [tilespmem:s10+$0x10];
	[tilespmem:s5+$0x0] =	vst v3;
	s5 =	smov.u32 s10  }
0x263: {  	v3 =	vld.idx.msk [tilespmem:v1+s14+$0x0], $0xffff  }
0x264: {  	v1 =	vld [tilespmem:s10+$0xFFFFFFE0]  }
0x265: {  	v7 =	vld [tilespmem:s10+$0x0]  }
.Ltmp3:
0x266: {  	(pc) =	sbr.rel @p0 .LBB2_10-.Ltmp3, $3  }
0x267: {  	_ =	sdelay $0x1  }
0x268: {  	v5 =	vmul.f32 v4, v3;
	v2 =	vmul.f32 v1, v3  }
0x269: {  	v4 =	vmul.f32 v6, v3;
	v1 =	vmov s15;
	v3 =	vmul.f32 v7, v3  }
0x26a: {  	[tilespmem:s5+$0x10] =	vst v5  }
0x26b: {  	s6 =	sadd.s32 $0x40, s10;
	[tilespmem:s5+$0xFFFFFFE0] =	vst v2  }
0x26c: {  	v2 =	vld [tilespmem:s6+$0xFFFFFFF0];
	[tilespmem:s5+$0xFFFFFFF0] =	vst v4  }
0x26d: {  	v4 =	vld [tilespmem:s6+$0x10];
	[tilespmem:s5+$0x0] =	vst v3  }
0x26e: {  	v1 =	vld.idx.msk [tilespmem:v1+s14+$0x0], $0xffff  }
0x26f: {  	v3 =	vld [tilespmem:s6+$0xFFFFFFE0];
	_ =	sdelay $0x1  }
0x270: {  	v5 =	vld [tilespmem:s6+$0x0];
	_ =	sdelay $0x1  }
0x271: {  	v4 =	vmul.f32 v4, v1  }
0x272: {  	v3 =	vmul.f32 v3, v1  }
0x273: {  	v2 =	vmul.f32 v2, v1;
	[tilespmem:s6+$0x10] =	vst v4  }
0x274: {  	v1 =	vmul.f32 v5, v1;
	[tilespmem:s6+$0xFFFFFFE0] =	vst v3  }
0x275: {  	[tilespmem:s6+$0xFFFFFFF0] =	vst v2  }
0x276: {  	s20 =	sadd.s32 $0x1, s20;
	[tilespmem:s6+$0x0] =	vst v1  }
0x277: {  	[spmem:s1] =	stream.indirect.scatter.add.f32 [tilespmem:s8], [sflag:$0x6], $0x40, s19, s22, $0xb8;
	[tilespmem:$0x19580] =	vst v63  }
0x278: {  	p0 =	sne.s32 s20, $0x1B;
	_ =	swait.ge [sflag:s18], $0x2000  }
.Ltmp4:
0x279: {  	[sflag:s18] =	ssyncset.done $0x0;
	(pc) =	sbr.rel @p0 .LBB2_7-.Ltmp4, $4  }
0x27a: {  	[sflag:s18] =	ssyncadd.s32 $0xFFFFE000  }
0x27b: {  	_ =	swait.ge [sflag:s17], $0x2000  }
0x27c: {  	[sflag:s17] =	ssyncset.done $0x0  }
0x27d: {  	[sflag:s17] =	ssyncadd.s32 $0xFFFFE000  }
0x27e: {  	s21 =	sadd.s32 $0x1, s21  }
0x27f: {  	p0 =	sne.s32 s21, $0x3  }
.Ltmp5:
0x280: {  	_ = 	snop;
	(pc) =	sbr.rel @p0 .LBB2_6-.Ltmp5, $1  }
0x281: {  	_ =	sdelay $0x3  }
0x282: {  	[bflag:$0x0] =	sbarrier.arrive $0xFFFF  }
0x283: {  	s5 =	rddreg [dreg:$0xc]  }
0x284: {  	s15 =	rddreg [dreg:$0xe]  }
0x285: {  	s21 =	simm.s32 $0x7;
	s20 =	rddreg [dreg:$0xf]  }
0x286: {  	[hbm:s5], [sflag:s15] =	dma.local [spmem:s20], $0x1400  }
0x287: {  	_ =	swait.ge [sflag:s21], $0x1400  }
0x288: {  	s6 =	rddreg [dreg:$0x11]  }
0x289: {  	s10 =	rddreg [dreg:$0xd];
	s6 =	sadd.s32 $0x1, s6  }
0x28a: {  	p0 =	sne.s32 s6, s10  }
.Ltmp6:
0x28b: {  	_ = 	snop;
	(pc) =	sbr.rel @p0 .LBB2_1-.Ltmp6, $3  }
0x28c: {  	_ =	sdelay $0x1  }
0x28d: {  	[sflag:s21] =	ssyncset.done $0x0  }
0x28e: {  	[sflag:s21] =	ssyncadd.s32 $0xFFFFEC00  }
0x28f: {  	_ =	sfence.sel $0x180000  }
0x290: {  	[bflag:$0x0] =	sbarrier.arrive $0xFFFF  }
0x291: {  	_ =	strace $0x9000004A  }
0x292: {  	s0 =	stileid.u32;
	[bflag:$0x2] =	sbarrier.arrive $0xFFFF  }
0x293: {  	p0 =	sne.s32 s0, $0x0;
	s0 =	rddreg [dreg:$0x4]  }
0x294: {  	s0 =	sadd.s32 @!p0 $0x100000, s0  }
0x295: {  	[sflag:s0] =	ssyncadd.tile.s32 @!p0 $0x1;
	_ =	shalt  }
.Lfunc_end2:
_tile_overlayer_lowered:
.L_overlay_start_2:
0x296: {  	(tag) =	ssettag $0x2  }
0x297: {  	s0 =	rddreg [dreg:$0x0];
	s2 =	stileid.u32  }
0x298: {  	s1 =	rddreg [dreg:$0x1];
	p0 =	sne.s32 s2, $0x0  }
0x299: {  	s3 =	rddreg [dreg:$0x2];
	[bflag:$0x3] =	sbarrier.arrive $0xFFFF;
	s2 =	simm.s32 @!p0 $0x1C07  }
0x29a: {  	[timem:s3], [sflag:s2] =	dma.local @!p0 [hbm:s0], s1  }
0x29b: {  	s0 =	simm.s32 @!p0 $0x7  }
0x29c: {  	_ =	swait.ge @!p0 [sflag:s0], s1  }
0x29d: {  	s1 =	ssub.s32 @!p0 $0x0, s1;
	[sflag:s0] =	ssyncset.done @!p0 $0x0  }
0x29e: {  	[sflag:s0] =	ssyncadd.s32 @!p0 s1  }
0x29f: {  	[bflag:$0x3] =	sbarrier.arrive $0xFFFF  }
0x2a0: {  	_ =	shalt  }

// kernel: kernel.14.cloned.1.call-start
scs
__scs_entry_jumppad:
0x0: {  	(pc) =	sbr.rel $0x88, $3  }
0x1: {  	(tag) =	ssettag $0x0;
	lr =	simm.s32 $0x1  }
0x2: {  	[smem:$0x3F95] =	sst lr;
	_ =	strace $0xD0000000  }
0x3: {  	_ = 	snop  }
0x4: {  	_ = 	snop  }
0x5: {  	_ = 	snop  }
0x6: {  	_ = 	snop  }
0x7: {  	_ = 	snop  }
__scs_overlays_trampoline_lowered:
0x8: {  	[smem:$0x3FA4] =	sst s0  }
0x9: {  	[smem:$0x3FA5] =	sst s1  }
0xa: {  	[smem:$0x3FA6] =	sst s2  }
0xb: {  	[smem:$0x3FA7] =	sst s3  }
0xc: {  	[smem:$0x3FA8] =	sst s4  }
0xd: {  	[smem:$0x3FA9] =	sst s5  }
0xe: {  	[smem:$0x3FAA] =	sst s6  }
0xf: {  	[smem:$0x3FAB] =	sst s7  }
0x10: {  	[smem:$0x3FAC] =	sst s8  }
0x11: {  	[smem:$0x3FAD] =	sst s9;
	s0 =	simm.s32 @!p0 $0x0  }
0x12: {  	s1 =	sld [smem:$0x3F93];
	s0 =	simm.s32 @p0 $0x1  }
0x13: {  	[smem:$0x3FAE] =	sst s0;
	s0 =	simm.s32 @!p1 $0x0  }
0x14: {  	s2 =	sld [smem:$0x3F92];
	s0 =	simm.s32 @p1 $0x1  }
0x15: {  	[smem:$0x3FAF] =	sst s0;
	s0 =	simm.s32 @!p2 $0x0  }
0x16: {  	s3 =	sld [smem:$0x3FDB];
	s0 =	simm.s32 @p2 $0x1  }
0x17: {  	s4 =	simm.s32 $0x1BF5;
	[smem:$0x3FB1] =	sst s0  }
0x18: {  	s0 =	sld [smem:$0x3F94];
	_ =	swait.ge [sflag:s4], $0x0  }
0x19: {  	s7 =	sld [smem:$0x3F95]  }
0x1a: {  	s8 =	sadd.s32 $0xFFFFE003, lr  }
0x1b: {  	s9 =	sadd.s32 $0xFFFFFEF7, lr;
	s5 =	simm.s32 $0xFFFFFFFF;
	p2 =	slt.u32 s8, $0xFFFFF086  }
0x1c: {  	p1 =	slt.u32 s9, $0xF7A;
	s5 =	simm.s32 @!p2 $0x0  }
0x1d: {  	s5 =	simm.s32 @p1 $0x1;
	p0 =	seq.s32 s7, s2  }
0x1e: {  	s7 =	smul.u32 @!p0 $0xF7A, s2;
	p2 =	seq.s32 @!p0 s5, $0x0  }
0x1f: {  	s9 =	smul.u32 $0xF7A, s1;
	s8 =	simm.s32 @!p0 $0x1BF5;
	p2 =	por !p2, p0  }
0x20: {  	[sflag:s8] =	ssyncset.s32 @!p0 $0xFFFFF086;
	s6 =	sadd.s32 @!p0 s3, s7;
	s7 =	simm.s32 @!p0 $0x108  }
0x21: {  	s3 =	sadd.s32 s3, s9;
	s6 =	sadd.s32 @!p0 $0x88, s6;
	s7 =	simm.s32 @p2 $0x1082  }
0x22: {  	[simem:s7], [sflag:s8] =	dma.local @!p0 [hbm:s6], $0xF7A  }
0x23: {  	s9 =	sor.u32 $0xD0000000, s2;
	s6 =	simm.s32 $0x108;
	_ =	swait.ge @!p0 [sflag:s8], $0x0  }
0x24: {  	s3 =	sadd.s32 $0x88, s3;
	s6 =	simm.s32 @!p1 $0x1082;
	[sflag:s4] =	ssyncset.s32 $0xFFFFF086  }
0x25: {  	[simem:s6], [sflag:s4] =	dma.local [hbm:s3], $0xF7A  }
0x26: {  	[smem:$0x3F95] =	sst s1;
	(tag) =	ssettag s2;
	_ =	strace s9  }
0x27: {  	s1 =	sld [smem:$0x3FA5]  }
0x28: {  	s2 =	sld [smem:$0x3FA6]  }
0x29: {  	s4 =	sld [smem:$0x3FA8]  }
0x2a: {  	p0 =	seq.s32 s5, $0x0;
	s5 =	sld [smem:$0x3FA9]  }
0x2b: {  	s6 =	sld [smem:$0x3FAA]  }
0x2c: {  	s7 =	sld [smem:$0x3FAB]  }
0x2d: {  	s3 =	simm.s32 $0x108;
	s8 =	sld [smem:$0x3FAC]  }
0x2e: {  	s3 =	simm.s32 @!p0 $0x1082;
	s9 =	sld [smem:$0x3FAD]  }
0x2f: {  	lr =	sadd.s32 s0, s3;
	s0 =	sld [smem:$0x3FA4]  }
0x30: {  	s3 =	sld [smem:$0x3FA7]  }
0x31: {  	[smem:$0x3FB0] =	sst s10  }
0x32: {  	s10 =	sld [smem:$0x3FAE];
	_ =	sdelay $0x3  }
0x33: {  	p0 =	seq.s32 s10, $0x1;
	s10 =	sld [smem:$0x3FB0];
	_ =	sdelay $0x3  }
0x34: {  	[smem:$0x3FB0] =	sst s10  }
0x35: {  	s10 =	sld [smem:$0x3FAF];
	_ =	sdelay $0x3  }
0x36: {  	p1 =	seq.s32 s10, $0x1;
	s10 =	sld [smem:$0x3FB0];
	_ =	sdelay $0x3  }
0x37: {  	[smem:$0x3FB0] =	sst s10  }
0x38: {  	s10 =	sld [smem:$0x3FB1]  }
0x39: {  	_ = 	snop;
	(pc) =	sbr.ind lr, $3  }
0x3a: {  	_ = 	snop  }
0x3b: {  	_ = 	snop  }
0x3c: {  	p2 =	seq.s32 s10, $0x1;
	s10 =	sld [smem:$0x3FB0]  }
0x3d: {  	_ =	shalt  }
0x3e: {  	_ =	shalt  }
0x3f: {  	_ =	shalt  }
0x40: {  	_ =	shalt  }
0x41: {  	_ =	shalt  }
0x42: {  	_ =	shalt  }
0x43: {  	_ =	shalt  }
0x44: {  	_ =	shalt  }
0x45: {  	_ =	shalt  }
0x46: {  	_ =	shalt  }
0x47: {  	_ =	shalt  }
0x48: {  	_ =	shalt  }
0x49: {  	_ =	shalt  }
0x4a: {  	_ =	shalt  }
0x4b: {  	_ =	shalt  }
0x4c: {  	_ =	shalt  }
0x4d: {  	_ =	shalt  }
0x4e: {  	_ =	shalt  }
0x4f: {  	_ =	shalt  }
0x50: {  	_ =	shalt  }
0x51: {  	_ =	shalt  }
0x52: {  	_ =	shalt  }
0x53: {  	_ =	shalt  }
0x54: {  	_ =	shalt  }
0x55: {  	_ =	shalt  }
0x56: {  	_ =	shalt  }
0x57: {  	_ =	shalt  }
0x58: {  	_ =	shalt  }
0x59: {  	_ =	shalt  }
0x5a: {  	_ =	shalt  }
0x5b: {  	_ =	shalt  }
0x5c: {  	_ =	shalt  }
0x5d: {  	_ =	shalt  }
0x5e: {  	_ =	shalt  }
0x5f: {  	_ =	shalt  }
0x60: {  	_ =	shalt  }
0x61: {  	_ =	shalt  }
0x62: {  	_ =	shalt  }
0x63: {  	_ =	shalt  }
0x64: {  	_ =	shalt  }
0x65: {  	_ =	shalt  }
0x66: {  	_ =	shalt  }
0x67: {  	_ =	shalt  }
0x68: {  	_ =	shalt  }
0x69: {  	_ =	shalt  }
0x6a: {  	_ =	shalt  }
0x6b: {  	_ =	shalt  }
0x6c: {  	_ =	shalt  }
0x6d: {  	_ =	shalt  }
0x6e: {  	_ =	shalt  }
0x6f: {  	_ =	shalt  }
0x70: {  	_ =	shalt  }
0x71: {  	_ =	shalt  }
0x72: {  	_ =	shalt  }
0x73: {  	_ =	shalt  }
0x74: {  	_ =	shalt  }
0x75: {  	_ =	shalt  }
0x76: {  	_ =	shalt  }
0x77: {  	_ =	shalt  }
0x78: {  	_ =	shalt  }
0x79: {  	_ =	shalt  }
0x7a: {  	_ =	shalt  }
0x7b: {  	_ =	shalt  }
0x7c: {  	_ =	shalt  }
0x7d: {  	_ =	shalt  }
0x7e: {  	_ =	shalt  }
0x7f: {  	_ =	shalt  }
0x80: {  	_ =	shalt  }
0x81: {  	_ =	shalt  }
0x82: {  	_ =	shalt  }
0x83: {  	_ =	shalt  }
0x84: {  	_ =	shalt  }
0x85: {  	_ =	shalt  }
0x86: {  	_ =	shalt  }
0x87: {  	_ =	shalt  }
.Lfunc_end0:
.L_simem_size_0:
called_computation.2_lowered:
.L_overlay_start_0:
0x88: {  	s2 =	sld [smem:$0x3FD9]  }
0x89: {  	s3 =	sld [smem:$0x3FFE];
	_ =	sdelay $0x1  }
0x8a: {  	s1 =	srdreg.scid  }
0x8b: {  	s0 =	sand.u32 $0x1, s1  }
0x8c: {  	s14 =	sshll.u32 s0, $0xA;
	s2 =	sadd.s32 s3, s2  }
0x8d: {  	s2 =	sadd.s32 s2, s14  }
0x8e: {  	[smem:$0x3FBC] =	sst s2  }
0x8f: {  	_ = 	snop  }
0x90: {  	s2 =	sld [smem:$0x3FD0];
	_ =	sdelay $0x2  }
0x91: {  	s15 =	simm.s32 $0xA;
	s4 =	simm.s32 $0x10  }
0x92: {  	[smem:s4], [sflag:s15] =	dma.local [hbm:s2], $0x1  }
0x93: {  	_ =	swait.eq [sflag:s15], $0x1  }
0x94: {  	[sflag:s15] =	ssyncset.done $0x0  }
0x95: {  	s16 =	sld [smem:$0x10];
	[sflag:s15] =	ssyncadd.s32 $0xFFFFFFFF  }
0x96: {  	s17 =	sld [smem:$0x11];
	(tm) =	ssettm $0x1  }
0x97: {  	s18 =	sld [smem:$0x3FFB];
	_ =	sdelay $0x3  }
0x98: {  	_ =	strace s18  }
0x99: {  	s4 =	sld [smem:$0x3FFC];
	_ =	sdelay $0x3  }
0x9a: {  	_ =	strace s4  }
0x9b: {  	s4 =	sld [smem:$0x3FFD];
	_ =	sdelay $0x3  }
0x9c: {  	_ =	strace s4  }
0x9d: {  	_ =	strace $0x8FFFFFFF  }
0x9e: {  	s19 =	sld [smem:$0x3FDB];
	_ =	sdelay $0x1  }
0x9f: {  	s5 =	simm.s32 $_scs_section_size  }
0xa0: {  	s6 =	simm.s32 $_size__tile_overlayer_lowered;
	s7 =	simm.s32 $_tile_overlayer_lowered  }
0xa1: {  	s22 =	simm.s32 $0x1BFF;
	s21 =	sshll.u32 s7, $0x1;
	s4 =	sadd.s32 s5, s19  }
0xa2: {  	s8 =	simm.s32 $0x0;
	s20 =	sshll.u32 s6, $0x1;
	s6 =	sadd.s32 s21, s4  }
0xa3: {  	[timem:s8], [sflag:s22] =	dma.local [hbm:s6], s20  }
0xa4: {  	_ =	swait.ge [sflag:s22], s20  }
0xa5: {  	s5 =	ssub.s32 $0x0, s20;
	[sflag:s22] =	ssyncset.done $0x0  }
0xa6: {  	[sflag:s22] =	ssyncadd.s32 s5;
	_ =	sdelay $0x1  }
0xa7: {  	s23 =	simm.s32 $0x1B8B  }
0xa8: {  	_ =	swait.ge [sflag:s23], $0x1  }
0xa9: {  	[sflag:s23] =	ssyncset.done $0x0  }
0xaa: {  	s25 =	simm.s32 $0x1B8E;
	s24 =	sld [smem:$0x3FFE];
	[sflag:s23] =	ssyncadd.s32 $0xFFFFFFFF  }
0xab: {  	s26 =	simm.s32 $execute0_lowered;
	[smem:$0x3FD2] =	sst s25  }
0xac: {  	s6 =	sshll.u32 s26, $0x1;
	_ =	strace $0x8000004C;
	[dreg:$0x1] =	wrdreg $0xFFFFFFFF  }
0xad: {  	s28 =	simm.s32 $_size_execute0_lowered;
	s4 =	sadd.s32 s4, s6;
	[dreg:$0x0] =	wrdreg $0x0  }
0xae: {  	s6 =	sshll.u32 s28, $0x1;
	[dreg:$0x2] =	wrdreg s4  }
0xaf: {  	[dreg:$0x3] =	wrdreg s6  }
0xb0: {  	[dreg:$0x4] =	wrdreg $0xC0  }
0xb1: {  	_ =	task [dreg:s8], $0x5FFFF  }
0xb2: {  	[dreg:$0x1] =	wrdreg $0xFFFFFFFF  }
0xb3: {  	[dreg:$0x0] =	wrdreg $0x60  }
0xb4: {  	[dreg:$0x2] =	wrdreg s24  }
0xb5: {  	[dreg:$0x3] =	wrdreg s16  }
0xb6: {  	[dreg:$0x4] =	wrdreg s17  }
0xb7: {  	[dreg:$0x5] =	wrdreg $0x106900  }
0xb8: {  	[dreg:$0x6] =	wrdreg $0x109100  }
0xb9: {  	[dreg:$0x7] =	wrdreg $0x9  }
0xba: {  	_ =	task.clear_ibuf [dreg:s8], $0x8FFFF;
	_ =	strace $0x9000004C  }
0xbb: {  	s29 =	simm.s32 $0x9;
	_ =	strace $0x8000004E  }
0xbc: {  	_ =	swait.ge [sflag:s29], $0x1  }
0xbd: {  	[sflag:s29] =	ssyncadd.s32 $0xFFFFFFFF  }
0xbe: {  	_ =	strace $0x9000004E  }
0xbf: {  	_ =	sfence  }
0xc0: {  	s30 =	sld [smem:$0x0];
	_ =	sdelay $0x2  }
0xc1: {  	s31 =	sshll.u32 s1, $0xD;
	s1 =	sshrl.u32 s1, $0x2  }
0xc2: {  	s3 =	sand.u32 $0x4000, s31;
	s1 =	sadd.s32 s1, s30  }
0xc3: {  	s0 =	sor.u32 s3, s0;
	s1 =	sshll.u32 s1, $0x11  }
0xc4: {  	s0 =	sor.u32 s1, s0  }
0xc5: {  	s0 =	sadd.s32 $0x8F2B, s0  }
0xc6: {  	[sflag:s0] =	ssyncadd.remote.s32 $0x1  }
0xc7: {  	_ =	sfence.sel $0xFFFF  }
0xc8: {  	[dreg:$0x0] =	wrdreg $0xFFFFFFFF;
	(pc) =	sbr.abs _section_cstart, $3  }
0xc9: {  	[dreg:$0x1] =	wrdreg $0xFFFFFFFF  }
0xca: {  	_ =	task.clear_ibuf [dreg:s8], $0x2FFFF;
	_ =	strace $0x9FFFFFFF  }
0xcb: {  	(tm) =	ssettm $0x7FFFFFFF  }
tec
execute0_lowered:
.L_overlay_start_1:
0x0: {  	(tag) =	ssettag $0x1  }
0x1: {  	s1 =	srdreg.scid  }
0x2: {  	s3 =	rddreg [dreg:$0x0];
	s1 =	sand.u32 $0x1, s1  }
0x3: {  	s5 =	rddreg [dreg:$0x1];
	p0 =	seq.s32 s1, $0x1  }
.Ltmp0:
0x4: {  	s4 =	rddreg [dreg:$0x2];
	(pc) =	sbr.rel @p0 .LBB2_14-.Ltmp0, $4  }
0x5: {  	s9 =	rddreg [dreg:$0x3]  }
0x6: {  	s2 =	rddreg [dreg:$0x4];
	s10 =	simm.s32 $0x0  }
0x7: {  	[smem:$0x7FF] =	sst s10  }
0x8: {  	s0 =	rddreg [dreg:$0x5];
	_ =	strace $0x8000004D;
	s1 =	stileid.u32  }
0x9: {  	s6 =	sadd.s32 $0x16C00, s3;
	s11 =	simm.s32 $0x1  }
0xa: {  	[tilespmem:s10], [sflag:$0x1] =	stream.linear.gather [hbm4b:s6+s10], $0x2800, $0x38;
	[tilespmem:$0x10E10] =	vst v63  }
0xb: {  	_ =	swait.ge [sflag:s11], $0x2800  }
0xc: {  	[sflag:s11] =	ssyncset.done $0x0  }
0xd: {  	s12 =	simm.s32 $0x2800;
	[sflag:s11] =	ssyncadd.s32 $0xFFFFD800  }
0xe: {  	[tilespmem:s12], [sflag:$0x1] =	stream.linear.gather [hbm4b:s5+s10], $0x2800, $0x38;
	[tilespmem:$0x10E10] =	vst v63  }
0xf: {  	_ =	swait.ge [sflag:s11], $0x2800  }
0x10: {  	[sflag:s11] =	ssyncset.done $0x0  }
0x11: {  	s24 =	simm.s32 $0x5000;
	s25 =	smul.u32 $0x280, s1;
	[sflag:s11] =	ssyncadd.s32 $0xFFFFD800  }
0x12: {  	[tilespmem:s24], [sflag:$0x1] =	stream.linear.gather [hbm4b:s4+s10], $0x5000, $0x38;
	[tilespmem:$0x10E10] =	vst v63  }
0x13: {  	s26 =	sadd.s32 $0x16200, s3;
	s28 =	sadd.s32 $0x52C00, s3;
	_ =	swait.ge [sflag:s11], $0x5000  }
0x14: {  	s8 =	simm.s32 $0x10680;
	s29 =	smul.u32 $0x500, s1;
	[sflag:s11] =	ssyncset.done $0x0  }
0x15: {  	s30 =	sshll.u32 s1, $0x6;
	s14 =	simm.s32 $0xE300;
	[sflag:s11] =	ssyncadd.s32 $0xFFFFB000  }
0x16: {  	[tilespmem:s8], [sflag:$0x1] =	stream.linear.gather [hbm4b:s28+s10], $0x10, $0x38;
	[tilespmem:$0x10E10] =	vst v63  }
0x17: {  	s15 =	simm.s32 $0x80;
	s7 =	sshrl.u32 s25, $0x3;
	_ =	swait.ge [sflag:s11], $0x10  }
0x18: {  	s7 =	sadd.s32 s26, s7;
	s4 =	sadd.s32 s25, s9;
	[sflag:s11] =	ssyncset.done $0x0  }
0x19: {  	s4 =	sshrl.u32 s4, $0x3;
	s8 =	sor.u32 $0x1C01, s30;
	[sflag:s11] =	ssyncadd.s32 $0xFFFFFFF0  }
0x1a: {  	[spmem:s4], [sflag:s8] =	dma.local [hbm:s7], $0x50  }
0x1b: {  	s16 =	simm.s32 $0xFE80;
	s17 =	simm.s32 $0xFE00;
	_ =	swait.ge [sflag:s11], $0x50  }
0x1c: {  	s13 =	sshrl.u32 s29, $0x3;
	s4 =	sadd.s32 s29, s2;
	[sflag:s11] =	ssyncset.done $0x0  }
0x1d: {  	s5 =	sadd.s32 s26, s13;
	s6 =	sshrl.u32 s4, $0x3;
	[sflag:s11] =	ssyncadd.s32 $0xFFFFFFB0  }
0x1e: {  	[spmem:s6], [sflag:s8] =	dma.local [hbm:s5], $0xA0  }
0x1f: {  	s18 =	simm.s32 $0x0;
	s31 =	sadd.s32 s13, s3;
	_ =	swait.ge [sflag:s11], $0xA0  }
0x20: {  	s13 =	simm.s32 $0xC800;
	s7 =	sadd.s32 $0x17C00, s3;
	[sflag:s11] =	ssyncset.done $0x0  }
0x21: {  	s5 =	sadd.s32 $0xC000, s3;
	s6 =	sadd.s32 $0x1E00, s3;
	[sflag:s11] =	ssyncadd.s32 $0xFFFFFF60  }
0x22: {  	s8 =	smul.u32 $0x5100, s1;
	s3 =	sadd.s32 $0x17200, s31;
	[bflag:$0x0] =	sbarrier.arrive $0xFFFF  }
.LBB2_2:
0x23: {  	s19 =	smul.u32 $0x1B00, s18;
	_ =	sdelay $0x1  }
0x24: {  	s19 =	sadd.s32 s8, s19  }
0x25: {  	s20 =	sshrl.u32 s19, $0x3  }
0x26: {  	s19 =	simm.s32 $0x0;
	s21 =	sadd.s32 s5, s20  }
0x27: {  	[tilespmem:s13], [sflag:$0x1] =	stream.linear.gather [hbm4b:s21+s19], $0x1B00, $0x38;
	[tilespmem:$0x10E10] =	vst v63  }
0x28: {  	_ =	swait.ge [sflag:s11], $0x1B00  }
0x29: {  	[sflag:s11] =	ssyncset.done $0x0  }
0x2a: {  	s20 =	sadd.s32 s6, s20;
	[sflag:s11] =	ssyncadd.s32 $0xFFFFE500  }
0x2b: {  	[tilespmem:s14], [sflag:$0x1] =	stream.linear.gather [hbm4b:s20+s19], $0x1B00, $0x38;
	[tilespmem:$0x10E10] =	vst v63  }
0x2c: {  	_ =	swait.ge [sflag:s11], $0x1B00  }
0x2d: {  	[sflag:s11] =	ssyncset.done $0x0  }
0x2e: {  	[sflag:s11] =	ssyncadd.s32 $0xFFFFE500  }
.LBB2_3:
0x2f: {  	s20 =	sshra.s32 s19, $0x2  }
0x30: {  	v0 =	vld [tilespmem:s20+$0xC800]  }
0x31: {  	v1 =	vld [tilespmem:s20+$0xE300];
	_ =	sdelay $0x6  }
0x32: {  	v0 =	vld.idx.msk [tilespmem:v0+s10+$0x0], $0xffff  }
0x33: {  	v2 =	vld.idx.msk [tilespmem:v1+s12+$0x0], $0xffff;
	_ =	sdelay $0x4  }
0x34: {  	v0 =	vadd.f32 v2, v0;
	_ =	sdelay $0x1  }
0x35: {  	v2 =	vmul.f32 $2.000000030e-01, v0;
	_ =	sdelay $0x1  }
0x36: {  	v0 =	vmax.f32 v0, v2  }
0x37: {  	v0 =	vmul.f32 $1.442695020e+00, v0;
	_ =	sdelay $0x1  }
0x38: {  	(erf) = vpow2.f32 v0;
	_ =	sdelay $0x8  }
0x39: {  	[tilespmem:$0xFE80] =	vst v1;
	v0 =	vpop (erf)  }
0x3a: {  	[tilespmem:$0xFE00] =	vst v0  }
0x3b: {  	v0 =	vld [tilespmem:s20+$0xC810]  }
0x3c: {  	v1 =	vld [tilespmem:s20+$0xE310];
	_ =	sdelay $0x6  }
0x3d: {  	v0 =	vld.idx.msk [tilespmem:v0+s10+$0x0], $0xffff  }
0x3e: {  	v57 =	vld.idx.msk [tilespmem:v1+s12+$0x0], $0xffff;
	_ =	sdelay $0x4  }
0x3f: {  	v0 =	vadd.f32 v57, v0;
	_ =	sdelay $0x1  }
0x40: {  	v2 =	vmul.f32 $2.000000030e-01, v0;
	_ =	sdelay $0x1  }
0x41: {  	v0 =	vmax.f32 v0, v2  }
0x42: {  	v0 =	vmul.f32 $1.442695020e+00, v0;
	_ =	sdelay $0x1  }
0x43: {  	(erf) = vpow2.f32 v0;
	_ =	sdelay $0x8  }
0x44: {  	[tilespmem:$0xFE90] =	vst v1;
	v0 =	vpop (erf)  }
0x45: {  	[tilespmem:$0xFE10] =	vst v0  }
0x46: {  	v0 =	vld [tilespmem:s20+$0xC820]  }
0x47: {  	v1 =	vld [tilespmem:s20+$0xE320];
	_ =	sdelay $0x6  }
0x48: {  	v0 =	vld.idx.msk [tilespmem:v0+s10+$0x0], $0xffff  }
0x49: {  	v58 =	vld.idx.msk [tilespmem:v1+s12+$0x0], $0xffff;
	_ =	sdelay $0x4  }
0x4a: {  	v0 =	vadd.f32 v58, v0;
	_ =	sdelay $0x1  }
0x4b: {  	v2 =	vmul.f32 $2.000000030e-01, v0;
	_ =	sdelay $0x1  }
0x4c: {  	v0 =	vmax.f32 v0, v2  }
0x4d: {  	v0 =	vmul.f32 $1.442695020e+00, v0;
	_ =	sdelay $0x1  }
0x4e: {  	(erf) = vpow2.f32 v0;
	_ =	sdelay $0x8  }
0x4f: {  	[tilespmem:$0xFEA0] =	vst v1;
	v0 =	vpop (erf)  }
0x50: {  	[tilespmem:$0xFE20] =	vst v0  }
0x51: {  	v0 =	vld [tilespmem:s20+$0xC830]  }
0x52: {  	v1 =	vld [tilespmem:s20+$0xE330];
	_ =	sdelay $0x6  }
0x53: {  	v0 =	vld.idx.msk [tilespmem:v0+s10+$0x0], $0xffff  }
0x54: {  	v59 =	vld.idx.msk [tilespmem:v1+s12+$0x0], $0xffff;
	_ =	sdelay $0x4  }
0x55: {  	v0 =	vadd.f32 v59, v0;
	_ =	sdelay $0x1  }
0x56: {  	v2 =	vmul.f32 $2.000000030e-01, v0;
	_ =	sdelay $0x1  }
0x57: {  	v0 =	vmax.f32 v0, v2  }
0x58: {  	v0 =	vmul.f32 $1.442695020e+00, v0;
	_ =	sdelay $0x1  }
0x59: {  	(erf) = vpow2.f32 v0;
	_ =	sdelay $0x8  }
0x5a: {  	[tilespmem:$0xFEB0] =	vst v1;
	v0 =	vpop (erf)  }
0x5b: {  	[tilespmem:$0xFE30] =	vst v0  }
0x5c: {  	v0 =	vld [tilespmem:s20+$0xC840]  }
0x5d: {  	v1 =	vld [tilespmem:s20+$0xE340];
	_ =	sdelay $0x6  }
0x5e: {  	v0 =	vld.idx.msk [tilespmem:v0+s10+$0x0], $0xffff  }
0x5f: {  	v60 =	vld.idx.msk [tilespmem:v1+s12+$0x0], $0xffff;
	_ =	sdelay $0x4  }
0x60: {  	v0 =	vadd.f32 v60, v0;
	_ =	sdelay $0x1  }
0x61: {  	v2 =	vmul.f32 $2.000000030e-01, v0;
	_ =	sdelay $0x1  }
0x62: {  	v0 =	vmax.f32 v0, v2  }
0x63: {  	v0 =	vmul.f32 $1.442695020e+00, v0;
	_ =	sdelay $0x1  }
0x64: {  	(erf) = vpow2.f32 v0;
	_ =	sdelay $0x8  }
0x65: {  	[tilespmem:$0xFEC0] =	vst v1;
	v0 =	vpop (erf)  }
0x66: {  	[tilespmem:$0xFE40] =	vst v0  }
0x67: {  	v0 =	vld [tilespmem:s20+$0xC850]  }
0x68: {  	v1 =	vld [tilespmem:s20+$0xE350];
	_ =	sdelay $0x6  }
0x69: {  	v0 =	vld.idx.msk [tilespmem:v0+s10+$0x0], $0xffff  }
0x6a: {  	v61 =	vld.idx.msk [tilespmem:v1+s12+$0x0], $0xffff;
	_ =	sdelay $0x4  }
0x6b: {  	v0 =	vadd.f32 v61, v0;
	_ =	sdelay $0x1  }
0x6c: {  	v2 =	vmul.f32 $2.000000030e-01, v0;
	_ =	sdelay $0x1  }
0x6d: {  	v0 =	vmax.f32 v0, v2  }
0x6e: {  	v0 =	vmul.f32 $1.442695020e+00, v0;
	_ =	sdelay $0x1  }
0x6f: {  	(erf) = vpow2.f32 v0;
	_ =	sdelay $0x8  }
0x70: {  	[tilespmem:$0xFED0] =	vst v1;
	v0 =	vpop (erf)  }
0x71: {  	[tilespmem:$0xFE50] =	vst v0  }
0x72: {  	v0 =	vld [tilespmem:s20+$0xC860]  }
0x73: {  	v1 =	vld [tilespmem:s20+$0xE360];
	_ =	sdelay $0x6  }
0x74: {  	v0 =	vld.idx.msk [tilespmem:v0+s10+$0x0], $0xffff  }
0x75: {  	v62 =	vld.idx.msk [tilespmem:v1+s12+$0x0], $0xffff;
	_ =	sdelay $0x4  }
0x76: {  	v0 =	vadd.f32 v62, v0;
	_ =	sdelay $0x1  }
0x77: {  	v2 =	vmul.f32 $2.000000030e-01, v0;
	_ =	sdelay $0x1  }
0x78: {  	v0 =	vmax.f32 v0, v2  }
0x79: {  	v0 =	vmul.f32 $1.442695020e+00, v0;
	_ =	sdelay $0x1  }
0x7a: {  	(erf) = vpow2.f32 v0;
	_ =	sdelay $0x8  }
0x7b: {  	[tilespmem:$0xFEE0] =	vst v1;
	v0 =	vpop (erf)  }
0x7c: {  	[tilespmem:$0xFE60] =	vst v0  }
0x7d: {  	v0 =	vld [tilespmem:s20+$0xC870]  }
0x7e: {  	v1 =	vld [tilespmem:s20+$0xE370];
	_ =	sdelay $0x6  }
0x7f: {  	v0 =	vld.idx.msk [tilespmem:v0+s10+$0x0], $0xffff  }
0x80: {  	v63 =	vld.idx.msk [tilespmem:v1+s12+$0x0], $0xffff;
	_ =	sdelay $0x4  }
0x81: {  	v0 =	vadd.f32 v63, v0;
	_ =	sdelay $0x1  }
0x82: {  	v2 =	vmul.f32 $2.000000030e-01, v0;
	_ =	sdelay $0x1  }
0x83: {  	v0 =	vmax.f32 v0, v2  }
0x84: {  	v0 =	vmul.f32 $1.442695020e+00, v0;
	_ =	sdelay $0x1  }
0x85: {  	(erf) = vpow2.f32 v0;
	_ =	sdelay $0x8  }
0x86: {  	p0 =	sne.s32 s19, $0x6A00;
	[tilespmem:$0xFEF0] =	vst v1;
	v0 =	vpop (erf)  }
.Ltmp1:
0x87: {  	[tilespmem:$0xFE70] =	vst v0;
	(pc) =	sbr.rel @p0 .LBB2_3-.Ltmp1, $4  }
0x88: {  	[spmem:s9] =	stream.indirect.scatter.add.f32 [tilespmem:s17], [sflag:$0x1], $0x1, s16, s15, $0xb8;
	[tilespmem:$0x10E10] =	vst v63  }
0x89: {  	_ =	swait.ge [sflag:s11], $0x80  }
0x8a: {  	[sflag:s11] =	ssyncset.done $0x0  }
0x8b: {  	s19 =	sadd.s32 $0x200, s19;
	[sflag:s11] =	ssyncadd.s32 $0xFFFFFF80  }
0x8c: {  	s18 =	sadd.s32 $0x1, s18  }
0x8d: {  	p0 =	sne.s32 s18, $0x3  }
.Ltmp2:
0x8e: {  	_ = 	snop;
	(pc) =	sbr.rel @p0 .LBB2_2-.Ltmp2, $1  }
0x8f: {  	_ =	sdelay $0x3  }
0x90: {  	[bflag:$0x0] =	sbarrier.arrive $0xFFFF  }
0x91: {  	s10 =	simm.s32 $0xA000;
	s11 =	simm.s32 $0x0;
	s12 =	simm.s32 $0x2800  }
0x92: {  	[tilespmem:s10], [sflag:$0x1] =	stream.linear.gather [spmem:s9], $0x2800, $0x38;
	[tilespmem:$0x10E10] =	vst v63  }
0x93: {  	s13 =	simm.s32 $0x5000;
	s14 =	simm.s32 $0xFF00;
	s9 =	simm.s32 $0x1  }
0x94: {  	s15 =	simm.s32 $0x80;
	s16 =	simm.s32 $0x10080;
	_ =	swait.ge [sflag:s9], $0x2800  }
0x95: {  	s17 =	simm.s32 $0xFF80;
	s18 =	simm.s32 $0x10100;
	[sflag:s9] =	ssyncset.done $0x0  }
0x96: {  	s19 =	simm.s32 $0x10000;
	s20 =	simm.s32 $0x0;
	[sflag:s9] =	ssyncadd.s32 $0xFFFFD800  }
.LBB2_6:
0x97: {  	s21 =	smul.u32 $0x1B00, s20;
	_ =	sdelay $0x1  }
0x98: {  	s21 =	sadd.s32 s8, s21  }
0x99: {  	s23 =	sshrl.u32 s21, $0x3  }
0x9a: {  	s22 =	simm.s32 $0xC800;
	s24 =	sadd.s32 s5, s23  }
0x9b: {  	[tilespmem:s22], [sflag:$0x1] =	stream.linear.gather [hbm4b:s24+s11], $0x1B00, $0x38;
	[tilespmem:$0x10E10] =	vst v63  }
0x9c: {  	_ =	swait.ge [sflag:s9], $0x1B00  }
0x9d: {  	[sflag:s9] =	ssyncset.done $0x0  }
0x9e: {  	s31 =	sadd.s32 s6, s23;
	s23 =	simm.s32 $0xE300;
	[sflag:s9] =	ssyncadd.s32 $0xFFFFE500  }
0x9f: {  	[tilespmem:s23], [sflag:$0x1] =	stream.linear.gather [hbm4b:s31+s11], $0x1B00, $0x38;
	[tilespmem:$0x10E10] =	vst v63  }
0xa0: {  	_ =	swait.ge [sflag:s9], $0x1B00  }
0xa1: {  	[sflag:s9] =	ssyncset.done $0x0  }
0xa2: {  	s24 =	simm.s32 $0x0;
	[sflag:s9] =	ssyncadd.s32 $0xFFFFE500  }
.LBB2_7:
0xa3: {  	v0 =	vmov s22  }
0xa4: {  	v1 =	vmov s23;
	_ =	sdelay $0x2  }
0xa5: {  	s25 =	simm.s32 $0x0  }
0xa6: {  	v2 =	vld.idx.msk [tilespmem:v0+s25+$0x0 ss:$0x1], $0xffff  }
0xa7: {  	v4 =	vld.idx.msk [tilespmem:v1+s25+$0x0 ss:$0x1], $0xffff;
	_ =	sdelay $0x6  }
0xa8: {  	v3 =	vld.idx.msk [tilespmem:v2+s11+$0x0], $0xffff  }
0xa9: {  	v5 =	vld.idx.msk [tilespmem:v4+s12+$0x0], $0xffff;
	_ =	sdelay $0x3  }
0xaa: {  	v6 =	vld.idx.msk [tilespmem:v4+s10+$0x0], $0xffff  }
0xab: {  	v3 =	vadd.f32 v5, v3;
	_ =	sdelay $0x1  }
0xac: {  	v5 =	vmul.f32 $2.000000030e-01, v3;
	_ =	sdelay $0x1  }
0xad: {  	v3 =	vmax.f32 v3, v5;
	v5 =	vadd.f32 $1.000000020e-16, v6  }
0xae: {  	v3 =	vmul.f32 $1.442695020e+00, v3  }
0xaf: {  	(erf) = vrcp.f32 v5  }
0xb0: {  	(erf) = vpow2.f32 v3;
	_ =	sdelay $0x7  }
0xb1: {  	v3 =	vshll.u32 v2, $0x1;
	v2 =	vpop (erf)  }
0xb2: {  	v5 =	vpop (erf)  }
0xb3: {  	v2 =	vmul.f32 v5, v2;
	v5 =	vor.u32 $0x1, v3;
	_ =	sdelay $0x2  }
0xb4: {  	[tilespmem:s25+$0xFF00] =	vst v2  }
0xb5: {  	v6 =	vld.idx.msk [tilespmem:v3+s13+$0x0], $0xffff  }
0xb6: {  	v3 =	vld.idx.msk [tilespmem:v5+s13+$0x0], $0xffff;
	_ =	sdelay $0x1  }
0xb7: {  	v4 =	vshll.u32 v4, $0x1  }
0xb8: {  	[tilespmem:s25+$0x10080] =	vst v4;
	v4 =	vor.u32 $0x1, v4  }
0xb9: {  	s26 =	sshll.u32 s24, $0x7;
	s28 =	simm.s32 $0x40;
	[tilespmem:s25+$0x10100] =	vst v4;
	v4 =	vmul.f32 v2, v6  }
.LBB2_8:
0xba: {  	p0 =	sne.s32 s28, $0x1C0;
	v2 =	vmul.f32 v2, v3;
	s29 =	smov.u32 s28;
	s28 =	sadd.s32 $0x40, s28  }
0xbb: {  	[tilespmem:s25+$0xFF80] =	vst v4  }
0xbc: {  	[tilespmem:s25+$0x10000] =	vst v2;
	s25 =	sshra.s32 s29, $0x2  }
0xbd: {  	v2 =	vld.idx.msk [tilespmem:v0+s25+$0x0 ss:$0x1], $0xffff  }
0xbe: {  	v4 =	vld.idx.msk [tilespmem:v1+s25+$0x0 ss:$0x1], $0xffff;
	_ =	sdelay $0x6  }
0xbf: {  	v3 =	vld.idx.msk [tilespmem:v2+s11+$0x0], $0xffff  }
0xc0: {  	v5 =	vld.idx.msk [tilespmem:v4+s12+$0x0], $0xffff;
	_ =	sdelay $0x3  }
0xc1: {  	v6 =	vld.idx.msk [tilespmem:v4+s10+$0x0], $0xffff;
	_ =	sdelay $0x1  }
0xc2: {  	v3 =	vadd.f32 v5, v3;
	_ =	sdelay $0x1  }
0xc3: {  	v5 =	vmul.f32 $2.000000030e-01, v3;
	_ =	sdelay $0x1  }
0xc4: {  	v3 =	vmax.f32 v3, v5;
	v5 =	vadd.f32 $1.000000020e-16, v6  }
0xc5: {  	v3 =	vmul.f32 $1.442695020e+00, v3  }
0xc6: {  	(erf) = vrcp.f32 v5  }
0xc7: {  	(erf) = vpow2.f32 v3;
	_ =	sdelay $0x6  }
0xc8: {  	v3 =	vshll.u32 v2, $0x1  }
0xc9: {  	v5 =	vor.u32 $0x1, v3;
	v2 =	vpop (erf)  }
0xca: {  	v6 =	vpop (erf)  }
0xcb: {  	v2 =	vmul.f32 v6, v2;
	_ =	sdelay $0x1  }
0xcc: {  	[tilespmem:s25+$0xFF00] =	vst v2  }
0xcd: {  	v6 =	vld.idx.msk [tilespmem:v3+s13+$0x0], $0xffff  }
0xce: {  	v4 =	vshll.u32 v4, $0x1;
	v3 =	vld.idx.msk [tilespmem:v5+s13+$0x0], $0xffff  }
.Ltmp3:
0xcf: {  	[tilespmem:s25+$0x10080] =	vst v4;
	v4 =	vor.u32 $0x1, v4;
	(pc) =	sbr.rel @p0 .LBB2_8-.Ltmp3, $2  }
0xd0: {  	[tilespmem:s25+$0x10100] =	vst v4;
	_ =	sdelay $0x2  }
0xd1: {  	v4 =	vmul.f32 v2, v6  }
0xd2: {  	v0 =	vmul.f32 v2, v3;
	s26 =	sadd.s32 s21, s26  }
0xd3: {  	[tilespmem:s25+$0xFF80] =	vst v4;
	s26 =	sshrl.u32 s26, $0x3  }
0xd4: {  	[tilespmem:s25+$0x10000] =	vst v0;
	s31 =	sadd.s32 s7, s26  }
0xd5: {  	[hbm4b:s31+s11] =	stream.linear.scatter [tilespmem:s14], [sflag:$0x1], $0x80, $0x38;
	[tilespmem:$0x10E10] =	vst v63  }
0xd6: {  	_ =	swait.ge [sflag:s9], $0x80  }
0xd7: {  	[sflag:s9] =	ssyncset.done $0x0  }
0xd8: {  	[sflag:s9] =	ssyncadd.s32 $0xFFFFFF80  }
0xd9: {  	[spmem:s2] =	stream.indirect.scatter.add.f32 [tilespmem:s17], [sflag:$0x1], $0x1, s16, s15, $0xb8;
	[tilespmem:$0x10E10] =	vst v63  }
0xda: {  	s24 =	sadd.s32 $0x1, s24;
	_ =	swait.ge [sflag:s9], $0x80  }
0xdb: {  	p0 =	sne.s32 s24, $0x36;
	[sflag:s9] =	ssyncset.done $0x0  }
.Ltmp4:
0xdc: {  	[sflag:s9] =	ssyncadd.s32 $0xFFFFFF80;
	(pc) =	sbr.rel @p0 .LBB2_7-.Ltmp4, $4  }
0xdd: {  	[spmem:s2] =	stream.indirect.scatter.add.f32 [tilespmem:s19], [sflag:$0x1], $0x1, s18, s15, $0xb8;
	[tilespmem:$0x10E10] =	vst v63  }
0xde: {  	_ =	swait.ge [sflag:s9], $0x80  }
0xdf: {  	[sflag:s9] =	ssyncset.done $0x0  }
0xe0: {  	s22 =	sadd.s32 $0x80, s22;
	s23 =	sadd.s32 $0x80, s23;
	[sflag:s9] =	ssyncadd.s32 $0xFFFFFF80  }
0xe1: {  	s20 =	sadd.s32 $0x1, s20  }
0xe2: {  	p0 =	sne.s32 s20, $0x3  }
.Ltmp5:
0xe3: {  	_ = 	snop;
	(pc) =	sbr.rel @p0 .LBB2_6-.Ltmp5, $1  }
0xe4: {  	_ =	sdelay $0x3  }
0xe5: {  	[bflag:$0x0] =	sbarrier.arrive $0xFFFF;
	s2 =	simm.s32 $0x10180;
	s31 =	simm.s32 $0x1  }
0xe6: {  	[tilespmem:s2], [sflag:$0x1] =	stream.linear.gather [spmem:s4], $0x500, $0x38;
	[tilespmem:$0x10E10] =	vst v63  }
0xe7: {  	_ =	swait.ge [sflag:s31], $0x500  }
0xe8: {  	[sflag:s31] =	ssyncset.done $0x0  }
0xe9: {  	[sflag:s31] =	ssyncadd.s32 $0xFFFFFB00  }
0xea: {  	s2 =	simm.s32 $0x0;
	s4 =	simm.s32 $0x40;
	v0 =	vld [tilespmem:$0x10680]  }
.LBB2_12:
0xeb: {  	p0 =	sne.s32 s4, $0x13C0;
	v1 =	vld [tilespmem:s2+$0x10180];
	_ =	sdelay $0x2  }
.Ltmp6:
0xec: {  	(pc) =	sbr.rel @p0 .LBB2_12-.Ltmp6, $3  }
0xed: {  	_ = 	snop  }
0xee: {  	v1 =	vadd.f32 v1, v0;
	_ =	sdelay $0x1  }
0xef: {  	[tilespmem:s2+$0x10180] =	vst v1;
	s2 =	sshra.s32 s4, $0x2;
	s4 =	sadd.s32 $0x40, s4  }
0xf0: {  	v1 =	vld [tilespmem:s2+$0x10180];
	_ =	sdelay $0x4  }
0xf1: {  	v0 =	vadd.f32 v1, v0;
	_ =	sdelay $0x1  }
0xf2: {  	s30 =	simm.s32 $0x0;
	s4 =	simm.s32 $0x10180;
	s31 =	simm.s32 $0x1;
	[tilespmem:s2+$0x10180] =	vst v0  }
0xf3: {  	[hbm4b:s3+s30] =	stream.linear.scatter [tilespmem:s4], [sflag:$0x1], $0x500, $0x38;
	[tilespmem:$0x10E10] =	vst v63  }
0xf4: {  	_ =	swait.ge [sflag:s31], $0x500  }
0xf5: {  	[sflag:s31] =	ssyncset.done $0x0  }
0xf6: {  	[sflag:s31] =	ssyncadd.s32 $0xFFFFFB00  }
.LBB2_14:
0xf7: {  	_ =	sfence.sel $0x180000  }
0xf8: {  	[bflag:$0x0] =	sbarrier.arrive $0xFFFF  }
0xf9: {  	p0 =	sne.s32 s1, $0x0;
	_ =	strace $0x9000004D  }
0xfa: {  	s0 =	sadd.s32 @!p0 $0x100000, s0;
	[bflag:$0x2] =	sbarrier.arrive $0xFFFF  }
0xfb: {  	[sflag:s0] =	ssyncadd.tile.s32 @!p0 $0x1;
	_ =	shalt  }
.Lfunc_end2:
_tile_overlayer_lowered:
.L_overlay_start_2:
0xfc: {  	(tag) =	ssettag $0x2  }
0xfd: {  	s0 =	rddreg [dreg:$0x0];
	s2 =	stileid.u32  }
0xfe: {  	s1 =	rddreg [dreg:$0x1];
	p0 =	sne.s32 s2, $0x0  }
0xff: {  	s3 =	rddreg [dreg:$0x2];
	[bflag:$0x3] =	sbarrier.arrive $0xFFFF;
	s2 =	simm.s32 @!p0 $0x1C01  }
0x100: {  	[timem:s3], [sflag:s2] =	dma.local @!p0 [hbm:s0], s1  }
0x101: {  	s0 =	simm.s32 @!p0 $0x1  }
0x102: {  	_ =	swait.ge @!p0 [sflag:s0], s1  }
0x103: {  	s1 =	ssub.s32 @!p0 $0x0, s1;
	[sflag:s0] =	ssyncset.done @!p0 $0x0  }
0x104: {  	[sflag:s0] =	ssyncadd.s32 @!p0 s1  }
0x105: {  	[bflag:$0x3] =	sbarrier.arrive $0xFFFF  }
0x106: {  	_ =	shalt  }

// kernel: kernel.8.cloned.1.call-start
scs
__scs_entry_jumppad:
0x0: {  	(pc) =	sbr.rel $0x88, $3  }
0x1: {  	(tag) =	ssettag $0x0;
	lr =	simm.s32 $0x1  }
0x2: {  	[smem:$0x3F95] =	sst lr;
	_ =	strace $0xD0000000  }
0x3: {  	_ = 	snop  }
0x4: {  	_ = 	snop  }
0x5: {  	_ = 	snop  }
0x6: {  	_ = 	snop  }
0x7: {  	_ = 	snop  }
__scs_overlays_trampoline_lowered:
0x8: {  	[smem:$0x3FA4] =	sst s0  }
0x9: {  	[smem:$0x3FA5] =	sst s1  }
0xa: {  	[smem:$0x3FA6] =	sst s2  }
0xb: {  	[smem:$0x3FA7] =	sst s3  }
0xc: {  	[smem:$0x3FA8] =	sst s4  }
0xd: {  	[smem:$0x3FA9] =	sst s5  }
0xe: {  	[smem:$0x3FAA] =	sst s6  }
0xf: {  	[smem:$0x3FAB] =	sst s7  }
0x10: {  	[smem:$0x3FAC] =	sst s8  }
0x11: {  	[smem:$0x3FAD] =	sst s9;
	s0 =	simm.s32 @!p0 $0x0  }
0x12: {  	s1 =	sld [smem:$0x3F93];
	s0 =	simm.s32 @p0 $0x1  }
0x13: {  	[smem:$0x3FAE] =	sst s0;
	s0 =	simm.s32 @!p1 $0x0  }
0x14: {  	s2 =	sld [smem:$0x3F92];
	s0 =	simm.s32 @p1 $0x1  }
0x15: {  	[smem:$0x3FAF] =	sst s0;
	s0 =	simm.s32 @!p2 $0x0  }
0x16: {  	s3 =	sld [smem:$0x3FDB];
	s0 =	simm.s32 @p2 $0x1  }
0x17: {  	s4 =	simm.s32 $0x1BF5;
	[smem:$0x3FB1] =	sst s0  }
0x18: {  	s0 =	sld [smem:$0x3F94];
	_ =	swait.ge [sflag:s4], $0x0  }
0x19: {  	s7 =	sld [smem:$0x3F95]  }
0x1a: {  	s8 =	sadd.s32 $0xFFFFE003, lr  }
0x1b: {  	s9 =	sadd.s32 $0xFFFFFEF7, lr;
	s5 =	simm.s32 $0xFFFFFFFF;
	p2 =	slt.u32 s8, $0xFFFFF086  }
0x1c: {  	p1 =	slt.u32 s9, $0xF7A;
	s5 =	simm.s32 @!p2 $0x0  }
0x1d: {  	s5 =	simm.s32 @p1 $0x1;
	p0 =	seq.s32 s7, s2  }
0x1e: {  	s7 =	smul.u32 @!p0 $0xF7A, s2;
	p2 =	seq.s32 @!p0 s5, $0x0  }
0x1f: {  	s9 =	smul.u32 $0xF7A, s1;
	s8 =	simm.s32 @!p0 $0x1BF5;
	p2 =	por !p2, p0  }
0x20: {  	[sflag:s8] =	ssyncset.s32 @!p0 $0xFFFFF086;
	s6 =	sadd.s32 @!p0 s3, s7;
	s7 =	simm.s32 @!p0 $0x108  }
0x21: {  	s3 =	sadd.s32 s3, s9;
	s6 =	sadd.s32 @!p0 $0x88, s6;
	s7 =	simm.s32 @p2 $0x1082  }
0x22: {  	[simem:s7], [sflag:s8] =	dma.local @!p0 [hbm:s6], $0xF7A  }
0x23: {  	s9 =	sor.u32 $0xD0000000, s2;
	s6 =	simm.s32 $0x108;
	_ =	swait.ge @!p0 [sflag:s8], $0x0  }
0x24: {  	s3 =	sadd.s32 $0x88, s3;
	s6 =	simm.s32 @!p1 $0x1082;
	[sflag:s4] =	ssyncset.s32 $0xFFFFF086  }
0x25: {  	[simem:s6], [sflag:s4] =	dma.local [hbm:s3], $0xF7A  }
0x26: {  	[smem:$0x3F95] =	sst s1;
	(tag) =	ssettag s2;
	_ =	strace s9  }
0x27: {  	s1 =	sld [smem:$0x3FA5]  }
0x28: {  	s2 =	sld [smem:$0x3FA6]  }
0x29: {  	s4 =	sld [smem:$0x3FA8]  }
0x2a: {  	p0 =	seq.s32 s5, $0x0;
	s5 =	sld [smem:$0x3FA9]  }
0x2b: {  	s6 =	sld [smem:$0x3FAA]  }
0x2c: {  	s7 =	sld [smem:$0x3FAB]  }
0x2d: {  	s3 =	simm.s32 $0x108;
	s8 =	sld [smem:$0x3FAC]  }
0x2e: {  	s3 =	simm.s32 @!p0 $0x1082;
	s9 =	sld [smem:$0x3FAD]  }
0x2f: {  	lr =	sadd.s32 s0, s3;
	s0 =	sld [smem:$0x3FA4]  }
0x30: {  	s3 =	sld [smem:$0x3FA7]  }
0x31: {  	[smem:$0x3FB0] =	sst s10  }
0x32: {  	s10 =	sld [smem:$0x3FAE];
	_ =	sdelay $0x3  }
0x33: {  	p0 =	seq.s32 s10, $0x1;
	s10 =	sld [smem:$0x3FB0];
	_ =	sdelay $0x3  }
0x34: {  	[smem:$0x3FB0] =	sst s10  }
0x35: {  	s10 =	sld [smem:$0x3FAF];
	_ =	sdelay $0x3  }
0x36: {  	p1 =	seq.s32 s10, $0x1;
	s10 =	sld [smem:$0x3FB0];
	_ =	sdelay $0x3  }
0x37: {  	[smem:$0x3FB0] =	sst s10  }
0x38: {  	s10 =	sld [smem:$0x3FB1]  }
0x39: {  	_ = 	snop;
	(pc) =	sbr.ind lr, $3  }
0x3a: {  	_ = 	snop  }
0x3b: {  	_ = 	snop  }
0x3c: {  	p2 =	seq.s32 s10, $0x1;
	s10 =	sld [smem:$0x3FB0]  }
0x3d: {  	_ =	shalt  }
0x3e: {  	_ =	shalt  }
0x3f: {  	_ =	shalt  }
0x40: {  	_ =	shalt  }
0x41: {  	_ =	shalt  }
0x42: {  	_ =	shalt  }
0x43: {  	_ =	shalt  }
0x44: {  	_ =	shalt  }
0x45: {  	_ =	shalt  }
0x46: {  	_ =	shalt  }
0x47: {  	_ =	shalt  }
0x48: {  	_ =	shalt  }
0x49: {  	_ =	shalt  }
0x4a: {  	_ =	shalt  }
0x4b: {  	_ =	shalt  }
0x4c: {  	_ =	shalt  }
0x4d: {  	_ =	shalt  }
0x4e: {  	_ =	shalt  }
0x4f: {  	_ =	shalt  }
0x50: {  	_ =	shalt  }
0x51: {  	_ =	shalt  }
0x52: {  	_ =	shalt  }
0x53: {  	_ =	shalt  }
0x54: {  	_ =	shalt  }
0x55: {  	_ =	shalt  }
0x56: {  	_ =	shalt  }
0x57: {  	_ =	shalt  }
0x58: {  	_ =	shalt  }
0x59: {  	_ =	shalt  }
0x5a: {  	_ =	shalt  }
0x5b: {  	_ =	shalt  }
0x5c: {  	_ =	shalt  }
0x5d: {  	_ =	shalt  }
0x5e: {  	_ =	shalt  }
0x5f: {  	_ =	shalt  }
0x60: {  	_ =	shalt  }
0x61: {  	_ =	shalt  }
0x62: {  	_ =	shalt  }
0x63: {  	_ =	shalt  }
0x64: {  	_ =	shalt  }
0x65: {  	_ =	shalt  }
0x66: {  	_ =	shalt  }
0x67: {  	_ =	shalt  }
0x68: {  	_ =	shalt  }
0x69: {  	_ =	shalt  }
0x6a: {  	_ =	shalt  }
0x6b: {  	_ =	shalt  }
0x6c: {  	_ =	shalt  }
0x6d: {  	_ =	shalt  }
0x6e: {  	_ =	shalt  }
0x6f: {  	_ =	shalt  }
0x70: {  	_ =	shalt  }
0x71: {  	_ =	shalt  }
0x72: {  	_ =	shalt  }
0x73: {  	_ =	shalt  }
0x74: {  	_ =	shalt  }
0x75: {  	_ =	shalt  }
0x76: {  	_ =	shalt  }
0x77: {  	_ =	shalt  }
0x78: {  	_ =	shalt  }
0x79: {  	_ =	shalt  }
0x7a: {  	_ =	shalt  }
0x7b: {  	_ =	shalt  }
0x7c: {  	_ =	shalt  }
0x7d: {  	_ =	shalt  }
0x7e: {  	_ =	shalt  }
0x7f: {  	_ =	shalt  }
0x80: {  	_ =	shalt  }
0x81: {  	_ =	shalt  }
0x82: {  	_ =	shalt  }
0x83: {  	_ =	shalt  }
0x84: {  	_ =	shalt  }
0x85: {  	_ =	shalt  }
0x86: {  	_ =	shalt  }
0x87: {  	_ =	shalt  }
.Lfunc_end0:
.L_simem_size_0:
called_computation_lowered:
.L_overlay_start_0:
0x88: {  	s2 =	sld [smem:$0x3FD9]  }
0x89: {  	s3 =	sld [smem:$0x3FFE];
	_ =	sdelay $0x1  }
0x8a: {  	s1 =	srdreg.scid  }
0x8b: {  	s0 =	sand.u32 $0x1, s1  }
0x8c: {  	s14 =	sshll.u32 s0, $0xA;
	s2 =	sadd.s32 s3, s2  }
0x8d: {  	s2 =	sadd.s32 s2, s14  }
0x8e: {  	[smem:$0x3FBC] =	sst s2  }
0x8f: {  	_ = 	snop  }
0x90: {  	s2 =	sld [smem:$0x3FD0];
	_ =	sdelay $0x2  }
0x91: {  	s15 =	simm.s32 $0xA;
	s4 =	simm.s32 $0x10  }
0x92: {  	[smem:s4], [sflag:s15] =	dma.local [hbm:s2], $0x1  }
0x93: {  	_ =	swait.eq [sflag:s15], $0x1  }
0x94: {  	[sflag:s15] =	ssyncset.done $0x0  }
0x95: {  	[sflag:s15] =	ssyncadd.s32 $0xFFFFFFFF  }
0x96: {  	s16 =	sld [smem:$0x11];
	(tm) =	ssettm $0x1  }
0x97: {  	s17 =	sld [smem:$0x3FFB];
	_ =	sdelay $0x3  }
0x98: {  	_ =	strace s17  }
0x99: {  	s3 =	sld [smem:$0x3FFC];
	_ =	sdelay $0x3  }
0x9a: {  	_ =	strace s3  }
0x9b: {  	s3 =	sld [smem:$0x3FFD];
	_ =	sdelay $0x3  }
0x9c: {  	_ =	strace s3  }
0x9d: {  	_ =	strace $0x8FFFFFFF  }
0x9e: {  	s18 =	sld [smem:$0x3FDB];
	_ =	sdelay $0x1  }
0x9f: {  	s19 =	simm.s32 $_scs_section_size  }
0xa0: {  	s5 =	simm.s32 $_size__tile_overlayer_lowered;
	s6 =	simm.s32 $_tile_overlayer_lowered  }
0xa1: {  	s22 =	simm.s32 $0x1BFF;
	s21 =	sshll.u32 s6, $0x1;
	s3 =	sadd.s32 s19, s18  }
0xa2: {  	s7 =	simm.s32 $0x0;
	s20 =	sshll.u32 s5, $0x1;
	s5 =	sadd.s32 s21, s3  }
0xa3: {  	[timem:s7], [sflag:s22] =	dma.local [hbm:s5], s20  }
0xa4: {  	_ =	swait.ge [sflag:s22], s20  }
0xa5: {  	s4 =	ssub.s32 $0x0, s20;
	[sflag:s22] =	ssyncset.done $0x0  }
0xa6: {  	[sflag:s22] =	ssyncadd.s32 s4;
	_ =	sdelay $0x1  }
0xa7: {  	s23 =	simm.s32 $0x1B8B  }
0xa8: {  	_ =	swait.ge [sflag:s23], $0x1  }
0xa9: {  	[sflag:s23] =	ssyncset.done $0x0  }
0xaa: {  	s25 =	simm.s32 $0x1B8E;
	s24 =	sld [smem:$0x3FFE];
	[sflag:s23] =	ssyncadd.s32 $0xFFFFFFFF  }
0xab: {  	s26 =	simm.s32 $execute0_lowered;
	[smem:$0x3FD2] =	sst s25  }
0xac: {  	s5 =	sshll.u32 s26, $0x1;
	_ =	strace $0x80000046;
	[dreg:$0x1] =	wrdreg $0xFFFFFFFF  }
0xad: {  	s28 =	simm.s32 $_size_execute0_lowered;
	s3 =	sadd.s32 s3, s5;
	[dreg:$0x0] =	wrdreg $0x0  }
0xae: {  	s5 =	sshll.u32 s28, $0x1;
	[dreg:$0x2] =	wrdreg s3  }
0xaf: {  	[dreg:$0x3] =	wrdreg s5  }
0xb0: {  	[dreg:$0x4] =	wrdreg $0xC0  }
0xb1: {  	_ =	task [dreg:s7], $0x5FFFF  }
0xb2: {  	[dreg:$0x1] =	wrdreg $0xFFFFFFFF  }
0xb3: {  	[dreg:$0x0] =	wrdreg $0x60  }
0xb4: {  	[dreg:$0x2] =	wrdreg s24  }
0xb5: {  	[dreg:$0x3] =	wrdreg s16  }
0xb6: {  	[dreg:$0x4] =	wrdreg $0xF3000  }
0xb7: {  	[dreg:$0x5] =	wrdreg $0x193000  }
0xb8: {  	[dreg:$0x6] =	wrdreg $0x9  }
0xb9: {  	_ =	task.clear_ibuf [dreg:s7], $0x7FFFF;
	_ =	strace $0x90000046  }
0xba: {  	s29 =	simm.s32 $0x9;
	_ =	strace $0x80000048  }
0xbb: {  	_ =	swait.ge [sflag:s29], $0x1  }
0xbc: {  	[sflag:s29] =	ssyncadd.s32 $0xFFFFFFFF  }
0xbd: {  	_ =	strace $0x90000048  }
0xbe: {  	_ =	sfence  }
0xbf: {  	s30 =	sld [smem:$0x0];
	_ =	sdelay $0x2  }
0xc0: {  	s31 =	sshll.u32 s1, $0xD;
	s1 =	sshrl.u32 s1, $0x2  }
0xc1: {  	s3 =	sand.u32 $0x4000, s31;
	s1 =	sadd.s32 s1, s30  }
0xc2: {  	s0 =	sor.u32 s3, s0;
	s1 =	sshll.u32 s1, $0x11  }
0xc3: {  	s0 =	sor.u32 s1, s0  }
0xc4: {  	s0 =	sadd.s32 $0x8F2B, s0  }
0xc5: {  	[sflag:s0] =	ssyncadd.remote.s32 $0x1  }
0xc6: {  	_ =	sfence.sel $0xFFFF  }
0xc7: {  	[dreg:$0x0] =	wrdreg $0xFFFFFFFF;
	(pc) =	sbr.abs _section_cstart, $3  }
0xc8: {  	[dreg:$0x1] =	wrdreg $0xFFFFFFFF  }
0xc9: {  	_ =	task.clear_ibuf [dreg:s7], $0x2FFFF;
	_ =	strace $0x9FFFFFFF  }
0xca: {  	(tm) =	ssettm $0x7FFFFFFF  }
0xcb: {  	_ =	shalt  }
tec
execute0_lowered:
.L_overlay_start_1:
0x0: {  	(tag) =	ssettag $0x1  }
0x1: {  	s0 =	rddreg [dreg:$0x0]  }
0x2: {  	s4 =	rddreg [dreg:$0x1]  }
0x3: {  	s1 =	rddreg [dreg:$0x2]  }
0x4: {  	s2 =	rddreg [dreg:$0x3]  }
0x5: {  	s3 =	simm.s32 $0x0;
	s5 =	srdreg.scid;
	s15 =	stileid.u32  }
0x6: {  	s28 =	simm.s32 $0x1;
	s29 =	simm.s32 $0x2;
	s30 =	simm.s32 $0x5000  }
0x7: {  	s31 =	simm.s32 $0xAE00;
	[smem:$0x7FF] =	sst s3;
	s8 =	smul.u32 $0xA000, s15  }
0x8: {  	s5 =	sand.u32 $0x1, s5;
	s7 =	sadd.s32 $0xC000, s0;
	s10 =	smul.u32 $0x280, s15  }
0x9: {  	s16 =	sadd.s32 $0x1E00, s0;
	s19 =	smul.u32 $0x5100, s15;
	s25 =	sshll.u32 s15, $0x6  }
0xa: {  	s6 =	smul.u32 $0x2800, s5;
	_ =	strace $0x80000047;
	[dreg:$0x5] =	wrdreg s7  }
0xb: {  	[dreg:$0x6] =	wrdreg s16;
	s7 =	sadd.s32 $0xB7600, s0;
	s5 =	ssub.s32 $0x2, s5  }
0xc: {  	s16 =	simm.s32 $0x2800;
	s12 =	sshrl.u32 s8, $0x3;
	s14 =	sshrl.u32 s10, $0x3  }
0xd: {  	s17 =	sshrl.u32 s5, $0x1;
	[dreg:$0x9] =	wrdreg s19;
	s20 =	sadd.s32 s8, s1  }
0xe: {  	s22 =	sadd.s32 s10, s2;
	s8 =	simm.s32 $0xD300;
	s19 =	simm.s32 $0xAF80  }
0xf: {  	s9 =	sshrl.u32 s6, $0x3;
	s12 =	sadd.s32 s12, s0;
	s13 =	sadd.s32 s10, s6  }
0x10: {  	s14 =	sadd.s32 s14, s0;
	s5 =	ssub.s32 s5, s17;
	s10 =	sor.u32 $0x1C07, s25  }
0x11: {  	s15 =	sshrl.u32 s20, $0x3;
	s26 =	sshrl.u32 s22, $0x3;
	s22 =	simm.s32 $0x80  }
0x12: {  	s25 =	simm.s32 $0xB180;
	v0 =	vmov s6;
	s17 =	simm.s32 $0x6;
	s6 =	simm.s32 $0x0  }
0x13: {  	s11 =	sadd.s32 s9, s0;
	s13 =	sshll.u32 s13, $0x3;
	[dreg:$0x10] =	wrdreg s26  }
0x14: {  	s4 =	sadd.s32 s4, s9;
	s21 =	sadd.s32 $0x16C00, s12;
	[dreg:$0xe] =	wrdreg s10  }
0x15: {  	s23 =	sadd.s32 $0x16200, s14;
	s24 =	smax.u32 s5, $0x1;
	[dreg:$0xf] =	wrdreg s15  }
0x16: {  	s26 =	simm.s32 $0xB080;
	s9 =	simm.s32 $0x3;
	[dreg:$0x7] =	wrdreg s4  }
0x17: {  	s12 =	simm.s32 $0xAF00;
	s14 =	simm.s32 $0xB280;
	[dreg:$0xa] =	wrdreg s21  }
0x18: {  	s0 =	sadd.s32 s13, s0;
	s18 =	sadd.s32 $0xB6200, s11;
	[dreg:$0xb] =	wrdreg s23  }
0x19: {  	[dreg:$0xd] =	wrdreg s24;
	s21 =	simm.s32 $0x7;
	s23 =	simm.s32 $0xB100  }
0x1a: {  	s24 =	simm.s32 $0xB000;
	s4 =	simm.s32 $0xAE80;
	s11 =	simm.s32 $0xB200  }
0x1b: {  	s13 =	simm.s32 $0x4;
	[dreg:$0x8] =	wrdreg s18;
	s0 =	sadd.s32 $0x2AC00, s0  }
0x1c: {  	s18 =	simm.s32 $0x5;
	[dreg:$0xc] =	wrdreg s0;
	s0 =	simm.s32 $0xB300  }
.LBB2_1:
0x1d: {  	[dreg:$0x11] =	wrdreg s6  }
0x1e: {  	s5 =	rddreg [dreg:$0x7]  }
0x1f: {  	[tilespmem:s3], [sflag:$0x7] =	stream.linear.gather [hbm4b:s5+s3], $0x2800, $0x38;
	[tilespmem:$0x19580] =	vst v63  }
0x20: {  	_ =	swait.ge [sflag:s21], $0x2800  }
0x21: {  	[sflag:s21] =	ssyncset.done $0x0  }
0x22: {  	s20 =	rddreg [dreg:$0x8];
	[sflag:s21] =	ssyncadd.s32 $0xFFFFD800  }
0x23: {  	[tilespmem:s16], [sflag:$0x7] =	stream.linear.gather [hbm4b:s20+s3], $0x2800, $0x38;
	[tilespmem:$0x19580] =	vst v63  }
0x24: {  	_ =	swait.ge [sflag:s21], $0x2800  }
0x25: {  	[sflag:s21] =	ssyncset.done $0x0  }
0x26: {  	s6 =	rddreg [dreg:$0xa];
	[sflag:s21] =	ssyncadd.s32 $0xFFFFD800  }
0x27: {  	[spmem:s15], [sflag:s10] =	dma.local [hbm:s6], $0x1400  }
0x28: {  	_ =	swait.ge [sflag:s21], $0x1400  }
0x29: {  	[sflag:s21] =	ssyncset.done $0x0;
	s15 =	rddreg [dreg:$0xb]  }
0x2a: {  	s20 =	rddreg [dreg:$0x10];
	[sflag:s21] =	ssyncadd.s32 $0xFFFFEC00  }
0x2b: {  	[spmem:s20], [sflag:s10] =	dma.local [hbm:s15], $0x50  }
0x2c: {  	_ =	swait.ge [sflag:s21], $0x50  }
0x2d: {  	[sflag:s21] =	ssyncset.done $0x0  }
0x2e: {  	[sflag:s21] =	ssyncadd.s32 $0xFFFFFFB0  }
0x2f: {  	s5 =	simm.s32 $0x0;
	[bflag:$0x0] =	sbarrier.arrive $0xFFFF  }
.LBB2_2:
0x30: {  	s6 =	smul.u32 $0x1B00, s5  }
0x31: {  	s10 =	rddreg [dreg:$0x9]  }
0x32: {  	s6 =	sadd.s32 s10, s6  }
0x33: {  	s15 =	rddreg [dreg:$0x5];
	s10 =	sshrl.u32 s6, $0x3  }
0x34: {  	s6 =	simm.s32 $0x0;
	s20 =	sadd.s32 s15, s10;
	s15 =	simm.s32 $0x7800  }
0x35: {  	[tilespmem:s15], [sflag:$0x7] =	stream.linear.gather [hbm4b:s20+s6], $0x1B00, $0x38;
	[tilespmem:$0x19580] =	vst v63  }
0x36: {  	_ =	swait.ge [sflag:s21], $0x1B00  }
0x37: {  	[sflag:s21] =	ssyncset.done $0x0;
	s20 =	rddreg [dreg:$0x6]  }
0x38: {  	[sflag:s21] =	ssyncadd.s32 $0xFFFFE500;
	s10 =	sadd.s32 s20, s10;
	s20 =	simm.s32 $0x9300  }
0x39: {  	[tilespmem:s20], [sflag:$0x7] =	stream.linear.gather [hbm4b:s10+s6], $0x1B00, $0x38;
	[tilespmem:$0x19580] =	vst v63  }
0x3a: {  	_ =	swait.ge [sflag:s21], $0x1B00  }
0x3b: {  	[sflag:s21] =	ssyncset.done $0x0  }
0x3c: {  	[sflag:s21] =	ssyncadd.s32 $0xFFFFE500  }
.LBB2_3:
0x3d: {  	s20 =	sshra.s32 s6, $0x2  }
0x3e: {  	v1 =	vld [tilespmem:s20+$0x7800]  }
0x3f: {  	v2 =	vld [tilespmem:s20+$0x9300];
	_ =	sdelay $0x6  }
0x40: {  	v1 =	vld.idx.msk [tilespmem:v1+s3+$0x0], $0xffff  }
0x41: {  	v3 =	vld.idx.msk [tilespmem:v2+s16+$0x0], $0xffff;
	_ =	sdelay $0x4  }
0x42: {  	v1 =	vadd.f32 v3, v1;
	_ =	sdelay $0x1  }
0x43: {  	v3 =	vmul.f32 $2.000000030e-01, v1;
	_ =	sdelay $0x1  }
0x44: {  	v1 =	vmax.f32 v1, v3  }
0x45: {  	v1 =	vmul.f32 $1.442695020e+00, v1;
	_ =	sdelay $0x1  }
0x46: {  	(erf) = vpow2.f32 v1;
	_ =	sdelay $0x8  }
0x47: {  	[tilespmem:$0xB100] =	vst v2;
	v1 =	vpop (erf)  }
0x48: {  	[tilespmem:$0xB000] =	vst v1  }
0x49: {  	v1 =	vld [tilespmem:s20+$0x7810]  }
0x4a: {  	v2 =	vld [tilespmem:s20+$0x9310];
	_ =	sdelay $0x6  }
0x4b: {  	v1 =	vld.idx.msk [tilespmem:v1+s3+$0x0], $0xffff  }
0x4c: {  	v3 =	vld.idx.msk [tilespmem:v2+s16+$0x0], $0xffff;
	_ =	sdelay $0x4  }
0x4d: {  	v1 =	vadd.f32 v3, v1;
	_ =	sdelay $0x1  }
0x4e: {  	v3 =	vmul.f32 $2.000000030e-01, v1;
	_ =	sdelay $0x1  }
0x4f: {  	v1 =	vmax.f32 v1, v3  }
0x50: {  	v1 =	vmul.f32 $1.442695020e+00, v1;
	_ =	sdelay $0x1  }
0x51: {  	(erf) = vpow2.f32 v1;
	_ =	sdelay $0x8  }
0x52: {  	[tilespmem:$0xB110] =	vst v2;
	v1 =	vpop (erf)  }
0x53: {  	[tilespmem:$0xB010] =	vst v1  }
0x54: {  	v1 =	vld [tilespmem:s20+$0x7820]  }
0x55: {  	v2 =	vld [tilespmem:s20+$0x9320];
	_ =	sdelay $0x6  }
0x56: {  	v1 =	vld.idx.msk [tilespmem:v1+s3+$0x0], $0xffff  }
0x57: {  	v3 =	vld.idx.msk [tilespmem:v2+s16+$0x0], $0xffff;
	_ =	sdelay $0x4  }
0x58: {  	v1 =	vadd.f32 v3, v1;
	_ =	sdelay $0x1  }
0x59: {  	v3 =	vmul.f32 $2.000000030e-01, v1;
	_ =	sdelay $0x1  }
0x5a: {  	v1 =	vmax.f32 v1, v3  }
0x5b: {  	v1 =	vmul.f32 $1.442695020e+00, v1;
	_ =	sdelay $0x1  }
0x5c: {  	(erf) = vpow2.f32 v1;
	_ =	sdelay $0x8  }
0x5d: {  	[tilespmem:$0xB120] =	vst v2;
	v1 =	vpop (erf)  }
0x5e: {  	[tilespmem:$0xB020] =	vst v1  }
0x5f: {  	v1 =	vld [tilespmem:s20+$0x7830]  }
0x60: {  	v2 =	vld [tilespmem:s20+$0x9330];
	_ =	sdelay $0x6  }
0x61: {  	v1 =	vld.idx.msk [tilespmem:v1+s3+$0x0], $0xffff  }
0x62: {  	v3 =	vld.idx.msk [tilespmem:v2+s16+$0x0], $0xffff;
	_ =	sdelay $0x4  }
0x63: {  	v1 =	vadd.f32 v3, v1;
	_ =	sdelay $0x1  }
0x64: {  	v3 =	vmul.f32 $2.000000030e-01, v1;
	_ =	sdelay $0x1  }
0x65: {  	v1 =	vmax.f32 v1, v3  }
0x66: {  	v1 =	vmul.f32 $1.442695020e+00, v1;
	_ =	sdelay $0x1  }
0x67: {  	(erf) = vpow2.f32 v1;
	_ =	sdelay $0x8  }
0x68: {  	[tilespmem:$0xB130] =	vst v2;
	v1 =	vpop (erf)  }
0x69: {  	[tilespmem:$0xB030] =	vst v1  }
0x6a: {  	v1 =	vld [tilespmem:s20+$0x7840]  }
0x6b: {  	v2 =	vld [tilespmem:s20+$0x9340];
	_ =	sdelay $0x6  }
0x6c: {  	v1 =	vld.idx.msk [tilespmem:v1+s3+$0x0], $0xffff  }
0x6d: {  	v3 =	vld.idx.msk [tilespmem:v2+s16+$0x0], $0xffff;
	_ =	sdelay $0x4  }
0x6e: {  	v1 =	vadd.f32 v3, v1;
	_ =	sdelay $0x1  }
0x6f: {  	v3 =	vmul.f32 $2.000000030e-01, v1;
	_ =	sdelay $0x1  }
0x70: {  	v1 =	vmax.f32 v1, v3  }
0x71: {  	v1 =	vmul.f32 $1.442695020e+00, v1;
	_ =	sdelay $0x1  }
0x72: {  	(erf) = vpow2.f32 v1;
	_ =	sdelay $0x8  }
0x73: {  	[tilespmem:$0xB140] =	vst v2;
	v1 =	vpop (erf)  }
0x74: {  	[tilespmem:$0xB040] =	vst v1  }
0x75: {  	v1 =	vld [tilespmem:s20+$0x7850]  }
0x76: {  	v2 =	vld [tilespmem:s20+$0x9350];
	_ =	sdelay $0x6  }
0x77: {  	v1 =	vld.idx.msk [tilespmem:v1+s3+$0x0], $0xffff  }
0x78: {  	v3 =	vld.idx.msk [tilespmem:v2+s16+$0x0], $0xffff;
	_ =	sdelay $0x4  }
0x79: {  	v1 =	vadd.f32 v3, v1;
	_ =	sdelay $0x1  }
0x7a: {  	v3 =	vmul.f32 $2.000000030e-01, v1;
	_ =	sdelay $0x1  }
0x7b: {  	v1 =	vmax.f32 v1, v3  }
0x7c: {  	v1 =	vmul.f32 $1.442695020e+00, v1;
	_ =	sdelay $0x1  }
0x7d: {  	(erf) = vpow2.f32 v1;
	_ =	sdelay $0x8  }
0x7e: {  	[tilespmem:$0xB150] =	vst v2;
	v1 =	vpop (erf)  }
0x7f: {  	[tilespmem:$0xB050] =	vst v1  }
0x80: {  	v1 =	vld [tilespmem:s20+$0x7860]  }
0x81: {  	v2 =	vld [tilespmem:s20+$0x9360];
	_ =	sdelay $0x6  }
0x82: {  	v1 =	vld.idx.msk [tilespmem:v1+s3+$0x0], $0xffff  }
0x83: {  	v3 =	vld.idx.msk [tilespmem:v2+s16+$0x0], $0xffff;
	_ =	sdelay $0x4  }
0x84: {  	v1 =	vadd.f32 v3, v1;
	_ =	sdelay $0x1  }
0x85: {  	v3 =	vmul.f32 $2.000000030e-01, v1;
	_ =	sdelay $0x1  }
0x86: {  	v1 =	vmax.f32 v1, v3  }
0x87: {  	v1 =	vmul.f32 $1.442695020e+00, v1;
	_ =	sdelay $0x1  }
0x88: {  	(erf) = vpow2.f32 v1;
	_ =	sdelay $0x8  }
0x89: {  	[tilespmem:$0xB160] =	vst v2;
	v1 =	vpop (erf)  }
0x8a: {  	[tilespmem:$0xB060] =	vst v1  }
0x8b: {  	v1 =	vld [tilespmem:s20+$0x7870]  }
0x8c: {  	v2 =	vld [tilespmem:s20+$0x9370];
	_ =	sdelay $0x6  }
0x8d: {  	v1 =	vld.idx.msk [tilespmem:v1+s3+$0x0], $0xffff  }
0x8e: {  	v3 =	vld.idx.msk [tilespmem:v2+s16+$0x0], $0xffff;
	_ =	sdelay $0x4  }
0x8f: {  	v1 =	vadd.f32 v3, v1;
	_ =	sdelay $0x1  }
0x90: {  	v3 =	vmul.f32 $2.000000030e-01, v1;
	_ =	sdelay $0x1  }
0x91: {  	v1 =	vmax.f32 v1, v3  }
0x92: {  	v1 =	vmul.f32 $1.442695020e+00, v1;
	_ =	sdelay $0x1  }
0x93: {  	(erf) = vpow2.f32 v1;
	_ =	sdelay $0x8  }
0x94: {  	[tilespmem:$0xB170] =	vst v2;
	v1 =	vpop (erf)  }
0x95: {  	[tilespmem:$0xB070] =	vst v1  }
0x96: {  	[spmem:s2] =	stream.indirect.scatter.add.f32 [tilespmem:s24], [sflag:$0x1], $0x1, s23, s22, $0xb8;
	[tilespmem:$0x19580] =	vst v63  }
0x97: {  	v1 =	vld [tilespmem:s20+$0x7880]  }
0x98: {  	v2 =	vld [tilespmem:s20+$0x9380];
	_ =	sdelay $0x6  }
0x99: {  	v1 =	vld.idx.msk [tilespmem:v1+s3+$0x0], $0xffff  }
0x9a: {  	v3 =	vld.idx.msk [tilespmem:v2+s16+$0x0], $0xffff;
	_ =	sdelay $0x4  }
0x9b: {  	v1 =	vadd.f32 v3, v1;
	_ =	sdelay $0x1  }
0x9c: {  	v3 =	vmul.f32 $2.000000030e-01, v1;
	_ =	sdelay $0x1  }
0x9d: {  	v1 =	vmax.f32 v1, v3  }
0x9e: {  	v1 =	vmul.f32 $1.442695020e+00, v1;
	_ =	sdelay $0x1  }
0x9f: {  	(erf) = vpow2.f32 v1;
	_ =	sdelay $0x8  }
0xa0: {  	[tilespmem:$0xB180] =	vst v2;
	v1 =	vpop (erf)  }
0xa1: {  	[tilespmem:$0xB080] =	vst v1  }
0xa2: {  	v1 =	vld [tilespmem:s20+$0x7890]  }
0xa3: {  	v2 =	vld [tilespmem:s20+$0x9390];
	_ =	sdelay $0x6  }
0xa4: {  	v1 =	vld.idx.msk [tilespmem:v1+s3+$0x0], $0xffff  }
0xa5: {  	v3 =	vld.idx.msk [tilespmem:v2+s16+$0x0], $0xffff;
	_ =	sdelay $0x4  }
0xa6: {  	v1 =	vadd.f32 v3, v1;
	_ =	sdelay $0x1  }
0xa7: {  	v3 =	vmul.f32 $2.000000030e-01, v1;
	_ =	sdelay $0x1  }
0xa8: {  	v1 =	vmax.f32 v1, v3  }
0xa9: {  	v1 =	vmul.f32 $1.442695020e+00, v1;
	_ =	sdelay $0x1  }
0xaa: {  	(erf) = vpow2.f32 v1;
	_ =	sdelay $0x8  }
0xab: {  	[tilespmem:$0xB190] =	vst v2;
	v1 =	vpop (erf)  }
0xac: {  	[tilespmem:$0xB090] =	vst v1  }
0xad: {  	v1 =	vld [tilespmem:s20+$0x78A0]  }
0xae: {  	v2 =	vld [tilespmem:s20+$0x93A0];
	_ =	sdelay $0x6  }
0xaf: {  	v1 =	vld.idx.msk [tilespmem:v1+s3+$0x0], $0xffff  }
0xb0: {  	v3 =	vld.idx.msk [tilespmem:v2+s16+$0x0], $0xffff;
	_ =	sdelay $0x4  }
0xb1: {  	v1 =	vadd.f32 v3, v1;
	_ =	sdelay $0x1  }
0xb2: {  	v3 =	vmul.f32 $2.000000030e-01, v1;
	_ =	sdelay $0x1  }
0xb3: {  	v1 =	vmax.f32 v1, v3  }
0xb4: {  	v1 =	vmul.f32 $1.442695020e+00, v1;
	_ =	sdelay $0x1  }
0xb5: {  	(erf) = vpow2.f32 v1;
	_ =	sdelay $0x8  }
0xb6: {  	[tilespmem:$0xB1A0] =	vst v2;
	v1 =	vpop (erf)  }
0xb7: {  	[tilespmem:$0xB0A0] =	vst v1  }
0xb8: {  	v1 =	vld [tilespmem:s20+$0x78B0]  }
0xb9: {  	v2 =	vld [tilespmem:s20+$0x93B0];
	_ =	sdelay $0x6  }
0xba: {  	v1 =	vld.idx.msk [tilespmem:v1+s3+$0x0], $0xffff  }
0xbb: {  	v3 =	vld.idx.msk [tilespmem:v2+s16+$0x0], $0xffff;
	_ =	sdelay $0x4  }
0xbc: {  	v1 =	vadd.f32 v3, v1;
	_ =	sdelay $0x1  }
0xbd: {  	v3 =	vmul.f32 $2.000000030e-01, v1;
	_ =	sdelay $0x1  }
0xbe: {  	v1 =	vmax.f32 v1, v3  }
0xbf: {  	v1 =	vmul.f32 $1.442695020e+00, v1;
	_ =	sdelay $0x1  }
0xc0: {  	(erf) = vpow2.f32 v1;
	_ =	sdelay $0x8  }
0xc1: {  	[tilespmem:$0xB1B0] =	vst v2;
	v1 =	vpop (erf)  }
0xc2: {  	[tilespmem:$0xB0B0] =	vst v1  }
0xc3: {  	v1 =	vld [tilespmem:s20+$0x78C0]  }
0xc4: {  	v2 =	vld [tilespmem:s20+$0x93C0];
	_ =	sdelay $0x6  }
0xc5: {  	v1 =	vld.idx.msk [tilespmem:v1+s3+$0x0], $0xffff  }
0xc6: {  	v3 =	vld.idx.msk [tilespmem:v2+s16+$0x0], $0xffff;
	_ =	sdelay $0x4  }
0xc7: {  	v1 =	vadd.f32 v3, v1;
	_ =	sdelay $0x1  }
0xc8: {  	v3 =	vmul.f32 $2.000000030e-01, v1;
	_ =	sdelay $0x1  }
0xc9: {  	v1 =	vmax.f32 v1, v3  }
0xca: {  	v1 =	vmul.f32 $1.442695020e+00, v1;
	_ =	sdelay $0x1  }
0xcb: {  	(erf) = vpow2.f32 v1;
	_ =	sdelay $0x8  }
0xcc: {  	[tilespmem:$0xB1C0] =	vst v2;
	v1 =	vpop (erf)  }
0xcd: {  	[tilespmem:$0xB0C0] =	vst v1  }
0xce: {  	v1 =	vld [tilespmem:s20+$0x78D0]  }
0xcf: {  	v2 =	vld [tilespmem:s20+$0x93D0];
	_ =	sdelay $0x6  }
0xd0: {  	v1 =	vld.idx.msk [tilespmem:v1+s3+$0x0], $0xffff  }
0xd1: {  	v3 =	vld.idx.msk [tilespmem:v2+s16+$0x0], $0xffff;
	_ =	sdelay $0x4  }
0xd2: {  	v1 =	vadd.f32 v3, v1;
	_ =	sdelay $0x1  }
0xd3: {  	v3 =	vmul.f32 $2.000000030e-01, v1;
	_ =	sdelay $0x1  }
0xd4: {  	v1 =	vmax.f32 v1, v3  }
0xd5: {  	v1 =	vmul.f32 $1.442695020e+00, v1;
	_ =	sdelay $0x1  }
0xd6: {  	(erf) = vpow2.f32 v1;
	_ =	sdelay $0x8  }
0xd7: {  	[tilespmem:$0xB1D0] =	vst v2;
	v1 =	vpop (erf)  }
0xd8: {  	[tilespmem:$0xB0D0] =	vst v1  }
0xd9: {  	v1 =	vld [tilespmem:s20+$0x78E0]  }
0xda: {  	v2 =	vld [tilespmem:s20+$0x93E0];
	_ =	sdelay $0x6  }
0xdb: {  	v1 =	vld.idx.msk [tilespmem:v1+s3+$0x0], $0xffff  }
0xdc: {  	v3 =	vld.idx.msk [tilespmem:v2+s16+$0x0], $0xffff;
	_ =	sdelay $0x4  }
0xdd: {  	v1 =	vadd.f32 v3, v1;
	_ =	sdelay $0x1  }
0xde: {  	v3 =	vmul.f32 $2.000000030e-01, v1;
	_ =	sdelay $0x1  }
0xdf: {  	v1 =	vmax.f32 v1, v3  }
0xe0: {  	v1 =	vmul.f32 $1.442695020e+00, v1;
	_ =	sdelay $0x1  }
0xe1: {  	(erf) = vpow2.f32 v1;
	_ =	sdelay $0x8  }
0xe2: {  	[tilespmem:$0xB1E0] =	vst v2;
	v1 =	vpop (erf)  }
0xe3: {  	[tilespmem:$0xB0E0] =	vst v1  }
0xe4: {  	v1 =	vld [tilespmem:s20+$0x78F0]  }
0xe5: {  	v2 =	vld [tilespmem:s20+$0x93F0];
	_ =	sdelay $0x6  }
0xe6: {  	v1 =	vld.idx.msk [tilespmem:v1+s3+$0x0], $0xffff  }
0xe7: {  	v3 =	vld.idx.msk [tilespmem:v2+s16+$0x0], $0xffff;
	_ =	sdelay $0x4  }
0xe8: {  	v1 =	vadd.f32 v3, v1;
	_ =	sdelay $0x1  }
0xe9: {  	v3 =	vmul.f32 $2.000000030e-01, v1;
	_ =	sdelay $0x1  }
0xea: {  	v1 =	vmax.f32 v1, v3  }
0xeb: {  	v1 =	vmul.f32 $1.442695020e+00, v1;
	_ =	sdelay $0x1  }
0xec: {  	(erf) = vpow2.f32 v1;
	_ =	sdelay $0x8  }
0xed: {  	[tilespmem:$0xB1F0] =	vst v2;
	v1 =	vpop (erf)  }
0xee: {  	[tilespmem:$0xB0F0] =	vst v1  }
0xef: {  	[spmem:s2] =	stream.indirect.scatter.add.f32 [tilespmem:s26], [sflag:$0x2], $0x1, s25, s22, $0xb8;
	[tilespmem:$0x19580] =	vst v63  }
0xf0: {  	p0 =	sne.s32 s6, $0x6800;
	_ =	swait.ge [sflag:s28], $0x80  }
.Ltmp0:
0xf1: {  	[sflag:s28] =	ssyncset.done $0x0;
	(pc) =	sbr.rel @p0 .LBB2_3-.Ltmp0, $4  }
0xf2: {  	[sflag:s28] =	ssyncadd.s32 $0xFFFFFF80  }
0xf3: {  	_ =	swait.ge [sflag:s29], $0x80  }
0xf4: {  	[sflag:s29] =	ssyncset.done $0x0  }
0xf5: {  	s6 =	sadd.s32 $0x400, s6;
	[sflag:s29] =	ssyncadd.s32 $0xFFFFFF80  }
0xf6: {  	s5 =	sadd.s32 $0x1, s5  }
0xf7: {  	p0 =	sne.s32 s5, $0x3  }
.Ltmp1:
0xf8: {  	_ = 	snop;
	(pc) =	sbr.rel @p0 .LBB2_2-.Ltmp1, $1  }
0xf9: {  	_ =	sdelay $0x3  }
0xfa: {  	[bflag:$0x0] =	sbarrier.arrive $0xFFFF  }
0xfb: {  	[tilespmem:s30], [sflag:$0x7] =	stream.linear.gather [spmem:s2], $0x2800, $0x38;
	[tilespmem:$0x19580] =	vst v63  }
0xfc: {  	_ =	swait.ge [sflag:s21], $0x2800  }
0xfd: {  	[sflag:s21] =	ssyncset.done $0x0  }
0xfe: {  	[sflag:s21] =	ssyncadd.s32 $0xFFFFD800;
	s21 =	simm.s32 $0x0  }
.LBB2_6:
0xff: {  	s5 =	smul.u32 $0x1B00, s21  }
0x100: {  	s6 =	rddreg [dreg:$0x9]  }
0x101: {  	s5 =	sadd.s32 s6, s5  }
0x102: {  	s15 =	rddreg [dreg:$0x5];
	s5 =	sshrl.u32 s5, $0x3  }
0x103: {  	s10 =	simm.s32 $0x7800;
	s6 =	sadd.s32 s15, s5;
	s15 =	simm.s32 $0x0  }
0x104: {  	[tilespmem:s10], [sflag:$0x7] =	stream.linear.gather [hbm4b:s6+s15], $0x1B00, $0x38;
	[tilespmem:$0x19580] =	vst v63  }
0x105: {  	s10 =	simm.s32 $0x7  }
0x106: {  	_ =	swait.ge [sflag:s10], $0x1B00  }
0x107: {  	[sflag:s10] =	ssyncset.done $0x0;
	s20 =	rddreg [dreg:$0x6]  }
0x108: {  	[sflag:s10] =	ssyncadd.s32 $0xFFFFE500;
	s5 =	sadd.s32 s20, s5;
	s20 =	simm.s32 $0x9300  }
0x109: {  	[tilespmem:s20], [sflag:$0x7] =	stream.linear.gather [hbm4b:s5+s15], $0x1B00, $0x38;
	[tilespmem:$0x19580] =	vst v63  }
0x10a: {  	_ =	swait.ge [sflag:s10], $0x1B00  }
0x10b: {  	[sflag:s10] =	ssyncset.done $0x0  }
0x10c: {  	s20 =	simm.s32 $0x0;
	[sflag:s10] =	ssyncadd.s32 $0xFFFFE500  }
.LBB2_7:
0x10d: {  	s6 =	sshll.u32 s20, $0x8  }
0x10e: {  	v1 =	vld [tilespmem:s6+$0x7800]  }
0x10f: {  	v2 =	vld [tilespmem:s6+$0x9300];
	_ =	sdelay $0x4  }
0x110: {  	v3 =	vadd.s32 v0, v1;
	[tilespmem:$0xAF00] =	vst v2  }
0x111: {  	s5 =	simm.s32 $0x0;
	[tilespmem:$0xAE00] =	vst v3  }
0x112: {  	v1 =	vld.idx.msk [tilespmem:v1+s5+$0x0], $0xffff  }
0x113: {  	v3 =	vld.idx.msk [tilespmem:v2+s16+$0x0], $0xffff;
	_ =	sdelay $0x4  }
0x114: {  	v1 =	vadd.f32 v3, v1  }
0x115: {  	v2 =	vld.idx.msk [tilespmem:v2+s30+$0x0], $0xffff  }
0x116: {  	v3 =	vmul.f32 $2.000000030e-01, v1;
	_ =	sdelay $0x1  }
0x117: {  	v1 =	vmax.f32 v1, v3  }
0x118: {  	v1 =	vmul.f32 $1.442695020e+00, v1  }
0x119: {  	v2 =	vadd.f32 $1.000000020e-16, v2  }
0x11a: {  	(erf) = vpow2.f32 v1  }
0x11b: {  	(erf) = vrcp.f32 v2;
	_ =	sdelay $0x7  }
0x11c: {  	v1 =	vpop (erf)  }
0x11d: {  	v2 =	vpop (erf)  }
0x11e: {  	v1 =	vmul.f32 v1, v2;
	_ =	sdelay $0x1  }
0x11f: {  	[tilespmem:$0xB200] =	vst v1  }
0x120: {  	v1 =	vld [tilespmem:s6+$0x7810]  }
0x121: {  	v2 =	vld [tilespmem:s6+$0x9310];
	_ =	sdelay $0x4  }
0x122: {  	v3 =	vadd.s32 v0, v1;
	[tilespmem:$0xAF10] =	vst v2  }
0x123: {  	[tilespmem:$0xAE10] =	vst v3  }
0x124: {  	v1 =	vld.idx.msk [tilespmem:v1+s5+$0x0], $0xffff  }
0x125: {  	v3 =	vld.idx.msk [tilespmem:v2+s16+$0x0], $0xffff;
	_ =	sdelay $0x4  }
0x126: {  	v1 =	vadd.f32 v3, v1  }
0x127: {  	v2 =	vld.idx.msk [tilespmem:v2+s30+$0x0], $0xffff  }
0x128: {  	v3 =	vmul.f32 $2.000000030e-01, v1;
	_ =	sdelay $0x1  }
0x129: {  	v1 =	vmax.f32 v1, v3  }
0x12a: {  	v1 =	vmul.f32 $1.442695020e+00, v1  }
0x12b: {  	v2 =	vadd.f32 $1.000000020e-16, v2  }
0x12c: {  	(erf) = vpow2.f32 v1  }
0x12d: {  	(erf) = vrcp.f32 v2;
	_ =	sdelay $0x7  }
0x12e: {  	v1 =	vpop (erf)  }
0x12f: {  	v2 =	vpop (erf)  }
0x130: {  	v1 =	vmul.f32 v1, v2;
	_ =	sdelay $0x1  }
0x131: {  	[tilespmem:$0xB210] =	vst v1  }
0x132: {  	v1 =	vld [tilespmem:s6+$0x7820]  }
0x133: {  	v2 =	vld [tilespmem:s6+$0x9320];
	_ =	sdelay $0x4  }
0x134: {  	v3 =	vadd.s32 v0, v1;
	[tilespmem:$0xAF20] =	vst v2  }
0x135: {  	[tilespmem:$0xAE20] =	vst v3  }
0x136: {  	v1 =	vld.idx.msk [tilespmem:v1+s5+$0x0], $0xffff  }
0x137: {  	v3 =	vld.idx.msk [tilespmem:v2+s16+$0x0], $0xffff;
	_ =	sdelay $0x4  }
0x138: {  	v1 =	vadd.f32 v3, v1  }
0x139: {  	v2 =	vld.idx.msk [tilespmem:v2+s30+$0x0], $0xffff  }
0x13a: {  	v3 =	vmul.f32 $2.000000030e-01, v1;
	_ =	sdelay $0x1  }
0x13b: {  	v1 =	vmax.f32 v1, v3  }
0x13c: {  	v1 =	vmul.f32 $1.442695020e+00, v1  }
0x13d: {  	v2 =	vadd.f32 $1.000000020e-16, v2  }
0x13e: {  	(erf) = vpow2.f32 v1  }
0x13f: {  	(erf) = vrcp.f32 v2;
	_ =	sdelay $0x7  }
0x140: {  	v1 =	vpop (erf)  }
0x141: {  	v2 =	vpop (erf)  }
0x142: {  	v1 =	vmul.f32 v1, v2;
	_ =	sdelay $0x1  }
0x143: {  	[tilespmem:$0xB220] =	vst v1  }
0x144: {  	v1 =	vld [tilespmem:s6+$0x7830]  }
0x145: {  	v2 =	vld [tilespmem:s6+$0x9330];
	_ =	sdelay $0x4  }
0x146: {  	v3 =	vadd.s32 v0, v1;
	[tilespmem:$0xAF30] =	vst v2  }
0x147: {  	[tilespmem:$0xAE30] =	vst v3  }
0x148: {  	v1 =	vld.idx.msk [tilespmem:v1+s5+$0x0], $0xffff  }
0x149: {  	v3 =	vld.idx.msk [tilespmem:v2+s16+$0x0], $0xffff;
	_ =	sdelay $0x4  }
0x14a: {  	v1 =	vadd.f32 v3, v1  }
0x14b: {  	v2 =	vld.idx.msk [tilespmem:v2+s30+$0x0], $0xffff  }
0x14c: {  	v3 =	vmul.f32 $2.000000030e-01, v1;
	_ =	sdelay $0x1  }
0x14d: {  	v1 =	vmax.f32 v1, v3  }
0x14e: {  	v1 =	vmul.f32 $1.442695020e+00, v1  }
0x14f: {  	v2 =	vadd.f32 $1.000000020e-16, v2  }
0x150: {  	(erf) = vpow2.f32 v1  }
0x151: {  	(erf) = vrcp.f32 v2;
	_ =	sdelay $0x7  }
0x152: {  	v1 =	vpop (erf)  }
0x153: {  	v2 =	vpop (erf)  }
0x154: {  	v1 =	vmul.f32 v1, v2;
	_ =	sdelay $0x1  }
0x155: {  	[tilespmem:$0xB230] =	vst v1  }
0x156: {  	v1 =	vld [tilespmem:s6+$0x7840]  }
0x157: {  	v2 =	vld [tilespmem:s6+$0x9340];
	_ =	sdelay $0x4  }
0x158: {  	v3 =	vadd.s32 v0, v1;
	[tilespmem:$0xAF40] =	vst v2  }
0x159: {  	[tilespmem:$0xAE40] =	vst v3  }
0x15a: {  	v1 =	vld.idx.msk [tilespmem:v1+s5+$0x0], $0xffff  }
0x15b: {  	v3 =	vld.idx.msk [tilespmem:v2+s16+$0x0], $0xffff;
	_ =	sdelay $0x4  }
0x15c: {  	v1 =	vadd.f32 v3, v1  }
0x15d: {  	v2 =	vld.idx.msk [tilespmem:v2+s30+$0x0], $0xffff  }
0x15e: {  	v3 =	vmul.f32 $2.000000030e-01, v1;
	_ =	sdelay $0x1  }
0x15f: {  	v1 =	vmax.f32 v1, v3  }
0x160: {  	v1 =	vmul.f32 $1.442695020e+00, v1  }
0x161: {  	v2 =	vadd.f32 $1.000000020e-16, v2  }
0x162: {  	(erf) = vpow2.f32 v1  }
0x163: {  	(erf) = vrcp.f32 v2;
	_ =	sdelay $0x7  }
0x164: {  	v1 =	vpop (erf)  }
0x165: {  	v2 =	vpop (erf)  }
0x166: {  	v1 =	vmul.f32 v1, v2;
	_ =	sdelay $0x1  }
0x167: {  	[tilespmem:$0xB240] =	vst v1  }
0x168: {  	v1 =	vld [tilespmem:s6+$0x7850]  }
0x169: {  	v2 =	vld [tilespmem:s6+$0x9350];
	_ =	sdelay $0x4  }
0x16a: {  	v3 =	vadd.s32 v0, v1;
	[tilespmem:$0xAF50] =	vst v2  }
0x16b: {  	[tilespmem:$0xAE50] =	vst v3  }
0x16c: {  	v1 =	vld.idx.msk [tilespmem:v1+s5+$0x0], $0xffff  }
0x16d: {  	v3 =	vld.idx.msk [tilespmem:v2+s16+$0x0], $0xffff;
	_ =	sdelay $0x4  }
0x16e: {  	v1 =	vadd.f32 v3, v1  }
0x16f: {  	v2 =	vld.idx.msk [tilespmem:v2+s30+$0x0], $0xffff  }
0x170: {  	v3 =	vmul.f32 $2.000000030e-01, v1;
	_ =	sdelay $0x1  }
0x171: {  	v1 =	vmax.f32 v1, v3  }
0x172: {  	v1 =	vmul.f32 $1.442695020e+00, v1  }
0x173: {  	v2 =	vadd.f32 $1.000000020e-16, v2  }
0x174: {  	(erf) = vpow2.f32 v1  }
0x175: {  	(erf) = vrcp.f32 v2;
	_ =	sdelay $0x7  }
0x176: {  	v1 =	vpop (erf)  }
0x177: {  	v2 =	vpop (erf)  }
0x178: {  	v1 =	vmul.f32 v1, v2;
	_ =	sdelay $0x1  }
0x179: {  	[tilespmem:$0xB250] =	vst v1  }
0x17a: {  	v1 =	vld [tilespmem:s6+$0x7860]  }
0x17b: {  	v2 =	vld [tilespmem:s6+$0x9360];
	_ =	sdelay $0x4  }
0x17c: {  	v3 =	vadd.s32 v0, v1;
	[tilespmem:$0xAF60] =	vst v2  }
0x17d: {  	[tilespmem:$0xAE60] =	vst v3  }
0x17e: {  	v1 =	vld.idx.msk [tilespmem:v1+s5+$0x0], $0xffff  }
0x17f: {  	v3 =	vld.idx.msk [tilespmem:v2+s16+$0x0], $0xffff;
	_ =	sdelay $0x4  }
0x180: {  	v1 =	vadd.f32 v3, v1  }
0x181: {  	v2 =	vld.idx.msk [tilespmem:v2+s30+$0x0], $0xffff  }
0x182: {  	v3 =	vmul.f32 $2.000000030e-01, v1;
	_ =	sdelay $0x1  }
0x183: {  	v1 =	vmax.f32 v1, v3  }
0x184: {  	v1 =	vmul.f32 $1.442695020e+00, v1  }
0x185: {  	v2 =	vadd.f32 $1.000000020e-16, v2  }
0x186: {  	(erf) = vpow2.f32 v1  }
0x187: {  	(erf) = vrcp.f32 v2;
	_ =	sdelay $0x7  }
0x188: {  	v1 =	vpop (erf)  }
0x189: {  	v2 =	vpop (erf)  }
0x18a: {  	v1 =	vmul.f32 v1, v2;
	_ =	sdelay $0x1  }
0x18b: {  	[tilespmem:$0xB260] =	vst v1  }
0x18c: {  	v1 =	vld [tilespmem:s6+$0x7870]  }
0x18d: {  	v2 =	vld [tilespmem:s6+$0x9370];
	_ =	sdelay $0x4  }
0x18e: {  	v3 =	vadd.s32 v0, v1;
	[tilespmem:$0xAF70] =	vst v2  }
0x18f: {  	[tilespmem:$0xAE70] =	vst v3  }
0x190: {  	v1 =	vld.idx.msk [tilespmem:v1+s5+$0x0], $0xffff  }
0x191: {  	v3 =	vld.idx.msk [tilespmem:v2+s16+$0x0], $0xffff;
	_ =	sdelay $0x4  }
0x192: {  	v1 =	vadd.f32 v3, v1  }
0x193: {  	v2 =	vld.idx.msk [tilespmem:v2+s30+$0x0], $0xffff  }
0x194: {  	v3 =	vmul.f32 $2.000000030e-01, v1;
	_ =	sdelay $0x1  }
0x195: {  	v1 =	vmax.f32 v1, v3  }
0x196: {  	v1 =	vmul.f32 $1.442695020e+00, v1  }
0x197: {  	v2 =	vadd.f32 $1.000000020e-16, v2  }
0x198: {  	(erf) = vpow2.f32 v1  }
0x199: {  	(erf) = vrcp.f32 v2;
	_ =	sdelay $0x7  }
0x19a: {  	v1 =	vpop (erf)  }
0x19b: {  	v2 =	vpop (erf)  }
0x19c: {  	v1 =	vmul.f32 v1, v2;
	_ =	sdelay $0x1  }
0x19d: {  	[tilespmem:$0xB270] =	vst v1  }
0x19e: {  	[tilespmem:s0], [sflag:$0x3] =	stream.indirect.gather [hbm4b:s7+s22], $0x40, s31, s22, $0xb8;
	[tilespmem:$0x19580] =	vst v63  }
0x19f: {  	v1 =	vld [tilespmem:s6+$0x7880]  }
0x1a0: {  	v2 =	vld [tilespmem:s6+$0x9380];
	_ =	sdelay $0x4  }
0x1a1: {  	v3 =	vadd.s32 v0, v1;
	[tilespmem:$0xAF80] =	vst v2  }
0x1a2: {  	[tilespmem:$0xAE80] =	vst v3  }
0x1a3: {  	v1 =	vld.idx.msk [tilespmem:v1+s5+$0x0], $0xffff  }
0x1a4: {  	v3 =	vld.idx.msk [tilespmem:v2+s16+$0x0], $0xffff;
	_ =	sdelay $0x4  }
0x1a5: {  	v1 =	vadd.f32 v3, v1  }
0x1a6: {  	v2 =	vld.idx.msk [tilespmem:v2+s30+$0x0], $0xffff  }
0x1a7: {  	v3 =	vmul.f32 $2.000000030e-01, v1;
	_ =	sdelay $0x1  }
0x1a8: {  	v1 =	vmax.f32 v1, v3  }
0x1a9: {  	v1 =	vmul.f32 $1.442695020e+00, v1  }
0x1aa: {  	v2 =	vadd.f32 $1.000000020e-16, v2  }
0x1ab: {  	(erf) = vpow2.f32 v1  }
0x1ac: {  	(erf) = vrcp.f32 v2;
	_ =	sdelay $0x7  }
0x1ad: {  	v1 =	vpop (erf)  }
0x1ae: {  	v2 =	vpop (erf)  }
0x1af: {  	v1 =	vmul.f32 v1, v2;
	_ =	sdelay $0x1  }
0x1b0: {  	[tilespmem:$0xB280] =	vst v1  }
0x1b1: {  	v1 =	vld [tilespmem:s6+$0x7890]  }
0x1b2: {  	v2 =	vld [tilespmem:s6+$0x9390];
	_ =	sdelay $0x4  }
0x1b3: {  	v3 =	vadd.s32 v0, v1;
	[tilespmem:$0xAF90] =	vst v2  }
0x1b4: {  	[tilespmem:$0xAE90] =	vst v3  }
0x1b5: {  	v1 =	vld.idx.msk [tilespmem:v1+s5+$0x0], $0xffff  }
0x1b6: {  	v3 =	vld.idx.msk [tilespmem:v2+s16+$0x0], $0xffff;
	_ =	sdelay $0x4  }
0x1b7: {  	v1 =	vadd.f32 v3, v1  }
0x1b8: {  	v2 =	vld.idx.msk [tilespmem:v2+s30+$0x0], $0xffff  }
0x1b9: {  	v3 =	vmul.f32 $2.000000030e-01, v1;
	_ =	sdelay $0x1  }
0x1ba: {  	v1 =	vmax.f32 v1, v3  }
0x1bb: {  	v1 =	vmul.f32 $1.442695020e+00, v1  }
0x1bc: {  	v2 =	vadd.f32 $1.000000020e-16, v2  }
0x1bd: {  	(erf) = vpow2.f32 v1  }
0x1be: {  	(erf) = vrcp.f32 v2;
	_ =	sdelay $0x7  }
0x1bf: {  	v1 =	vpop (erf)  }
0x1c0: {  	v2 =	vpop (erf)  }
0x1c1: {  	v1 =	vmul.f32 v1, v2;
	_ =	sdelay $0x1  }
0x1c2: {  	[tilespmem:$0xB290] =	vst v1  }
0x1c3: {  	v1 =	vld [tilespmem:s6+$0x78A0]  }
0x1c4: {  	v2 =	vld [tilespmem:s6+$0x93A0];
	_ =	sdelay $0x4  }
0x1c5: {  	v3 =	vadd.s32 v0, v1;
	[tilespmem:$0xAFA0] =	vst v2  }
0x1c6: {  	[tilespmem:$0xAEA0] =	vst v3  }
0x1c7: {  	v1 =	vld.idx.msk [tilespmem:v1+s5+$0x0], $0xffff  }
0x1c8: {  	v3 =	vld.idx.msk [tilespmem:v2+s16+$0x0], $0xffff;
	_ =	sdelay $0x4  }
0x1c9: {  	v1 =	vadd.f32 v3, v1  }
0x1ca: {  	v2 =	vld.idx.msk [tilespmem:v2+s30+$0x0], $0xffff  }
0x1cb: {  	v3 =	vmul.f32 $2.000000030e-01, v1;
	_ =	sdelay $0x1  }
0x1cc: {  	v1 =	vmax.f32 v1, v3  }
0x1cd: {  	v1 =	vmul.f32 $1.442695020e+00, v1  }
0x1ce: {  	v2 =	vadd.f32 $1.000000020e-16, v2  }
0x1cf: {  	(erf) = vpow2.f32 v1  }
0x1d0: {  	(erf) = vrcp.f32 v2;
	_ =	sdelay $0x7  }
0x1d1: {  	v1 =	vpop (erf)  }
0x1d2: {  	v2 =	vpop (erf)  }
0x1d3: {  	v1 =	vmul.f32 v1, v2;
	_ =	sdelay $0x1  }
0x1d4: {  	[tilespmem:$0xB2A0] =	vst v1  }
0x1d5: {  	v1 =	vld [tilespmem:s6+$0x78B0]  }
0x1d6: {  	v2 =	vld [tilespmem:s6+$0x93B0];
	_ =	sdelay $0x4  }
0x1d7: {  	v3 =	vadd.s32 v0, v1;
	[tilespmem:$0xAFB0] =	vst v2  }
0x1d8: {  	[tilespmem:$0xAEB0] =	vst v3  }
0x1d9: {  	v1 =	vld.idx.msk [tilespmem:v1+s5+$0x0], $0xffff  }
0x1da: {  	v3 =	vld.idx.msk [tilespmem:v2+s16+$0x0], $0xffff;
	_ =	sdelay $0x4  }
0x1db: {  	v1 =	vadd.f32 v3, v1  }
0x1dc: {  	v2 =	vld.idx.msk [tilespmem:v2+s30+$0x0], $0xffff  }
0x1dd: {  	v3 =	vmul.f32 $2.000000030e-01, v1;
	_ =	sdelay $0x1  }
0x1de: {  	v1 =	vmax.f32 v1, v3  }
0x1df: {  	v1 =	vmul.f32 $1.442695020e+00, v1  }
0x1e0: {  	v2 =	vadd.f32 $1.000000020e-16, v2  }
0x1e1: {  	(erf) = vpow2.f32 v1  }
0x1e2: {  	(erf) = vrcp.f32 v2;
	_ =	sdelay $0x7  }
0x1e3: {  	v1 =	vpop (erf)  }
0x1e4: {  	v2 =	vpop (erf)  }
0x1e5: {  	v1 =	vmul.f32 v1, v2;
	_ =	sdelay $0x1  }
0x1e6: {  	[tilespmem:$0xB2B0] =	vst v1  }
0x1e7: {  	v1 =	vld [tilespmem:s6+$0x78C0]  }
0x1e8: {  	v2 =	vld [tilespmem:s6+$0x93C0];
	_ =	sdelay $0x4  }
0x1e9: {  	v3 =	vadd.s32 v0, v1;
	[tilespmem:$0xAFC0] =	vst v2  }
0x1ea: {  	[tilespmem:$0xAEC0] =	vst v3  }
0x1eb: {  	v1 =	vld.idx.msk [tilespmem:v1+s5+$0x0], $0xffff  }
0x1ec: {  	v3 =	vld.idx.msk [tilespmem:v2+s16+$0x0], $0xffff;
	_ =	sdelay $0x4  }
0x1ed: {  	v1 =	vadd.f32 v3, v1  }
0x1ee: {  	v2 =	vld.idx.msk [tilespmem:v2+s30+$0x0], $0xffff  }
0x1ef: {  	v3 =	vmul.f32 $2.000000030e-01, v1;
	_ =	sdelay $0x1  }
0x1f0: {  	v1 =	vmax.f32 v1, v3  }
0x1f1: {  	v1 =	vmul.f32 $1.442695020e+00, v1  }
0x1f2: {  	v2 =	vadd.f32 $1.000000020e-16, v2  }
0x1f3: {  	(erf) = vpow2.f32 v1  }
0x1f4: {  	(erf) = vrcp.f32 v2;
	_ =	sdelay $0x7  }
0x1f5: {  	v1 =	vpop (erf)  }
0x1f6: {  	v2 =	vpop (erf)  }
0x1f7: {  	v1 =	vmul.f32 v1, v2;
	_ =	sdelay $0x1  }
0x1f8: {  	[tilespmem:$0xB2C0] =	vst v1  }
0x1f9: {  	v1 =	vld [tilespmem:s6+$0x78D0]  }
0x1fa: {  	v2 =	vld [tilespmem:s6+$0x93D0];
	_ =	sdelay $0x4  }
0x1fb: {  	v3 =	vadd.s32 v0, v1;
	[tilespmem:$0xAFD0] =	vst v2  }
0x1fc: {  	[tilespmem:$0xAED0] =	vst v3  }
0x1fd: {  	v1 =	vld.idx.msk [tilespmem:v1+s5+$0x0], $0xffff  }
0x1fe: {  	v3 =	vld.idx.msk [tilespmem:v2+s16+$0x0], $0xffff;
	_ =	sdelay $0x4  }
0x1ff: {  	v1 =	vadd.f32 v3, v1  }
0x200: {  	v2 =	vld.idx.msk [tilespmem:v2+s30+$0x0], $0xffff  }
0x201: {  	v3 =	vmul.f32 $2.000000030e-01, v1;
	_ =	sdelay $0x1  }
0x202: {  	v1 =	vmax.f32 v1, v3  }
0x203: {  	v1 =	vmul.f32 $1.442695020e+00, v1  }
0x204: {  	v2 =	vadd.f32 $1.000000020e-16, v2  }
0x205: {  	(erf) = vpow2.f32 v1  }
0x206: {  	(erf) = vrcp.f32 v2;
	_ =	sdelay $0x7  }
0x207: {  	v1 =	vpop (erf)  }
0x208: {  	v2 =	vpop (erf)  }
0x209: {  	v1 =	vmul.f32 v1, v2;
	_ =	sdelay $0x1  }
0x20a: {  	[tilespmem:$0xB2D0] =	vst v1  }
0x20b: {  	v1 =	vld [tilespmem:s6+$0x78E0]  }
0x20c: {  	v2 =	vld [tilespmem:s6+$0x93E0];
	_ =	sdelay $0x4  }
0x20d: {  	v3 =	vadd.s32 v0, v1;
	[tilespmem:$0xAFE0] =	vst v2  }
0x20e: {  	[tilespmem:$0xAEE0] =	vst v3  }
0x20f: {  	v1 =	vld.idx.msk [tilespmem:v1+s5+$0x0], $0xffff  }
0x210: {  	v3 =	vld.idx.msk [tilespmem:v2+s16+$0x0], $0xffff;
	_ =	sdelay $0x4  }
0x211: {  	v1 =	vadd.f32 v3, v1  }
0x212: {  	v2 =	vld.idx.msk [tilespmem:v2+s30+$0x0], $0xffff  }
0x213: {  	v3 =	vmul.f32 $2.000000030e-01, v1;
	_ =	sdelay $0x1  }
0x214: {  	v1 =	vmax.f32 v1, v3  }
0x215: {  	v1 =	vmul.f32 $1.442695020e+00, v1  }
0x216: {  	v2 =	vadd.f32 $1.000000020e-16, v2  }
0x217: {  	(erf) = vpow2.f32 v1  }
0x218: {  	(erf) = vrcp.f32 v2;
	_ =	sdelay $0x7  }
0x219: {  	v1 =	vpop (erf)  }
0x21a: {  	v2 =	vpop (erf)  }
0x21b: {  	v1 =	vmul.f32 v1, v2;
	_ =	sdelay $0x1  }
0x21c: {  	[tilespmem:$0xB2E0] =	vst v1  }
0x21d: {  	v1 =	vld [tilespmem:s6+$0x78F0]  }
0x21e: {  	v2 =	vld [tilespmem:s6+$0x93F0];
	_ =	sdelay $0x4  }
0x21f: {  	v3 =	vadd.s32 v0, v1;
	[tilespmem:$0xAFF0] =	vst v2  }
0x220: {  	[tilespmem:$0xAEF0] =	vst v3  }
0x221: {  	v1 =	vld.idx.msk [tilespmem:v1+s5+$0x0], $0xffff  }
0x222: {  	v3 =	vld.idx.msk [tilespmem:v2+s16+$0x0], $0xffff;
	_ =	sdelay $0x4  }
0x223: {  	v1 =	vadd.f32 v3, v1  }
0x224: {  	v2 =	vld.idx.msk [tilespmem:v2+s30+$0x0], $0xffff  }
0x225: {  	v3 =	vmul.f32 $2.000000030e-01, v1;
	_ =	sdelay $0x1  }
0x226: {  	v1 =	vmax.f32 v1, v3  }
0x227: {  	v1 =	vmul.f32 $1.442695020e+00, v1  }
0x228: {  	v2 =	vadd.f32 $1.000000020e-16, v2  }
0x229: {  	(erf) = vpow2.f32 v1  }
0x22a: {  	(erf) = vrcp.f32 v2;
	_ =	sdelay $0x7  }
0x22b: {  	v1 =	vpop (erf)  }
0x22c: {  	v2 =	vpop (erf)  }
0x22d: {  	v1 =	vmul.f32 v1, v2;
	_ =	sdelay $0x1  }
0x22e: {  	[tilespmem:$0xB2F0] =	vst v1  }
0x22f: {  	[tilespmem:s8], [sflag:$0x4] =	stream.indirect.gather [hbm4b:s7+s22], $0x40, s4, s22, $0xb8;
	[tilespmem:$0x19580] =	vst v63  }
0x230: {  	v1 =	vmov s5;
	_ =	swait.ge [sflag:s9], $0x2000  }
0x231: {  	[sflag:s9] =	ssyncset.done $0x0  }
0x232: {  	s5 =	simm.s32 $0xB320;
	[sflag:s9] =	ssyncadd.s32 $0xFFFFE000  }
0x233: {  	v3 =	vld [tilespmem:s5+$0xFFFFFFF0]  }
0x234: {  	v4 =	vld [tilespmem:s5+$0x10]  }
0x235: {  	v6 =	vld.idx.msk [tilespmem:v1+s11+$0x0], $0xffff  }
0x236: {  	v1 =	vld [tilespmem:s5+$0xFFFFFFE0]  }
0x237: {  	v7 =	vld [tilespmem:s5+$0x0];
	_ =	sdelay $0x3  }
0x238: {  	s10 =	simm.s32 $0x1;
	v2 =	vmul.f32 v1, v6;
	v5 =	vmul.f32 v4, v6  }
0x239: {  	s6 =	simm.s32 $0x2;
	v1 =	vmov s10;
	v4 =	vmul.f32 v3, v6;
	v3 =	vmul.f32 v7, v6;
	s10 =	simm.s32 $0xB320  }
.LBB2_8:
0x23a: {  	p0 =	sne.s32 s6, $0x7F  }
0x23b: {  	[tilespmem:s5+$0x10] =	vst v5;
	s10 =	sadd.s32 $0x40, s10;
	s15 =	smov.u32 s6;
	s6 =	sadd.s32 $0x1, s6  }
0x23c: {  	[tilespmem:s5+$0xFFFFFFE0] =	vst v2  }
0x23d: {  	v6 =	vld [tilespmem:s10+$0xFFFFFFF0];
	[tilespmem:s5+$0xFFFFFFF0] =	vst v4  }
0x23e: {  	v4 =	vld [tilespmem:s10+$0x10];
	[tilespmem:s5+$0x0] =	vst v3;
	s5 =	smov.u32 s10  }
0x23f: {  	v3 =	vld.idx.msk [tilespmem:v1+s11+$0x0], $0xffff  }
0x240: {  	v1 =	vld [tilespmem:s10+$0xFFFFFFE0]  }
0x241: {  	v7 =	vld [tilespmem:s10+$0x0]  }
.Ltmp2:
0x242: {  	(pc) =	sbr.rel @p0 .LBB2_8-.Ltmp2, $3  }
0x243: {  	_ =	sdelay $0x1  }
0x244: {  	v5 =	vmul.f32 v4, v3;
	v2 =	vmul.f32 v1, v3  }
0x245: {  	v4 =	vmul.f32 v6, v3;
	v1 =	vmov s15;
	v3 =	vmul.f32 v7, v3  }
0x246: {  	[tilespmem:s5+$0x10] =	vst v5  }
0x247: {  	s6 =	sadd.s32 $0x40, s10;
	[tilespmem:s5+$0xFFFFFFE0] =	vst v2  }
0x248: {  	v2 =	vld [tilespmem:s6+$0xFFFFFFF0];
	[tilespmem:s5+$0xFFFFFFF0] =	vst v4  }
0x249: {  	v4 =	vld [tilespmem:s6+$0x10];
	[tilespmem:s5+$0x0] =	vst v3  }
0x24a: {  	v1 =	vld.idx.msk [tilespmem:v1+s11+$0x0], $0xffff  }
0x24b: {  	v3 =	vld [tilespmem:s6+$0xFFFFFFE0];
	_ =	sdelay $0x1  }
0x24c: {  	v5 =	vld [tilespmem:s6+$0x0];
	_ =	sdelay $0x1  }
0x24d: {  	v4 =	vmul.f32 v4, v1  }
0x24e: {  	v3 =	vmul.f32 v3, v1  }
0x24f: {  	v2 =	vmul.f32 v2, v1;
	[tilespmem:s6+$0x10] =	vst v4  }
0x250: {  	v1 =	vmul.f32 v5, v1;
	[tilespmem:s6+$0xFFFFFFE0] =	vst v3  }
0x251: {  	[tilespmem:s6+$0xFFFFFFF0] =	vst v2  }
0x252: {  	s10 =	simm.s32 $0x0;
	[tilespmem:s6+$0x0] =	vst v1  }
0x253: {  	[spmem:s1] =	stream.indirect.scatter.add.f32 [tilespmem:s0], [sflag:$0x5], $0x40, s12, s22, $0xb8;
	[tilespmem:$0x19580] =	vst v63  }
0x254: {  	v1 =	vmov s10;
	_ =	swait.ge [sflag:s13], $0x2000  }
0x255: {  	[sflag:s13] =	ssyncset.done $0x0  }
0x256: {  	s5 =	simm.s32 $0xD320;
	[sflag:s13] =	ssyncadd.s32 $0xFFFFE000  }
0x257: {  	v3 =	vld [tilespmem:s5+$0xFFFFFFF0]  }
0x258: {  	v4 =	vld [tilespmem:s5+$0x10]  }
0x259: {  	v6 =	vld.idx.msk [tilespmem:v1+s14+$0x0], $0xffff  }
0x25a: {  	v1 =	vld [tilespmem:s5+$0xFFFFFFE0]  }
0x25b: {  	v7 =	vld [tilespmem:s5+$0x0];
	_ =	sdelay $0x3  }
0x25c: {  	s15 =	simm.s32 $0x1;
	v2 =	vmul.f32 v1, v6;
	v5 =	vmul.f32 v4, v6  }
0x25d: {  	s6 =	simm.s32 $0x2;
	s10 =	simm.s32 $0xD320;
	v1 =	vmov s15;
	v4 =	vmul.f32 v3, v6;
	v3 =	vmul.f32 v7, v6  }
.LBB2_10:
0x25e: {  	p0 =	sne.s32 s6, $0x7F  }
0x25f: {  	[tilespmem:s5+$0x10] =	vst v5;
	s10 =	sadd.s32 $0x40, s10;
	s15 =	smov.u32 s6;
	s6 =	sadd.s32 $0x1, s6  }
0x260: {  	[tilespmem:s5+$0xFFFFFFE0] =	vst v2  }
0x261: {  	v6 =	vld [tilespmem:s10+$0xFFFFFFF0];
	[tilespmem:s5+$0xFFFFFFF0] =	vst v4  }
0x262: {  	v4 =	vld [tilespmem:s10+$0x10];
	[tilespmem:s5+$0x0] =	vst v3;
	s5 =	smov.u32 s10  }
0x263: {  	v3 =	vld.idx.msk [tilespmem:v1+s14+$0x0], $0xffff  }
0x264: {  	v1 =	vld [tilespmem:s10+$0xFFFFFFE0]  }
0x265: {  	v7 =	vld [tilespmem:s10+$0x0]  }
.Ltmp3:
0x266: {  	(pc) =	sbr.rel @p0 .LBB2_10-.Ltmp3, $3  }
0x267: {  	_ =	sdelay $0x1  }
0x268: {  	v5 =	vmul.f32 v4, v3;
	v2 =	vmul.f32 v1, v3  }
0x269: {  	v4 =	vmul.f32 v6, v3;
	v1 =	vmov s15;
	v3 =	vmul.f32 v7, v3  }
0x26a: {  	[tilespmem:s5+$0x10] =	vst v5  }
0x26b: {  	s6 =	sadd.s32 $0x40, s10;
	[tilespmem:s5+$0xFFFFFFE0] =	vst v2  }
0x26c: {  	v2 =	vld [tilespmem:s6+$0xFFFFFFF0];
	[tilespmem:s5+$0xFFFFFFF0] =	vst v4  }
0x26d: {  	v4 =	vld [tilespmem:s6+$0x10];
	[tilespmem:s5+$0x0] =	vst v3  }
0x26e: {  	v1 =	vld.idx.msk [tilespmem:v1+s14+$0x0], $0xffff  }
0x26f: {  	v3 =	vld [tilespmem:s6+$0xFFFFFFE0];
	_ =	sdelay $0x1  }
0x270: {  	v5 =	vld [tilespmem:s6+$0x0];
	_ =	sdelay $0x1  }
0x271: {  	v4 =	vmul.f32 v4, v1  }
0x272: {  	v3 =	vmul.f32 v3, v1  }
0x273: {  	v2 =	vmul.f32 v2, v1;
	[tilespmem:s6+$0x10] =	vst v4  }
0x274: {  	v1 =	vmul.f32 v5, v1;
	[tilespmem:s6+$0xFFFFFFE0] =	vst v3  }
0x275: {  	[tilespmem:s6+$0xFFFFFFF0] =	vst v2  }
0x276: {  	s20 =	sadd.s32 $0x1, s20;
	[tilespmem:s6+$0x0] =	vst v1  }
0x277: {  	[spmem:s1] =	stream.indirect.scatter.add.f32 [tilespmem:s8], [sflag:$0x6], $0x40, s19, s22, $0xb8;
	[tilespmem:$0x19580] =	vst v63  }
0x278: {  	p0 =	sne.s32 s20, $0x1B;
	_ =	swait.ge [sflag:s18], $0x2000  }
.Ltmp4:
0x279: {  	[sflag:s18] =	ssyncset.done $0x0;
	(pc) =	sbr.rel @p0 .LBB2_7-.Ltmp4, $4  }
0x27a: {  	[sflag:s18] =	ssyncadd.s32 $0xFFFFE000  }
0x27b: {  	_ =	swait.ge [sflag:s17], $0x2000  }
0x27c: {  	[sflag:s17] =	ssyncset.done $0x0  }
0x27d: {  	[sflag:s17] =	ssyncadd.s32 $0xFFFFE000  }
0x27e: {  	s21 =	sadd.s32 $0x1, s21  }
0x27f: {  	p0 =	sne.s32 s21, $0x3  }
.Ltmp5:
0x280: {  	_ = 	snop;
	(pc) =	sbr.rel @p0 .LBB2_6-.Ltmp5, $1  }
0x281: {  	_ =	sdelay $0x3  }
0x282: {  	[bflag:$0x0] =	sbarrier.arrive $0xFFFF  }
0x283: {  	s5 =	rddreg [dreg:$0xc]  }
0x284: {  	s10 =	rddreg [dreg:$0xe]  }
0x285: {  	s21 =	simm.s32 $0x7;
	s15 =	rddreg [dreg:$0xf]  }
0x286: {  	[hbm:s5], [sflag:s10] =	dma.local [spmem:s15], $0x1400  }
0x287: {  	_ =	swait.ge [sflag:s21], $0x1400  }
0x288: {  	s6 =	rddreg [dreg:$0x11]  }
0x289: {  	s20 =	rddreg [dreg:$0xd];
	s6 =	sadd.s32 $0x1, s6  }
0x28a: {  	p0 =	sne.s32 s6, s20  }
.Ltmp6:
0x28b: {  	_ = 	snop;
	(pc) =	sbr.rel @p0 .LBB2_1-.Ltmp6, $3  }
0x28c: {  	_ =	sdelay $0x1  }
0x28d: {  	[sflag:s21] =	ssyncset.done $0x0  }
0x28e: {  	[sflag:s21] =	ssyncadd.s32 $0xFFFFEC00  }
0x28f: {  	_ =	sfence.sel $0x180000  }
0x290: {  	[bflag:$0x0] =	sbarrier.arrive $0xFFFF  }
0x291: {  	_ =	strace $0x90000047  }
0x292: {  	s0 =	stileid.u32;
	[bflag:$0x2] =	sbarrier.arrive $0xFFFF  }
0x293: {  	p0 =	sne.s32 s0, $0x0;
	s0 =	rddreg [dreg:$0x4]  }
0x294: {  	s0 =	sadd.s32 @!p0 $0x100000, s0  }
0x295: {  	[sflag:s0] =	ssyncadd.tile.s32 @!p0 $0x1;
	_ =	shalt  }
.Lfunc_end2:
_tile_overlayer_lowered:
.L_overlay_start_2:
0x296: {  	(tag) =	ssettag $0x2  }
0x297: {  	s0 =	rddreg [dreg:$0x0];
	s2 =	stileid.u32  }
0x298: {  	s1 =	rddreg [dreg:$0x1];
	p0 =	sne.s32 s2, $0x0  }
0x299: {  	s3 =	rddreg [dreg:$0x2];
	[bflag:$0x3] =	sbarrier.arrive $0xFFFF;
	s2 =	simm.s32 @!p0 $0x1C07  }
0x29a: {  	[timem:s3], [sflag:s2] =	dma.local @!p0 [hbm:s0], s1  }
0x29b: {  	s0 =	simm.s32 @!p0 $0x7  }
0x29c: {  	_ =	swait.ge @!p0 [sflag:s0], s1  }
0x29d: {  	s1 =	ssub.s32 @!p0 $0x0, s1;
	[sflag:s0] =	ssyncset.done @!p0 $0x0  }
0x29e: {  	[sflag:s0] =	ssyncadd.s32 @!p0 s1  }
0x29f: {  	[bflag:$0x3] =	sbarrier.arrive $0xFFFF  }
0x2a0: {  	_ =	shalt  }

</sc_bundles>
